<compile_context>
chip_gen: v7x
topology: tpu7x:2x2x1
jax: 0.10.2.dev20260603
libtpu: 0.0.44.dev20260713+nightly
codegen_flags: <defaults>
</compile_context>

<pallas_src>
import functools

import jax
import jax.numpy as jnp
from jax import lax
from jax.experimental import pallas as pl
from jax.experimental.pallas import tpu as pltpu
from jax.experimental.pallas import tpu_sc as plsc

E = 320000
D = 128
NC = 2
NS = 16
NW = NC * NS
EW = E // NW
CH = 128
NFULL = EW // CH
TAIL = EW - NFULL * CH


def _decode_body(zu, zi, ei, out, idxu, idxi, ru0, ri0, ru1, ri1,
                 rut, rit, outv, dots, su0, si0, su1, si1, sut, sit):
    wid = lax.axis_index("s") * NC + lax.axis_index("c")
    base = wid * EW
    col0 = lax.iota(jnp.int32, 16) * 16

    pltpu.sync_copy(ei.at[0, pl.ds(base, EW)], idxu)
    pltpu.sync_copy(ei.at[1, pl.ds(base, EW)], idxi)

    def _issue(c, bu, bi, su, si):
        pltpu.async_copy(zu.at[idxu.at[pl.ds(c * CH, CH)]], bu, su)
        pltpu.async_copy(zi.at[idxi.at[pl.ds(c * CH, CH)]], bi, si)

    def _wait(bu, bi, su, si):
        pltpu.make_async_copy(zu.at[pl.ds(0, bu.shape[0])], bu, su).wait()
        pltpu.make_async_copy(zi.at[pl.ds(0, bi.shape[0])], bi, si).wait()

    def _loads(bu, bi, e):
        return (bu[e, pl.ds(0, 32)], bi[e, pl.ds(0, 32)],
                bu[e, pl.ds(32, 32)], bi[e, pl.ds(32, 32)],
                bu[e, pl.ds(64, 32)], bi[e, pl.ds(64, 32)],
                bu[e, pl.ds(96, 32)], bi[e, pl.ds(96, 32)])

    def _compute(c, bu, bi, n):
        def _group16(g, carry):
            e0 = g * 16
            r0 = _loads(bu, bi, e0)
            r1 = _loads(bu, bi, e0 + 1)
            for j in range(16):
                nxt = _loads(bu, bi, e0 + j + 2) if j < 14 else None
                acc32 = ((r0[0] * r0[1] + r0[2] * r0[3])
                         + (r0[4] * r0[5] + r0[6] * r0[7]))
                pa, pb = plsc.unpack(acc32, format=plsc.PackFormat.INTERLEAVED)
                dots[pl.ds(g * 256 + j * 16, 16)] = pa + pb
                r0, r1 = r1, nxt
            return carry
        lax.fori_loop(0, n // 16, _group16, 0)

        def _reduce(g, carry):
            b0 = g * 256
            cols = [plsc.load_gather(dots, [b0 + col0 + l]) for l in range(16)]
            while len(cols) > 1:
                cols = [cols[i] + cols[i + 1] for i in range(0, len(cols), 2)]
            outv[pl.ds(c * CH + g * 16, 16)] = 1.0 / (1.0 + jnp.exp(-cols[0]))
            return carry
        lax.fori_loop(0, n // 16, _reduce, 0)

    _issue(0, ru0, ri0, su0, si0)
    _issue(1, ru1, ri1, su1, si1)

    def _pair(tt, carry):
        c0 = tt * 2
        _wait(ru0, ri0, su0, si0)
        _compute(c0, ru0, ri0, CH)
        _issue(c0 + 2, ru0, ri0, su0, si0)
        _wait(ru1, ri1, su1, si1)
        _compute(c0 + 1, ru1, ri1, CH)
        _issue(c0 + 3, ru1, ri1, su1, si1)
        return carry

    lax.fori_loop(0, NFULL // 2 - 1, _pair, 0)

    _wait(ru0, ri0, su0, si0)
    _compute(NFULL - 2, ru0, ri0, CH)
    pltpu.async_copy(zu.at[idxu.at[pl.ds(NFULL * CH, TAIL)]], rut, sut)
    pltpu.async_copy(zi.at[idxi.at[pl.ds(NFULL * CH, TAIL)]], rit, sit)
    _wait(ru1, ri1, su1, si1)
    _compute(NFULL - 1, ru1, ri1, CH)
    _wait(rut, rit, sut, sit)
    _compute(NFULL, rut, rit, TAIL)

    pltpu.sync_copy(outv, out.at[pl.ds(base, EW)])


_decode = functools.partial(
    pl.kernel,
    mesh=plsc.VectorSubcoreMesh(core_axis_name="c", subcore_axis_name="s"),
    out_type=jax.ShapeDtypeStruct((E,), jnp.float32),
    compiler_params=pltpu.CompilerParams(needs_layout_passes=False,
                                        use_tc_tiling_on_sc=False),
    scratch_types=[
        pltpu.VMEM((EW,), jnp.int32),
        pltpu.VMEM((EW,), jnp.int32),
        pltpu.VMEM((CH, D), jnp.bfloat16),
        pltpu.VMEM((CH, D), jnp.bfloat16),
        pltpu.VMEM((CH, D), jnp.bfloat16),
        pltpu.VMEM((CH, D), jnp.bfloat16),
        pltpu.VMEM((TAIL, D), jnp.bfloat16),
        pltpu.VMEM((TAIL, D), jnp.bfloat16),
        pltpu.VMEM((EW,), jnp.float32),
        pltpu.VMEM((CH * 16,), jnp.float32),
        pltpu.SemaphoreType.DMA,
        pltpu.SemaphoreType.DMA,
        pltpu.SemaphoreType.DMA,
        pltpu.SemaphoreType.DMA,
        pltpu.SemaphoreType.DMA,
        pltpu.SemaphoreType.DMA,
    ],
)(_decode_body)


def _cast_body(a_ref, b_ref, oa_ref, ob_ref):
    oa_ref[...] = a_ref[...].astype(jnp.bfloat16)
    ob_ref[...] = b_ref[...].astype(jnp.bfloat16)


_cast = pl.pallas_call(
    _cast_body,
    grid=(10,),
    in_specs=[pl.BlockSpec((1000, 128), lambda i: (i, 0)),
              pl.BlockSpec((1000, 128), lambda i: (i, 0))],
    out_specs=[pl.BlockSpec((1000, 128), lambda i: (i, 0)),
               pl.BlockSpec((1000, 128), lambda i: (i, 0))],
    out_shape=[jax.ShapeDtypeStruct((10000, 128), jnp.bfloat16)] * 2,
)


def kernel(z_user, z_item, edge_index):
    zu_bf, zi_bf = _cast(z_user, z_item)
    return _decode(zu_bf, zi_bf, edge_index.astype(jnp.int32))

# --- scband reference (transcript-rebuilt; emitter-appended) ---
"""Pipeline reference for scband-inner-product-decoder-38920993636580 (READ-ONLY COPY).

The authoritative reference and input builder live on the scoring server;
editing this copy changes nothing except your own understanding.
"""

import jax, jax.numpy as jnp
import numpy as np


def setup_inputs(seed: int = 0) -> dict:
    key = jax.random.key(seed)
    k1, k2, k3 = jax.random.split(key, 3)
    z_user = jax.random.normal(k1, (10000, 128), dtype=jnp.float32)
    z_item = jax.random.normal(k2, (10000, 128), dtype=jnp.float32)
    edge_index = jax.random.randint(k3, (2, 320000), 0, 10000, dtype=jnp.int64)
    return {"z_user": z_user, "z_item": z_item, "edge_index": edge_index}


def reference(z_user, z_item, edge_index):
    edge_feat_user = jnp.take(z_user, edge_index[0], axis=0)
    edge_feat_item = jnp.take(z_item, edge_index[1], axis=0)
    preds = (edge_feat_user * edge_feat_item).sum(axis=-1)
    preds = jax.nn.sigmoid(preds)
    return preds

if __name__ == "__main__":
    import jax
    _d = setup_inputs()
    print(jax.jit(kernel)(*tuple(_d.values())))

</pallas_src>

<mosaic_0001>
#map = affine_map<(d0, d1) -> (0, 0)>
#map1 = affine_map<(d0, d1) -> (0)>
module attributes {stable_mosaic.version = 14 : i64} {
  func.func @_decode_body(%arg0: i32, %arg1: i32, %arg2: memref<10000x128xbf16, #tpu.memory_space<hbm>>, %arg3: memref<10000x128xbf16, #tpu.memory_space<hbm>>, %arg4: memref<2x320000xi32, #tpu.memory_space<hbm>>, %arg5: memref<320000xf32, #tpu.memory_space<hbm>>, %arg6: memref<10000xi32, #tpu.memory_space<vmem>>, %arg7: memref<10000xi32, #tpu.memory_space<vmem>>, %arg8: memref<128x128xbf16, #tpu.memory_space<vmem>>, %arg9: memref<128x128xbf16, #tpu.memory_space<vmem>>, %arg10: memref<128x128xbf16, #tpu.memory_space<vmem>>, %arg11: memref<128x128xbf16, #tpu.memory_space<vmem>>, %arg12: memref<16x128xbf16, #tpu.memory_space<vmem>>, %arg13: memref<16x128xbf16, #tpu.memory_space<vmem>>, %arg14: memref<10000xf32, #tpu.memory_space<vmem>>, %arg15: memref<2048xf32, #tpu.memory_space<vmem>>, %arg16: memref<!tpu.dma_semaphore, #tpu.memory_space<semaphore_mem>>, %arg17: memref<!tpu.dma_semaphore, #tpu.memory_space<semaphore_mem>>, %arg18: memref<!tpu.dma_semaphore, #tpu.memory_space<semaphore_mem>>, %arg19: memref<!tpu.dma_semaphore, #tpu.memory_space<semaphore_mem>>, %arg20: memref<!tpu.dma_semaphore, #tpu.memory_space<semaphore_mem>>, %arg21: memref<!tpu.dma_semaphore, #tpu.memory_space<semaphore_mem>>) attributes {dimension_semantics = [#tpu.dimension_semantics<core_parallel>, #tpu.dimension_semantics<subcore_parallel>], iteration_bounds = array<i64: 2, 16>, scalar_prefetch = 0 : i64, scratch_operands = 16 : i64, tpu.core_type = #tpu.core_type<sc_vector_subcore>, window_params = [{transform_indices = #map}, {transform_indices = #map}, {transform_indices = #map}, {transform_indices = #map1}]} {
    %mul3A = arith.constant 2 : i32
    %mul3A_0 = arith.muli %arg1, %mul3A : i32
    %add3A = arith.addi %mul3A_0, %arg0 : i32
    %mul3A_1 = arith.constant 10000 : i32
    %mul3A_2 = arith.muli %add3A, %mul3A_1 : i32
    %iota3A = tpu.iota {dimensions = array<i32: 0>} : vector<16xi32>
    %mul3A_3 = arith.constant 16 : i32
    %mul3A_4 = vector.broadcast %mul3A_3 : i32 to vector<16xi32>
    %mul3A_5 = arith.muli %iota3A, %mul3A_4 : vector<16xi32>
    %run_scoped3A = arith.constant 0 : i32
    "tpu.region"() ({
      %run_scoped3A_928 = tpu.sem_alloc : memref<!tpu.dma_semaphore, #tpu.memory_space<semaphore_mem>>
      %dma_start3A_929 = tpu.memref_slice %arg4[%run_scoped3A, %mul3A_2] : memref<2x320000xi32, #tpu.memory_space<hbm>> -> memref<1x10000xi32, #tpu.memory_space<hbm>>
      %dma_start3A_930 = tpu.memref_squeeze %dma_start3A_929 : memref<1x10000xi32, #tpu.memory_space<hbm>> -> memref<10000xi32, #tpu.memory_space<hbm>>
      %dma_start3A_931 = tpu.memref_slice %arg4[%run_scoped3A, %mul3A_2] : memref<2x320000xi32, #tpu.memory_space<hbm>> -> memref<1x10000xi32, #tpu.memory_space<hbm>>
      %dma_start3A_932 = tpu.memref_squeeze %dma_start3A_931 : memref<1x10000xi32, #tpu.memory_space<hbm>> -> memref<10000xi32, #tpu.memory_space<hbm>>
      tpu.enqueue_dma source(%dma_start3A_932 : memref<10000xi32, #tpu.memory_space<hbm>>) target(%arg6 : memref<10000xi32, #tpu.memory_space<vmem>>) target_semaphore(%run_scoped3A_928 : memref<!tpu.dma_semaphore, #tpu.memory_space<semaphore_mem>>)
      %dma_wait3A_933 = tpu.memref_slice %arg4[%run_scoped3A, %mul3A_2] : memref<2x320000xi32, #tpu.memory_space<hbm>> -> memref<1x10000xi32, #tpu.memory_space<hbm>>
      %dma_wait3A_934 = tpu.memref_squeeze %dma_wait3A_933 : memref<1x10000xi32, #tpu.memory_space<hbm>> -> memref<10000xi32, #tpu.memory_space<hbm>>
      %dma_wait3A_935 = tpu.memref_slice %arg4[%run_scoped3A, %mul3A_2] : memref<2x320000xi32, #tpu.memory_space<hbm>> -> memref<1x10000xi32, #tpu.memory_space<hbm>>
      %dma_wait3A_936 = tpu.memref_squeeze %dma_wait3A_935 : memref<1x10000xi32, #tpu.memory_space<hbm>> -> memref<10000xi32, #tpu.memory_space<hbm>>
      tpu.wait_dma2 semaphore(%run_scoped3A_928 : memref<!tpu.dma_semaphore, #tpu.memory_space<semaphore_mem>>) src(%dma_wait3A_936 : memref<10000xi32, #tpu.memory_space<hbm>>) dst(%arg6 : memref<10000xi32, #tpu.memory_space<vmem>>)
      tpu.yield
    }) : () -> ()
    %run_scoped3A_6 = arith.constant 1 : i32
    "tpu.region"() ({
      %run_scoped3A_928 = tpu.sem_alloc : memref<!tpu.dma_semaphore, #tpu.memory_space<semaphore_mem>>
      %dma_start3A_929 = tpu.memref_slice %arg4[%run_scoped3A_6, %mul3A_2] : memref<2x320000xi32, #tpu.memory_space<hbm>> -> memref<1x10000xi32, #tpu.memory_space<hbm>>
      %dma_start3A_930 = tpu.memref_squeeze %dma_start3A_929 : memref<1x10000xi32, #tpu.memory_space<hbm>> -> memref<10000xi32, #tpu.memory_space<hbm>>
      %dma_start3A_931 = tpu.memref_slice %arg4[%run_scoped3A_6, %mul3A_2] : memref<2x320000xi32, #tpu.memory_space<hbm>> -> memref<1x10000xi32, #tpu.memory_space<hbm>>
      %dma_start3A_932 = tpu.memref_squeeze %dma_start3A_931 : memref<1x10000xi32, #tpu.memory_space<hbm>> -> memref<10000xi32, #tpu.memory_space<hbm>>
      tpu.enqueue_dma source(%dma_start3A_932 : memref<10000xi32, #tpu.memory_space<hbm>>) target(%arg7 : memref<10000xi32, #tpu.memory_space<vmem>>) target_semaphore(%run_scoped3A_928 : memref<!tpu.dma_semaphore, #tpu.memory_space<semaphore_mem>>)
      %dma_wait3A_933 = tpu.memref_slice %arg4[%run_scoped3A_6, %mul3A_2] : memref<2x320000xi32, #tpu.memory_space<hbm>> -> memref<1x10000xi32, #tpu.memory_space<hbm>>
      %dma_wait3A_934 = tpu.memref_squeeze %dma_wait3A_933 : memref<1x10000xi32, #tpu.memory_space<hbm>> -> memref<10000xi32, #tpu.memory_space<hbm>>
      %dma_wait3A_935 = tpu.memref_slice %arg4[%run_scoped3A_6, %mul3A_2] : memref<2x320000xi32, #tpu.memory_space<hbm>> -> memref<1x10000xi32, #tpu.memory_space<hbm>>
      %dma_wait3A_936 = tpu.memref_squeeze %dma_wait3A_935 : memref<1x10000xi32, #tpu.memory_space<hbm>> -> memref<10000xi32, #tpu.memory_space<hbm>>
      tpu.wait_dma2 semaphore(%run_scoped3A_928 : memref<!tpu.dma_semaphore, #tpu.memory_space<semaphore_mem>>) src(%dma_wait3A_936 : memref<10000xi32, #tpu.memory_space<hbm>>) dst(%arg7 : memref<10000xi32, #tpu.memory_space<vmem>>)
      tpu.yield
    }) : () -> ()
    %dma_start3A = arith.constant 0 : i32
    %dma_start3A_7 = tpu.memref_slice %arg6[%dma_start3A] : memref<10000xi32, #tpu.memory_space<vmem>> -> memref<128xi32, #tpu.memory_space<vmem>>
    %dma_start3A_8 = arith.constant 0 : i32
    %dma_start3A_9 = arith.constant 0 : i32
    %dma_start3A_10 = tpu.memref_slice %arg2[%dma_start3A_8, %dma_start3A_9] : memref<10000x128xbf16, #tpu.memory_space<hbm>> -> memref<10000x128xbf16, #tpu.memory_space<hbm>>
    tpu.enqueue_indirect_dma source(%dma_start3A_10 : memref<10000x128xbf16, #tpu.memory_space<hbm>>) target(%arg8 : memref<128x128xbf16, #tpu.memory_space<vmem>>) offsets(%dma_start3A_7 : memref<128xi32, #tpu.memory_space<vmem>>) semaphore(%arg16 : memref<!tpu.dma_semaphore, #tpu.memory_space<semaphore_mem>>)
    %dma_start3A_11 = arith.constant 0 : i32
    %dma_start3A_12 = tpu.memref_slice %arg7[%dma_start3A_11] : memref<10000xi32, #tpu.memory_space<vmem>> -> memref<128xi32, #tpu.memory_space<vmem>>
    %dma_start3A_13 = arith.constant 0 : i32
    %dma_start3A_14 = arith.constant 0 : i32
    %dma_start3A_15 = tpu.memref_slice %arg3[%dma_start3A_13, %dma_start3A_14] : memref<10000x128xbf16, #tpu.memory_space<hbm>> -> memref<10000x128xbf16, #tpu.memory_space<hbm>>
    tpu.enqueue_indirect_dma source(%dma_start3A_15 : memref<10000x128xbf16, #tpu.memory_space<hbm>>) target(%arg9 : memref<128x128xbf16, #tpu.memory_space<vmem>>) offsets(%dma_start3A_12 : memref<128xi32, #tpu.memory_space<vmem>>) semaphore(%arg17 : memref<!tpu.dma_semaphore, #tpu.memory_space<semaphore_mem>>)
    %dma_start3A_16 = arith.constant 128 : i32
    %dma_start3A_17 = tpu.memref_slice %arg6[%dma_start3A_16] : memref<10000xi32, #tpu.memory_space<vmem>> -> memref<128xi32, #tpu.memory_space<vmem>>
    %dma_start3A_18 = arith.constant 0 : i32
    %dma_start3A_19 = arith.constant 0 : i32
    %dma_start3A_20 = tpu.memref_slice %arg2[%dma_start3A_18, %dma_start3A_19] : memref<10000x128xbf16, #tpu.memory_space<hbm>> -> memref<10000x128xbf16, #tpu.memory_space<hbm>>
    tpu.enqueue_indirect_dma source(%dma_start3A_20 : memref<10000x128xbf16, #tpu.memory_space<hbm>>) target(%arg10 : memref<128x128xbf16, #tpu.memory_space<vmem>>) offsets(%dma_start3A_17 : memref<128xi32, #tpu.memory_space<vmem>>) semaphore(%arg18 : memref<!tpu.dma_semaphore, #tpu.memory_space<semaphore_mem>>)
    %dma_start3A_21 = arith.constant 128 : i32
    %dma_start3A_22 = tpu.memref_slice %arg7[%dma_start3A_21] : memref<10000xi32, #tpu.memory_space<vmem>> -> memref<128xi32, #tpu.memory_space<vmem>>
    %dma_start3A_23 = arith.constant 0 : i32
    %dma_start3A_24 = arith.constant 0 : i32
    %dma_start3A_25 = tpu.memref_slice %arg3[%dma_start3A_23, %dma_start3A_24] : memref<10000x128xbf16, #tpu.memory_space<hbm>> -> memref<10000x128xbf16, #tpu.memory_space<hbm>>
    tpu.enqueue_indirect_dma source(%dma_start3A_25 : memref<10000x128xbf16, #tpu.memory_space<hbm>>) target(%arg11 : memref<128x128xbf16, #tpu.memory_space<vmem>>) offsets(%dma_start3A_22 : memref<128xi32, #tpu.memory_space<vmem>>) semaphore(%arg19 : memref<!tpu.dma_semaphore, #tpu.memory_space<semaphore_mem>>)
    %scan3A = arith.constant 0 : i32
    %scan3A_26 = arith.constant 0 : i32
    %scan3A_27 = arith.constant 38 : i32
    %scan3A_28 = arith.addi %scan3A_26, %scan3A_27 : i32
    %scan3A_29 = arith.constant 1 : i32
    scf.for %scan3A_928 = %scan3A_26 to %scan3A_28 step %scan3A_29  : i32 {
      %mul3A_929 = arith.constant 2 : i32
      %mul3A_930 = arith.muli %scan3A_928, %mul3A_929 : i32
      %dma_wait3A_931 = arith.constant 0 : i32
      %dma_wait3A_932 = arith.constant 0 : i32
      %dma_wait3A_933 = tpu.memref_slice %arg2[%dma_wait3A_931, %dma_wait3A_932] : memref<10000x128xbf16, #tpu.memory_space<hbm>> -> memref<128x128xbf16, #tpu.memory_space<hbm>>
      %dma_wait3A_934 = arith.constant 0 : i32
      %dma_wait3A_935 = arith.constant 0 : i32
      %dma_wait3A_936 = tpu.memref_slice %arg2[%dma_wait3A_934, %dma_wait3A_935] : memref<10000x128xbf16, #tpu.memory_space<hbm>> -> memref<128x128xbf16, #tpu.memory_space<hbm>>
      tpu.wait_dma2 semaphore(%arg16 : memref<!tpu.dma_semaphore, #tpu.memory_space<semaphore_mem>>) src(%dma_wait3A_936 : memref<128x128xbf16, #tpu.memory_space<hbm>>) dst(%arg8 : memref<128x128xbf16, #tpu.memory_space<vmem>>)
      %dma_wait3A_937 = arith.constant 0 : i32
      %dma_wait3A_938 = arith.constant 0 : i32
      %dma_wait3A_939 = tpu.memref_slice %arg3[%dma_wait3A_937, %dma_wait3A_938] : memref<10000x128xbf16, #tpu.memory_space<hbm>> -> memref<128x128xbf16, #tpu.memory_space<hbm>>
      %dma_wait3A_940 = arith.constant 0 : i32
      %dma_wait3A_941 = arith.constant 0 : i32
      %dma_wait3A_942 = tpu.memref_slice %arg3[%dma_wait3A_940, %dma_wait3A_941] : memref<10000x128xbf16, #tpu.memory_space<hbm>> -> memref<128x128xbf16, #tpu.memory_space<hbm>>
      tpu.wait_dma2 semaphore(%arg17 : memref<!tpu.dma_semaphore, #tpu.memory_space<semaphore_mem>>) src(%dma_wait3A_942 : memref<128x128xbf16, #tpu.memory_space<hbm>>) dst(%arg9 : memref<128x128xbf16, #tpu.memory_space<vmem>>)
      %scan3A_943 = arith.constant 0 : i32
      %scan3A_944 = arith.constant 0 : i32
      %scan3A_945 = arith.constant 8 : i32
      %scan3A_946 = arith.addi %scan3A_944, %scan3A_945 : i32
      %scan3A_947 = arith.constant 1 : i32
      scf.for %scan3A_1009 = %scan3A_944 to %scan3A_946 step %scan3A_947  : i32 {
        %mul3A_1010 = arith.constant 16 : i32
        %mul3A_1011 = arith.muli %scan3A_1009, %mul3A_1010 : i32
        %get3A_1012 = arith.index_cast %mul3A_1011 : i32 to index
        %get3A_1013 = arith.constant 0 : index
        %get3A_1014 = tpu.vector_load %arg8[%get3A_1012, %get3A_1013] {strides = array<i32>} : memref<128x128xbf16, #tpu.memory_space<vmem>>, vector<32xbf16>,
        %get3A_1015 = arith.index_cast %mul3A_1011 : i32 to index
        %get3A_1016 = arith.constant 0 : index
        %get3A_1017 = tpu.vector_load %arg9[%get3A_1015, %get3A_1016] {strides = array<i32>} : memref<128x128xbf16, #tpu.memory_space<vmem>>, vector<32xbf16>,
        %get3A_1018 = arith.index_cast %mul3A_1011 : i32 to index
        %get3A_1019 = arith.constant 32 : index
        %get3A_1020 = tpu.vector_load %arg8[%get3A_1018, %get3A_1019] {strides = array<i32>} : memref<128x128xbf16, #tpu.memory_space<vmem>>, vector<32xbf16>,
        %get3A_1021 = arith.index_cast %mul3A_1011 : i32 to index
        %get3A_1022 = arith.constant 32 : index
        %get3A_1023 = tpu.vector_load %arg9[%get3A_1021, %get3A_1022] {strides = array<i32>} : memref<128x128xbf16, #tpu.memory_space<vmem>>, vector<32xbf16>,
        %get3A_1024 = arith.index_cast %mul3A_1011 : i32 to index
        %get3A_1025 = arith.constant 64 : index
        %get3A_1026 = tpu.vector_load %arg8[%get3A_1024, %get3A_1025] {strides = array<i32>} : memref<128x128xbf16, #tpu.memory_space<vmem>>, vector<32xbf16>,
        %get3A_1027 = arith.index_cast %mul3A_1011 : i32 to index
        %get3A_1028 = arith.constant 64 : index
        %get3A_1029 = tpu.vector_load %arg9[%get3A_1027, %get3A_1028] {strides = array<i32>} : memref<128x128xbf16, #tpu.memory_space<vmem>>, vector<32xbf16>,
        %get3A_1030 = arith.index_cast %mul3A_1011 : i32 to index
        %get3A_1031 = arith.constant 96 : index
        %get3A_1032 = tpu.vector_load %arg8[%get3A_1030, %get3A_1031] {strides = array<i32>} : memref<128x128xbf16, #tpu.memory_space<vmem>>, vector<32xbf16>,
        %get3A_1033 = arith.index_cast %mul3A_1011 : i32 to index
        %get3A_1034 = arith.constant 96 : index
        %get3A_1035 = tpu.vector_load %arg9[%get3A_1033, %get3A_1034] {strides = array<i32>} : memref<128x128xbf16, #tpu.memory_space<vmem>>, vector<32xbf16>,
        %add3A_1036 = arith.constant 1 : i32
        %add3A_1037 = arith.addi %mul3A_1011, %add3A_1036 : i32
        %get3A_1038 = arith.index_cast %add3A_1037 : i32 to index
        %get3A_1039 = arith.constant 0 : index
        %get3A_1040 = tpu.vector_load %arg8[%get3A_1038, %get3A_1039] {strides = array<i32>} : memref<128x128xbf16, #tpu.memory_space<vmem>>, vector<32xbf16>,
        %get3A_1041 = arith.index_cast %add3A_1037 : i32 to index
        %get3A_1042 = arith.constant 0 : index
        %get3A_1043 = tpu.vector_load %arg9[%get3A_1041, %get3A_1042] {strides = array<i32>} : memref<128x128xbf16, #tpu.memory_space<vmem>>, vector<32xbf16>,
        %get3A_1044 = arith.index_cast %add3A_1037 : i32 to index
        %get3A_1045 = arith.constant 32 : index
        %get3A_1046 = tpu.vector_load %arg8[%get3A_1044, %get3A_1045] {strides = array<i32>} : memref<128x128xbf16, #tpu.memory_space<vmem>>, vector<32xbf16>,
        %get3A_1047 = arith.index_cast %add3A_1037 : i32 to index
        %get3A_1048 = arith.constant 32 : index
        %get3A_1049 = tpu.vector_load %arg9[%get3A_1047, %get3A_1048] {strides = array<i32>} : memref<128x128xbf16, #tpu.memory_space<vmem>>, vector<32xbf16>,
        %get3A_1050 = arith.index_cast %add3A_1037 : i32 to index
        %get3A_1051 = arith.constant 64 : index
        %get3A_1052 = tpu.vector_load %arg8[%get3A_1050, %get3A_1051] {strides = array<i32>} : memref<128x128xbf16, #tpu.memory_space<vmem>>, vector<32xbf16>,
        %get3A_1053 = arith.index_cast %add3A_1037 : i32 to index
        %get3A_1054 = arith.constant 64 : index
        %get3A_1055 = tpu.vector_load %arg9[%get3A_1053, %get3A_1054] {strides = array<i32>} : memref<128x128xbf16, #tpu.memory_space<vmem>>, vector<32xbf16>,
        %get3A_1056 = arith.index_cast %add3A_1037 : i32 to index
        %get3A_1057 = arith.constant 96 : index
        %get3A_1058 = tpu.vector_load %arg8[%get3A_1056, %get3A_1057] {strides = array<i32>} : memref<128x128xbf16, #tpu.memory_space<vmem>>, vector<32xbf16>,
        %get3A_1059 = arith.index_cast %add3A_1037 : i32 to index
        %get3A_1060 = arith.constant 96 : index
        %get3A_1061 = tpu.vector_load %arg9[%get3A_1059, %get3A_1060] {strides = array<i32>} : memref<128x128xbf16, #tpu.memory_space<vmem>>, vector<32xbf16>,
        %add3A_1062 = arith.constant 0 : i32
        %add3A_1063 = arith.addi %mul3A_1011, %add3A_1062 : i32
        %add3A_1064 = arith.constant 2 : i32
        %add3A_1065 = arith.addi %add3A_1063, %add3A_1064 : i32
        %get3A_1066 = arith.index_cast %add3A_1065 : i32 to index
        %get3A_1067 = arith.constant 0 : index
        %get3A_1068 = tpu.vector_load %arg8[%get3A_1066, %get3A_1067] {strides = array<i32>} : memref<128x128xbf16, #tpu.memory_space<vmem>>, vector<32xbf16>,
        %get3A_1069 = arith.index_cast %add3A_1065 : i32 to index
        %get3A_1070 = arith.constant 0 : index
        %get3A_1071 = tpu.vector_load %arg9[%get3A_1069, %get3A_1070] {strides = array<i32>} : memref<128x128xbf16, #tpu.memory_space<vmem>>, vector<32xbf16>,
        %get3A_1072 = arith.index_cast %add3A_1065 : i32 to index
        %get3A_1073 = arith.constant 32 : index
        %get3A_1074 = tpu.vector_load %arg8[%get3A_1072, %get3A_1073] {strides = array<i32>} : memref<128x128xbf16, #tpu.memory_space<vmem>>, vector<32xbf16>,
        %get3A_1075 = arith.index_cast %add3A_1065 : i32 to index
        %get3A_1076 = arith.constant 32 : index
        %get3A_1077 = tpu.vector_load %arg9[%get3A_1075, %get3A_1076] {strides = array<i32>} : memref<128x128xbf16, #tpu.memory_space<vmem>>, vector<32xbf16>,
        %get3A_1078 = arith.index_cast %add3A_1065 : i32 to index
        %get3A_1079 = arith.constant 64 : index
        %get3A_1080 = tpu.vector_load %arg8[%get3A_1078, %get3A_1079] {strides = array<i32>} : memref<128x128xbf16, #tpu.memory_space<vmem>>, vector<32xbf16>,
        %get3A_1081 = arith.index_cast %add3A_1065 : i32 to index
        %get3A_1082 = arith.constant 64 : index
        %get3A_1083 = tpu.vector_load %arg9[%get3A_1081, %get3A_1082] {strides = array<i32>} : memref<128x128xbf16, #tpu.memory_space<vmem>>, vector<32xbf16>,
        %get3A_1084 = arith.index_cast %add3A_1065 : i32 to index
        %get3A_1085 = arith.constant 96 : index
        %get3A_1086 = tpu.vector_load %arg8[%get3A_1084, %get3A_1085] {strides = array<i32>} : memref<128x128xbf16, #tpu.memory_space<vmem>>, vector<32xbf16>,
        %get3A_1087 = arith.index_cast %add3A_1065 : i32 to index
        %get3A_1088 = arith.constant 96 : index
        %get3A_1089 = tpu.vector_load %arg9[%get3A_1087, %get3A_1088] {strides = array<i32>} : memref<128x128xbf16, #tpu.memory_space<vmem>>, vector<32xbf16>,
        %mul3A_1090 = arith.mulf %get3A_1014, %get3A_1017 : vector<32xbf16>
        %mul3A_1091 = arith.mulf %get3A_1020, %get3A_1023 : vector<32xbf16>
        %add3A_1092 = arith.addf %mul3A_1090, %mul3A_1091 : vector<32xbf16>
        %mul3A_1093 = arith.mulf %get3A_1026, %get3A_1029 : vector<32xbf16>
        %mul3A_1094 = arith.mulf %get3A_1032, %get3A_1035 : vector<32xbf16>
        %add3A_1095 = arith.addf %mul3A_1093, %mul3A_1094 : vector<32xbf16>
        %add3A_1096 = arith.addf %add3A_1092, %add3A_1095 : vector<32xbf16>
        %unpack3A_1097 = tpu.unpack_subelements %add3A_1096, 0 {pack_format = #tpu.pack_format<interleaved>} : vector<32xbf16> -> vector<16xf32>
        %unpack3A_1098 = tpu.unpack_subelements %add3A_1096, 1 {pack_format = #tpu.pack_format<interleaved>} : vector<32xbf16> -> vector<16xf32>
        %add3A_1099 = arith.addf %unpack3A_1097, %unpack3A_1098 : vector<16xf32>
        %mul3A_1100 = arith.constant 256 : i32
        %mul3A_1101 = arith.muli %scan3A_1009, %mul3A_1100 : i32
        %add3A_1102 = arith.constant 0 : i32
        %add3A_1103 = arith.addi %mul3A_1101, %add3A_1102 : i32
        %swap3A_1104 = arith.index_cast %add3A_1103 : i32 to index
        %swap3A_1105 = tpu.vector_load %arg15[%swap3A_1104] {strides = array<i32>} : memref<2048xf32, #tpu.memory_space<vmem>>, vector<16xf32>,
        tpu.vector_store %arg15[%swap3A_1104], %add3A_1099 {strides = array<i32>} : memref<2048xf32, #tpu.memory_space<vmem>>, vector<16xf32>,
        %add3A_1106 = arith.constant 1 : i32
        %add3A_1107 = arith.addi %mul3A_1011, %add3A_1106 : i32
        %add3A_1108 = arith.constant 2 : i32
        %add3A_1109 = arith.addi %add3A_1107, %add3A_1108 : i32
        %get3A_1110 = arith.index_cast %add3A_1109 : i32 to index
        %get3A_1111 = arith.constant 0 : index
        %get3A_1112 = tpu.vector_load %arg8[%get3A_1110, %get3A_1111] {strides = array<i32>} : memref<128x128xbf16, #tpu.memory_space<vmem>>, vector<32xbf16>,
        %get3A_1113 = arith.index_cast %add3A_1109 : i32 to index
        %get3A_1114 = arith.constant 0 : index
        %get3A_1115 = tpu.vector_load %arg9[%get3A_1113, %get3A_1114] {strides = array<i32>} : memref<128x128xbf16, #tpu.memory_space<vmem>>, vector<32xbf16>,
        %get3A_1116 = arith.index_cast %add3A_1109 : i32 to index
        %get3A_1117 = arith.constant 32 : index
        %get3A_1118 = tpu.vector_load %arg8[%get3A_1116, %get3A_1117] {strides = array<i32>} : memref<128x128xbf16, #tpu.memory_space<vmem>>, vector<32xbf16>,
        %get3A_1119 = arith.index_cast %add3A_1109 : i32 to index
        %get3A_1120 = arith.constant 32 : index
        %get3A_1121 = tpu.vector_load %arg9[%get3A_1119, %get3A_1120] {strides = array<i32>} : memref<128x128xbf16, #tpu.memory_space<vmem>>, vector<32xbf16>,
        %get3A_1122 = arith.index_cast %add3A_1109 : i32 to index
        %get3A_1123 = arith.constant 64 : index
        %get3A_1124 = tpu.vector_load %arg8[%get3A_1122, %get3A_1123] {strides = array<i32>} : memref<128x128xbf16, #tpu.memory_space<vmem>>, vector<32xbf16>,
        %get3A_1125 = arith.index_cast %add3A_1109 : i32 to index
        %get3A_1126 = arith.constant 64 : index
        %get3A_1127 = tpu.vector_load %arg9[%get3A_1125, %get3A_1126] {strides = array<i32>} : memref<128x128xbf16, #tpu.memory_space<vmem>>, vector<32xbf16>,
        %get3A_1128 = arith.index_cast %add3A_1109 : i32 to index
        %get3A_1129 = arith.constant 96 : index
        %get3A_1130 = tpu.vector_load %arg8[%get3A_1128, %get3A_1129] {strides = array<i32>} : memref<128x128xbf16, #tpu.memory_space<vmem>>, vector<32xbf16>,
        %get3A_1131 = arith.index_cast %add3A_1109 : i32 to index
        %get3A_1132 = arith.constant 96 : index
        %get3A_1133 = tpu.vector_load %arg9[%get3A_1131, %get3A_1132] {strides = array<i32>} : memref<128x128xbf16, #tpu.memory_space<vmem>>, vector<32xbf16>,
        %mul3A_1134 = arith.mulf %get3A_1040, %get3A_1043 : vector<32xbf16>
        %mul3A_1135 = arith.mulf %get3A_1046, %get3A_1049 : vector<32xbf16>
        %add3A_1136 = arith.addf %mul3A_1134, %mul3A_1135 : vector<32xbf16>
        %mul3A_1137 = arith.mulf %get3A_1052, %get3A_1055 : vector<32xbf16>
        %mul3A_1138 = arith.mulf %get3A_1058, %get3A_1061 : vector<32xbf16>
        %add3A_1139 = arith.addf %mul3A_1137, %mul3A_1138 : vector<32xbf16>
        %add3A_1140 = arith.addf %add3A_1136, %add3A_1139 : vector<32xbf16>
        %unpack3A_1141 = tpu.unpack_subelements %add3A_1140, 0 {pack_format = #tpu.pack_format<interleaved>} : vector<32xbf16> -> vector<16xf32>
        %unpack3A_1142 = tpu.unpack_subelements %add3A_1140, 1 {pack_format = #tpu.pack_format<interleaved>} : vector<32xbf16> -> vector<16xf32>
        %add3A_1143 = arith.addf %unpack3A_1141, %unpack3A_1142 : vector<16xf32>
        %mul3A_1144 = arith.constant 256 : i32
        %mul3A_1145 = arith.muli %scan3A_1009, %mul3A_1144 : i32
        %add3A_1146 = arith.constant 16 : i32
        %add3A_1147 = arith.addi %mul3A_1145, %add3A_1146 : i32
        %swap3A_1148 = arith.index_cast %add3A_1147 : i32 to index
        %swap3A_1149 = tpu.vector_load %arg15[%swap3A_1148] {strides = array<i32>} : memref<2048xf32, #tpu.memory_space<vmem>>, vector<16xf32>,
        tpu.vector_store %arg15[%swap3A_1148], %add3A_1143 {strides = array<i32>} : memref<2048xf32, #tpu.memory_space<vmem>>, vector<16xf32>,
        %add3A_1150 = arith.constant 2 : i32
        %add3A_1151 = arith.addi %mul3A_1011, %add3A_1150 : i32
        %add3A_1152 = arith.constant 2 : i32
        %add3A_1153 = arith.addi %add3A_1151, %add3A_1152 : i32
        %get3A_1154 = arith.index_cast %add3A_1153 : i32 to index
        %get3A_1155 = arith.constant 0 : index
        %get3A_1156 = tpu.vector_load %arg8[%get3A_1154, %get3A_1155] {strides = array<i32>} : memref<128x128xbf16, #tpu.memory_space<vmem>>, vector<32xbf16>,
        %get3A_1157 = arith.index_cast %add3A_1153 : i32 to index
        %get3A_1158 = arith.constant 0 : index
        %get3A_1159 = tpu.vector_load %arg9[%get3A_1157, %get3A_1158] {strides = array<i32>} : memref<128x128xbf16, #tpu.memory_space<vmem>>, vector<32xbf16>,
        %get3A_1160 = arith.index_cast %add3A_1153 : i32 to index
        %get3A_1161 = arith.constant 32 : index
        %get3A_1162 = tpu.vector_load %arg8[%get3A_1160, %get3A_1161] {strides = array<i32>} : memref<128x128xbf16, #tpu.memory_space<vmem>>, vector<32xbf16>,
        %get3A_1163 = arith.index_cast %add3A_1153 : i32 to index
        %get3A_1164 = arith.constant 32 : index
        %get3A_1165 = tpu.vector_load %arg9[%get3A_1163, %get3A_1164] {strides = array<i32>} : memref<128x128xbf16, #tpu.memory_space<vmem>>, vector<32xbf16>,
        %get3A_1166 = arith.index_cast %add3A_1153 : i32 to index
        %get3A_1167 = arith.constant 64 : index
        %get3A_1168 = tpu.vector_load %arg8[%get3A_1166, %get3A_1167] {strides = array<i32>} : memref<128x128xbf16, #tpu.memory_space<vmem>>, vector<32xbf16>,
        %get3A_1169 = arith.index_cast %add3A_1153 : i32 to index
        %get3A_1170 = arith.constant 64 : index
        %get3A_1171 = tpu.vector_load %arg9[%get3A_1169, %get3A_1170] {strides = array<i32>} : memref<128x128xbf16, #tpu.memory_space<vmem>>, vector<32xbf16>,
        %get3A_1172 = arith.index_cast %add3A_1153 : i32 to index
        %get3A_1173 = arith.constant 96 : index
        %get3A_1174 = tpu.vector_load %arg8[%get3A_1172, %get3A_1173] {strides = array<i32>} : memref<128x128xbf16, #tpu.memory_space<vmem>>, vector<32xbf16>,
        %get3A_1175 = arith.index_cast %add3A_1153 : i32 to index
        %get3A_1176 = arith.constant 96 : index
        %get3A_1177 = tpu.vector_load %arg9[%get3A_1175, %get3A_1176] {strides = array<i32>} : memref<128x128xbf16, #tpu.memory_space<vmem>>, vector<32xbf16>,
        %mul3A_1178 = arith.mulf %get3A_1068, %get3A_1071 : vector<32xbf16>
        %mul3A_1179 = arith.mulf %get3A_1074, %get3A_1077 : vector<32xbf16>
        %add3A_1180 = arith.addf %mul3A_1178, %mul3A_1179 : vector<32xbf16>
        %mul3A_1181 = arith.mulf %get3A_1080, %get3A_1083 : vector<32xbf16>
        %mul3A_1182 = arith.mulf %get3A_1086, %get3A_1089 : vector<32xbf16>
        %add3A_1183 = arith.addf %mul3A_1181, %mul3A_1182 : vector<32xbf16>
        %add3A_1184 = arith.addf %add3A_1180, %add3A_1183 : vector<32xbf16>
        %unpack3A_1185 = tpu.unpack_subelements %add3A_1184, 0 {pack_format = #tpu.pack_format<interleaved>} : vector<32xbf16> -> vector<16xf32>
        %unpack3A_1186 = tpu.unpack_subelements %add3A_1184, 1 {pack_format = #tpu.pack_format<interleaved>} : vector<32xbf16> -> vector<16xf32>
        %add3A_1187 = arith.addf %unpack3A_1185, %unpack3A_1186 : vector<16xf32>
        %mul3A_1188 = arith.constant 256 : i32
        %mul3A_1189 = arith.muli %scan3A_1009, %mul3A_1188 : i32
        %add3A_1190 = arith.constant 32 : i32
        %add3A_1191 = arith.addi %mul3A_1189, %add3A_1190 : i32
        %swap3A_1192 = arith.index_cast %add3A_1191 : i32 to index
        %swap3A_1193 = tpu.vector_load %arg15[%swap3A_1192] {strides = array<i32>} : memref<2048xf32, #tpu.memory_space<vmem>>, vector<16xf32>,
        tpu.vector_store %arg15[%swap3A_1192], %add3A_1187 {strides = array<i32>} : memref<2048xf32, #tpu.memory_space<vmem>>, vector<16xf32>,
        %add3A_1194 = arith.constant 3 : i32
        %add3A_1195 = arith.addi %mul3A_1011, %add3A_1194 : i32
        %add3A_1196 = arith.constant 2 : i32
        %add3A_1197 = arith.addi %add3A_1195, %add3A_1196 : i32
        %get3A_1198 = arith.index_cast %add3A_1197 : i32 to index
        %get3A_1199 = arith.constant 0 : index
        %get3A_1200 = tpu.vector_load %arg8[%get3A_1198, %get3A_1199] {strides = array<i32>} : memref<128x128xbf16, #tpu.memory_space<vmem>>, vector<32xbf16>,
        %get3A_1201 = arith.index_cast %add3A_1197 : i32 to index
        %get3A_1202 = arith.constant 0 : index
        %get3A_1203 = tpu.vector_load %arg9[%get3A_1201, %get3A_1202] {strides = array<i32>} : memref<128x128xbf16, #tpu.memory_space<vmem>>, vector<32xbf16>,
        %get3A_1204 = arith.index_cast %add3A_1197 : i32 to index
        %get3A_1205 = arith.constant 32 : index
        %get3A_1206 = tpu.vector_load %arg8[%get3A_1204, %get3A_1205] {strides = array<i32>} : memref<128x128xbf16, #tpu.memory_space<vmem>>, vector<32xbf16>,
        %get3A_1207 = arith.index_cast %add3A_1197 : i32 to index
        %get3A_1208 = arith.constant 32 : index
        %get3A_1209 = tpu.vector_load %arg9[%get3A_1207, %get3A_1208] {strides = array<i32>} : memref<128x128xbf16, #tpu.memory_space<vmem>>, vector<32xbf16>,
        %get3A_1210 = arith.index_cast %add3A_1197 : i32 to index
        %get3A_1211 = arith.constant 64 : index
        %get3A_1212 = tpu.vector_load %arg8[%get3A_1210, %get3A_1211] {strides = array<i32>} : memref<128x128xbf16, #tpu.memory_space<vmem>>, vector<32xbf16>,
        %get3A_1213 = arith.index_cast %add3A_1197 : i32 to index
        %get3A_1214 = arith.constant 64 : index
        %get3A_1215 = tpu.vector_load %arg9[%get3A_1213, %get3A_1214] {strides = array<i32>} : memref<128x128xbf16, #tpu.memory_space<vmem>>, vector<32xbf16>,
        %get3A_1216 = arith.index_cast %add3A_1197 : i32 to index
        %get3A_1217 = arith.constant 96 : index
        %get3A_1218 = tpu.vector_load %arg8[%get3A_1216, %get3A_1217] {strides = array<i32>} : memref<128x128xbf16, #tpu.memory_space<vmem>>, vector<32xbf16>,
        %get3A_1219 = arith.index_cast %add3A_1197 : i32 to index
        %get3A_1220 = arith.constant 96 : index
        %get3A_1221 = tpu.vector_load %arg9[%get3A_1219, %get3A_1220] {strides = array<i32>} : memref<128x128xbf16, #tpu.memory_space<vmem>>, vector<32xbf16>,
        %mul3A_1222 = arith.mulf %get3A_1112, %get3A_1115 : vector<32xbf16>
        %mul3A_1223 = arith.mulf %get3A_1118, %get3A_1121 : vector<32xbf16>
        %add3A_1224 = arith.addf %mul3A_1222, %mul3A_1223 : vector<32xbf16>
        %mul3A_1225 = arith.mulf %get3A_1124, %get3A_1127 : vector<32xbf16>
        %mul3A_1226 = arith.mulf %get3A_1130, %get3A_1133 : vector<32xbf16>
        %add3A_1227 = arith.addf %mul3A_1225, %mul3A_1226 : vector<32xbf16>
        %add3A_1228 = arith.addf %add3A_1224, %add3A_1227 : vector<32xbf16>
        %unpack3A_1229 = tpu.unpack_subelements %add3A_1228, 0 {pack_format = #tpu.pack_format<interleaved>} : vector<32xbf16> -> vector<16xf32>
        %unpack3A_1230 = tpu.unpack_subelements %add3A_1228, 1 {pack_format = #tpu.pack_format<interleaved>} : vector<32xbf16> -> vector<16xf32>
        %add3A_1231 = arith.addf %unpack3A_1229, %unpack3A_1230 : vector<16xf32>
        %mul3A_1232 = arith.constant 256 : i32
        %mul3A_1233 = arith.muli %scan3A_1009, %mul3A_1232 : i32
        %add3A_1234 = arith.constant 48 : i32
        %add3A_1235 = arith.addi %mul3A_1233, %add3A_1234 : i32
        %swap3A_1236 = arith.index_cast %add3A_1235 : i32 to index
        %swap3A_1237 = tpu.vector_load %arg15[%swap3A_1236] {strides = array<i32>} : memref<2048xf32, #tpu.memory_space<vmem>>, vector<16xf32>,
        tpu.vector_store %arg15[%swap3A_1236], %add3A_1231 {strides = array<i32>} : memref<2048xf32, #tpu.memory_space<vmem>>, vector<16xf32>,
        %add3A_1238 = arith.constant 4 : i32
        %add3A_1239 = arith.addi %mul3A_1011, %add3A_1238 : i32
        %add3A_1240 = arith.constant 2 : i32
        %add3A_1241 = arith.addi %add3A_1239, %add3A_1240 : i32
        %get3A_1242 = arith.index_cast %add3A_1241 : i32 to index
        %get3A_1243 = arith.constant 0 : index
        %get3A_1244 = tpu.vector_load %arg8[%get3A_1242, %get3A_1243] {strides = array<i32>} : memref<128x128xbf16, #tpu.memory_space<vmem>>, vector<32xbf16>,
        %get3A_1245 = arith.index_cast %add3A_1241 : i32 to index
        %get3A_1246 = arith.constant 0 : index
        %get3A_1247 = tpu.vector_load %arg9[%get3A_1245, %get3A_1246] {strides = array<i32>} : memref<128x128xbf16, #tpu.memory_space<vmem>>, vector<32xbf16>,
        %get3A_1248 = arith.index_cast %add3A_1241 : i32 to index
        %get3A_1249 = arith.constant 32 : index
        %get3A_1250 = tpu.vector_load %arg8[%get3A_1248, %get3A_1249] {strides = array<i32>} : memref<128x128xbf16, #tpu.memory_space<vmem>>, vector<32xbf16>,
        %get3A_1251 = arith.index_cast %add3A_1241 : i32 to index
        %get3A_1252 = arith.constant 32 : index
        %get3A_1253 = tpu.vector_load %arg9[%get3A_1251, %get3A_1252] {strides = array<i32>} : memref<128x128xbf16, #tpu.memory_space<vmem>>, vector<32xbf16>,
        %get3A_1254 = arith.index_cast %add3A_1241 : i32 to index
        %get3A_1255 = arith.constant 64 : index
        %get3A_1256 = tpu.vector_load %arg8[%get3A_1254, %get3A_1255] {strides = array<i32>} : memref<128x128xbf16, #tpu.memory_space<vmem>>, vector<32xbf16>,
        %get3A_1257 = arith.index_cast %add3A_1241 : i32 to index
        %get3A_1258 = arith.constant 64 : index
        %get3A_1259 = tpu.vector_load %arg9[%get3A_1257, %get3A_1258] {strides = array<i32>} : memref<128x128xbf16, #tpu.memory_space<vmem>>, vector<32xbf16>,
        %get3A_1260 = arith.index_cast %add3A_1241 : i32 to index
        %get3A_1261 = arith.constant 96 : index
        %get3A_1262 = tpu.vector_load %arg8[%get3A_1260, %get3A_1261] {strides = array<i32>} : memref<128x128xbf16, #tpu.memory_space<vmem>>, vector<32xbf16>,
        %get3A_1263 = arith.index_cast %add3A_1241 : i32 to index
        %get3A_1264 = arith.constant 96 : index
        %get3A_1265 = tpu.vector_load %arg9[%get3A_1263, %get3A_1264] {strides = array<i32>} : memref<128x128xbf16, #tpu.memory_space<vmem>>, vector<32xbf16>,
        %mul3A_1266 = arith.mulf %get3A_1156, %get3A_1159 : vector<32xbf16>
        %mul3A_1267 = arith.mulf %get3A_1162, %get3A_1165 : vector<32xbf16>
        %add3A_1268 = arith.addf %mul3A_1266, %mul3A_1267 : vector<32xbf16>
        %mul3A_1269 = arith.mulf %get3A_1168, %get3A_1171 : vector<32xbf16>
        %mul3A_1270 = arith.mulf %get3A_1174, %get3A_1177 : vector<32xbf16>
        %add3A_1271 = arith.addf %mul3A_1269, %mul3A_1270 : vector<32xbf16>
        %add3A_1272 = arith.addf %add3A_1268, %add3A_1271 : vector<32xbf16>
        %unpack3A_1273 = tpu.unpack_subelements %add3A_1272, 0 {pack_format = #tpu.pack_format<interleaved>} : vector<32xbf16> -> vector<16xf32>
        %unpack3A_1274 = tpu.unpack_subelements %add3A_1272, 1 {pack_format = #tpu.pack_format<interleaved>} : vector<32xbf16> -> vector<16xf32>
        %add3A_1275 = arith.addf %unpack3A_1273, %unpack3A_1274 : vector<16xf32>
        %mul3A_1276 = arith.constant 256 : i32
        %mul3A_1277 = arith.muli %scan3A_1009, %mul3A_1276 : i32
        %add3A_1278 = arith.constant 64 : i32
        %add3A_1279 = arith.addi %mul3A_1277, %add3A_1278 : i32
        %swap3A_1280 = arith.index_cast %add3A_1279 : i32 to index
        %swap3A_1281 = tpu.vector_load %arg15[%swap3A_1280] {strides = array<i32>} : memref<2048xf32, #tpu.memory_space<vmem>>, vector<16xf32>,
        tpu.vector_store %arg15[%swap3A_1280], %add3A_1275 {strides = array<i32>} : memref<2048xf32, #tpu.memory_space<vmem>>, vector<16xf32>,
        %add3A_1282 = arith.constant 5 : i32
        %add3A_1283 = arith.addi %mul3A_1011, %add3A_1282 : i32
        %add3A_1284 = arith.constant 2 : i32
        %add3A_1285 = arith.addi %add3A_1283, %add3A_1284 : i32
        %get3A_1286 = arith.index_cast %add3A_1285 : i32 to index
        %get3A_1287 = arith.constant 0 : index
        %get3A_1288 = tpu.vector_load %arg8[%get3A_1286, %get3A_1287] {strides = array<i32>} : memref<128x128xbf16, #tpu.memory_space<vmem>>, vector<32xbf16>,
        %get3A_1289 = arith.index_cast %add3A_1285 : i32 to index
        %get3A_1290 = arith.constant 0 : index
        %get3A_1291 = tpu.vector_load %arg9[%get3A_1289, %get3A_1290] {strides = array<i32>} : memref<128x128xbf16, #tpu.memory_space<vmem>>, vector<32xbf16>,
        %get3A_1292 = arith.index_cast %add3A_1285 : i32 to index
        %get3A_1293 = arith.constant 32 : index
        %get3A_1294 = tpu.vector_load %arg8[%get3A_1292, %get3A_1293] {strides = array<i32>} : memref<128x128xbf16, #tpu.memory_space<vmem>>, vector<32xbf16>,
        %get3A_1295 = arith.index_cast %add3A_1285 : i32 to index
        %get3A_1296 = arith.constant 32 : index
        %get3A_1297 = tpu.vector_load %arg9[%get3A_1295, %get3A_1296] {strides = array<i32>} : memref<128x128xbf16, #tpu.memory_space<vmem>>, vector<32xbf16>,
        %get3A_1298 = arith.index_cast %add3A_1285 : i32 to index
        %get3A_1299 = arith.constant 64 : index
        %get3A_1300 = tpu.vector_load %arg8[%get3A_1298, %get3A_1299] {strides = array<i32>} : memref<128x128xbf16, #tpu.memory_space<vmem>>, vector<32xbf16>,
        %get3A_1301 = arith.index_cast %add3A_1285 : i32 to index
        %get3A_1302 = arith.constant 64 : index
        %get3A_1303 = tpu.vector_load %arg9[%get3A_1301, %get3A_1302] {strides = array<i32>} : memref<128x128xbf16, #tpu.memory_space<vmem>>, vector<32xbf16>,
        %get3A_1304 = arith.index_cast %add3A_1285 : i32 to index
        %get3A_1305 = arith.constant 96 : index
        %get3A_1306 = tpu.vector_load %arg8[%get3A_1304, %get3A_1305] {strides = array<i32>} : memref<128x128xbf16, #tpu.memory_space<vmem>>, vector<32xbf16>,
        %get3A_1307 = arith.index_cast %add3A_1285 : i32 to index
        %get3A_1308 = arith.constant 96 : index
        %get3A_1309 = tpu.vector_load %arg9[%get3A_1307, %get3A_1308] {strides = array<i32>} : memref<128x128xbf16, #tpu.memory_space<vmem>>, vector<32xbf16>,
        %mul3A_1310 = arith.mulf %get3A_1200, %get3A_1203 : vector<32xbf16>
        %mul3A_1311 = arith.mulf %get3A_1206, %get3A_1209 : vector<32xbf16>
        %add3A_1312 = arith.addf %mul3A_1310, %mul3A_1311 : vector<32xbf16>
        %mul3A_1313 = arith.mulf %get3A_1212, %get3A_1215 : vector<32xbf16>
        %mul3A_1314 = arith.mulf %get3A_1218, %get3A_1221 : vector<32xbf16>
        %add3A_1315 = arith.addf %mul3A_1313, %mul3A_1314 : vector<32xbf16>
        %add3A_1316 = arith.addf %add3A_1312, %add3A_1315 : vector<32xbf16>
        %unpack3A_1317 = tpu.unpack_subelements %add3A_1316, 0 {pack_format = #tpu.pack_format<interleaved>} : vector<32xbf16> -> vector<16xf32>
        %unpack3A_1318 = tpu.unpack_subelements %add3A_1316, 1 {pack_format = #tpu.pack_format<interleaved>} : vector<32xbf16> -> vector<16xf32>
        %add3A_1319 = arith.addf %unpack3A_1317, %unpack3A_1318 : vector<16xf32>
        %mul3A_1320 = arith.constant 256 : i32
        %mul3A_1321 = arith.muli %scan3A_1009, %mul3A_1320 : i32
        %add3A_1322 = arith.constant 80 : i32
        %add3A_1323 = arith.addi %mul3A_1321, %add3A_1322 : i32
        %swap3A_1324 = arith.index_cast %add3A_1323 : i32 to index
        %swap3A_1325 = tpu.vector_load %arg15[%swap3A_1324] {strides = array<i32>} : memref<2048xf32, #tpu.memory_space<vmem>>, vector<16xf32>,
        tpu.vector_store %arg15[%swap3A_1324], %add3A_1319 {strides = array<i32>} : memref<2048xf32, #tpu.memory_space<vmem>>, vector<16xf32>,
        %add3A_1326 = arith.constant 6 : i32
        %add3A_1327 = arith.addi %mul3A_1011, %add3A_1326 : i32
        %add3A_1328 = arith.constant 2 : i32
        %add3A_1329 = arith.addi %add3A_1327, %add3A_1328 : i32
        %get3A_1330 = arith.index_cast %add3A_1329 : i32 to index
        %get3A_1331 = arith.constant 0 : index
        %get3A_1332 = tpu.vector_load %arg8[%get3A_1330, %get3A_1331] {strides = array<i32>} : memref<128x128xbf16, #tpu.memory_space<vmem>>, vector<32xbf16>,
        %get3A_1333 = arith.index_cast %add3A_1329 : i32 to index
        %get3A_1334 = arith.constant 0 : index
        %get3A_1335 = tpu.vector_load %arg9[%get3A_1333, %get3A_1334] {strides = array<i32>} : memref<128x128xbf16, #tpu.memory_space<vmem>>, vector<32xbf16>,
        %get3A_1336 = arith.index_cast %add3A_1329 : i32 to index
        %get3A_1337 = arith.constant 32 : index
        %get3A_1338 = tpu.vector_load %arg8[%get3A_1336, %get3A_1337] {strides = array<i32>} : memref<128x128xbf16, #tpu.memory_space<vmem>>, vector<32xbf16>,
        %get3A_1339 = arith.index_cast %add3A_1329 : i32 to index
        %get3A_1340 = arith.constant 32 : index
        %get3A_1341 = tpu.vector_load %arg9[%get3A_1339, %get3A_1340] {strides = array<i32>} : memref<128x128xbf16, #tpu.memory_space<vmem>>, vector<32xbf16>,
        %get3A_1342 = arith.index_cast %add3A_1329 : i32 to index
        %get3A_1343 = arith.constant 64 : index
        %get3A_1344 = tpu.vector_load %arg8[%get3A_1342, %get3A_1343] {strides = array<i32>} : memref<128x128xbf16, #tpu.memory_space<vmem>>, vector<32xbf16>,
        %get3A_1345 = arith.index_cast %add3A_1329 : i32 to index
        %get3A_1346 = arith.constant 64 : index
        %get3A_1347 = tpu.vector_load %arg9[%get3A_1345, %get3A_1346] {strides = array<i32>} : memref<128x128xbf16, #tpu.memory_space<vmem>>, vector<32xbf16>,
        %get3A_1348 = arith.index_cast %add3A_1329 : i32 to index
        %get3A_1349 = arith.constant 96 : index
        %get3A_1350 = tpu.vector_load %arg8[%get3A_1348, %get3A_1349] {strides = array<i32>} : memref<128x128xbf16, #tpu.memory_space<vmem>>, vector<32xbf16>,
        %get3A_1351 = arith.index_cast %add3A_1329 : i32 to index
        %get3A_1352 = arith.constant 96 : index
        %get3A_1353 = tpu.vector_load %arg9[%get3A_1351, %get3A_1352] {strides = array<i32>} : memref<128x128xbf16, #tpu.memory_space<vmem>>, vector<32xbf16>,
        %mul3A_1354 = arith.mulf %get3A_1244, %get3A_1247 : vector<32xbf16>
        %mul3A_1355 = arith.mulf %get3A_1250, %get3A_1253 : vector<32xbf16>
        %add3A_1356 = arith.addf %mul3A_1354, %mul3A_1355 : vector<32xbf16>
        %mul3A_1357 = arith.mulf %get3A_1256, %get3A_1259 : vector<32xbf16>
        %mul3A_1358 = arith.mulf %get3A_1262, %get3A_1265 : vector<32xbf16>
        %add3A_1359 = arith.addf %mul3A_1357, %mul3A_1358 : vector<32xbf16>
        %add3A_1360 = arith.addf %add3A_1356, %add3A_1359 : vector<32xbf16>
        %unpack3A_1361 = tpu.unpack_subelements %add3A_1360, 0 {pack_format = #tpu.pack_format<interleaved>} : vector<32xbf16> -> vector<16xf32>
        %unpack3A_1362 = tpu.unpack_subelements %add3A_1360, 1 {pack_format = #tpu.pack_format<interleaved>} : vector<32xbf16> -> vector<16xf32>
        %add3A_1363 = arith.addf %unpack3A_1361, %unpack3A_1362 : vector<16xf32>
        %mul3A_1364 = arith.constant 256 : i32
        %mul3A_1365 = arith.muli %scan3A_1009, %mul3A_1364 : i32
        %add3A_1366 = arith.constant 96 : i32
        %add3A_1367 = arith.addi %mul3A_1365, %add3A_1366 : i32
        %swap3A_1368 = arith.index_cast %add3A_1367 : i32 to index
        %swap3A_1369 = tpu.vector_load %arg15[%swap3A_1368] {strides = array<i32>} : memref<2048xf32, #tpu.memory_space<vmem>>, vector<16xf32>,
        tpu.vector_store %arg15[%swap3A_1368], %add3A_1363 {strides = array<i32>} : memref<2048xf32, #tpu.memory_space<vmem>>, vector<16xf32>,
        %add3A_1370 = arith.constant 7 : i32
        %add3A_1371 = arith.addi %mul3A_1011, %add3A_1370 : i32
        %add3A_1372 = arith.constant 2 : i32
        %add3A_1373 = arith.addi %add3A_1371, %add3A_1372 : i32
        %get3A_1374 = arith.index_cast %add3A_1373 : i32 to index
        %get3A_1375 = arith.constant 0 : index
        %get3A_1376 = tpu.vector_load %arg8[%get3A_1374, %get3A_1375] {strides = array<i32>} : memref<128x128xbf16, #tpu.memory_space<vmem>>, vector<32xbf16>,
        %get3A_1377 = arith.index_cast %add3A_1373 : i32 to index
        %get3A_1378 = arith.constant 0 : index
        %get3A_1379 = tpu.vector_load %arg9[%get3A_1377, %get3A_1378] {strides = array<i32>} : memref<128x128xbf16, #tpu.memory_space<vmem>>, vector<32xbf16>,
        %get3A_1380 = arith.index_cast %add3A_1373 : i32 to index
        %get3A_1381 = arith.constant 32 : index
        %get3A_1382 = tpu.vector_load %arg8[%get3A_1380, %get3A_1381] {strides = array<i32>} : memref<128x128xbf16, #tpu.memory_space<vmem>>, vector<32xbf16>,
        %get3A_1383 = arith.index_cast %add3A_1373 : i32 to index
        %get3A_1384 = arith.constant 32 : index
        %get3A_1385 = tpu.vector_load %arg9[%get3A_1383, %get3A_1384] {strides = array<i32>} : memref<128x128xbf16, #tpu.memory_space<vmem>>, vector<32xbf16>,
        %get3A_1386 = arith.index_cast %add3A_1373 : i32 to index
        %get3A_1387 = arith.constant 64 : index
        %get3A_1388 = tpu.vector_load %arg8[%get3A_1386, %get3A_1387] {strides = array<i32>} : memref<128x128xbf16, #tpu.memory_space<vmem>>, vector<32xbf16>,
        %get3A_1389 = arith.index_cast %add3A_1373 : i32 to index
        %get3A_1390 = arith.constant 64 : index
        %get3A_1391 = tpu.vector_load %arg9[%get3A_1389, %get3A_1390] {strides = array<i32>} : memref<128x128xbf16, #tpu.memory_space<vmem>>, vector<32xbf16>,
        %get3A_1392 = arith.index_cast %add3A_1373 : i32 to index
        %get3A_1393 = arith.constant 96 : index
        %get3A_1394 = tpu.vector_load %arg8[%get3A_1392, %get3A_1393] {strides = array<i32>} : memref<128x128xbf16, #tpu.memory_space<vmem>>, vector<32xbf16>,
        %get3A_1395 = arith.index_cast %add3A_1373 : i32 to index
        %get3A_1396 = arith.constant 96 : index
        %get3A_1397 = tpu.vector_load %arg9[%get3A_1395, %get3A_1396] {strides = array<i32>} : memref<128x128xbf16, #tpu.memory_space<vmem>>, vector<32xbf16>,
        %mul3A_1398 = arith.mulf %get3A_1288, %get3A_1291 : vector<32xbf16>
        %mul3A_1399 = arith.mulf %get3A_1294, %get3A_1297 : vector<32xbf16>
        %add3A_1400 = arith.addf %mul3A_1398, %mul3A_1399 : vector<32xbf16>
        %mul3A_1401 = arith.mulf %get3A_1300, %get3A_1303 : vector<32xbf16>
        %mul3A_1402 = arith.mulf %get3A_1306, %get3A_1309 : vector<32xbf16>
        %add3A_1403 = arith.addf %mul3A_1401, %mul3A_1402 : vector<32xbf16>
        %add3A_1404 = arith.addf %add3A_1400, %add3A_1403 : vector<32xbf16>
        %unpack3A_1405 = tpu.unpack_subelements %add3A_1404, 0 {pack_format = #tpu.pack_format<interleaved>} : vector<32xbf16> -> vector<16xf32>
        %unpack3A_1406 = tpu.unpack_subelements %add3A_1404, 1 {pack_format = #tpu.pack_format<interleaved>} : vector<32xbf16> -> vector<16xf32>
        %add3A_1407 = arith.addf %unpack3A_1405, %unpack3A_1406 : vector<16xf32>
        %mul3A_1408 = arith.constant 256 : i32
        %mul3A_1409 = arith.muli %scan3A_1009, %mul3A_1408 : i32
        %add3A_1410 = arith.constant 112 : i32
        %add3A_1411 = arith.addi %mul3A_1409, %add3A_1410 : i32
        %swap3A_1412 = arith.index_cast %add3A_1411 : i32 to index
        %swap3A_1413 = tpu.vector_load %arg15[%swap3A_1412] {strides = array<i32>} : memref<2048xf32, #tpu.memory_space<vmem>>, vector<16xf32>,
        tpu.vector_store %arg15[%swap3A_1412], %add3A_1407 {strides = array<i32>} : memref<2048xf32, #tpu.memory_space<vmem>>, vector<16xf32>,
        %add3A_1414 = arith.constant 8 : i32
        %add3A_1415 = arith.addi %mul3A_1011, %add3A_1414 : i32
        %add3A_1416 = arith.constant 2 : i32
        %add3A_1417 = arith.addi %add3A_1415, %add3A_1416 : i32
        %get3A_1418 = arith.index_cast %add3A_1417 : i32 to index
        %get3A_1419 = arith.constant 0 : index
        %get3A_1420 = tpu.vector_load %arg8[%get3A_1418, %get3A_1419] {strides = array<i32>} : memref<128x128xbf16, #tpu.memory_space<vmem>>, vector<32xbf16>,
        %get3A_1421 = arith.index_cast %add3A_1417 : i32 to index
        %get3A_1422 = arith.constant 0 : index
        %get3A_1423 = tpu.vector_load %arg9[%get3A_1421, %get3A_1422] {strides = array<i32>} : memref<128x128xbf16, #tpu.memory_space<vmem>>, vector<32xbf16>,
        %get3A_1424 = arith.index_cast %add3A_1417 : i32 to index
        %get3A_1425 = arith.constant 32 : index
        %get3A_1426 = tpu.vector_load %arg8[%get3A_1424, %get3A_1425] {strides = array<i32>} : memref<128x128xbf16, #tpu.memory_space<vmem>>, vector<32xbf16>,
        %get3A_1427 = arith.index_cast %add3A_1417 : i32 to index
        %get3A_1428 = arith.constant 32 : index
        %get3A_1429 = tpu.vector_load %arg9[%get3A_1427, %get3A_1428] {strides = array<i32>} : memref<128x128xbf16, #tpu.memory_space<vmem>>, vector<32xbf16>,
        %get3A_1430 = arith.index_cast %add3A_1417 : i32 to index
        %get3A_1431 = arith.constant 64 : index
        %get3A_1432 = tpu.vector_load %arg8[%get3A_1430, %get3A_1431] {strides = array<i32>} : memref<128x128xbf16, #tpu.memory_space<vmem>>, vector<32xbf16>,
        %get3A_1433 = arith.index_cast %add3A_1417 : i32 to index
        %get3A_1434 = arith.constant 64 : index
        %get3A_1435 = tpu.vector_load %arg9[%get3A_1433, %get3A_1434] {strides = array<i32>} : memref<128x128xbf16, #tpu.memory_space<vmem>>, vector<32xbf16>,
        %get3A_1436 = arith.index_cast %add3A_1417 : i32 to index
        %get3A_1437 = arith.constant 96 : index
        %get3A_1438 = tpu.vector_load %arg8[%get3A_1436, %get3A_1437] {strides = array<i32>} : memref<128x128xbf16, #tpu.memory_space<vmem>>, vector<32xbf16>,
        %get3A_1439 = arith.index_cast %add3A_1417 : i32 to index
        %get3A_1440 = arith.constant 96 : index
        %get3A_1441 = tpu.vector_load %arg9[%get3A_1439, %get3A_1440] {strides = array<i32>} : memref<128x128xbf16, #tpu.memory_space<vmem>>, vector<32xbf16>,
        %mul3A_1442 = arith.mulf %get3A_1332, %get3A_1335 : vector<32xbf16>
        %mul3A_1443 = arith.mulf %get3A_1338, %get3A_1341 : vector<32xbf16>
        %add3A_1444 = arith.addf %mul3A_1442, %mul3A_1443 : vector<32xbf16>
        %mul3A_1445 = arith.mulf %get3A_1344, %get3A_1347 : vector<32xbf16>
        %mul3A_1446 = arith.mulf %get3A_1350, %get3A_1353 : vector<32xbf16>
        %add3A_1447 = arith.addf %mul3A_1445, %mul3A_1446 : vector<32xbf16>
        %add3A_1448 = arith.addf %add3A_1444, %add3A_1447 : vector<32xbf16>
        %unpack3A_1449 = tpu.unpack_subelements %add3A_1448, 0 {pack_format = #tpu.pack_format<interleaved>} : vector<32xbf16> -> vector<16xf32>
        %unpack3A_1450 = tpu.unpack_subelements %add3A_1448, 1 {pack_format = #tpu.pack_format<interleaved>} : vector<32xbf16> -> vector<16xf32>
        %add3A_1451 = arith.addf %unpack3A_1449, %unpack3A_1450 : vector<16xf32>
        %mul3A_1452 = arith.constant 256 : i32
        %mul3A_1453 = arith.muli %scan3A_1009, %mul3A_1452 : i32
        %add3A_1454 = arith.constant 128 : i32
        %add3A_1455 = arith.addi %mul3A_1453, %add3A_1454 : i32
        %swap3A_1456 = arith.index_cast %add3A_1455 : i32 to index
        %swap3A_1457 = tpu.vector_load %arg15[%swap3A_1456] {strides = array<i32>} : memref<2048xf32, #tpu.memory_space<vmem>>, vector<16xf32>,
        tpu.vector_store %arg15[%swap3A_1456], %add3A_1451 {strides = array<i32>} : memref<2048xf32, #tpu.memory_space<vmem>>, vector<16xf32>,
        %add3A_1458 = arith.constant 9 : i32
        %add3A_1459 = arith.addi %mul3A_1011, %add3A_1458 : i32
        %add3A_1460 = arith.constant 2 : i32
        %add3A_1461 = arith.addi %add3A_1459, %add3A_1460 : i32
        %get3A_1462 = arith.index_cast %add3A_1461 : i32 to index
        %get3A_1463 = arith.constant 0 : index
        %get3A_1464 = tpu.vector_load %arg8[%get3A_1462, %get3A_1463] {strides = array<i32>} : memref<128x128xbf16, #tpu.memory_space<vmem>>, vector<32xbf16>,
        %get3A_1465 = arith.index_cast %add3A_1461 : i32 to index
        %get3A_1466 = arith.constant 0 : index
        %get3A_1467 = tpu.vector_load %arg9[%get3A_1465, %get3A_1466] {strides = array<i32>} : memref<128x128xbf16, #tpu.memory_space<vmem>>, vector<32xbf16>,
        %get3A_1468 = arith.index_cast %add3A_1461 : i32 to index
        %get3A_1469 = arith.constant 32 : index
        %get3A_1470 = tpu.vector_load %arg8[%get3A_1468, %get3A_1469] {strides = array<i32>} : memref<128x128xbf16, #tpu.memory_space<vmem>>, vector<32xbf16>,
        %get3A_1471 = arith.index_cast %add3A_1461 : i32 to index
        %get3A_1472 = arith.constant 32 : index
        %get3A_1473 = tpu.vector_load %arg9[%get3A_1471, %get3A_1472] {strides = array<i32>} : memref<128x128xbf16, #tpu.memory_space<vmem>>, vector<32xbf16>,
        %get3A_1474 = arith.index_cast %add3A_1461 : i32 to index
        %get3A_1475 = arith.constant 64 : index
        %get3A_1476 = tpu.vector_load %arg8[%get3A_1474, %get3A_1475] {strides = array<i32>} : memref<128x128xbf16, #tpu.memory_space<vmem>>, vector<32xbf16>,
        %get3A_1477 = arith.index_cast %add3A_1461 : i32 to index
        %get3A_1478 = arith.constant 64 : index
        %get3A_1479 = tpu.vector_load %arg9[%get3A_1477, %get3A_1478] {strides = array<i32>} : memref<128x128xbf16, #tpu.memory_space<vmem>>, vector<32xbf16>,
        %get3A_1480 = arith.index_cast %add3A_1461 : i32 to index
        %get3A_1481 = arith.constant 96 : index
        %get3A_1482 = tpu.vector_load %arg8[%get3A_1480, %get3A_1481] {strides = array<i32>} : memref<128x128xbf16, #tpu.memory_space<vmem>>, vector<32xbf16>,
        %get3A_1483 = arith.index_cast %add3A_1461 : i32 to index
        %get3A_1484 = arith.constant 96 : index
        %get3A_1485 = tpu.vector_load %arg9[%get3A_1483, %get3A_1484] {strides = array<i32>} : memref<128x128xbf16, #tpu.memory_space<vmem>>, vector<32xbf16>,
        %mul3A_1486 = arith.mulf %get3A_1376, %get3A_1379 : vector<32xbf16>
        %mul3A_1487 = arith.mulf %get3A_1382, %get3A_1385 : vector<32xbf16>
        %add3A_1488 = arith.addf %mul3A_1486, %mul3A_1487 : vector<32xbf16>
        %mul3A_1489 = arith.mulf %get3A_1388, %get3A_1391 : vector<32xbf16>
        %mul3A_1490 = arith.mulf %get3A_1394, %get3A_1397 : vector<32xbf16>
        %add3A_1491 = arith.addf %mul3A_1489, %mul3A_1490 : vector<32xbf16>
        %add3A_1492 = arith.addf %add3A_1488, %add3A_1491 : vector<32xbf16>
        %unpack3A_1493 = tpu.unpack_subelements %add3A_1492, 0 {pack_format = #tpu.pack_format<interleaved>} : vector<32xbf16> -> vector<16xf32>
        %unpack3A_1494 = tpu.unpack_subelements %add3A_1492, 1 {pack_format = #tpu.pack_format<interleaved>} : vector<32xbf16> -> vector<16xf32>
        %add3A_1495 = arith.addf %unpack3A_1493, %unpack3A_1494 : vector<16xf32>
        %mul3A_1496 = arith.constant 256 : i32
        %mul3A_1497 = arith.muli %scan3A_1009, %mul3A_1496 : i32
        %add3A_1498 = arith.constant 144 : i32
        %add3A_1499 = arith.addi %mul3A_1497, %add3A_1498 : i32
        %swap3A_1500 = arith.index_cast %add3A_1499 : i32 to index
        %swap3A_1501 = tpu.vector_load %arg15[%swap3A_1500] {strides = array<i32>} : memref<2048xf32, #tpu.memory_space<vmem>>, vector<16xf32>,
        tpu.vector_store %arg15[%swap3A_1500], %add3A_1495 {strides = array<i32>} : memref<2048xf32, #tpu.memory_space<vmem>>, vector<16xf32>,
        %add3A_1502 = arith.constant 10 : i32
        %add3A_1503 = arith.addi %mul3A_1011, %add3A_1502 : i32
        %add3A_1504 = arith.constant 2 : i32
        %add3A_1505 = arith.addi %add3A_1503, %add3A_1504 : i32
        %get3A_1506 = arith.index_cast %add3A_1505 : i32 to index
        %get3A_1507 = arith.constant 0 : index
        %get3A_1508 = tpu.vector_load %arg8[%get3A_1506, %get3A_1507] {strides = array<i32>} : memref<128x128xbf16, #tpu.memory_space<vmem>>, vector<32xbf16>,
        %get3A_1509 = arith.index_cast %add3A_1505 : i32 to index
        %get3A_1510 = arith.constant 0 : index
        %get3A_1511 = tpu.vector_load %arg9[%get3A_1509, %get3A_1510] {strides = array<i32>} : memref<128x128xbf16, #tpu.memory_space<vmem>>, vector<32xbf16>,
        %get3A_1512 = arith.index_cast %add3A_1505 : i32 to index
        %get3A_1513 = arith.constant 32 : index
        %get3A_1514 = tpu.vector_load %arg8[%get3A_1512, %get3A_1513] {strides = array<i32>} : memref<128x128xbf16, #tpu.memory_space<vmem>>, vector<32xbf16>,
        %get3A_1515 = arith.index_cast %add3A_1505 : i32 to index
        %get3A_1516 = arith.constant 32 : index
        %get3A_1517 = tpu.vector_load %arg9[%get3A_1515, %get3A_1516] {strides = array<i32>} : memref<128x128xbf16, #tpu.memory_space<vmem>>, vector<32xbf16>,
        %get3A_1518 = arith.index_cast %add3A_1505 : i32 to index
        %get3A_1519 = arith.constant 64 : index
        %get3A_1520 = tpu.vector_load %arg8[%get3A_1518, %get3A_1519] {strides = array<i32>} : memref<128x128xbf16, #tpu.memory_space<vmem>>, vector<32xbf16>,
        %get3A_1521 = arith.index_cast %add3A_1505 : i32 to index
        %get3A_1522 = arith.constant 64 : index
        %get3A_1523 = tpu.vector_load %arg9[%get3A_1521, %get3A_1522] {strides = array<i32>} : memref<128x128xbf16, #tpu.memory_space<vmem>>, vector<32xbf16>,
        %get3A_1524 = arith.index_cast %add3A_1505 : i32 to index
        %get3A_1525 = arith.constant 96 : index
        %get3A_1526 = tpu.vector_load %arg8[%get3A_1524, %get3A_1525] {strides = array<i32>} : memref<128x128xbf16, #tpu.memory_space<vmem>>, vector<32xbf16>,
        %get3A_1527 = arith.index_cast %add3A_1505 : i32 to index
        %get3A_1528 = arith.constant 96 : index
        %get3A_1529 = tpu.vector_load %arg9[%get3A_1527, %get3A_1528] {strides = array<i32>} : memref<128x128xbf16, #tpu.memory_space<vmem>>, vector<32xbf16>,
        %mul3A_1530 = arith.mulf %get3A_1420, %get3A_1423 : vector<32xbf16>
        %mul3A_1531 = arith.mulf %get3A_1426, %get3A_1429 : vector<32xbf16>
        %add3A_1532 = arith.addf %mul3A_1530, %mul3A_1531 : vector<32xbf16>
        %mul3A_1533 = arith.mulf %get3A_1432, %get3A_1435 : vector<32xbf16>
        %mul3A_1534 = arith.mulf %get3A_1438, %get3A_1441 : vector<32xbf16>
        %add3A_1535 = arith.addf %mul3A_1533, %mul3A_1534 : vector<32xbf16>
        %add3A_1536 = arith.addf %add3A_1532, %add3A_1535 : vector<32xbf16>
        %unpack3A_1537 = tpu.unpack_subelements %add3A_1536, 0 {pack_format = #tpu.pack_format<interleaved>} : vector<32xbf16> -> vector<16xf32>
        %unpack3A_1538 = tpu.unpack_subelements %add3A_1536, 1 {pack_format = #tpu.pack_format<interleaved>} : vector<32xbf16> -> vector<16xf32>
        %add3A_1539 = arith.addf %unpack3A_1537, %unpack3A_1538 : vector<16xf32>
        %mul3A_1540 = arith.constant 256 : i32
        %mul3A_1541 = arith.muli %scan3A_1009, %mul3A_1540 : i32
        %add3A_1542 = arith.constant 160 : i32
        %add3A_1543 = arith.addi %mul3A_1541, %add3A_1542 : i32
        %swap3A_1544 = arith.index_cast %add3A_1543 : i32 to index
        %swap3A_1545 = tpu.vector_load %arg15[%swap3A_1544] {strides = array<i32>} : memref<2048xf32, #tpu.memory_space<vmem>>, vector<16xf32>,
        tpu.vector_store %arg15[%swap3A_1544], %add3A_1539 {strides = array<i32>} : memref<2048xf32, #tpu.memory_space<vmem>>, vector<16xf32>,
        %add3A_1546 = arith.constant 11 : i32
        %add3A_1547 = arith.addi %mul3A_1011, %add3A_1546 : i32
        %add3A_1548 = arith.constant 2 : i32
        %add3A_1549 = arith.addi %add3A_1547, %add3A_1548 : i32
        %get3A_1550 = arith.index_cast %add3A_1549 : i32 to index
        %get3A_1551 = arith.constant 0 : index
        %get3A_1552 = tpu.vector_load %arg8[%get3A_1550, %get3A_1551] {strides = array<i32>} : memref<128x128xbf16, #tpu.memory_space<vmem>>, vector<32xbf16>,
        %get3A_1553 = arith.index_cast %add3A_1549 : i32 to index
        %get3A_1554 = arith.constant 0 : index
        %get3A_1555 = tpu.vector_load %arg9[%get3A_1553, %get3A_1554] {strides = array<i32>} : memref<128x128xbf16, #tpu.memory_space<vmem>>, vector<32xbf16>,
        %get3A_1556 = arith.index_cast %add3A_1549 : i32 to index
        %get3A_1557 = arith.constant 32 : index
        %get3A_1558 = tpu.vector_load %arg8[%get3A_1556, %get3A_1557] {strides = array<i32>} : memref<128x128xbf16, #tpu.memory_space<vmem>>, vector<32xbf16>,
        %get3A_1559 = arith.index_cast %add3A_1549 : i32 to index
        %get3A_1560 = arith.constant 32 : index
        %get3A_1561 = tpu.vector_load %arg9[%get3A_1559, %get3A_1560] {strides = array<i32>} : memref<128x128xbf16, #tpu.memory_space<vmem>>, vector<32xbf16>,
        %get3A_1562 = arith.index_cast %add3A_1549 : i32 to index
        %get3A_1563 = arith.constant 64 : index
        %get3A_1564 = tpu.vector_load %arg8[%get3A_1562, %get3A_1563] {strides = array<i32>} : memref<128x128xbf16, #tpu.memory_space<vmem>>, vector<32xbf16>,
        %get3A_1565 = arith.index_cast %add3A_1549 : i32 to index
        %get3A_1566 = arith.constant 64 : index
        %get3A_1567 = tpu.vector_load %arg9[%get3A_1565, %get3A_1566] {strides = array<i32>} : memref<128x128xbf16, #tpu.memory_space<vmem>>, vector<32xbf16>,
        %get3A_1568 = arith.index_cast %add3A_1549 : i32 to index
        %get3A_1569 = arith.constant 96 : index
        %get3A_1570 = tpu.vector_load %arg8[%get3A_1568, %get3A_1569] {strides = array<i32>} : memref<128x128xbf16, #tpu.memory_space<vmem>>, vector<32xbf16>,
        %get3A_1571 = arith.index_cast %add3A_1549 : i32 to index
        %get3A_1572 = arith.constant 96 : index
        %get3A_1573 = tpu.vector_load %arg9[%get3A_1571, %get3A_1572] {strides = array<i32>} : memref<128x128xbf16, #tpu.memory_space<vmem>>, vector<32xbf16>,
        %mul3A_1574 = arith.mulf %get3A_1464, %get3A_1467 : vector<32xbf16>
        %mul3A_1575 = arith.mulf %get3A_1470, %get3A_1473 : vector<32xbf16>
        %add3A_1576 = arith.addf %mul3A_1574, %mul3A_1575 : vector<32xbf16>
        %mul3A_1577 = arith.mulf %get3A_1476, %get3A_1479 : vector<32xbf16>
        %mul3A_1578 = arith.mulf %get3A_1482, %get3A_1485 : vector<32xbf16>
        %add3A_1579 = arith.addf %mul3A_1577, %mul3A_1578 : vector<32xbf16>
        %add3A_1580 = arith.addf %add3A_1576, %add3A_1579 : vector<32xbf16>
        %unpack3A_1581 = tpu.unpack_subelements %add3A_1580, 0 {pack_format = #tpu.pack_format<interleaved>} : vector<32xbf16> -> vector<16xf32>
        %unpack3A_1582 = tpu.unpack_subelements %add3A_1580, 1 {pack_format = #tpu.pack_format<interleaved>} : vector<32xbf16> -> vector<16xf32>
        %add3A_1583 = arith.addf %unpack3A_1581, %unpack3A_1582 : vector<16xf32>
        %mul3A_1584 = arith.constant 256 : i32
        %mul3A_1585 = arith.muli %scan3A_1009, %mul3A_1584 : i32
        %add3A_1586 = arith.constant 176 : i32
        %add3A_1587 = arith.addi %mul3A_1585, %add3A_1586 : i32
        %swap3A_1588 = arith.index_cast %add3A_1587 : i32 to index
        %swap3A_1589 = tpu.vector_load %arg15[%swap3A_1588] {strides = array<i32>} : memref<2048xf32, #tpu.memory_space<vmem>>, vector<16xf32>,
        tpu.vector_store %arg15[%swap3A_1588], %add3A_1583 {strides = array<i32>} : memref<2048xf32, #tpu.memory_space<vmem>>, vector<16xf32>,
        %add3A_1590 = arith.constant 12 : i32
        %add3A_1591 = arith.addi %mul3A_1011, %add3A_1590 : i32
        %add3A_1592 = arith.constant 2 : i32
        %add3A_1593 = arith.addi %add3A_1591, %add3A_1592 : i32
        %get3A_1594 = arith.index_cast %add3A_1593 : i32 to index
        %get3A_1595 = arith.constant 0 : index
        %get3A_1596 = tpu.vector_load %arg8[%get3A_1594, %get3A_1595] {strides = array<i32>} : memref<128x128xbf16, #tpu.memory_space<vmem>>, vector<32xbf16>,
        %get3A_1597 = arith.index_cast %add3A_1593 : i32 to index
        %get3A_1598 = arith.constant 0 : index
        %get3A_1599 = tpu.vector_load %arg9[%get3A_1597, %get3A_1598] {strides = array<i32>} : memref<128x128xbf16, #tpu.memory_space<vmem>>, vector<32xbf16>,
        %get3A_1600 = arith.index_cast %add3A_1593 : i32 to index
        %get3A_1601 = arith.constant 32 : index
        %get3A_1602 = tpu.vector_load %arg8[%get3A_1600, %get3A_1601] {strides = array<i32>} : memref<128x128xbf16, #tpu.memory_space<vmem>>, vector<32xbf16>,
        %get3A_1603 = arith.index_cast %add3A_1593 : i32 to index
        %get3A_1604 = arith.constant 32 : index
        %get3A_1605 = tpu.vector_load %arg9[%get3A_1603, %get3A_1604] {strides = array<i32>} : memref<128x128xbf16, #tpu.memory_space<vmem>>, vector<32xbf16>,
        %get3A_1606 = arith.index_cast %add3A_1593 : i32 to index
        %get3A_1607 = arith.constant 64 : index
        %get3A_1608 = tpu.vector_load %arg8[%get3A_1606, %get3A_1607] {strides = array<i32>} : memref<128x128xbf16, #tpu.memory_space<vmem>>, vector<32xbf16>,
        %get3A_1609 = arith.index_cast %add3A_1593 : i32 to index
        %get3A_1610 = arith.constant 64 : index
        %get3A_1611 = tpu.vector_load %arg9[%get3A_1609, %get3A_1610] {strides = array<i32>} : memref<128x128xbf16, #tpu.memory_space<vmem>>, vector<32xbf16>,
        %get3A_1612 = arith.index_cast %add3A_1593 : i32 to index
        %get3A_1613 = arith.constant 96 : index
        %get3A_1614 = tpu.vector_load %arg8[%get3A_1612, %get3A_1613] {strides = array<i32>} : memref<128x128xbf16, #tpu.memory_space<vmem>>, vector<32xbf16>,
        %get3A_1615 = arith.index_cast %add3A_1593 : i32 to index
        %get3A_1616 = arith.constant 96 : index
        %get3A_1617 = tpu.vector_load %arg9[%get3A_1615, %get3A_1616] {strides = array<i32>} : memref<128x128xbf16, #tpu.memory_space<vmem>>, vector<32xbf16>,
        %mul3A_1618 = arith.mulf %get3A_1508, %get3A_1511 : vector<32xbf16>
        %mul3A_1619 = arith.mulf %get3A_1514, %get3A_1517 : vector<32xbf16>
        %add3A_1620 = arith.addf %mul3A_1618, %mul3A_1619 : vector<32xbf16>
        %mul3A_1621 = arith.mulf %get3A_1520, %get3A_1523 : vector<32xbf16>
        %mul3A_1622 = arith.mulf %get3A_1526, %get3A_1529 : vector<32xbf16>
        %add3A_1623 = arith.addf %mul3A_1621, %mul3A_1622 : vector<32xbf16>
        %add3A_1624 = arith.addf %add3A_1620, %add3A_1623 : vector<32xbf16>
        %unpack3A_1625 = tpu.unpack_subelements %add3A_1624, 0 {pack_format = #tpu.pack_format<interleaved>} : vector<32xbf16> -> vector<16xf32>
        %unpack3A_1626 = tpu.unpack_subelements %add3A_1624, 1 {pack_format = #tpu.pack_format<interleaved>} : vector<32xbf16> -> vector<16xf32>
        %add3A_1627 = arith.addf %unpack3A_1625, %unpack3A_1626 : vector<16xf32>
        %mul3A_1628 = arith.constant 256 : i32
        %mul3A_1629 = arith.muli %scan3A_1009, %mul3A_1628 : i32
        %add3A_1630 = arith.constant 192 : i32
        %add3A_1631 = arith.addi %mul3A_1629, %add3A_1630 : i32
        %swap3A_1632 = arith.index_cast %add3A_1631 : i32 to index
        %swap3A_1633 = tpu.vector_load %arg15[%swap3A_1632] {strides = array<i32>} : memref<2048xf32, #tpu.memory_space<vmem>>, vector<16xf32>,
        tpu.vector_store %arg15[%swap3A_1632], %add3A_1627 {strides = array<i32>} : memref<2048xf32, #tpu.memory_space<vmem>>, vector<16xf32>,
        %add3A_1634 = arith.constant 13 : i32
        %add3A_1635 = arith.addi %mul3A_1011, %add3A_1634 : i32
        %add3A_1636 = arith.constant 2 : i32
        %add3A_1637 = arith.addi %add3A_1635, %add3A_1636 : i32
        %get3A_1638 = arith.index_cast %add3A_1637 : i32 to index
        %get3A_1639 = arith.constant 0 : index
        %get3A_1640 = tpu.vector_load %arg8[%get3A_1638, %get3A_1639] {strides = array<i32>} : memref<128x128xbf16, #tpu.memory_space<vmem>>, vector<32xbf16>,
        %get3A_1641 = arith.index_cast %add3A_1637 : i32 to index
        %get3A_1642 = arith.constant 0 : index
        %get3A_1643 = tpu.vector_load %arg9[%get3A_1641, %get3A_1642] {strides = array<i32>} : memref<128x128xbf16, #tpu.memory_space<vmem>>, vector<32xbf16>,
        %get3A_1644 = arith.index_cast %add3A_1637 : i32 to index
        %get3A_1645 = arith.constant 32 : index
        %get3A_1646 = tpu.vector_load %arg8[%get3A_1644, %get3A_1645] {strides = array<i32>} : memref<128x128xbf16, #tpu.memory_space<vmem>>, vector<32xbf16>,
        %get3A_1647 = arith.index_cast %add3A_1637 : i32 to index
        %get3A_1648 = arith.constant 32 : index
        %get3A_1649 = tpu.vector_load %arg9[%get3A_1647, %get3A_1648] {strides = array<i32>} : memref<128x128xbf16, #tpu.memory_space<vmem>>, vector<32xbf16>,
        %get3A_1650 = arith.index_cast %add3A_1637 : i32 to index
        %get3A_1651 = arith.constant 64 : index
        %get3A_1652 = tpu.vector_load %arg8[%get3A_1650, %get3A_1651] {strides = array<i32>} : memref<128x128xbf16, #tpu.memory_space<vmem>>, vector<32xbf16>,
        %get3A_1653 = arith.index_cast %add3A_1637 : i32 to index
        %get3A_1654 = arith.constant 64 : index
        %get3A_1655 = tpu.vector_load %arg9[%get3A_1653, %get3A_1654] {strides = array<i32>} : memref<128x128xbf16, #tpu.memory_space<vmem>>, vector<32xbf16>,
        %get3A_1656 = arith.index_cast %add3A_1637 : i32 to index
        %get3A_1657 = arith.constant 96 : index
        %get3A_1658 = tpu.vector_load %arg8[%get3A_1656, %get3A_1657] {strides = array<i32>} : memref<128x128xbf16, #tpu.memory_space<vmem>>, vector<32xbf16>,
        %get3A_1659 = arith.index_cast %add3A_1637 : i32 to index
        %get3A_1660 = arith.constant 96 : index
        %get3A_1661 = tpu.vector_load %arg9[%get3A_1659, %get3A_1660] {strides = array<i32>} : memref<128x128xbf16, #tpu.memory_space<vmem>>, vector<32xbf16>,
        %mul3A_1662 = arith.mulf %get3A_1552, %get3A_1555 : vector<32xbf16>
        %mul3A_1663 = arith.mulf %get3A_1558, %get3A_1561 : vector<32xbf16>
        %add3A_1664 = arith.addf %mul3A_1662, %mul3A_1663 : vector<32xbf16>
        %mul3A_1665 = arith.mulf %get3A_1564, %get3A_1567 : vector<32xbf16>
        %mul3A_1666 = arith.mulf %get3A_1570, %get3A_1573 : vector<32xbf16>
        %add3A_1667 = arith.addf %mul3A_1665, %mul3A_1666 : vector<32xbf16>
        %add3A_1668 = arith.addf %add3A_1664, %add3A_1667 : vector<32xbf16>
        %unpack3A_1669 = tpu.unpack_subelements %add3A_1668, 0 {pack_format = #tpu.pack_format<interleaved>} : vector<32xbf16> -> vector<16xf32>
        %unpack3A_1670 = tpu.unpack_subelements %add3A_1668, 1 {pack_format = #tpu.pack_format<interleaved>} : vector<32xbf16> -> vector<16xf32>
        %add3A_1671 = arith.addf %unpack3A_1669, %unpack3A_1670 : vector<16xf32>
        %mul3A_1672 = arith.constant 256 : i32
        %mul3A_1673 = arith.muli %scan3A_1009, %mul3A_1672 : i32
        %add3A_1674 = arith.constant 208 : i32
        %add3A_1675 = arith.addi %mul3A_1673, %add3A_1674 : i32
        %swap3A_1676 = arith.index_cast %add3A_1675 : i32 to index
        %swap3A_1677 = tpu.vector_load %arg15[%swap3A_1676] {strides = array<i32>} : memref<2048xf32, #tpu.memory_space<vmem>>, vector<16xf32>,
        tpu.vector_store %arg15[%swap3A_1676], %add3A_1671 {strides = array<i32>} : memref<2048xf32, #tpu.memory_space<vmem>>, vector<16xf32>,
        %mul3A_1678 = arith.mulf %get3A_1596, %get3A_1599 : vector<32xbf16>
        %mul3A_1679 = arith.mulf %get3A_1602, %get3A_1605 : vector<32xbf16>
        %add3A_1680 = arith.addf %mul3A_1678, %mul3A_1679 : vector<32xbf16>
        %mul3A_1681 = arith.mulf %get3A_1608, %get3A_1611 : vector<32xbf16>
        %mul3A_1682 = arith.mulf %get3A_1614, %get3A_1617 : vector<32xbf16>
        %add3A_1683 = arith.addf %mul3A_1681, %mul3A_1682 : vector<32xbf16>
        %add3A_1684 = arith.addf %add3A_1680, %add3A_1683 : vector<32xbf16>
        %unpack3A_1685 = tpu.unpack_subelements %add3A_1684, 0 {pack_format = #tpu.pack_format<interleaved>} : vector<32xbf16> -> vector<16xf32>
        %unpack3A_1686 = tpu.unpack_subelements %add3A_1684, 1 {pack_format = #tpu.pack_format<interleaved>} : vector<32xbf16> -> vector<16xf32>
        %add3A_1687 = arith.addf %unpack3A_1685, %unpack3A_1686 : vector<16xf32>
        %mul3A_1688 = arith.constant 256 : i32
        %mul3A_1689 = arith.muli %scan3A_1009, %mul3A_1688 : i32
        %add3A_1690 = arith.constant 224 : i32
        %add3A_1691 = arith.addi %mul3A_1689, %add3A_1690 : i32
        %swap3A_1692 = arith.index_cast %add3A_1691 : i32 to index
        %swap3A_1693 = tpu.vector_load %arg15[%swap3A_1692] {strides = array<i32>} : memref<2048xf32, #tpu.memory_space<vmem>>, vector<16xf32>,
        tpu.vector_store %arg15[%swap3A_1692], %add3A_1687 {strides = array<i32>} : memref<2048xf32, #tpu.memory_space<vmem>>, vector<16xf32>,
        %mul3A_1694 = arith.mulf %get3A_1640, %get3A_1643 : vector<32xbf16>
        %mul3A_1695 = arith.mulf %get3A_1646, %get3A_1649 : vector<32xbf16>
        %add3A_1696 = arith.addf %mul3A_1694, %mul3A_1695 : vector<32xbf16>
        %mul3A_1697 = arith.mulf %get3A_1652, %get3A_1655 : vector<32xbf16>
        %mul3A_1698 = arith.mulf %get3A_1658, %get3A_1661 : vector<32xbf16>
        %add3A_1699 = arith.addf %mul3A_1697, %mul3A_1698 : vector<32xbf16>
        %add3A_1700 = arith.addf %add3A_1696, %add3A_1699 : vector<32xbf16>
        %unpack3A_1701 = tpu.unpack_subelements %add3A_1700, 0 {pack_format = #tpu.pack_format<interleaved>} : vector<32xbf16> -> vector<16xf32>
        %unpack3A_1702 = tpu.unpack_subelements %add3A_1700, 1 {pack_format = #tpu.pack_format<interleaved>} : vector<32xbf16> -> vector<16xf32>
        %add3A_1703 = arith.addf %unpack3A_1701, %unpack3A_1702 : vector<16xf32>
        %mul3A_1704 = arith.constant 256 : i32
        %mul3A_1705 = arith.muli %scan3A_1009, %mul3A_1704 : i32
        %add3A_1706 = arith.constant 240 : i32
        %add3A_1707 = arith.addi %mul3A_1705, %add3A_1706 : i32
        %swap3A_1708 = arith.index_cast %add3A_1707 : i32 to index
        %swap3A_1709 = tpu.vector_load %arg15[%swap3A_1708] {strides = array<i32>} : memref<2048xf32, #tpu.memory_space<vmem>>, vector<16xf32>,
        tpu.vector_store %arg15[%swap3A_1708], %add3A_1703 {strides = array<i32>} : memref<2048xf32, #tpu.memory_space<vmem>>, vector<16xf32>,
      }
      %scan3A_948 = arith.constant 8 : i32
      %scan3A_949 = arith.constant 0 : i32
      %scan3A_950 = arith.constant 0 : i32
      %scan3A_951 = arith.constant 8 : i32
      %scan3A_952 = arith.addi %scan3A_950, %scan3A_951 : i32
      %scan3A_953 = arith.constant 1 : i32
      scf.for %scan3A_1009 = %scan3A_950 to %scan3A_952 step %scan3A_953  : i32 {
        %mul3A_1010 = arith.constant 256 : i32
        %mul3A_1011 = arith.muli %scan3A_1009, %mul3A_1010 : i32
        %add3A_1012 = vector.broadcast %mul3A_1011 : i32 to vector<16xi32>
        %add3A_1013 = arith.addi %add3A_1012, %mul3A_5 : vector<16xi32>
        %add3A_1014 = arith.constant 0 : i32
        %add3A_1015 = vector.broadcast %add3A_1014 : i32 to vector<16xi32>
        %add3A_1016 = arith.addi %add3A_1013, %add3A_1015 : vector<16xi32>
        %gather3A_1017 = tpu.vector_load_idx %arg15[%add3A_1016] : memref<2048xf32, #tpu.memory_space<vmem>>[vector<16xi32>], vector<16xf32>,
        %add3A_1018 = vector.broadcast %mul3A_1011 : i32 to vector<16xi32>
        %add3A_1019 = arith.addi %add3A_1018, %mul3A_5 : vector<16xi32>
        %add3A_1020 = arith.constant 1 : i32
        %add3A_1021 = vector.broadcast %add3A_1020 : i32 to vector<16xi32>
        %add3A_1022 = arith.addi %add3A_1019, %add3A_1021 : vector<16xi32>
        %gather3A_1023 = tpu.vector_load_idx %arg15[%add3A_1022] : memref<2048xf32, #tpu.memory_space<vmem>>[vector<16xi32>], vector<16xf32>,
        %add3A_1024 = vector.broadcast %mul3A_1011 : i32 to vector<16xi32>
        %add3A_1025 = arith.addi %add3A_1024, %mul3A_5 : vector<16xi32>
        %add3A_1026 = arith.constant 2 : i32
        %add3A_1027 = vector.broadcast %add3A_1026 : i32 to vector<16xi32>
        %add3A_1028 = arith.addi %add3A_1025, %add3A_1027 : vector<16xi32>
        %gather3A_1029 = tpu.vector_load_idx %arg15[%add3A_1028] : memref<2048xf32, #tpu.memory_space<vmem>>[vector<16xi32>], vector<16xf32>,
        %add3A_1030 = vector.broadcast %mul3A_1011 : i32 to vector<16xi32>
        %add3A_1031 = arith.addi %add3A_1030, %mul3A_5 : vector<16xi32>
        %add3A_1032 = arith.constant 3 : i32
        %add3A_1033 = vector.broadcast %add3A_1032 : i32 to vector<16xi32>
        %add3A_1034 = arith.addi %add3A_1031, %add3A_1033 : vector<16xi32>
        %gather3A_1035 = tpu.vector_load_idx %arg15[%add3A_1034] : memref<2048xf32, #tpu.memory_space<vmem>>[vector<16xi32>], vector<16xf32>,
        %add3A_1036 = vector.broadcast %mul3A_1011 : i32 to vector<16xi32>
        %add3A_1037 = arith.addi %add3A_1036, %mul3A_5 : vector<16xi32>
        %add3A_1038 = arith.constant 4 : i32
        %add3A_1039 = vector.broadcast %add3A_1038 : i32 to vector<16xi32>
        %add3A_1040 = arith.addi %add3A_1037, %add3A_1039 : vector<16xi32>
        %gather3A_1041 = tpu.vector_load_idx %arg15[%add3A_1040] : memref<2048xf32, #tpu.memory_space<vmem>>[vector<16xi32>], vector<16xf32>,
        %add3A_1042 = vector.broadcast %mul3A_1011 : i32 to vector<16xi32>
        %add3A_1043 = arith.addi %add3A_1042, %mul3A_5 : vector<16xi32>
        %add3A_1044 = arith.constant 5 : i32
        %add3A_1045 = vector.broadcast %add3A_1044 : i32 to vector<16xi32>
        %add3A_1046 = arith.addi %add3A_1043, %add3A_1045 : vector<16xi32>
        %gather3A_1047 = tpu.vector_load_idx %arg15[%add3A_1046] : memref<2048xf32, #tpu.memory_space<vmem>>[vector<16xi32>], vector<16xf32>,
        %add3A_1048 = vector.broadcast %mul3A_1011 : i32 to vector<16xi32>
        %add3A_1049 = arith.addi %add3A_1048, %mul3A_5 : vector<16xi32>
        %add3A_1050 = arith.constant 6 : i32
        %add3A_1051 = vector.broadcast %add3A_1050 : i32 to vector<16xi32>
        %add3A_1052 = arith.addi %add3A_1049, %add3A_1051 : vector<16xi32>
        %gather3A_1053 = tpu.vector_load_idx %arg15[%add3A_1052] : memref<2048xf32, #tpu.memory_space<vmem>>[vector<16xi32>], vector<16xf32>,
        %add3A_1054 = vector.broadcast %mul3A_1011 : i32 to vector<16xi32>
        %add3A_1055 = arith.addi %add3A_1054, %mul3A_5 : vector<16xi32>
        %add3A_1056 = arith.constant 7 : i32
        %add3A_1057 = vector.broadcast %add3A_1056 : i32 to vector<16xi32>
        %add3A_1058 = arith.addi %add3A_1055, %add3A_1057 : vector<16xi32>
        %gather3A_1059 = tpu.vector_load_idx %arg15[%add3A_1058] : memref<2048xf32, #tpu.memory_space<vmem>>[vector<16xi32>], vector<16xf32>,
        %add3A_1060 = vector.broadcast %mul3A_1011 : i32 to vector<16xi32>
        %add3A_1061 = arith.addi %add3A_1060, %mul3A_5 : vector<16xi32>
        %add3A_1062 = arith.constant 8 : i32
        %add3A_1063 = vector.broadcast %add3A_1062 : i32 to vector<16xi32>
        %add3A_1064 = arith.addi %add3A_1061, %add3A_1063 : vector<16xi32>
        %gather3A_1065 = tpu.vector_load_idx %arg15[%add3A_1064] : memref<2048xf32, #tpu.memory_space<vmem>>[vector<16xi32>], vector<16xf32>,
        %add3A_1066 = vector.broadcast %mul3A_1011 : i32 to vector<16xi32>
        %add3A_1067 = arith.addi %add3A_1066, %mul3A_5 : vector<16xi32>
        %add3A_1068 = arith.constant 9 : i32
        %add3A_1069 = vector.broadcast %add3A_1068 : i32 to vector<16xi32>
        %add3A_1070 = arith.addi %add3A_1067, %add3A_1069 : vector<16xi32>
        %gather3A_1071 = tpu.vector_load_idx %arg15[%add3A_1070] : memref<2048xf32, #tpu.memory_space<vmem>>[vector<16xi32>], vector<16xf32>,
        %add3A_1072 = vector.broadcast %mul3A_1011 : i32 to vector<16xi32>
        %add3A_1073 = arith.addi %add3A_1072, %mul3A_5 : vector<16xi32>
        %add3A_1074 = arith.constant 10 : i32
        %add3A_1075 = vector.broadcast %add3A_1074 : i32 to vector<16xi32>
        %add3A_1076 = arith.addi %add3A_1073, %add3A_1075 : vector<16xi32>
        %gather3A_1077 = tpu.vector_load_idx %arg15[%add3A_1076] : memref<2048xf32, #tpu.memory_space<vmem>>[vector<16xi32>], vector<16xf32>,
        %add3A_1078 = vector.broadcast %mul3A_1011 : i32 to vector<16xi32>
        %add3A_1079 = arith.addi %add3A_1078, %mul3A_5 : vector<16xi32>
        %add3A_1080 = arith.constant 11 : i32
        %add3A_1081 = vector.broadcast %add3A_1080 : i32 to vector<16xi32>
        %add3A_1082 = arith.addi %add3A_1079, %add3A_1081 : vector<16xi32>
        %gather3A_1083 = tpu.vector_load_idx %arg15[%add3A_1082] : memref<2048xf32, #tpu.memory_space<vmem>>[vector<16xi32>], vector<16xf32>,
        %add3A_1084 = vector.broadcast %mul3A_1011 : i32 to vector<16xi32>
        %add3A_1085 = arith.addi %add3A_1084, %mul3A_5 : vector<16xi32>
        %add3A_1086 = arith.constant 12 : i32
        %add3A_1087 = vector.broadcast %add3A_1086 : i32 to vector<16xi32>
        %add3A_1088 = arith.addi %add3A_1085, %add3A_1087 : vector<16xi32>
        %gather3A_1089 = tpu.vector_load_idx %arg15[%add3A_1088] : memref<2048xf32, #tpu.memory_space<vmem>>[vector<16xi32>], vector<16xf32>,
        %add3A_1090 = vector.broadcast %mul3A_1011 : i32 to vector<16xi32>
        %add3A_1091 = arith.addi %add3A_1090, %mul3A_5 : vector<16xi32>
        %add3A_1092 = arith.constant 13 : i32
        %add3A_1093 = vector.broadcast %add3A_1092 : i32 to vector<16xi32>
        %add3A_1094 = arith.addi %add3A_1091, %add3A_1093 : vector<16xi32>
        %gather3A_1095 = tpu.vector_load_idx %arg15[%add3A_1094] : memref<2048xf32, #tpu.memory_space<vmem>>[vector<16xi32>], vector<16xf32>,
        %add3A_1096 = vector.broadcast %mul3A_1011 : i32 to vector<16xi32>
        %add3A_1097 = arith.addi %add3A_1096, %mul3A_5 : vector<16xi32>
        %add3A_1098 = arith.constant 14 : i32
        %add3A_1099 = vector.broadcast %add3A_1098 : i32 to vector<16xi32>
        %add3A_1100 = arith.addi %add3A_1097, %add3A_1099 : vector<16xi32>
        %gather3A_1101 = tpu.vector_load_idx %arg15[%add3A_1100] : memref<2048xf32, #tpu.memory_space<vmem>>[vector<16xi32>], vector<16xf32>,
        %add3A_1102 = vector.broadcast %mul3A_1011 : i32 to vector<16xi32>
        %add3A_1103 = arith.addi %add3A_1102, %mul3A_5 : vector<16xi32>
        %add3A_1104 = arith.constant 15 : i32
        %add3A_1105 = vector.broadcast %add3A_1104 : i32 to vector<16xi32>
        %add3A_1106 = arith.addi %add3A_1103, %add3A_1105 : vector<16xi32>
        %gather3A_1107 = tpu.vector_load_idx %arg15[%add3A_1106] : memref<2048xf32, #tpu.memory_space<vmem>>[vector<16xi32>], vector<16xf32>,
        %add3A_1108 = arith.addf %gather3A_1017, %gather3A_1023 : vector<16xf32>
        %add3A_1109 = arith.addf %gather3A_1029, %gather3A_1035 : vector<16xf32>
        %add3A_1110 = arith.addf %gather3A_1041, %gather3A_1047 : vector<16xf32>
        %add3A_1111 = arith.addf %gather3A_1053, %gather3A_1059 : vector<16xf32>
        %add3A_1112 = arith.addf %gather3A_1065, %gather3A_1071 : vector<16xf32>
        %add3A_1113 = arith.addf %gather3A_1077, %gather3A_1083 : vector<16xf32>
        %add3A_1114 = arith.addf %gather3A_1089, %gather3A_1095 : vector<16xf32>
        %add3A_1115 = arith.addf %gather3A_1101, %gather3A_1107 : vector<16xf32>
        %add3A_1116 = arith.addf %add3A_1108, %add3A_1109 : vector<16xf32>
        %add3A_1117 = arith.addf %add3A_1110, %add3A_1111 : vector<16xf32>
        %add3A_1118 = arith.addf %add3A_1112, %add3A_1113 : vector<16xf32>
        %add3A_1119 = arith.addf %add3A_1114, %add3A_1115 : vector<16xf32>
        %add3A_1120 = arith.addf %add3A_1116, %add3A_1117 : vector<16xf32>
        %add3A_1121 = arith.addf %add3A_1118, %add3A_1119 : vector<16xf32>
        %add3A_1122 = arith.addf %add3A_1120, %add3A_1121 : vector<16xf32>
        %neg3A_1123 = arith.constant 0.000000e+00 : f32
        %neg3A_1124 = vector.broadcast %neg3A_1123 : f32 to vector<16xf32>
        %neg3A_1125 = arith.subf %neg3A_1124, %add3A_1122 : vector<16xf32>
        %exp3A_1126 = math.exp %neg3A_1125 : vector<16xf32>
        %add3A_1127 = arith.constant 1.000000e+00 : f32
        %add3A_1128 = vector.broadcast %add3A_1127 : f32 to vector<16xf32>
        %add3A_1129 = arith.addf %add3A_1128, %exp3A_1126 : vector<16xf32>
        %div3A_1130 = arith.constant 1.000000e+00 : f32
        %div3A_1131 = vector.broadcast %div3A_1130 : f32 to vector<16xf32>
        %div3A_1132 = arith.divf %div3A_1131, %add3A_1129 : vector<16xf32>
        %mul3A_1133 = arith.constant 128 : i32
        %mul3A_1134 = arith.muli %mul3A_930, %mul3A_1133 : i32
        %mul3A_1135 = arith.constant 16 : i32
        %mul3A_1136 = arith.muli %scan3A_1009, %mul3A_1135 : i32
        %add3A_1137 = arith.addi %mul3A_1134, %mul3A_1136 : i32
        %swap3A_1138 = arith.index_cast %add3A_1137 : i32 to index
        %swap3A_1139 = tpu.vector_load %arg14[%swap3A_1138] {strides = array<i32>} : memref<10000xf32, #tpu.memory_space<vmem>>, vector<16xf32>,
        tpu.vector_store %arg14[%swap3A_1138], %div3A_1132 {strides = array<i32>} : memref<10000xf32, #tpu.memory_space<vmem>>, vector<16xf32>,
      }
      %scan3A_954 = arith.constant 8 : i32
      %add3A_955 = arith.constant 2 : i32
      %add3A_956 = arith.addi %mul3A_930, %add3A_955 : i32
      %mul3A_957 = arith.constant 128 : i32
      %mul3A_958 = arith.muli %add3A_956, %mul3A_957 : i32
      %dma_start3A_959 = tpu.memref_slice %arg6[%mul3A_958] : memref<10000xi32, #tpu.memory_space<vmem>> -> memref<128xi32, #tpu.memory_space<vmem>>
      %dma_start3A_960 = arith.constant 0 : i32
      %dma_start3A_961 = arith.constant 0 : i32
      %dma_start3A_962 = tpu.memref_slice %arg2[%dma_start3A_960, %dma_start3A_961] : memref<10000x128xbf16, #tpu.memory_space<hbm>> -> memref<10000x128xbf16, #tpu.memory_space<hbm>>
      tpu.enqueue_indirect_dma source(%dma_start3A_962 : memref<10000x128xbf16, #tpu.memory_space<hbm>>) target(%arg8 : memref<128x128xbf16, #tpu.memory_space<vmem>>) offsets(%dma_start3A_959 : memref<128xi32, #tpu.memory_space<vmem>>) semaphore(%arg16 : memref<!tpu.dma_semaphore, #tpu.memory_space<semaphore_mem>>)
      %mul3A_963 = arith.constant 128 : i32
      %mul3A_964 = arith.muli %add3A_956, %mul3A_963 : i32
      %dma_start3A_965 = tpu.memref_slice %arg7[%mul3A_964] : memref<10000xi32, #tpu.memory_space<vmem>> -> memref<128xi32, #tpu.memory_space<vmem>>
      %dma_start3A_966 = arith.constant 0 : i32
      %dma_start3A_967 = arith.constant 0 : i32
      %dma_start3A_968 = tpu.memref_slice %arg3[%dma_start3A_966, %dma_start3A_967] : memref<10000x128xbf16, #tpu.memory_space<hbm>> -> memref<10000x128xbf16, #tpu.memory_space<hbm>>
      tpu.enqueue_indirect_dma source(%dma_start3A_968 : memref<10000x128xbf16, #tpu.memory_space<hbm>>) target(%arg9 : memref<128x128xbf16, #tpu.memory_space<vmem>>) offsets(%dma_start3A_965 : memref<128xi32, #tpu.memory_space<vmem>>) semaphore(%arg17 : memref<!tpu.dma_semaphore, #tpu.memory_space<semaphore_mem>>)
      %dma_wait3A_969 = arith.constant 0 : i32
      %dma_wait3A_970 = arith.constant 0 : i32
      %dma_wait3A_971 = tpu.memref_slice %arg2[%dma_wait3A_969, %dma_wait3A_970] : memref<10000x128xbf16, #tpu.memory_space<hbm>> -> memref<128x128xbf16, #tpu.memory_space<hbm>>
      %dma_wait3A_972 = arith.constant 0 : i32
      %dma_wait3A_973 = arith.constant 0 : i32
      %dma_wait3A_974 = tpu.memref_slice %arg2[%dma_wait3A_972, %dma_wait3A_973] : memref<10000x128xbf16, #tpu.memory_space<hbm>> -> memref<128x128xbf16, #tpu.memory_space<hbm>>
      tpu.wait_dma2 semaphore(%arg18 : memref<!tpu.dma_semaphore, #tpu.memory_space<semaphore_mem>>) src(%dma_wait3A_974 : memref<128x128xbf16, #tpu.memory_space<hbm>>) dst(%arg10 : memref<128x128xbf16, #tpu.memory_space<vmem>>)
      %dma_wait3A_975 = arith.constant 0 : i32
      %dma_wait3A_976 = arith.constant 0 : i32
      %dma_wait3A_977 = tpu.memref_slice %arg3[%dma_wait3A_975, %dma_wait3A_976] : memref<10000x128xbf16, #tpu.memory_space<hbm>> -> memref<128x128xbf16, #tpu.memory_space<hbm>>
      %dma_wait3A_978 = arith.constant 0 : i32
      %dma_wait3A_979 = arith.constant 0 : i32
      %dma_wait3A_980 = tpu.memref_slice %arg3[%dma_wait3A_978, %dma_wait3A_979] : memref<10000x128xbf16, #tpu.memory_space<hbm>> -> memref<128x128xbf16, #tpu.memory_space<hbm>>
      tpu.wait_dma2 semaphore(%arg19 : memref<!tpu.dma_semaphore, #tpu.memory_space<semaphore_mem>>) src(%dma_wait3A_980 : memref<128x128xbf16, #tpu.memory_space<hbm>>) dst(%arg11 : memref<128x128xbf16, #tpu.memory_space<vmem>>)
      %add3A_981 = arith.constant 1 : i32
      %add3A_982 = arith.addi %mul3A_930, %add3A_981 : i32
      %scan3A_983 = arith.constant 0 : i32
      %scan3A_984 = arith.constant 0 : i32
      %scan3A_985 = arith.constant 8 : i32
      %scan3A_986 = arith.addi %scan3A_984, %scan3A_985 : i32
      %scan3A_987 = arith.constant 1 : i32
      scf.for %scan3A_1009 = %scan3A_984 to %scan3A_986 step %scan3A_987  : i32 {
        %mul3A_1010 = arith.constant 16 : i32
        %mul3A_1011 = arith.muli %scan3A_1009, %mul3A_1010 : i32
        %get3A_1012 = arith.index_cast %mul3A_1011 : i32 to index
        %get3A_1013 = arith.constant 0 : index
        %get3A_1014 = tpu.vector_load %arg10[%get3A_1012, %get3A_1013] {strides = array<i32>} : memref<128x128xbf16, #tpu.memory_space<vmem>>, vector<32xbf16>,
        %get3A_1015 = arith.index_cast %mul3A_1011 : i32 to index
        %get3A_1016 = arith.constant 0 : index
        %get3A_1017 = tpu.vector_load %arg11[%get3A_1015, %get3A_1016] {strides = array<i32>} : memref<128x128xbf16, #tpu.memory_space<vmem>>, vector<32xbf16>,
        %get3A_1018 = arith.index_cast %mul3A_1011 : i32 to index
        %get3A_1019 = arith.constant 32 : index
        %get3A_1020 = tpu.vector_load %arg10[%get3A_1018, %get3A_1019] {strides = array<i32>} : memref<128x128xbf16, #tpu.memory_space<vmem>>, vector<32xbf16>,
        %get3A_1021 = arith.index_cast %mul3A_1011 : i32 to index
        %get3A_1022 = arith.constant 32 : index
        %get3A_1023 = tpu.vector_load %arg11[%get3A_1021, %get3A_1022] {strides = array<i32>} : memref<128x128xbf16, #tpu.memory_space<vmem>>, vector<32xbf16>,
        %get3A_1024 = arith.index_cast %mul3A_1011 : i32 to index
        %get3A_1025 = arith.constant 64 : index
        %get3A_1026 = tpu.vector_load %arg10[%get3A_1024, %get3A_1025] {strides = array<i32>} : memref<128x128xbf16, #tpu.memory_space<vmem>>, vector<32xbf16>,
        %get3A_1027 = arith.index_cast %mul3A_1011 : i32 to index
        %get3A_1028 = arith.constant 64 : index
        %get3A_1029 = tpu.vector_load %arg11[%get3A_1027, %get3A_1028] {strides = array<i32>} : memref<128x128xbf16, #tpu.memory_space<vmem>>, vector<32xbf16>,
        %get3A_1030 = arith.index_cast %mul3A_1011 : i32 to index
        %get3A_1031 = arith.constant 96 : index
        %get3A_1032 = tpu.vector_load %arg10[%get3A_1030, %get3A_1031] {strides = array<i32>} : memref<128x128xbf16, #tpu.memory_space<vmem>>, vector<32xbf16>,
        %get3A_1033 = arith.index_cast %mul3A_1011 : i32 to index
        %get3A_1034 = arith.constant 96 : index
        %get3A_1035 = tpu.vector_load %arg11[%get3A_1033, %get3A_1034] {strides = array<i32>} : memref<128x128xbf16, #tpu.memory_space<vmem>>, vector<32xbf16>,
        %add3A_1036 = arith.constant 1 : i32
        %add3A_1037 = arith.addi %mul3A_1011, %add3A_1036 : i32
        %get3A_1038 = arith.index_cast %add3A_1037 : i32 to index
        %get3A_1039 = arith.constant 0 : index
        %get3A_1040 = tpu.vector_load %arg10[%get3A_1038, %get3A_1039] {strides = array<i32>} : memref<128x128xbf16, #tpu.memory_space<vmem>>, vector<32xbf16>,
        %get3A_1041 = arith.index_cast %add3A_1037 : i32 to index
        %get3A_1042 = arith.constant 0 : index
        %get3A_1043 = tpu.vector_load %arg11[%get3A_1041, %get3A_1042] {strides = array<i32>} : memref<128x128xbf16, #tpu.memory_space<vmem>>, vector<32xbf16>,
        %get3A_1044 = arith.index_cast %add3A_1037 : i32 to index
        %get3A_1045 = arith.constant 32 : index
        %get3A_1046 = tpu.vector_load %arg10[%get3A_1044, %get3A_1045] {strides = array<i32>} : memref<128x128xbf16, #tpu.memory_space<vmem>>, vector<32xbf16>,
        %get3A_1047 = arith.index_cast %add3A_1037 : i32 to index
        %get3A_1048 = arith.constant 32 : index
        %get3A_1049 = tpu.vector_load %arg11[%get3A_1047, %get3A_1048] {strides = array<i32>} : memref<128x128xbf16, #tpu.memory_space<vmem>>, vector<32xbf16>,
        %get3A_1050 = arith.index_cast %add3A_1037 : i32 to index
        %get3A_1051 = arith.constant 64 : index
        %get3A_1052 = tpu.vector_load %arg10[%get3A_1050, %get3A_1051] {strides = array<i32>} : memref<128x128xbf16, #tpu.memory_space<vmem>>, vector<32xbf16>,
        %get3A_1053 = arith.index_cast %add3A_1037 : i32 to index
        %get3A_1054 = arith.constant 64 : index
        %get3A_1055 = tpu.vector_load %arg11[%get3A_1053, %get3A_1054] {strides = array<i32>} : memref<128x128xbf16, #tpu.memory_space<vmem>>, vector<32xbf16>,
        %get3A_1056 = arith.index_cast %add3A_1037 : i32 to index
        %get3A_1057 = arith.constant 96 : index
        %get3A_1058 = tpu.vector_load %arg10[%get3A_1056, %get3A_1057] {strides = array<i32>} : memref<128x128xbf16, #tpu.memory_space<vmem>>, vector<32xbf16>,
        %get3A_1059 = arith.index_cast %add3A_1037 : i32 to index
        %get3A_1060 = arith.constant 96 : index
        %get3A_1061 = tpu.vector_load %arg11[%get3A_1059, %get3A_1060] {strides = array<i32>} : memref<128x128xbf16, #tpu.memory_space<vmem>>, vector<32xbf16>,
        %add3A_1062 = arith.constant 0 : i32
        %add3A_1063 = arith.addi %mul3A_1011, %add3A_1062 : i32
        %add3A_1064 = arith.constant 2 : i32
        %add3A_1065 = arith.addi %add3A_1063, %add3A_1064 : i32
        %get3A_1066 = arith.index_cast %add3A_1065 : i32 to index
        %get3A_1067 = arith.constant 0 : index
        %get3A_1068 = tpu.vector_load %arg10[%get3A_1066, %get3A_1067] {strides = array<i32>} : memref<128x128xbf16, #tpu.memory_space<vmem>>, vector<32xbf16>,
        %get3A_1069 = arith.index_cast %add3A_1065 : i32 to index
        %get3A_1070 = arith.constant 0 : index
        %get3A_1071 = tpu.vector_load %arg11[%get3A_1069, %get3A_1070] {strides = array<i32>} : memref<128x128xbf16, #tpu.memory_space<vmem>>, vector<32xbf16>,
        %get3A_1072 = arith.index_cast %add3A_1065 : i32 to index
        %get3A_1073 = arith.constant 32 : index
        %get3A_1074 = tpu.vector_load %arg10[%get3A_1072, %get3A_1073] {strides = array<i32>} : memref<128x128xbf16, #tpu.memory_space<vmem>>, vector<32xbf16>,
        %get3A_1075 = arith.index_cast %add3A_1065 : i32 to index
        %get3A_1076 = arith.constant 32 : index
        %get3A_1077 = tpu.vector_load %arg11[%get3A_1075, %get3A_1076] {strides = array<i32>} : memref<128x128xbf16, #tpu.memory_space<vmem>>, vector<32xbf16>,
        %get3A_1078 = arith.index_cast %add3A_1065 : i32 to index
        %get3A_1079 = arith.constant 64 : index
        %get3A_1080 = tpu.vector_load %arg10[%get3A_1078, %get3A_1079] {strides = array<i32>} : memref<128x128xbf16, #tpu.memory_space<vmem>>, vector<32xbf16>,
        %get3A_1081 = arith.index_cast %add3A_1065 : i32 to index
        %get3A_1082 = arith.constant 64 : index
        %get3A_1083 = tpu.vector_load %arg11[%get3A_1081, %get3A_1082] {strides = array<i32>} : memref<128x128xbf16, #tpu.memory_space<vmem>>, vector<32xbf16>,
        %get3A_1084 = arith.index_cast %add3A_1065 : i32 to index
        %get3A_1085 = arith.constant 96 : index
        %get3A_1086 = tpu.vector_load %arg10[%get3A_1084, %get3A_1085] {strides = array<i32>} : memref<128x128xbf16, #tpu.memory_space<vmem>>, vector<32xbf16>,
        %get3A_1087 = arith.index_cast %add3A_1065 : i32 to index
        %get3A_1088 = arith.constant 96 : index
        %get3A_1089 = tpu.vector_load %arg11[%get3A_1087, %get3A_1088] {strides = array<i32>} : memref<128x128xbf16, #tpu.memory_space<vmem>>, vector<32xbf16>,
        %mul3A_1090 = arith.mulf %get3A_1014, %get3A_1017 : vector<32xbf16>
        %mul3A_1091 = arith.mulf %get3A_1020, %get3A_1023 : vector<32xbf16>
        %add3A_1092 = arith.addf %mul3A_1090, %mul3A_1091 : vector<32xbf16>
        %mul3A_1093 = arith.mulf %get3A_1026, %get3A_1029 : vector<32xbf16>
        %mul3A_1094 = arith.mulf %get3A_1032, %get3A_1035 : vector<32xbf16>
        %add3A_1095 = arith.addf %mul3A_1093, %mul3A_1094 : vector<32xbf16>
        %add3A_1096 = arith.addf %add3A_1092, %add3A_1095 : vector<32xbf16>
        %unpack3A_1097 = tpu.unpack_subelements %add3A_1096, 0 {pack_format = #tpu.pack_format<interleaved>} : vector<32xbf16> -> vector<16xf32>
        %unpack3A_1098 = tpu.unpack_subelements %add3A_1096, 1 {pack_format = #tpu.pack_format<interleaved>} : vector<32xbf16> -> vector<16xf32>
        %add3A_1099 = arith.addf %unpack3A_1097, %unpack3A_1098 : vector<16xf32>
        %mul3A_1100 = arith.constant 256 : i32
        %mul3A_1101 = arith.muli %scan3A_1009, %mul3A_1100 : i32
        %add3A_1102 = arith.constant 0 : i32
        %add3A_1103 = arith.addi %mul3A_1101, %add3A_1102 : i32
        %swap3A_1104 = arith.index_cast %add3A_1103 : i32 to index
        %swap3A_1105 = tpu.vector_load %arg15[%swap3A_1104] {strides = array<i32>} : memref<2048xf32, #tpu.memory_space<vmem>>, vector<16xf32>,
        tpu.vector_store %arg15[%swap3A_1104], %add3A_1099 {strides = array<i32>} : memref<2048xf32, #tpu.memory_space<vmem>>, vector<16xf32>,
        %add3A_1106 = arith.constant 1 : i32
        %add3A_1107 = arith.addi %mul3A_1011, %add3A_1106 : i32
        %add3A_1108 = arith.constant 2 : i32
        %add3A_1109 = arith.addi %add3A_1107, %add3A_1108 : i32
        %get3A_1110 = arith.index_cast %add3A_1109 : i32 to index
        %get3A_1111 = arith.constant 0 : index
        %get3A_1112 = tpu.vector_load %arg10[%get3A_1110, %get3A_1111] {strides = array<i32>} : memref<128x128xbf16, #tpu.memory_space<vmem>>, vector<32xbf16>,
        %get3A_1113 = arith.index_cast %add3A_1109 : i32 to index
        %get3A_1114 = arith.constant 0 : index
        %get3A_1115 = tpu.vector_load %arg11[%get3A_1113, %get3A_1114] {strides = array<i32>} : memref<128x128xbf16, #tpu.memory_space<vmem>>, vector<32xbf16>,
        %get3A_1116 = arith.index_cast %add3A_1109 : i32 to index
        %get3A_1117 = arith.constant 32 : index
        %get3A_1118 = tpu.vector_load %arg10[%get3A_1116, %get3A_1117] {strides = array<i32>} : memref<128x128xbf16, #tpu.memory_space<vmem>>, vector<32xbf16>,
        %get3A_1119 = arith.index_cast %add3A_1109 : i32 to index
        %get3A_1120 = arith.constant 32 : index
        %get3A_1121 = tpu.vector_load %arg11[%get3A_1119, %get3A_1120] {strides = array<i32>} : memref<128x128xbf16, #tpu.memory_space<vmem>>, vector<32xbf16>,
        %get3A_1122 = arith.index_cast %add3A_1109 : i32 to index
        %get3A_1123 = arith.constant 64 : index
        %get3A_1124 = tpu.vector_load %arg10[%get3A_1122, %get3A_1123] {strides = array<i32>} : memref<128x128xbf16, #tpu.memory_space<vmem>>, vector<32xbf16>,
        %get3A_1125 = arith.index_cast %add3A_1109 : i32 to index
        %get3A_1126 = arith.constant 64 : index
        %get3A_1127 = tpu.vector_load %arg11[%get3A_1125, %get3A_1126] {strides = array<i32>} : memref<128x128xbf16, #tpu.memory_space<vmem>>, vector<32xbf16>,
        %get3A_1128 = arith.index_cast %add3A_1109 : i32 to index
        %get3A_1129 = arith.constant 96 : index
        %get3A_1130 = tpu.vector_load %arg10[%get3A_1128, %get3A_1129] {strides = array<i32>} : memref<128x128xbf16, #tpu.memory_space<vmem>>, vector<32xbf16>,
        %get3A_1131 = arith.index_cast %add3A_1109 : i32 to index
        %get3A_1132 = arith.constant 96 : index
        %get3A_1133 = tpu.vector_load %arg11[%get3A_1131, %get3A_1132] {strides = array<i32>} : memref<128x128xbf16, #tpu.memory_space<vmem>>, vector<32xbf16>,
        %mul3A_1134 = arith.mulf %get3A_1040, %get3A_1043 : vector<32xbf16>
        %mul3A_1135 = arith.mulf %get3A_1046, %get3A_1049 : vector<32xbf16>
        %add3A_1136 = arith.addf %mul3A_1134, %mul3A_1135 : vector<32xbf16>
        %mul3A_1137 = arith.mulf %get3A_1052, %get3A_1055 : vector<32xbf16>
        %mul3A_1138 = arith.mulf %get3A_1058, %get3A_1061 : vector<32xbf16>
        %add3A_1139 = arith.addf %mul3A_1137, %mul3A_1138 : vector<32xbf16>
        %add3A_1140 = arith.addf %add3A_1136, %add3A_1139 : vector<32xbf16>
        %unpack3A_1141 = tpu.unpack_subelements %add3A_1140, 0 {pack_format = #tpu.pack_format<interleaved>} : vector<32xbf16> -> vector<16xf32>
        %unpack3A_1142 = tpu.unpack_subelements %add3A_1140, 1 {pack_format = #tpu.pack_format<interleaved>} : vector<32xbf16> -> vector<16xf32>
        %add3A_1143 = arith.addf %unpack3A_1141, %unpack3A_1142 : vector<16xf32>
        %mul3A_1144 = arith.constant 256 : i32
        %mul3A_1145 = arith.muli %scan3A_1009, %mul3A_1144 : i32
        %add3A_1146 = arith.constant 16 : i32
        %add3A_1147 = arith.addi %mul3A_1145, %add3A_1146 : i32
        %swap3A_1148 = arith.index_cast %add3A_1147 : i32 to index
        %swap3A_1149 = tpu.vector_load %arg15[%swap3A_1148] {strides = array<i32>} : memref<2048xf32, #tpu.memory_space<vmem>>, vector<16xf32>,
        tpu.vector_store %arg15[%swap3A_1148], %add3A_1143 {strides = array<i32>} : memref<2048xf32, #tpu.memory_space<vmem>>, vector<16xf32>,
        %add3A_1150 = arith.constant 2 : i32
        %add3A_1151 = arith.addi %mul3A_1011, %add3A_1150 : i32
        %add3A_1152 = arith.constant 2 : i32
        %add3A_1153 = arith.addi %add3A_1151, %add3A_1152 : i32
        %get3A_1154 = arith.index_cast %add3A_1153 : i32 to index
        %get3A_1155 = arith.constant 0 : index
        %get3A_1156 = tpu.vector_load %arg10[%get3A_1154, %get3A_1155] {strides = array<i32>} : memref<128x128xbf16, #tpu.memory_space<vmem>>, vector<32xbf16>,
        %get3A_1157 = arith.index_cast %add3A_1153 : i32 to index
        %get3A_1158 = arith.constant 0 : index
        %get3A_1159 = tpu.vector_load %arg11[%get3A_1157, %get3A_1158] {strides = array<i32>} : memref<128x128xbf16, #tpu.memory_space<vmem>>, vector<32xbf16>,
        %get3A_1160 = arith.index_cast %add3A_1153 : i32 to index
        %get3A_1161 = arith.constant 32 : index
        %get3A_1162 = tpu.vector_load %arg10[%get3A_1160, %get3A_1161] {strides = array<i32>} : memref<128x128xbf16, #tpu.memory_space<vmem>>, vector<32xbf16>,
        %get3A_1163 = arith.index_cast %add3A_1153 : i32 to index
        %get3A_1164 = arith.constant 32 : index
        %get3A_1165 = tpu.vector_load %arg11[%get3A_1163, %get3A_1164] {strides = array<i32>} : memref<128x128xbf16, #tpu.memory_space<vmem>>, vector<32xbf16>,
        %get3A_1166 = arith.index_cast %add3A_1153 : i32 to index
        %get3A_1167 = arith.constant 64 : index
        %get3A_1168 = tpu.vector_load %arg10[%get3A_1166, %get3A_1167] {strides = array<i32>} : memref<128x128xbf16, #tpu.memory_space<vmem>>, vector<32xbf16>,
        %get3A_1169 = arith.index_cast %add3A_1153 : i32 to index
        %get3A_1170 = arith.constant 64 : index
        %get3A_1171 = tpu.vector_load %arg11[%get3A_1169, %get3A_1170] {strides = array<i32>} : memref<128x128xbf16, #tpu.memory_space<vmem>>, vector<32xbf16>,
        %get3A_1172 = arith.index_cast %add3A_1153 : i32 to index
        %get3A_1173 = arith.constant 96 : index
        %get3A_1174 = tpu.vector_load %arg10[%get3A_1172, %get3A_1173] {strides = array<i32>} : memref<128x128xbf16, #tpu.memory_space<vmem>>, vector<32xbf16>,
        %get3A_1175 = arith.index_cast %add3A_1153 : i32 to index
        %get3A_1176 = arith.constant 96 : index
        %get3A_1177 = tpu.vector_load %arg11[%get3A_1175, %get3A_1176] {strides = array<i32>} : memref<128x128xbf16, #tpu.memory_space<vmem>>, vector<32xbf16>,
        %mul3A_1178 = arith.mulf %get3A_1068, %get3A_1071 : vector<32xbf16>
        %mul3A_1179 = arith.mulf %get3A_1074, %get3A_1077 : vector<32xbf16>
        %add3A_1180 = arith.addf %mul3A_1178, %mul3A_1179 : vector<32xbf16>
        %mul3A_1181 = arith.mulf %get3A_1080, %get3A_1083 : vector<32xbf16>
        %mul3A_1182 = arith.mulf %get3A_1086, %get3A_1089 : vector<32xbf16>
        %add3A_1183 = arith.addf %mul3A_1181, %mul3A_1182 : vector<32xbf16>
        %add3A_1184 = arith.addf %add3A_1180, %add3A_1183 : vector<32xbf16>
        %unpack3A_1185 = tpu.unpack_subelements %add3A_1184, 0 {pack_format = #tpu.pack_format<interleaved>} : vector<32xbf16> -> vector<16xf32>
        %unpack3A_1186 = tpu.unpack_subelements %add3A_1184, 1 {pack_format = #tpu.pack_format<interleaved>} : vector<32xbf16> -> vector<16xf32>
        %add3A_1187 = arith.addf %unpack3A_1185, %unpack3A_1186 : vector<16xf32>
        %mul3A_1188 = arith.constant 256 : i32
        %mul3A_1189 = arith.muli %scan3A_1009, %mul3A_1188 : i32
        %add3A_1190 = arith.constant 32 : i32
        %add3A_1191 = arith.addi %mul3A_1189, %add3A_1190 : i32
        %swap3A_1192 = arith.index_cast %add3A_1191 : i32 to index
        %swap3A_1193 = tpu.vector_load %arg15[%swap3A_1192] {strides = array<i32>} : memref<2048xf32, #tpu.memory_space<vmem>>, vector<16xf32>,
        tpu.vector_store %arg15[%swap3A_1192], %add3A_1187 {strides = array<i32>} : memref<2048xf32, #tpu.memory_space<vmem>>, vector<16xf32>,
        %add3A_1194 = arith.constant 3 : i32
        %add3A_1195 = arith.addi %mul3A_1011, %add3A_1194 : i32
        %add3A_1196 = arith.constant 2 : i32
        %add3A_1197 = arith.addi %add3A_1195, %add3A_1196 : i32
        %get3A_1198 = arith.index_cast %add3A_1197 : i32 to index
        %get3A_1199 = arith.constant 0 : index
        %get3A_1200 = tpu.vector_load %arg10[%get3A_1198, %get3A_1199] {strides = array<i32>} : memref<128x128xbf16, #tpu.memory_space<vmem>>, vector<32xbf16>,
        %get3A_1201 = arith.index_cast %add3A_1197 : i32 to index
        %get3A_1202 = arith.constant 0 : index
        %get3A_1203 = tpu.vector_load %arg11[%get3A_1201, %get3A_1202] {strides = array<i32>} : memref<128x128xbf16, #tpu.memory_space<vmem>>, vector<32xbf16>,
        %get3A_1204 = arith.index_cast %add3A_1197 : i32 to index
        %get3A_1205 = arith.constant 32 : index
        %get3A_1206 = tpu.vector_load %arg10[%get3A_1204, %get3A_1205] {strides = array<i32>} : memref<128x128xbf16, #tpu.memory_space<vmem>>, vector<32xbf16>,
        %get3A_1207 = arith.index_cast %add3A_1197 : i32 to index
        %get3A_1208 = arith.constant 32 : index
        %get3A_1209 = tpu.vector_load %arg11[%get3A_1207, %get3A_1208] {strides = array<i32>} : memref<128x128xbf16, #tpu.memory_space<vmem>>, vector<32xbf16>,
        %get3A_1210 = arith.index_cast %add3A_1197 : i32 to index
        %get3A_1211 = arith.constant 64 : index
        %get3A_1212 = tpu.vector_load %arg10[%get3A_1210, %get3A_1211] {strides = array<i32>} : memref<128x128xbf16, #tpu.memory_space<vmem>>, vector<32xbf16>,
        %get3A_1213 = arith.index_cast %add3A_1197 : i32 to index
        %get3A_1214 = arith.constant 64 : index
        %get3A_1215 = tpu.vector_load %arg11[%get3A_1213, %get3A_1214] {strides = array<i32>} : memref<128x128xbf16, #tpu.memory_space<vmem>>, vector<32xbf16>,
        %get3A_1216 = arith.index_cast %add3A_1197 : i32 to index
        %get3A_1217 = arith.constant 96 : index
        %get3A_1218 = tpu.vector_load %arg10[%get3A_1216, %get3A_1217] {strides = array<i32>} : memref<128x128xbf16, #tpu.memory_space<vmem>>, vector<32xbf16>,
        %get3A_1219 = arith.index_cast %add3A_1197 : i32 to index
        %get3A_1220 = arith.constant 96 : index
        %get3A_1221 = tpu.vector_load %arg11[%get3A_1219, %get3A_1220] {strides = array<i32>} : memref<128x128xbf16, #tpu.memory_space<vmem>>, vector<32xbf16>,
        %mul3A_1222 = arith.mulf %get3A_1112, %get3A_1115 : vector<32xbf16>
        %mul3A_1223 = arith.mulf %get3A_1118, %get3A_1121 : vector<32xbf16>
        %add3A_1224 = arith.addf %mul3A_1222, %mul3A_1223 : vector<32xbf16>
        %mul3A_1225 = arith.mulf %get3A_1124, %get3A_1127 : vector<32xbf16>
        %mul3A_1226 = arith.mulf %get3A_1130, %get3A_1133 : vector<32xbf16>
        %add3A_1227 = arith.addf %mul3A_1225, %mul3A_1226 : vector<32xbf16>
        %add3A_1228 = arith.addf %add3A_1224, %add3A_1227 : vector<32xbf16>
        %unpack3A_1229 = tpu.unpack_subelements %add3A_1228, 0 {pack_format = #tpu.pack_format<interleaved>} : vector<32xbf16> -> vector<16xf32>
        %unpack3A_1230 = tpu.unpack_subelements %add3A_1228, 1 {pack_format = #tpu.pack_format<interleaved>} : vector<32xbf16> -> vector<16xf32>
        %add3A_1231 = arith.addf %unpack3A_1229, %unpack3A_1230 : vector<16xf32>
        %mul3A_1232 = arith.constant 256 : i32
        %mul3A_1233 = arith.muli %scan3A_1009, %mul3A_1232 : i32
        %add3A_1234 = arith.constant 48 : i32
        %add3A_1235 = arith.addi %mul3A_1233, %add3A_1234 : i32
        %swap3A_1236 = arith.index_cast %add3A_1235 : i32 to index
        %swap3A_1237 = tpu.vector_load %arg15[%swap3A_1236] {strides = array<i32>} : memref<2048xf32, #tpu.memory_space<vmem>>, vector<16xf32>,
        tpu.vector_store %arg15[%swap3A_1236], %add3A_1231 {strides = array<i32>} : memref<2048xf32, #tpu.memory_space<vmem>>, vector<16xf32>,
        %add3A_1238 = arith.constant 4 : i32
        %add3A_1239 = arith.addi %mul3A_1011, %add3A_1238 : i32
        %add3A_1240 = arith.constant 2 : i32
        %add3A_1241 = arith.addi %add3A_1239, %add3A_1240 : i32
        %get3A_1242 = arith.index_cast %add3A_1241 : i32 to index
        %get3A_1243 = arith.constant 0 : index
        %get3A_1244 = tpu.vector_load %arg10[%get3A_1242, %get3A_1243] {strides = array<i32>} : memref<128x128xbf16, #tpu.memory_space<vmem>>, vector<32xbf16>,
        %get3A_1245 = arith.index_cast %add3A_1241 : i32 to index
        %get3A_1246 = arith.constant 0 : index
        %get3A_1247 = tpu.vector_load %arg11[%get3A_1245, %get3A_1246] {strides = array<i32>} : memref<128x128xbf16, #tpu.memory_space<vmem>>, vector<32xbf16>,
        %get3A_1248 = arith.index_cast %add3A_1241 : i32 to index
        %get3A_1249 = arith.constant 32 : index
        %get3A_1250 = tpu.vector_load %arg10[%get3A_1248, %get3A_1249] {strides = array<i32>} : memref<128x128xbf16, #tpu.memory_space<vmem>>, vector<32xbf16>,
        %get3A_1251 = arith.index_cast %add3A_1241 : i32 to index
        %get3A_1252 = arith.constant 32 : index
        %get3A_1253 = tpu.vector_load %arg11[%get3A_1251, %get3A_1252] {strides = array<i32>} : memref<128x128xbf16, #tpu.memory_space<vmem>>, vector<32xbf16>,
        %get3A_1254 = arith.index_cast %add3A_1241 : i32 to index
        %get3A_1255 = arith.constant 64 : index
        %get3A_1256 = tpu.vector_load %arg10[%get3A_1254, %get3A_1255] {strides = array<i32>} : memref<128x128xbf16, #tpu.memory_space<vmem>>, vector<32xbf16>,
        %get3A_1257 = arith.index_cast %add3A_1241 : i32 to index
        %get3A_1258 = arith.constant 64 : index
        %get3A_1259 = tpu.vector_load %arg11[%get3A_1257, %get3A_1258] {strides = array<i32>} : memref<128x128xbf16, #tpu.memory_space<vmem>>, vector<32xbf16>,
        %get3A_1260 = arith.index_cast %add3A_1241 : i32 to index
        %get3A_1261 = arith.constant 96 : index
        %get3A_1262 = tpu.vector_load %arg10[%get3A_1260, %get3A_1261] {strides = array<i32>} : memref<128x128xbf16, #tpu.memory_space<vmem>>, vector<32xbf16>,
        %get3A_1263 = arith.index_cast %add3A_1241 : i32 to index
        %get3A_1264 = arith.constant 96 : index
        %get3A_1265 = tpu.vector_load %arg11[%get3A_1263, %get3A_1264] {strides = array<i32>} : memref<128x128xbf16, #tpu.memory_space<vmem>>, vector<32xbf16>,
        %mul3A_1266 = arith.mulf %get3A_1156, %get3A_1159 : vector<32xbf16>
        %mul3A_1267 = arith.mulf %get3A_1162, %get3A_1165 : vector<32xbf16>
        %add3A_1268 = arith.addf %mul3A_1266, %mul3A_1267 : vector<32xbf16>
        %mul3A_1269 = arith.mulf %get3A_1168, %get3A_1171 : vector<32xbf16>
        %mul3A_1270 = arith.mulf %get3A_1174, %get3A_1177 : vector<32xbf16>
        %add3A_1271 = arith.addf %mul3A_1269, %mul3A_1270 : vector<32xbf16>
        %add3A_1272 = arith.addf %add3A_1268, %add3A_1271 : vector<32xbf16>
        %unpack3A_1273 = tpu.unpack_subelements %add3A_1272, 0 {pack_format = #tpu.pack_format<interleaved>} : vector<32xbf16> -> vector<16xf32>
        %unpack3A_1274 = tpu.unpack_subelements %add3A_1272, 1 {pack_format = #tpu.pack_format<interleaved>} : vector<32xbf16> -> vector<16xf32>
        %add3A_1275 = arith.addf %unpack3A_1273, %unpack3A_1274 : vector<16xf32>
        %mul3A_1276 = arith.constant 256 : i32
        %mul3A_1277 = arith.muli %scan3A_1009, %mul3A_1276 : i32
        %add3A_1278 = arith.constant 64 : i32
        %add3A_1279 = arith.addi %mul3A_1277, %add3A_1278 : i32
        %swap3A_1280 = arith.index_cast %add3A_1279 : i32 to index
        %swap3A_1281 = tpu.vector_load %arg15[%swap3A_1280] {strides = array<i32>} : memref<2048xf32, #tpu.memory_space<vmem>>, vector<16xf32>,
        tpu.vector_store %arg15[%swap3A_1280], %add3A_1275 {strides = array<i32>} : memref<2048xf32, #tpu.memory_space<vmem>>, vector<16xf32>,
        %add3A_1282 = arith.constant 5 : i32
        %add3A_1283 = arith.addi %mul3A_1011, %add3A_1282 : i32
        %add3A_1284 = arith.constant 2 : i32
        %add3A_1285 = arith.addi %add3A_1283, %add3A_1284 : i32
        %get3A_1286 = arith.index_cast %add3A_1285 : i32 to index
        %get3A_1287 = arith.constant 0 : index
        %get3A_1288 = tpu.vector_load %arg10[%get3A_1286, %get3A_1287] {strides = array<i32>} : memref<128x128xbf16, #tpu.memory_space<vmem>>, vector<32xbf16>,
        %get3A_1289 = arith.index_cast %add3A_1285 : i32 to index
        %get3A_1290 = arith.constant 0 : index
        %get3A_1291 = tpu.vector_load %arg11[%get3A_1289, %get3A_1290] {strides = array<i32>} : memref<128x128xbf16, #tpu.memory_space<vmem>>, vector<32xbf16>,
        %get3A_1292 = arith.index_cast %add3A_1285 : i32 to index
        %get3A_1293 = arith.constant 32 : index
        %get3A_1294 = tpu.vector_load %arg10[%get3A_1292, %get3A_1293] {strides = array<i32>} : memref<128x128xbf16, #tpu.memory_space<vmem>>, vector<32xbf16>,
        %get3A_1295 = arith.index_cast %add3A_1285 : i32 to index
        %get3A_1296 = arith.constant 32 : index
        %get3A_1297 = tpu.vector_load %arg11[%get3A_1295, %get3A_1296] {strides = array<i32>} : memref<128x128xbf16, #tpu.memory_space<vmem>>, vector<32xbf16>,
        %get3A_1298 = arith.index_cast %add3A_1285 : i32 to index
        %get3A_1299 = arith.constant 64 : index
        %get3A_1300 = tpu.vector_load %arg10[%get3A_1298, %get3A_1299] {strides = array<i32>} : memref<128x128xbf16, #tpu.memory_space<vmem>>, vector<32xbf16>,
        %get3A_1301 = arith.index_cast %add3A_1285 : i32 to index
        %get3A_1302 = arith.constant 64 : index
        %get3A_1303 = tpu.vector_load %arg11[%get3A_1301, %get3A_1302] {strides = array<i32>} : memref<128x128xbf16, #tpu.memory_space<vmem>>, vector<32xbf16>,
        %get3A_1304 = arith.index_cast %add3A_1285 : i32 to index
        %get3A_1305 = arith.constant 96 : index
        %get3A_1306 = tpu.vector_load %arg10[%get3A_1304, %get3A_1305] {strides = array<i32>} : memref<128x128xbf16, #tpu.memory_space<vmem>>, vector<32xbf16>,
        %get3A_1307 = arith.index_cast %add3A_1285 : i32 to index
        %get3A_1308 = arith.constant 96 : index
        %get3A_1309 = tpu.vector_load %arg11[%get3A_1307, %get3A_1308] {strides = array<i32>} : memref<128x128xbf16, #tpu.memory_space<vmem>>, vector<32xbf16>,
        %mul3A_1310 = arith.mulf %get3A_1200, %get3A_1203 : vector<32xbf16>
        %mul3A_1311 = arith.mulf %get3A_1206, %get3A_1209 : vector<32xbf16>
        %add3A_1312 = arith.addf %mul3A_1310, %mul3A_1311 : vector<32xbf16>
        %mul3A_1313 = arith.mulf %get3A_1212, %get3A_1215 : vector<32xbf16>
        %mul3A_1314 = arith.mulf %get3A_1218, %get3A_1221 : vector<32xbf16>
        %add3A_1315 = arith.addf %mul3A_1313, %mul3A_1314 : vector<32xbf16>
        %add3A_1316 = arith.addf %add3A_1312, %add3A_1315 : vector<32xbf16>
        %unpack3A_1317 = tpu.unpack_subelements %add3A_1316, 0 {pack_format = #tpu.pack_format<interleaved>} : vector<32xbf16> -> vector<16xf32>
        %unpack3A_1318 = tpu.unpack_subelements %add3A_1316, 1 {pack_format = #tpu.pack_format<interleaved>} : vector<32xbf16> -> vector<16xf32>
        %add3A_1319 = arith.addf %unpack3A_1317, %unpack3A_1318 : vector<16xf32>
        %mul3A_1320 = arith.constant 256 : i32
        %mul3A_1321 = arith.muli %scan3A_1009, %mul3A_1320 : i32
        %add3A_1322 = arith.constant 80 : i32
        %add3A_1323 = arith.addi %mul3A_1321, %add3A_1322 : i32
        %swap3A_1324 = arith.index_cast %add3A_1323 : i32 to index
        %swap3A_1325 = tpu.vector_load %arg15[%swap3A_1324] {strides = array<i32>} : memref<2048xf32, #tpu.memory_space<vmem>>, vector<16xf32>,
        tpu.vector_store %arg15[%swap3A_1324], %add3A_1319 {strides = array<i32>} : memref<2048xf32, #tpu.memory_space<vmem>>, vector<16xf32>,
        %add3A_1326 = arith.constant 6 : i32
        %add3A_1327 = arith.addi %mul3A_1011, %add3A_1326 : i32
        %add3A_1328 = arith.constant 2 : i32
        %add3A_1329 = arith.addi %add3A_1327, %add3A_1328 : i32
        %get3A_1330 = arith.index_cast %add3A_1329 : i32 to index
        %get3A_1331 = arith.constant 0 : index
        %get3A_1332 = tpu.vector_load %arg10[%get3A_1330, %get3A_1331] {strides = array<i32>} : memref<128x128xbf16, #tpu.memory_space<vmem>>, vector<32xbf16>,
        %get3A_1333 = arith.index_cast %add3A_1329 : i32 to index
        %get3A_1334 = arith.constant 0 : index
        %get3A_1335 = tpu.vector_load %arg11[%get3A_1333, %get3A_1334] {strides = array<i32>} : memref<128x128xbf16, #tpu.memory_space<vmem>>, vector<32xbf16>,
        %get3A_1336 = arith.index_cast %add3A_1329 : i32 to index
        %get3A_1337 = arith.constant 32 : index
        %get3A_1338 = tpu.vector_load %arg10[%get3A_1336, %get3A_1337] {strides = array<i32>} : memref<128x128xbf16, #tpu.memory_space<vmem>>, vector<32xbf16>,
        %get3A_1339 = arith.index_cast %add3A_1329 : i32 to index
        %get3A_1340 = arith.constant 32 : index
        %get3A_1341 = tpu.vector_load %arg11[%get3A_1339, %get3A_1340] {strides = array<i32>} : memref<128x128xbf16, #tpu.memory_space<vmem>>, vector<32xbf16>,
        %get3A_1342 = arith.index_cast %add3A_1329 : i32 to index
        %get3A_1343 = arith.constant 64 : index
        %get3A_1344 = tpu.vector_load %arg10[%get3A_1342, %get3A_1343] {strides = array<i32>} : memref<128x128xbf16, #tpu.memory_space<vmem>>, vector<32xbf16>,
        %get3A_1345 = arith.index_cast %add3A_1329 : i32 to index
        %get3A_1346 = arith.constant 64 : index
        %get3A_1347 = tpu.vector_load %arg11[%get3A_1345, %get3A_1346] {strides = array<i32>} : memref<128x128xbf16, #tpu.memory_space<vmem>>, vector<32xbf16>,
        %get3A_1348 = arith.index_cast %add3A_1329 : i32 to index
        %get3A_1349 = arith.constant 96 : index
        %get3A_1350 = tpu.vector_load %arg10[%get3A_1348, %get3A_1349] {strides = array<i32>} : memref<128x128xbf16, #tpu.memory_space<vmem>>, vector<32xbf16>,
        %get3A_1351 = arith.index_cast %add3A_1329 : i32 to index
        %get3A_1352 = arith.constant 96 : index
        %get3A_1353 = tpu.vector_load %arg11[%get3A_1351, %get3A_1352] {strides = array<i32>} : memref<128x128xbf16, #tpu.memory_space<vmem>>, vector<32xbf16>,
        %mul3A_1354 = arith.mulf %get3A_1244, %get3A_1247 : vector<32xbf16>
        %mul3A_1355 = arith.mulf %get3A_1250, %get3A_1253 : vector<32xbf16>
        %add3A_1356 = arith.addf %mul3A_1354, %mul3A_1355 : vector<32xbf16>
        %mul3A_1357 = arith.mulf %get3A_1256, %get3A_1259 : vector<32xbf16>
        %mul3A_1358 = arith.mulf %get3A_1262, %get3A_1265 : vector<32xbf16>
        %add3A_1359 = arith.addf %mul3A_1357, %mul3A_1358 : vector<32xbf16>
        %add3A_1360 = arith.addf %add3A_1356, %add3A_1359 : vector<32xbf16>
        %unpack3A_1361 = tpu.unpack_subelements %add3A_1360, 0 {pack_format = #tpu.pack_format<interleaved>} : vector<32xbf16> -> vector<16xf32>
        %unpack3A_1362 = tpu.unpack_subelements %add3A_1360, 1 {pack_format = #tpu.pack_format<interleaved>} : vector<32xbf16> -> vector<16xf32>
        %add3A_1363 = arith.addf %unpack3A_1361, %unpack3A_1362 : vector<16xf32>
        %mul3A_1364 = arith.constant 256 : i32
        %mul3A_1365 = arith.muli %scan3A_1009, %mul3A_1364 : i32
        %add3A_1366 = arith.constant 96 : i32
        %add3A_1367 = arith.addi %mul3A_1365, %add3A_1366 : i32
        %swap3A_1368 = arith.index_cast %add3A_1367 : i32 to index
        %swap3A_1369 = tpu.vector_load %arg15[%swap3A_1368] {strides = array<i32>} : memref<2048xf32, #tpu.memory_space<vmem>>, vector<16xf32>,
        tpu.vector_store %arg15[%swap3A_1368], %add3A_1363 {strides = array<i32>} : memref<2048xf32, #tpu.memory_space<vmem>>, vector<16xf32>,
        %add3A_1370 = arith.constant 7 : i32
        %add3A_1371 = arith.addi %mul3A_1011, %add3A_1370 : i32
        %add3A_1372 = arith.constant 2 : i32
        %add3A_1373 = arith.addi %add3A_1371, %add3A_1372 : i32
        %get3A_1374 = arith.index_cast %add3A_1373 : i32 to index
        %get3A_1375 = arith.constant 0 : index
        %get3A_1376 = tpu.vector_load %arg10[%get3A_1374, %get3A_1375] {strides = array<i32>} : memref<128x128xbf16, #tpu.memory_space<vmem>>, vector<32xbf16>,
        %get3A_1377 = arith.index_cast %add3A_1373 : i32 to index
        %get3A_1378 = arith.constant 0 : index
        %get3A_1379 = tpu.vector_load %arg11[%get3A_1377, %get3A_1378] {strides = array<i32>} : memref<128x128xbf16, #tpu.memory_space<vmem>>, vector<32xbf16>,
        %get3A_1380 = arith.index_cast %add3A_1373 : i32 to index
        %get3A_1381 = arith.constant 32 : index
        %get3A_1382 = tpu.vector_load %arg10[%get3A_1380, %get3A_1381] {strides = array<i32>} : memref<128x128xbf16, #tpu.memory_space<vmem>>, vector<32xbf16>,
        %get3A_1383 = arith.index_cast %add3A_1373 : i32 to index
        %get3A_1384 = arith.constant 32 : index
        %get3A_1385 = tpu.vector_load %arg11[%get3A_1383, %get3A_1384] {strides = array<i32>} : memref<128x128xbf16, #tpu.memory_space<vmem>>, vector<32xbf16>,
        %get3A_1386 = arith.index_cast %add3A_1373 : i32 to index
        %get3A_1387 = arith.constant 64 : index
        %get3A_1388 = tpu.vector_load %arg10[%get3A_1386, %get3A_1387] {strides = array<i32>} : memref<128x128xbf16, #tpu.memory_space<vmem>>, vector<32xbf16>,
        %get3A_1389 = arith.index_cast %add3A_1373 : i32 to index
        %get3A_1390 = arith.constant 64 : index
        %get3A_1391 = tpu.vector_load %arg11[%get3A_1389, %get3A_1390] {strides = array<i32>} : memref<128x128xbf16, #tpu.memory_space<vmem>>, vector<32xbf16>,
        %get3A_1392 = arith.index_cast %add3A_1373 : i32 to index
        %get3A_1393 = arith.constant 96 : index
        %get3A_1394 = tpu.vector_load %arg10[%get3A_1392, %get3A_1393] {strides = array<i32>} : memref<128x128xbf16, #tpu.memory_space<vmem>>, vector<32xbf16>,
        %get3A_1395 = arith.index_cast %add3A_1373 : i32 to index
        %get3A_1396 = arith.constant 96 : index
        %get3A_1397 = tpu.vector_load %arg11[%get3A_1395, %get3A_1396] {strides = array<i32>} : memref<128x128xbf16, #tpu.memory_space<vmem>>, vector<32xbf16>,
        %mul3A_1398 = arith.mulf %get3A_1288, %get3A_1291 : vector<32xbf16>
        %mul3A_1399 = arith.mulf %get3A_1294, %get3A_1297 : vector<32xbf16>
        %add3A_1400 = arith.addf %mul3A_1398, %mul3A_1399 : vector<32xbf16>
        %mul3A_1401 = arith.mulf %get3A_1300, %get3A_1303 : vector<32xbf16>
        %mul3A_1402 = arith.mulf %get3A_1306, %get3A_1309 : vector<32xbf16>
        %add3A_1403 = arith.addf %mul3A_1401, %mul3A_1402 : vector<32xbf16>
        %add3A_1404 = arith.addf %add3A_1400, %add3A_1403 : vector<32xbf16>
        %unpack3A_1405 = tpu.unpack_subelements %add3A_1404, 0 {pack_format = #tpu.pack_format<interleaved>} : vector<32xbf16> -> vector<16xf32>
        %unpack3A_1406 = tpu.unpack_subelements %add3A_1404, 1 {pack_format = #tpu.pack_format<interleaved>} : vector<32xbf16> -> vector<16xf32>
        %add3A_1407 = arith.addf %unpack3A_1405, %unpack3A_1406 : vector<16xf32>
        %mul3A_1408 = arith.constant 256 : i32
        %mul3A_1409 = arith.muli %scan3A_1009, %mul3A_1408 : i32
        %add3A_1410 = arith.constant 112 : i32
        %add3A_1411 = arith.addi %mul3A_1409, %add3A_1410 : i32
        %swap3A_1412 = arith.index_cast %add3A_1411 : i32 to index
        %swap3A_1413 = tpu.vector_load %arg15[%swap3A_1412] {strides = array<i32>} : memref<2048xf32, #tpu.memory_space<vmem>>, vector<16xf32>,
        tpu.vector_store %arg15[%swap3A_1412], %add3A_1407 {strides = array<i32>} : memref<2048xf32, #tpu.memory_space<vmem>>, vector<16xf32>,
        %add3A_1414 = arith.constant 8 : i32
        %add3A_1415 = arith.addi %mul3A_1011, %add3A_1414 : i32
        %add3A_1416 = arith.constant 2 : i32
        %add3A_1417 = arith.addi %add3A_1415, %add3A_1416 : i32
        %get3A_1418 = arith.index_cast %add3A_1417 : i32 to index
        %get3A_1419 = arith.constant 0 : index
        %get3A_1420 = tpu.vector_load %arg10[%get3A_1418, %get3A_1419] {strides = array<i32>} : memref<128x128xbf16, #tpu.memory_space<vmem>>, vector<32xbf16>,
        %get3A_1421 = arith.index_cast %add3A_1417 : i32 to index
        %get3A_1422 = arith.constant 0 : index
        %get3A_1423 = tpu.vector_load %arg11[%get3A_1421, %get3A_1422] {strides = array<i32>} : memref<128x128xbf16, #tpu.memory_space<vmem>>, vector<32xbf16>,
        %get3A_1424 = arith.index_cast %add3A_1417 : i32 to index
        %get3A_1425 = arith.constant 32 : index
        %get3A_1426 = tpu.vector_load %arg10[%get3A_1424, %get3A_1425] {strides = array<i32>} : memref<128x128xbf16, #tpu.memory_space<vmem>>, vector<32xbf16>,
        %get3A_1427 = arith.index_cast %add3A_1417 : i32 to index
        %get3A_1428 = arith.constant 32 : index
        %get3A_1429 = tpu.vector_load %arg11[%get3A_1427, %get3A_1428] {strides = array<i32>} : memref<128x128xbf16, #tpu.memory_space<vmem>>, vector<32xbf16>,
        %get3A_1430 = arith.index_cast %add3A_1417 : i32 to index
        %get3A_1431 = arith.constant 64 : index
        %get3A_1432 = tpu.vector_load %arg10[%get3A_1430, %get3A_1431] {strides = array<i32>} : memref<128x128xbf16, #tpu.memory_space<vmem>>, vector<32xbf16>,
        %get3A_1433 = arith.index_cast %add3A_1417 : i32 to index
        %get3A_1434 = arith.constant 64 : index
        %get3A_1435 = tpu.vector_load %arg11[%get3A_1433, %get3A_1434] {strides = array<i32>} : memref<128x128xbf16, #tpu.memory_space<vmem>>, vector<32xbf16>,
        %get3A_1436 = arith.index_cast %add3A_1417 : i32 to index
        %get3A_1437 = arith.constant 96 : index
        %get3A_1438 = tpu.vector_load %arg10[%get3A_1436, %get3A_1437] {strides = array<i32>} : memref<128x128xbf16, #tpu.memory_space<vmem>>, vector<32xbf16>,
        %get3A_1439 = arith.index_cast %add3A_1417 : i32 to index
        %get3A_1440 = arith.constant 96 : index
        %get3A_1441 = tpu.vector_load %arg11[%get3A_1439, %get3A_1440] {strides = array<i32>} : memref<128x128xbf16, #tpu.memory_space<vmem>>, vector<32xbf16>,
        %mul3A_1442 = arith.mulf %get3A_1332, %get3A_1335 : vector<32xbf16>
        %mul3A_1443 = arith.mulf %get3A_1338, %get3A_1341 : vector<32xbf16>
        %add3A_1444 = arith.addf %mul3A_1442, %mul3A_1443 : vector<32xbf16>
        %mul3A_1445 = arith.mulf %get3A_1344, %get3A_1347 : vector<32xbf16>
        %mul3A_1446 = arith.mulf %get3A_1350, %get3A_1353 : vector<32xbf16>
        %add3A_1447 = arith.addf %mul3A_1445, %mul3A_1446 : vector<32xbf16>
        %add3A_1448 = arith.addf %add3A_1444, %add3A_1447 : vector<32xbf16>
        %unpack3A_1449 = tpu.unpack_subelements %add3A_1448, 0 {pack_format = #tpu.pack_format<interleaved>} : vector<32xbf16> -> vector<16xf32>
        %unpack3A_1450 = tpu.unpack_subelements %add3A_1448, 1 {pack_format = #tpu.pack_format<interleaved>} : vector<32xbf16> -> vector<16xf32>
        %add3A_1451 = arith.addf %unpack3A_1449, %unpack3A_1450 : vector<16xf32>
        %mul3A_1452 = arith.constant 256 : i32
        %mul3A_1453 = arith.muli %scan3A_1009, %mul3A_1452 : i32
        %add3A_1454 = arith.constant 128 : i32
        %add3A_1455 = arith.addi %mul3A_1453, %add3A_1454 : i32
        %swap3A_1456 = arith.index_cast %add3A_1455 : i32 to index
        %swap3A_1457 = tpu.vector_load %arg15[%swap3A_1456] {strides = array<i32>} : memref<2048xf32, #tpu.memory_space<vmem>>, vector<16xf32>,
        tpu.vector_store %arg15[%swap3A_1456], %add3A_1451 {strides = array<i32>} : memref<2048xf32, #tpu.memory_space<vmem>>, vector<16xf32>,
        %add3A_1458 = arith.constant 9 : i32
        %add3A_1459 = arith.addi %mul3A_1011, %add3A_1458 : i32
        %add3A_1460 = arith.constant 2 : i32
        %add3A_1461 = arith.addi %add3A_1459, %add3A_1460 : i32
        %get3A_1462 = arith.index_cast %add3A_1461 : i32 to index
        %get3A_1463 = arith.constant 0 : index
        %get3A_1464 = tpu.vector_load %arg10[%get3A_1462, %get3A_1463] {strides = array<i32>} : memref<128x128xbf16, #tpu.memory_space<vmem>>, vector<32xbf16>,
        %get3A_1465 = arith.index_cast %add3A_1461 : i32 to index
        %get3A_1466 = arith.constant 0 : index
        %get3A_1467 = tpu.vector_load %arg11[%get3A_1465, %get3A_1466] {strides = array<i32>} : memref<128x128xbf16, #tpu.memory_space<vmem>>, vector<32xbf16>,
        %get3A_1468 = arith.index_cast %add3A_1461 : i32 to index
        %get3A_1469 = arith.constant 32 : index
        %get3A_1470 = tpu.vector_load %arg10[%get3A_1468, %get3A_1469] {strides = array<i32>} : memref<128x128xbf16, #tpu.memory_space<vmem>>, vector<32xbf16>,
        %get3A_1471 = arith.index_cast %add3A_1461 : i32 to index
        %get3A_1472 = arith.constant 32 : index
        %get3A_1473 = tpu.vector_load %arg11[%get3A_1471, %get3A_1472] {strides = array<i32>} : memref<128x128xbf16, #tpu.memory_space<vmem>>, vector<32xbf16>,
        %get3A_1474 = arith.index_cast %add3A_1461 : i32 to index
        %get3A_1475 = arith.constant 64 : index
        %get3A_1476 = tpu.vector_load %arg10[%get3A_1474, %get3A_1475] {strides = array<i32>} : memref<128x128xbf16, #tpu.memory_space<vmem>>, vector<32xbf16>,
        %get3A_1477 = arith.index_cast %add3A_1461 : i32 to index
        %get3A_1478 = arith.constant 64 : index
        %get3A_1479 = tpu.vector_load %arg11[%get3A_1477, %get3A_1478] {strides = array<i32>} : memref<128x128xbf16, #tpu.memory_space<vmem>>, vector<32xbf16>,
        %get3A_1480 = arith.index_cast %add3A_1461 : i32 to index
        %get3A_1481 = arith.constant 96 : index
        %get3A_1482 = tpu.vector_load %arg10[%get3A_1480, %get3A_1481] {strides = array<i32>} : memref<128x128xbf16, #tpu.memory_space<vmem>>, vector<32xbf16>,
        %get3A_1483 = arith.index_cast %add3A_1461 : i32 to index
        %get3A_1484 = arith.constant 96 : index
        %get3A_1485 = tpu.vector_load %arg11[%get3A_1483, %get3A_1484] {strides = array<i32>} : memref<128x128xbf16, #tpu.memory_space<vmem>>, vector<32xbf16>,
        %mul3A_1486 = arith.mulf %get3A_1376, %get3A_1379 : vector<32xbf16>
        %mul3A_1487 = arith.mulf %get3A_1382, %get3A_1385 : vector<32xbf16>
        %add3A_1488 = arith.addf %mul3A_1486, %mul3A_1487 : vector<32xbf16>
        %mul3A_1489 = arith.mulf %get3A_1388, %get3A_1391 : vector<32xbf16>
        %mul3A_1490 = arith.mulf %get3A_1394, %get3A_1397 : vector<32xbf16>
        %add3A_1491 = arith.addf %mul3A_1489, %mul3A_1490 : vector<32xbf16>
        %add3A_1492 = arith.addf %add3A_1488, %add3A_1491 : vector<32xbf16>
        %unpack3A_1493 = tpu.unpack_subelements %add3A_1492, 0 {pack_format = #tpu.pack_format<interleaved>} : vector<32xbf16> -> vector<16xf32>
        %unpack3A_1494 = tpu.unpack_subelements %add3A_1492, 1 {pack_format = #tpu.pack_format<interleaved>} : vector<32xbf16> -> vector<16xf32>
        %add3A_1495 = arith.addf %unpack3A_1493, %unpack3A_1494 : vector<16xf32>
        %mul3A_1496 = arith.constant 256 : i32
        %mul3A_1497 = arith.muli %scan3A_1009, %mul3A_1496 : i32
        %add3A_1498 = arith.constant 144 : i32
        %add3A_1499 = arith.addi %mul3A_1497, %add3A_1498 : i32
        %swap3A_1500 = arith.index_cast %add3A_1499 : i32 to index
        %swap3A_1501 = tpu.vector_load %arg15[%swap3A_1500] {strides = array<i32>} : memref<2048xf32, #tpu.memory_space<vmem>>, vector<16xf32>,
        tpu.vector_store %arg15[%swap3A_1500], %add3A_1495 {strides = array<i32>} : memref<2048xf32, #tpu.memory_space<vmem>>, vector<16xf32>,
        %add3A_1502 = arith.constant 10 : i32
        %add3A_1503 = arith.addi %mul3A_1011, %add3A_1502 : i32
        %add3A_1504 = arith.constant 2 : i32
        %add3A_1505 = arith.addi %add3A_1503, %add3A_1504 : i32
        %get3A_1506 = arith.index_cast %add3A_1505 : i32 to index
        %get3A_1507 = arith.constant 0 : index
        %get3A_1508 = tpu.vector_load %arg10[%get3A_1506, %get3A_1507] {strides = array<i32>} : memref<128x128xbf16, #tpu.memory_space<vmem>>, vector<32xbf16>,
        %get3A_1509 = arith.index_cast %add3A_1505 : i32 to index
        %get3A_1510 = arith.constant 0 : index
        %get3A_1511 = tpu.vector_load %arg11[%get3A_1509, %get3A_1510] {strides = array<i32>} : memref<128x128xbf16, #tpu.memory_space<vmem>>, vector<32xbf16>,
        %get3A_1512 = arith.index_cast %add3A_1505 : i32 to index
        %get3A_1513 = arith.constant 32 : index
        %get3A_1514 = tpu.vector_load %arg10[%get3A_1512, %get3A_1513] {strides = array<i32>} : memref<128x128xbf16, #tpu.memory_space<vmem>>, vector<32xbf16>,
        %get3A_1515 = arith.index_cast %add3A_1505 : i32 to index
        %get3A_1516 = arith.constant 32 : index
        %get3A_1517 = tpu.vector_load %arg11[%get3A_1515, %get3A_1516] {strides = array<i32>} : memref<128x128xbf16, #tpu.memory_space<vmem>>, vector<32xbf16>,
        %get3A_1518 = arith.index_cast %add3A_1505 : i32 to index
        %get3A_1519 = arith.constant 64 : index
        %get3A_1520 = tpu.vector_load %arg10[%get3A_1518, %get3A_1519] {strides = array<i32>} : memref<128x128xbf16, #tpu.memory_space<vmem>>, vector<32xbf16>,
        %get3A_1521 = arith.index_cast %add3A_1505 : i32 to index
        %get3A_1522 = arith.constant 64 : index
        %get3A_1523 = tpu.vector_load %arg11[%get3A_1521, %get3A_1522] {strides = array<i32>} : memref<128x128xbf16, #tpu.memory_space<vmem>>, vector<32xbf16>,
        %get3A_1524 = arith.index_cast %add3A_1505 : i32 to index
        %get3A_1525 = arith.constant 96 : index
        %get3A_1526 = tpu.vector_load %arg10[%get3A_1524, %get3A_1525] {strides = array<i32>} : memref<128x128xbf16, #tpu.memory_space<vmem>>, vector<32xbf16>,
        %get3A_1527 = arith.index_cast %add3A_1505 : i32 to index
        %get3A_1528 = arith.constant 96 : index
        %get3A_1529 = tpu.vector_load %arg11[%get3A_1527, %get3A_1528] {strides = array<i32>} : memref<128x128xbf16, #tpu.memory_space<vmem>>, vector<32xbf16>,
        %mul3A_1530 = arith.mulf %get3A_1420, %get3A_1423 : vector<32xbf16>
        %mul3A_1531 = arith.mulf %get3A_1426, %get3A_1429 : vector<32xbf16>
        %add3A_1532 = arith.addf %mul3A_1530, %mul3A_1531 : vector<32xbf16>
        %mul3A_1533 = arith.mulf %get3A_1432, %get3A_1435 : vector<32xbf16>
        %mul3A_1534 = arith.mulf %get3A_1438, %get3A_1441 : vector<32xbf16>
        %add3A_1535 = arith.addf %mul3A_1533, %mul3A_1534 : vector<32xbf16>
        %add3A_1536 = arith.addf %add3A_1532, %add3A_1535 : vector<32xbf16>
        %unpack3A_1537 = tpu.unpack_subelements %add3A_1536, 0 {pack_format = #tpu.pack_format<interleaved>} : vector<32xbf16> -> vector<16xf32>
        %unpack3A_1538 = tpu.unpack_subelements %add3A_1536, 1 {pack_format = #tpu.pack_format<interleaved>} : vector<32xbf16> -> vector<16xf32>
        %add3A_1539 = arith.addf %unpack3A_1537, %unpack3A_1538 : vector<16xf32>
        %mul3A_1540 = arith.constant 256 : i32
        %mul3A_1541 = arith.muli %scan3A_1009, %mul3A_1540 : i32
        %add3A_1542 = arith.constant 160 : i32
        %add3A_1543 = arith.addi %mul3A_1541, %add3A_1542 : i32
        %swap3A_1544 = arith.index_cast %add3A_1543 : i32 to index
        %swap3A_1545 = tpu.vector_load %arg15[%swap3A_1544] {strides = array<i32>} : memref<2048xf32, #tpu.memory_space<vmem>>, vector<16xf32>,
        tpu.vector_store %arg15[%swap3A_1544], %add3A_1539 {strides = array<i32>} : memref<2048xf32, #tpu.memory_space<vmem>>, vector<16xf32>,
        %add3A_1546 = arith.constant 11 : i32
        %add3A_1547 = arith.addi %mul3A_1011, %add3A_1546 : i32
        %add3A_1548 = arith.constant 2 : i32
        %add3A_1549 = arith.addi %add3A_1547, %add3A_1548 : i32
        %get3A_1550 = arith.index_cast %add3A_1549 : i32 to index
        %get3A_1551 = arith.constant 0 : index
        %get3A_1552 = tpu.vector_load %arg10[%get3A_1550, %get3A_1551] {strides = array<i32>} : memref<128x128xbf16, #tpu.memory_space<vmem>>, vector<32xbf16>,
        %get3A_1553 = arith.index_cast %add3A_1549 : i32 to index
        %get3A_1554 = arith.constant 0 : index
        %get3A_1555 = tpu.vector_load %arg11[%get3A_1553, %get3A_1554] {strides = array<i32>} : memref<128x128xbf16, #tpu.memory_space<vmem>>, vector<32xbf16>,
        %get3A_1556 = arith.index_cast %add3A_1549 : i32 to index
        %get3A_1557 = arith.constant 32 : index
        %get3A_1558 = tpu.vector_load %arg10[%get3A_1556, %get3A_1557] {strides = array<i32>} : memref<128x128xbf16, #tpu.memory_space<vmem>>, vector<32xbf16>,
        %get3A_1559 = arith.index_cast %add3A_1549 : i32 to index
        %get3A_1560 = arith.constant 32 : index
        %get3A_1561 = tpu.vector_load %arg11[%get3A_1559, %get3A_1560] {strides = array<i32>} : memref<128x128xbf16, #tpu.memory_space<vmem>>, vector<32xbf16>,
        %get3A_1562 = arith.index_cast %add3A_1549 : i32 to index
        %get3A_1563 = arith.constant 64 : index
        %get3A_1564 = tpu.vector_load %arg10[%get3A_1562, %get3A_1563] {strides = array<i32>} : memref<128x128xbf16, #tpu.memory_space<vmem>>, vector<32xbf16>,
        %get3A_1565 = arith.index_cast %add3A_1549 : i32 to index
        %get3A_1566 = arith.constant 64 : index
        %get3A_1567 = tpu.vector_load %arg11[%get3A_1565, %get3A_1566] {strides = array<i32>} : memref<128x128xbf16, #tpu.memory_space<vmem>>, vector<32xbf16>,
        %get3A_1568 = arith.index_cast %add3A_1549 : i32 to index
        %get3A_1569 = arith.constant 96 : index
        %get3A_1570 = tpu.vector_load %arg10[%get3A_1568, %get3A_1569] {strides = array<i32>} : memref<128x128xbf16, #tpu.memory_space<vmem>>, vector<32xbf16>,
        %get3A_1571 = arith.index_cast %add3A_1549 : i32 to index
        %get3A_1572 = arith.constant 96 : index
        %get3A_1573 = tpu.vector_load %arg11[%get3A_1571, %get3A_1572] {strides = array<i32>} : memref<128x128xbf16, #tpu.memory_space<vmem>>, vector<32xbf16>,
        %mul3A_1574 = arith.mulf %get3A_1464, %get3A_1467 : vector<32xbf16>
        %mul3A_1575 = arith.mulf %get3A_1470, %get3A_1473 : vector<32xbf16>
        %add3A_1576 = arith.addf %mul3A_1574, %mul3A_1575 : vector<32xbf16>
        %mul3A_1577 = arith.mulf %get3A_1476, %get3A_1479 : vector<32xbf16>
        %mul3A_1578 = arith.mulf %get3A_1482, %get3A_1485 : vector<32xbf16>
        %add3A_1579 = arith.addf %mul3A_1577, %mul3A_1578 : vector<32xbf16>
        %add3A_1580 = arith.addf %add3A_1576, %add3A_1579 : vector<32xbf16>
        %unpack3A_1581 = tpu.unpack_subelements %add3A_1580, 0 {pack_format = #tpu.pack_format<interleaved>} : vector<32xbf16> -> vector<16xf32>
        %unpack3A_1582 = tpu.unpack_subelements %add3A_1580, 1 {pack_format = #tpu.pack_format<interleaved>} : vector<32xbf16> -> vector<16xf32>
        %add3A_1583 = arith.addf %unpack3A_1581, %unpack3A_1582 : vector<16xf32>
        %mul3A_1584 = arith.constant 256 : i32
        %mul3A_1585 = arith.muli %scan3A_1009, %mul3A_1584 : i32
        %add3A_1586 = arith.constant 176 : i32
        %add3A_1587 = arith.addi %mul3A_1585, %add3A_1586 : i32
        %swap3A_1588 = arith.index_cast %add3A_1587 : i32 to index
        %swap3A_1589 = tpu.vector_load %arg15[%swap3A_1588] {strides = array<i32>} : memref<2048xf32, #tpu.memory_space<vmem>>, vector<16xf32>,
        tpu.vector_store %arg15[%swap3A_1588], %add3A_1583 {strides = array<i32>} : memref<2048xf32, #tpu.memory_space<vmem>>, vector<16xf32>,
        %add3A_1590 = arith.constant 12 : i32
        %add3A_1591 = arith.addi %mul3A_1011, %add3A_1590 : i32
        %add3A_1592 = arith.constant 2 : i32
        %add3A_1593 = arith.addi %add3A_1591, %add3A_1592 : i32
        %get3A_1594 = arith.index_cast %add3A_1593 : i32 to index
        %get3A_1595 = arith.constant 0 : index
        %get3A_1596 = tpu.vector_load %arg10[%get3A_1594, %get3A_1595] {strides = array<i32>} : memref<128x128xbf16, #tpu.memory_space<vmem>>, vector<32xbf16>,
        %get3A_1597 = arith.index_cast %add3A_1593 : i32 to index
        %get3A_1598 = arith.constant 0 : index
        %get3A_1599 = tpu.vector_load %arg11[%get3A_1597, %get3A_1598] {strides = array<i32>} : memref<128x128xbf16, #tpu.memory_space<vmem>>, vector<32xbf16>,
        %get3A_1600 = arith.index_cast %add3A_1593 : i32 to index
        %get3A_1601 = arith.constant 32 : index
        %get3A_1602 = tpu.vector_load %arg10[%get3A_1600, %get3A_1601] {strides = array<i32>} : memref<128x128xbf16, #tpu.memory_space<vmem>>, vector<32xbf16>,
        %get3A_1603 = arith.index_cast %add3A_1593 : i32 to index
        %get3A_1604 = arith.constant 32 : index
        %get3A_1605 = tpu.vector_load %arg11[%get3A_1603, %get3A_1604] {strides = array<i32>} : memref<128x128xbf16, #tpu.memory_space<vmem>>, vector<32xbf16>,
        %get3A_1606 = arith.index_cast %add3A_1593 : i32 to index
        %get3A_1607 = arith.constant 64 : index
        %get3A_1608 = tpu.vector_load %arg10[%get3A_1606, %get3A_1607] {strides = array<i32>} : memref<128x128xbf16, #tpu.memory_space<vmem>>, vector<32xbf16>,
        %get3A_1609 = arith.index_cast %add3A_1593 : i32 to index
        %get3A_1610 = arith.constant 64 : index
        %get3A_1611 = tpu.vector_load %arg11[%get3A_1609, %get3A_1610] {strides = array<i32>} : memref<128x128xbf16, #tpu.memory_space<vmem>>, vector<32xbf16>,
        %get3A_1612 = arith.index_cast %add3A_1593 : i32 to index
        %get3A_1613 = arith.constant 96 : index
        %get3A_1614 = tpu.vector_load %arg10[%get3A_1612, %get3A_1613] {strides = array<i32>} : memref<128x128xbf16, #tpu.memory_space<vmem>>, vector<32xbf16>,
        %get3A_1615 = arith.index_cast %add3A_1593 : i32 to index
        %get3A_1616 = arith.constant 96 : index
        %get3A_1617 = tpu.vector_load %arg11[%get3A_1615, %get3A_1616] {strides = array<i32>} : memref<128x128xbf16, #tpu.memory_space<vmem>>, vector<32xbf16>,
        %mul3A_1618 = arith.mulf %get3A_1508, %get3A_1511 : vector<32xbf16>
        %mul3A_1619 = arith.mulf %get3A_1514, %get3A_1517 : vector<32xbf16>
        %add3A_1620 = arith.addf %mul3A_1618, %mul3A_1619 : vector<32xbf16>
        %mul3A_1621 = arith.mulf %get3A_1520, %get3A_1523 : vector<32xbf16>
        %mul3A_1622 = arith.mulf %get3A_1526, %get3A_1529 : vector<32xbf16>
        %add3A_1623 = arith.addf %mul3A_1621, %mul3A_1622 : vector<32xbf16>
        %add3A_1624 = arith.addf %add3A_1620, %add3A_1623 : vector<32xbf16>
        %unpack3A_1625 = tpu.unpack_subelements %add3A_1624, 0 {pack_format = #tpu.pack_format<interleaved>} : vector<32xbf16> -> vector<16xf32>
        %unpack3A_1626 = tpu.unpack_subelements %add3A_1624, 1 {pack_format = #tpu.pack_format<interleaved>} : vector<32xbf16> -> vector<16xf32>
        %add3A_1627 = arith.addf %unpack3A_1625, %unpack3A_1626 : vector<16xf32>
        %mul3A_1628 = arith.constant 256 : i32
        %mul3A_1629 = arith.muli %scan3A_1009, %mul3A_1628 : i32
        %add3A_1630 = arith.constant 192 : i32
        %add3A_1631 = arith.addi %mul3A_1629, %add3A_1630 : i32
        %swap3A_1632 = arith.index_cast %add3A_1631 : i32 to index
        %swap3A_1633 = tpu.vector_load %arg15[%swap3A_1632] {strides = array<i32>} : memref<2048xf32, #tpu.memory_space<vmem>>, vector<16xf32>,
        tpu.vector_store %arg15[%swap3A_1632], %add3A_1627 {strides = array<i32>} : memref<2048xf32, #tpu.memory_space<vmem>>, vector<16xf32>,
        %add3A_1634 = arith.constant 13 : i32
        %add3A_1635 = arith.addi %mul3A_1011, %add3A_1634 : i32
        %add3A_1636 = arith.constant 2 : i32
        %add3A_1637 = arith.addi %add3A_1635, %add3A_1636 : i32
        %get3A_1638 = arith.index_cast %add3A_1637 : i32 to index
        %get3A_1639 = arith.constant 0 : index
        %get3A_1640 = tpu.vector_load %arg10[%get3A_1638, %get3A_1639] {strides = array<i32>} : memref<128x128xbf16, #tpu.memory_space<vmem>>, vector<32xbf16>,
        %get3A_1641 = arith.index_cast %add3A_1637 : i32 to index
        %get3A_1642 = arith.constant 0 : index
        %get3A_1643 = tpu.vector_load %arg11[%get3A_1641, %get3A_1642] {strides = array<i32>} : memref<128x128xbf16, #tpu.memory_space<vmem>>, vector<32xbf16>,
        %get3A_1644 = arith.index_cast %add3A_1637 : i32 to index
        %get3A_1645 = arith.constant 32 : index
        %get3A_1646 = tpu.vector_load %arg10[%get3A_1644, %get3A_1645] {strides = array<i32>} : memref<128x128xbf16, #tpu.memory_space<vmem>>, vector<32xbf16>,
        %get3A_1647 = arith.index_cast %add3A_1637 : i32 to index
        %get3A_1648 = arith.constant 32 : index
        %get3A_1649 = tpu.vector_load %arg11[%get3A_1647, %get3A_1648] {strides = array<i32>} : memref<128x128xbf16, #tpu.memory_space<vmem>>, vector<32xbf16>,
        %get3A_1650 = arith.index_cast %add3A_1637 : i32 to index
        %get3A_1651 = arith.constant 64 : index
        %get3A_1652 = tpu.vector_load %arg10[%get3A_1650, %get3A_1651] {strides = array<i32>} : memref<128x128xbf16, #tpu.memory_space<vmem>>, vector<32xbf16>,
        %get3A_1653 = arith.index_cast %add3A_1637 : i32 to index
        %get3A_1654 = arith.constant 64 : index
        %get3A_1655 = tpu.vector_load %arg11[%get3A_1653, %get3A_1654] {strides = array<i32>} : memref<128x128xbf16, #tpu.memory_space<vmem>>, vector<32xbf16>,
        %get3A_1656 = arith.index_cast %add3A_1637 : i32 to index
        %get3A_1657 = arith.constant 96 : index
        %get3A_1658 = tpu.vector_load %arg10[%get3A_1656, %get3A_1657] {strides = array<i32>} : memref<128x128xbf16, #tpu.memory_space<vmem>>, vector<32xbf16>,
        %get3A_1659 = arith.index_cast %add3A_1637 : i32 to index
        %get3A_1660 = arith.constant 96 : index
        %get3A_1661 = tpu.vector_load %arg11[%get3A_1659, %get3A_1660] {strides = array<i32>} : memref<128x128xbf16, #tpu.memory_space<vmem>>, vector<32xbf16>,
        %mul3A_1662 = arith.mulf %get3A_1552, %get3A_1555 : vector<32xbf16>
        %mul3A_1663 = arith.mulf %get3A_1558, %get3A_1561 : vector<32xbf16>
        %add3A_1664 = arith.addf %mul3A_1662, %mul3A_1663 : vector<32xbf16>
        %mul3A_1665 = arith.mulf %get3A_1564, %get3A_1567 : vector<32xbf16>
        %mul3A_1666 = arith.mulf %get3A_1570, %get3A_1573 : vector<32xbf16>
        %add3A_1667 = arith.addf %mul3A_1665, %mul3A_1666 : vector<32xbf16>
        %add3A_1668 = arith.addf %add3A_1664, %add3A_1667 : vector<32xbf16>
        %unpack3A_1669 = tpu.unpack_subelements %add3A_1668, 0 {pack_format = #tpu.pack_format<interleaved>} : vector<32xbf16> -> vector<16xf32>
        %unpack3A_1670 = tpu.unpack_subelements %add3A_1668, 1 {pack_format = #tpu.pack_format<interleaved>} : vector<32xbf16> -> vector<16xf32>
        %add3A_1671 = arith.addf %unpack3A_1669, %unpack3A_1670 : vector<16xf32>
        %mul3A_1672 = arith.constant 256 : i32
        %mul3A_1673 = arith.muli %scan3A_1009, %mul3A_1672 : i32
        %add3A_1674 = arith.constant 208 : i32
        %add3A_1675 = arith.addi %mul3A_1673, %add3A_1674 : i32
        %swap3A_1676 = arith.index_cast %add3A_1675 : i32 to index
        %swap3A_1677 = tpu.vector_load %arg15[%swap3A_1676] {strides = array<i32>} : memref<2048xf32, #tpu.memory_space<vmem>>, vector<16xf32>,
        tpu.vector_store %arg15[%swap3A_1676], %add3A_1671 {strides = array<i32>} : memref<2048xf32, #tpu.memory_space<vmem>>, vector<16xf32>,
        %mul3A_1678 = arith.mulf %get3A_1596, %get3A_1599 : vector<32xbf16>
        %mul3A_1679 = arith.mulf %get3A_1602, %get3A_1605 : vector<32xbf16>
        %add3A_1680 = arith.addf %mul3A_1678, %mul3A_1679 : vector<32xbf16>
        %mul3A_1681 = arith.mulf %get3A_1608, %get3A_1611 : vector<32xbf16>
        %mul3A_1682 = arith.mulf %get3A_1614, %get3A_1617 : vector<32xbf16>
        %add3A_1683 = arith.addf %mul3A_1681, %mul3A_1682 : vector<32xbf16>
        %add3A_1684 = arith.addf %add3A_1680, %add3A_1683 : vector<32xbf16>
        %unpack3A_1685 = tpu.unpack_subelements %add3A_1684, 0 {pack_format = #tpu.pack_format<interleaved>} : vector<32xbf16> -> vector<16xf32>
        %unpack3A_1686 = tpu.unpack_subelements %add3A_1684, 1 {pack_format = #tpu.pack_format<interleaved>} : vector<32xbf16> -> vector<16xf32>
        %add3A_1687 = arith.addf %unpack3A_1685, %unpack3A_1686 : vector<16xf32>
        %mul3A_1688 = arith.constant 256 : i32
        %mul3A_1689 = arith.muli %scan3A_1009, %mul3A_1688 : i32
        %add3A_1690 = arith.constant 224 : i32
        %add3A_1691 = arith.addi %mul3A_1689, %add3A_1690 : i32
        %swap3A_1692 = arith.index_cast %add3A_1691 : i32 to index
        %swap3A_1693 = tpu.vector_load %arg15[%swap3A_1692] {strides = array<i32>} : memref<2048xf32, #tpu.memory_space<vmem>>, vector<16xf32>,
        tpu.vector_store %arg15[%swap3A_1692], %add3A_1687 {strides = array<i32>} : memref<2048xf32, #tpu.memory_space<vmem>>, vector<16xf32>,
        %mul3A_1694 = arith.mulf %get3A_1640, %get3A_1643 : vector<32xbf16>
        %mul3A_1695 = arith.mulf %get3A_1646, %get3A_1649 : vector<32xbf16>
        %add3A_1696 = arith.addf %mul3A_1694, %mul3A_1695 : vector<32xbf16>
        %mul3A_1697 = arith.mulf %get3A_1652, %get3A_1655 : vector<32xbf16>
        %mul3A_1698 = arith.mulf %get3A_1658, %get3A_1661 : vector<32xbf16>
        %add3A_1699 = arith.addf %mul3A_1697, %mul3A_1698 : vector<32xbf16>
        %add3A_1700 = arith.addf %add3A_1696, %add3A_1699 : vector<32xbf16>
        %unpack3A_1701 = tpu.unpack_subelements %add3A_1700, 0 {pack_format = #tpu.pack_format<interleaved>} : vector<32xbf16> -> vector<16xf32>
        %unpack3A_1702 = tpu.unpack_subelements %add3A_1700, 1 {pack_format = #tpu.pack_format<interleaved>} : vector<32xbf16> -> vector<16xf32>
        %add3A_1703 = arith.addf %unpack3A_1701, %unpack3A_1702 : vector<16xf32>
        %mul3A_1704 = arith.constant 256 : i32
        %mul3A_1705 = arith.muli %scan3A_1009, %mul3A_1704 : i32
        %add3A_1706 = arith.constant 240 : i32
        %add3A_1707 = arith.addi %mul3A_1705, %add3A_1706 : i32
        %swap3A_1708 = arith.index_cast %add3A_1707 : i32 to index
        %swap3A_1709 = tpu.vector_load %arg15[%swap3A_1708] {strides = array<i32>} : memref<2048xf32, #tpu.memory_space<vmem>>, vector<16xf32>,
        tpu.vector_store %arg15[%swap3A_1708], %add3A_1703 {strides = array<i32>} : memref<2048xf32, #tpu.memory_space<vmem>>, vector<16xf32>,
      }
      %scan3A_988 = arith.constant 8 : i32
      %scan3A_989 = arith.constant 0 : i32
      %scan3A_990 = arith.constant 0 : i32
      %scan3A_991 = arith.constant 8 : i32
      %scan3A_992 = arith.addi %scan3A_990, %scan3A_991 : i32
      %scan3A_993 = arith.constant 1 : i32
      scf.for %scan3A_1009 = %scan3A_990 to %scan3A_992 step %scan3A_993  : i32 {
        %mul3A_1010 = arith.constant 256 : i32
        %mul3A_1011 = arith.muli %scan3A_1009, %mul3A_1010 : i32
        %add3A_1012 = vector.broadcast %mul3A_1011 : i32 to vector<16xi32>
        %add3A_1013 = arith.addi %add3A_1012, %mul3A_5 : vector<16xi32>
        %add3A_1014 = arith.constant 0 : i32
        %add3A_1015 = vector.broadcast %add3A_1014 : i32 to vector<16xi32>
        %add3A_1016 = arith.addi %add3A_1013, %add3A_1015 : vector<16xi32>
        %gather3A_1017 = tpu.vector_load_idx %arg15[%add3A_1016] : memref<2048xf32, #tpu.memory_space<vmem>>[vector<16xi32>], vector<16xf32>,
        %add3A_1018 = vector.broadcast %mul3A_1011 : i32 to vector<16xi32>
        %add3A_1019 = arith.addi %add3A_1018, %mul3A_5 : vector<16xi32>
        %add3A_1020 = arith.constant 1 : i32
        %add3A_1021 = vector.broadcast %add3A_1020 : i32 to vector<16xi32>
        %add3A_1022 = arith.addi %add3A_1019, %add3A_1021 : vector<16xi32>
        %gather3A_1023 = tpu.vector_load_idx %arg15[%add3A_1022] : memref<2048xf32, #tpu.memory_space<vmem>>[vector<16xi32>], vector<16xf32>,
        %add3A_1024 = vector.broadcast %mul3A_1011 : i32 to vector<16xi32>
        %add3A_1025 = arith.addi %add3A_1024, %mul3A_5 : vector<16xi32>
        %add3A_1026 = arith.constant 2 : i32
        %add3A_1027 = vector.broadcast %add3A_1026 : i32 to vector<16xi32>
        %add3A_1028 = arith.addi %add3A_1025, %add3A_1027 : vector<16xi32>
        %gather3A_1029 = tpu.vector_load_idx %arg15[%add3A_1028] : memref<2048xf32, #tpu.memory_space<vmem>>[vector<16xi32>], vector<16xf32>,
        %add3A_1030 = vector.broadcast %mul3A_1011 : i32 to vector<16xi32>
        %add3A_1031 = arith.addi %add3A_1030, %mul3A_5 : vector<16xi32>
        %add3A_1032 = arith.constant 3 : i32
        %add3A_1033 = vector.broadcast %add3A_1032 : i32 to vector<16xi32>
        %add3A_1034 = arith.addi %add3A_1031, %add3A_1033 : vector<16xi32>
        %gather3A_1035 = tpu.vector_load_idx %arg15[%add3A_1034] : memref<2048xf32, #tpu.memory_space<vmem>>[vector<16xi32>], vector<16xf32>,
        %add3A_1036 = vector.broadcast %mul3A_1011 : i32 to vector<16xi32>
        %add3A_1037 = arith.addi %add3A_1036, %mul3A_5 : vector<16xi32>
        %add3A_1038 = arith.constant 4 : i32
        %add3A_1039 = vector.broadcast %add3A_1038 : i32 to vector<16xi32>
        %add3A_1040 = arith.addi %add3A_1037, %add3A_1039 : vector<16xi32>
        %gather3A_1041 = tpu.vector_load_idx %arg15[%add3A_1040] : memref<2048xf32, #tpu.memory_space<vmem>>[vector<16xi32>], vector<16xf32>,
        %add3A_1042 = vector.broadcast %mul3A_1011 : i32 to vector<16xi32>
        %add3A_1043 = arith.addi %add3A_1042, %mul3A_5 : vector<16xi32>
        %add3A_1044 = arith.constant 5 : i32
        %add3A_1045 = vector.broadcast %add3A_1044 : i32 to vector<16xi32>
        %add3A_1046 = arith.addi %add3A_1043, %add3A_1045 : vector<16xi32>
        %gather3A_1047 = tpu.vector_load_idx %arg15[%add3A_1046] : memref<2048xf32, #tpu.memory_space<vmem>>[vector<16xi32>], vector<16xf32>,
        %add3A_1048 = vector.broadcast %mul3A_1011 : i32 to vector<16xi32>
        %add3A_1049 = arith.addi %add3A_1048, %mul3A_5 : vector<16xi32>
        %add3A_1050 = arith.constant 6 : i32
        %add3A_1051 = vector.broadcast %add3A_1050 : i32 to vector<16xi32>
        %add3A_1052 = arith.addi %add3A_1049, %add3A_1051 : vector<16xi32>
        %gather3A_1053 = tpu.vector_load_idx %arg15[%add3A_1052] : memref<2048xf32, #tpu.memory_space<vmem>>[vector<16xi32>], vector<16xf32>,
        %add3A_1054 = vector.broadcast %mul3A_1011 : i32 to vector<16xi32>
        %add3A_1055 = arith.addi %add3A_1054, %mul3A_5 : vector<16xi32>
        %add3A_1056 = arith.constant 7 : i32
        %add3A_1057 = vector.broadcast %add3A_1056 : i32 to vector<16xi32>
        %add3A_1058 = arith.addi %add3A_1055, %add3A_1057 : vector<16xi32>
        %gather3A_1059 = tpu.vector_load_idx %arg15[%add3A_1058] : memref<2048xf32, #tpu.memory_space<vmem>>[vector<16xi32>], vector<16xf32>,
        %add3A_1060 = vector.broadcast %mul3A_1011 : i32 to vector<16xi32>
        %add3A_1061 = arith.addi %add3A_1060, %mul3A_5 : vector<16xi32>
        %add3A_1062 = arith.constant 8 : i32
        %add3A_1063 = vector.broadcast %add3A_1062 : i32 to vector<16xi32>
        %add3A_1064 = arith.addi %add3A_1061, %add3A_1063 : vector<16xi32>
        %gather3A_1065 = tpu.vector_load_idx %arg15[%add3A_1064] : memref<2048xf32, #tpu.memory_space<vmem>>[vector<16xi32>], vector<16xf32>,
        %add3A_1066 = vector.broadcast %mul3A_1011 : i32 to vector<16xi32>
        %add3A_1067 = arith.addi %add3A_1066, %mul3A_5 : vector<16xi32>
        %add3A_1068 = arith.constant 9 : i32
        %add3A_1069 = vector.broadcast %add3A_1068 : i32 to vector<16xi32>
        %add3A_1070 = arith.addi %add3A_1067, %add3A_1069 : vector<16xi32>
        %gather3A_1071 = tpu.vector_load_idx %arg15[%add3A_1070] : memref<2048xf32, #tpu.memory_space<vmem>>[vector<16xi32>], vector<16xf32>,
        %add3A_1072 = vector.broadcast %mul3A_1011 : i32 to vector<16xi32>
        %add3A_1073 = arith.addi %add3A_1072, %mul3A_5 : vector<16xi32>
        %add3A_1074 = arith.constant 10 : i32
        %add3A_1075 = vector.broadcast %add3A_1074 : i32 to vector<16xi32>
        %add3A_1076 = arith.addi %add3A_1073, %add3A_1075 : vector<16xi32>
        %gather3A_1077 = tpu.vector_load_idx %arg15[%add3A_1076] : memref<2048xf32, #tpu.memory_space<vmem>>[vector<16xi32>], vector<16xf32>,
        %add3A_1078 = vector.broadcast %mul3A_1011 : i32 to vector<16xi32>
        %add3A_1079 = arith.addi %add3A_1078, %mul3A_5 : vector<16xi32>
        %add3A_1080 = arith.constant 11 : i32
        %add3A_1081 = vector.broadcast %add3A_1080 : i32 to vector<16xi32>
        %add3A_1082 = arith.addi %add3A_1079, %add3A_1081 : vector<16xi32>
        %gather3A_1083 = tpu.vector_load_idx %arg15[%add3A_1082] : memref<2048xf32, #tpu.memory_space<vmem>>[vector<16xi32>], vector<16xf32>,
        %add3A_1084 = vector.broadcast %mul3A_1011 : i32 to vector<16xi32>
        %add3A_1085 = arith.addi %add3A_1084, %mul3A_5 : vector<16xi32>
        %add3A_1086 = arith.constant 12 : i32
        %add3A_1087 = vector.broadcast %add3A_1086 : i32 to vector<16xi32>
        %add3A_1088 = arith.addi %add3A_1085, %add3A_1087 : vector<16xi32>
        %gather3A_1089 = tpu.vector_load_idx %arg15[%add3A_1088] : memref<2048xf32, #tpu.memory_space<vmem>>[vector<16xi32>], vector<16xf32>,
        %add3A_1090 = vector.broadcast %mul3A_1011 : i32 to vector<16xi32>
        %add3A_1091 = arith.addi %add3A_1090, %mul3A_5 : vector<16xi32>
        %add3A_1092 = arith.constant 13 : i32
        %add3A_1093 = vector.broadcast %add3A_1092 : i32 to vector<16xi32>
        %add3A_1094 = arith.addi %add3A_1091, %add3A_1093 : vector<16xi32>
        %gather3A_1095 = tpu.vector_load_idx %arg15[%add3A_1094] : memref<2048xf32, #tpu.memory_space<vmem>>[vector<16xi32>], vector<16xf32>,
        %add3A_1096 = vector.broadcast %mul3A_1011 : i32 to vector<16xi32>
        %add3A_1097 = arith.addi %add3A_1096, %mul3A_5 : vector<16xi32>
        %add3A_1098 = arith.constant 14 : i32
        %add3A_1099 = vector.broadcast %add3A_1098 : i32 to vector<16xi32>
        %add3A_1100 = arith.addi %add3A_1097, %add3A_1099 : vector<16xi32>
        %gather3A_1101 = tpu.vector_load_idx %arg15[%add3A_1100] : memref<2048xf32, #tpu.memory_space<vmem>>[vector<16xi32>], vector<16xf32>,
        %add3A_1102 = vector.broadcast %mul3A_1011 : i32 to vector<16xi32>
        %add3A_1103 = arith.addi %add3A_1102, %mul3A_5 : vector<16xi32>
        %add3A_1104 = arith.constant 15 : i32
        %add3A_1105 = vector.broadcast %add3A_1104 : i32 to vector<16xi32>
        %add3A_1106 = arith.addi %add3A_1103, %add3A_1105 : vector<16xi32>
        %gather3A_1107 = tpu.vector_load_idx %arg15[%add3A_1106] : memref<2048xf32, #tpu.memory_space<vmem>>[vector<16xi32>], vector<16xf32>,
        %add3A_1108 = arith.addf %gather3A_1017, %gather3A_1023 : vector<16xf32>
        %add3A_1109 = arith.addf %gather3A_1029, %gather3A_1035 : vector<16xf32>
        %add3A_1110 = arith.addf %gather3A_1041, %gather3A_1047 : vector<16xf32>
        %add3A_1111 = arith.addf %gather3A_1053, %gather3A_1059 : vector<16xf32>
        %add3A_1112 = arith.addf %gather3A_1065, %gather3A_1071 : vector<16xf32>
        %add3A_1113 = arith.addf %gather3A_1077, %gather3A_1083 : vector<16xf32>
        %add3A_1114 = arith.addf %gather3A_1089, %gather3A_1095 : vector<16xf32>
        %add3A_1115 = arith.addf %gather3A_1101, %gather3A_1107 : vector<16xf32>
        %add3A_1116 = arith.addf %add3A_1108, %add3A_1109 : vector<16xf32>
        %add3A_1117 = arith.addf %add3A_1110, %add3A_1111 : vector<16xf32>
        %add3A_1118 = arith.addf %add3A_1112, %add3A_1113 : vector<16xf32>
        %add3A_1119 = arith.addf %add3A_1114, %add3A_1115 : vector<16xf32>
        %add3A_1120 = arith.addf %add3A_1116, %add3A_1117 : vector<16xf32>
        %add3A_1121 = arith.addf %add3A_1118, %add3A_1119 : vector<16xf32>
        %add3A_1122 = arith.addf %add3A_1120, %add3A_1121 : vector<16xf32>
        %neg3A_1123 = arith.constant 0.000000e+00 : f32
        %neg3A_1124 = vector.broadcast %neg3A_1123 : f32 to vector<16xf32>
        %neg3A_1125 = arith.subf %neg3A_1124, %add3A_1122 : vector<16xf32>
        %exp3A_1126 = math.exp %neg3A_1125 : vector<16xf32>
        %add3A_1127 = arith.constant 1.000000e+00 : f32
        %add3A_1128 = vector.broadcast %add3A_1127 : f32 to vector<16xf32>
        %add3A_1129 = arith.addf %add3A_1128, %exp3A_1126 : vector<16xf32>
        %div3A_1130 = arith.constant 1.000000e+00 : f32
        %div3A_1131 = vector.broadcast %div3A_1130 : f32 to vector<16xf32>
        %div3A_1132 = arith.divf %div3A_1131, %add3A_1129 : vector<16xf32>
        %mul3A_1133 = arith.constant 128 : i32
        %mul3A_1134 = arith.muli %add3A_982, %mul3A_1133 : i32
        %mul3A_1135 = arith.constant 16 : i32
        %mul3A_1136 = arith.muli %scan3A_1009, %mul3A_1135 : i32
        %add3A_1137 = arith.addi %mul3A_1134, %mul3A_1136 : i32
        %swap3A_1138 = arith.index_cast %add3A_1137 : i32 to index
        %swap3A_1139 = tpu.vector_load %arg14[%swap3A_1138] {strides = array<i32>} : memref<10000xf32, #tpu.memory_space<vmem>>, vector<16xf32>,
        tpu.vector_store %arg14[%swap3A_1138], %div3A_1132 {strides = array<i32>} : memref<10000xf32, #tpu.memory_space<vmem>>, vector<16xf32>,
      }
      %scan3A_994 = arith.constant 8 : i32
      %add3A_995 = arith.constant 3 : i32
      %add3A_996 = arith.addi %mul3A_930, %add3A_995 : i32
      %mul3A_997 = arith.constant 128 : i32
      %mul3A_998 = arith.muli %add3A_996, %mul3A_997 : i32
      %dma_start3A_999 = tpu.memref_slice %arg6[%mul3A_998] : memref<10000xi32, #tpu.memory_space<vmem>> -> memref<128xi32, #tpu.memory_space<vmem>>
      %dma_start3A_1000 = arith.constant 0 : i32
      %dma_start3A_1001 = arith.constant 0 : i32
      %dma_start3A_1002 = tpu.memref_slice %arg2[%dma_start3A_1000, %dma_start3A_1001] : memref<10000x128xbf16, #tpu.memory_space<hbm>> -> memref<10000x128xbf16, #tpu.memory_space<hbm>>
      tpu.enqueue_indirect_dma source(%dma_start3A_1002 : memref<10000x128xbf16, #tpu.memory_space<hbm>>) target(%arg10 : memref<128x128xbf16, #tpu.memory_space<vmem>>) offsets(%dma_start3A_999 : memref<128xi32, #tpu.memory_space<vmem>>) semaphore(%arg18 : memref<!tpu.dma_semaphore, #tpu.memory_space<semaphore_mem>>)
      %mul3A_1003 = arith.constant 128 : i32
      %mul3A_1004 = arith.muli %add3A_996, %mul3A_1003 : i32
      %dma_start3A_1005 = tpu.memref_slice %arg7[%mul3A_1004] : memref<10000xi32, #tpu.memory_space<vmem>> -> memref<128xi32, #tpu.memory_space<vmem>>
      %dma_start3A_1006 = arith.constant 0 : i32
      %dma_start3A_1007 = arith.constant 0 : i32
      %dma_start3A_1008 = tpu.memref_slice %arg3[%dma_start3A_1006, %dma_start3A_1007] : memref<10000x128xbf16, #tpu.memory_space<hbm>> -> memref<10000x128xbf16, #tpu.memory_space<hbm>>
      tpu.enqueue_indirect_dma source(%dma_start3A_1008 : memref<10000x128xbf16, #tpu.memory_space<hbm>>) target(%arg11 : memref<128x128xbf16, #tpu.memory_space<vmem>>) offsets(%dma_start3A_1005 : memref<128xi32, #tpu.memory_space<vmem>>) semaphore(%arg19 : memref<!tpu.dma_semaphore, #tpu.memory_space<semaphore_mem>>)
    }
    %scan3A_30 = arith.constant 38 : i32
    %dma_wait3A = arith.constant 0 : i32
    %dma_wait3A_31 = arith.constant 0 : i32
    %dma_wait3A_32 = tpu.memref_slice %arg2[%dma_wait3A, %dma_wait3A_31] : memref<10000x128xbf16, #tpu.memory_space<hbm>> -> memref<128x128xbf16, #tpu.memory_space<hbm>>
    %dma_wait3A_33 = arith.constant 0 : i32
    %dma_wait3A_34 = arith.constant 0 : i32
    %dma_wait3A_35 = tpu.memref_slice %arg2[%dma_wait3A_33, %dma_wait3A_34] : memref<10000x128xbf16, #tpu.memory_space<hbm>> -> memref<128x128xbf16, #tpu.memory_space<hbm>>
    tpu.wait_dma2 semaphore(%arg16 : memref<!tpu.dma_semaphore, #tpu.memory_space<semaphore_mem>>) src(%dma_wait3A_35 : memref<128x128xbf16, #tpu.memory_space<hbm>>) dst(%arg8 : memref<128x128xbf16, #tpu.memory_space<vmem>>)
    %dma_wait3A_36 = arith.constant 0 : i32
    %dma_wait3A_37 = arith.constant 0 : i32
    %dma_wait3A_38 = tpu.memref_slice %arg3[%dma_wait3A_36, %dma_wait3A_37] : memref<10000x128xbf16, #tpu.memory_space<hbm>> -> memref<128x128xbf16, #tpu.memory_space<hbm>>
    %dma_wait3A_39 = arith.constant 0 : i32
    %dma_wait3A_40 = arith.constant 0 : i32
    %dma_wait3A_41 = tpu.memref_slice %arg3[%dma_wait3A_39, %dma_wait3A_40] : memref<10000x128xbf16, #tpu.memory_space<hbm>> -> memref<128x128xbf16, #tpu.memory_space<hbm>>
    tpu.wait_dma2 semaphore(%arg17 : memref<!tpu.dma_semaphore, #tpu.memory_space<semaphore_mem>>) src(%dma_wait3A_41 : memref<128x128xbf16, #tpu.memory_space<hbm>>) dst(%arg9 : memref<128x128xbf16, #tpu.memory_space<vmem>>)
    %scan3A_42 = arith.constant 0 : i32
    %scan3A_43 = arith.constant 0 : i32
    %scan3A_44 = arith.constant 8 : i32
    %scan3A_45 = arith.addi %scan3A_43, %scan3A_44 : i32
    %scan3A_46 = arith.constant 1 : i32
    scf.for %scan3A_928 = %scan3A_43 to %scan3A_45 step %scan3A_46  : i32 {
      %mul3A_929 = arith.constant 16 : i32
      %mul3A_930 = arith.muli %scan3A_928, %mul3A_929 : i32
      %get3A_931 = arith.index_cast %mul3A_930 : i32 to index
      %get3A_932 = arith.constant 0 : index
      %get3A_933 = tpu.vector_load %arg8[%get3A_931, %get3A_932] {strides = array<i32>} : memref<128x128xbf16, #tpu.memory_space<vmem>>, vector<32xbf16>,
      %get3A_934 = arith.index_cast %mul3A_930 : i32 to index
      %get3A_935 = arith.constant 0 : index
      %get3A_936 = tpu.vector_load %arg9[%get3A_934, %get3A_935] {strides = array<i32>} : memref<128x128xbf16, #tpu.memory_space<vmem>>, vector<32xbf16>,
      %get3A_937 = arith.index_cast %mul3A_930 : i32 to index
      %get3A_938 = arith.constant 32 : index
      %get3A_939 = tpu.vector_load %arg8[%get3A_937, %get3A_938] {strides = array<i32>} : memref<128x128xbf16, #tpu.memory_space<vmem>>, vector<32xbf16>,
      %get3A_940 = arith.index_cast %mul3A_930 : i32 to index
      %get3A_941 = arith.constant 32 : index
      %get3A_942 = tpu.vector_load %arg9[%get3A_940, %get3A_941] {strides = array<i32>} : memref<128x128xbf16, #tpu.memory_space<vmem>>, vector<32xbf16>,
      %get3A_943 = arith.index_cast %mul3A_930 : i32 to index
      %get3A_944 = arith.constant 64 : index
      %get3A_945 = tpu.vector_load %arg8[%get3A_943, %get3A_944] {strides = array<i32>} : memref<128x128xbf16, #tpu.memory_space<vmem>>, vector<32xbf16>,
      %get3A_946 = arith.index_cast %mul3A_930 : i32 to index
      %get3A_947 = arith.constant 64 : index
      %get3A_948 = tpu.vector_load %arg9[%get3A_946, %get3A_947] {strides = array<i32>} : memref<128x128xbf16, #tpu.memory_space<vmem>>, vector<32xbf16>,
      %get3A_949 = arith.index_cast %mul3A_930 : i32 to index
      %get3A_950 = arith.constant 96 : index
      %get3A_951 = tpu.vector_load %arg8[%get3A_949, %get3A_950] {strides = array<i32>} : memref<128x128xbf16, #tpu.memory_space<vmem>>, vector<32xbf16>,
      %get3A_952 = arith.index_cast %mul3A_930 : i32 to index
      %get3A_953 = arith.constant 96 : index
      %get3A_954 = tpu.vector_load %arg9[%get3A_952, %get3A_953] {strides = array<i32>} : memref<128x128xbf16, #tpu.memory_space<vmem>>, vector<32xbf16>,
      %add3A_955 = arith.constant 1 : i32
      %add3A_956 = arith.addi %mul3A_930, %add3A_955 : i32
      %get3A_957 = arith.index_cast %add3A_956 : i32 to index
      %get3A_958 = arith.constant 0 : index
      %get3A_959 = tpu.vector_load %arg8[%get3A_957, %get3A_958] {strides = array<i32>} : memref<128x128xbf16, #tpu.memory_space<vmem>>, vector<32xbf16>,
      %get3A_960 = arith.index_cast %add3A_956 : i32 to index
      %get3A_961 = arith.constant 0 : index
      %get3A_962 = tpu.vector_load %arg9[%get3A_960, %get3A_961] {strides = array<i32>} : memref<128x128xbf16, #tpu.memory_space<vmem>>, vector<32xbf16>,
      %get3A_963 = arith.index_cast %add3A_956 : i32 to index
      %get3A_964 = arith.constant 32 : index
      %get3A_965 = tpu.vector_load %arg8[%get3A_963, %get3A_964] {strides = array<i32>} : memref<128x128xbf16, #tpu.memory_space<vmem>>, vector<32xbf16>,
      %get3A_966 = arith.index_cast %add3A_956 : i32 to index
      %get3A_967 = arith.constant 32 : index
      %get3A_968 = tpu.vector_load %arg9[%get3A_966, %get3A_967] {strides = array<i32>} : memref<128x128xbf16, #tpu.memory_space<vmem>>, vector<32xbf16>,
      %get3A_969 = arith.index_cast %add3A_956 : i32 to index
      %get3A_970 = arith.constant 64 : index
      %get3A_971 = tpu.vector_load %arg8[%get3A_969, %get3A_970] {strides = array<i32>} : memref<128x128xbf16, #tpu.memory_space<vmem>>, vector<32xbf16>,
      %get3A_972 = arith.index_cast %add3A_956 : i32 to index
      %get3A_973 = arith.constant 64 : index
      %get3A_974 = tpu.vector_load %arg9[%get3A_972, %get3A_973] {strides = array<i32>} : memref<128x128xbf16, #tpu.memory_space<vmem>>, vector<32xbf16>,
      %get3A_975 = arith.index_cast %add3A_956 : i32 to index
      %get3A_976 = arith.constant 96 : index
      %get3A_977 = tpu.vector_load %arg8[%get3A_975, %get3A_976] {strides = array<i32>} : memref<128x128xbf16, #tpu.memory_space<vmem>>, vector<32xbf16>,
      %get3A_978 = arith.index_cast %add3A_956 : i32 to index
      %get3A_979 = arith.constant 96 : index
      %get3A_980 = tpu.vector_load %arg9[%get3A_978, %get3A_979] {strides = array<i32>} : memref<128x128xbf16, #tpu.memory_space<vmem>>, vector<32xbf16>,
      %add3A_981 = arith.constant 0 : i32
      %add3A_982 = arith.addi %mul3A_930, %add3A_981 : i32
      %add3A_983 = arith.constant 2 : i32
      %add3A_984 = arith.addi %add3A_982, %add3A_983 : i32
      %get3A_985 = arith.index_cast %add3A_984 : i32 to index
      %get3A_986 = arith.constant 0 : index
      %get3A_987 = tpu.vector_load %arg8[%get3A_985, %get3A_986] {strides = array<i32>} : memref<128x128xbf16, #tpu.memory_space<vmem>>, vector<32xbf16>,
      %get3A_988 = arith.index_cast %add3A_984 : i32 to index
      %get3A_989 = arith.constant 0 : index
      %get3A_990 = tpu.vector_load %arg9[%get3A_988, %get3A_989] {strides = array<i32>} : memref<128x128xbf16, #tpu.memory_space<vmem>>, vector<32xbf16>,
      %get3A_991 = arith.index_cast %add3A_984 : i32 to index
      %get3A_992 = arith.constant 32 : index
      %get3A_993 = tpu.vector_load %arg8[%get3A_991, %get3A_992] {strides = array<i32>} : memref<128x128xbf16, #tpu.memory_space<vmem>>, vector<32xbf16>,
      %get3A_994 = arith.index_cast %add3A_984 : i32 to index
      %get3A_995 = arith.constant 32 : index
      %get3A_996 = tpu.vector_load %arg9[%get3A_994, %get3A_995] {strides = array<i32>} : memref<128x128xbf16, #tpu.memory_space<vmem>>, vector<32xbf16>,
      %get3A_997 = arith.index_cast %add3A_984 : i32 to index
      %get3A_998 = arith.constant 64 : index
      %get3A_999 = tpu.vector_load %arg8[%get3A_997, %get3A_998] {strides = array<i32>} : memref<128x128xbf16, #tpu.memory_space<vmem>>, vector<32xbf16>,
      %get3A_1000 = arith.index_cast %add3A_984 : i32 to index
      %get3A_1001 = arith.constant 64 : index
      %get3A_1002 = tpu.vector_load %arg9[%get3A_1000, %get3A_1001] {strides = array<i32>} : memref<128x128xbf16, #tpu.memory_space<vmem>>, vector<32xbf16>,
      %get3A_1003 = arith.index_cast %add3A_984 : i32 to index
      %get3A_1004 = arith.constant 96 : index
      %get3A_1005 = tpu.vector_load %arg8[%get3A_1003, %get3A_1004] {strides = array<i32>} : memref<128x128xbf16, #tpu.memory_space<vmem>>, vector<32xbf16>,
      %get3A_1006 = arith.index_cast %add3A_984 : i32 to index
      %get3A_1007 = arith.constant 96 : index
      %get3A_1008 = tpu.vector_load %arg9[%get3A_1006, %get3A_1007] {strides = array<i32>} : memref<128x128xbf16, #tpu.memory_space<vmem>>, vector<32xbf16>,
      %mul3A_1009 = arith.mulf %get3A_933, %get3A_936 : vector<32xbf16>
      %mul3A_1010 = arith.mulf %get3A_939, %get3A_942 : vector<32xbf16>
      %add3A_1011 = arith.addf %mul3A_1009, %mul3A_1010 : vector<32xbf16>
      %mul3A_1012 = arith.mulf %get3A_945, %get3A_948 : vector<32xbf16>
      %mul3A_1013 = arith.mulf %get3A_951, %get3A_954 : vector<32xbf16>
      %add3A_1014 = arith.addf %mul3A_1012, %mul3A_1013 : vector<32xbf16>
      %add3A_1015 = arith.addf %add3A_1011, %add3A_1014 : vector<32xbf16>
      %unpack3A_1016 = tpu.unpack_subelements %add3A_1015, 0 {pack_format = #tpu.pack_format<interleaved>} : vector<32xbf16> -> vector<16xf32>
      %unpack3A_1017 = tpu.unpack_subelements %add3A_1015, 1 {pack_format = #tpu.pack_format<interleaved>} : vector<32xbf16> -> vector<16xf32>
      %add3A_1018 = arith.addf %unpack3A_1016, %unpack3A_1017 : vector<16xf32>
      %mul3A_1019 = arith.constant 256 : i32
      %mul3A_1020 = arith.muli %scan3A_928, %mul3A_1019 : i32
      %add3A_1021 = arith.constant 0 : i32
      %add3A_1022 = arith.addi %mul3A_1020, %add3A_1021 : i32
      %swap3A_1023 = arith.index_cast %add3A_1022 : i32 to index
      %swap3A_1024 = tpu.vector_load %arg15[%swap3A_1023] {strides = array<i32>} : memref<2048xf32, #tpu.memory_space<vmem>>, vector<16xf32>,
      tpu.vector_store %arg15[%swap3A_1023], %add3A_1018 {strides = array<i32>} : memref<2048xf32, #tpu.memory_space<vmem>>, vector<16xf32>,
      %add3A_1025 = arith.constant 1 : i32
      %add3A_1026 = arith.addi %mul3A_930, %add3A_1025 : i32
      %add3A_1027 = arith.constant 2 : i32
      %add3A_1028 = arith.addi %add3A_1026, %add3A_1027 : i32
      %get3A_1029 = arith.index_cast %add3A_1028 : i32 to index
      %get3A_1030 = arith.constant 0 : index
      %get3A_1031 = tpu.vector_load %arg8[%get3A_1029, %get3A_1030] {strides = array<i32>} : memref<128x128xbf16, #tpu.memory_space<vmem>>, vector<32xbf16>,
      %get3A_1032 = arith.index_cast %add3A_1028 : i32 to index
      %get3A_1033 = arith.constant 0 : index
      %get3A_1034 = tpu.vector_load %arg9[%get3A_1032, %get3A_1033] {strides = array<i32>} : memref<128x128xbf16, #tpu.memory_space<vmem>>, vector<32xbf16>,
      %get3A_1035 = arith.index_cast %add3A_1028 : i32 to index
      %get3A_1036 = arith.constant 32 : index
      %get3A_1037 = tpu.vector_load %arg8[%get3A_1035, %get3A_1036] {strides = array<i32>} : memref<128x128xbf16, #tpu.memory_space<vmem>>, vector<32xbf16>,
      %get3A_1038 = arith.index_cast %add3A_1028 : i32 to index
      %get3A_1039 = arith.constant 32 : index
      %get3A_1040 = tpu.vector_load %arg9[%get3A_1038, %get3A_1039] {strides = array<i32>} : memref<128x128xbf16, #tpu.memory_space<vmem>>, vector<32xbf16>,
      %get3A_1041 = arith.index_cast %add3A_1028 : i32 to index
      %get3A_1042 = arith.constant 64 : index
      %get3A_1043 = tpu.vector_load %arg8[%get3A_1041, %get3A_1042] {strides = array<i32>} : memref<128x128xbf16, #tpu.memory_space<vmem>>, vector<32xbf16>,
      %get3A_1044 = arith.index_cast %add3A_1028 : i32 to index
      %get3A_1045 = arith.constant 64 : index
      %get3A_1046 = tpu.vector_load %arg9[%get3A_1044, %get3A_1045] {strides = array<i32>} : memref<128x128xbf16, #tpu.memory_space<vmem>>, vector<32xbf16>,
      %get3A_1047 = arith.index_cast %add3A_1028 : i32 to index
      %get3A_1048 = arith.constant 96 : index
      %get3A_1049 = tpu.vector_load %arg8[%get3A_1047, %get3A_1048] {strides = array<i32>} : memref<128x128xbf16, #tpu.memory_space<vmem>>, vector<32xbf16>,
      %get3A_1050 = arith.index_cast %add3A_1028 : i32 to index
      %get3A_1051 = arith.constant 96 : index
      %get3A_1052 = tpu.vector_load %arg9[%get3A_1050, %get3A_1051] {strides = array<i32>} : memref<128x128xbf16, #tpu.memory_space<vmem>>, vector<32xbf16>,
      %mul3A_1053 = arith.mulf %get3A_959, %get3A_962 : vector<32xbf16>
      %mul3A_1054 = arith.mulf %get3A_965, %get3A_968 : vector<32xbf16>
      %add3A_1055 = arith.addf %mul3A_1053, %mul3A_1054 : vector<32xbf16>
      %mul3A_1056 = arith.mulf %get3A_971, %get3A_974 : vector<32xbf16>
      %mul3A_1057 = arith.mulf %get3A_977, %get3A_980 : vector<32xbf16>
      %add3A_1058 = arith.addf %mul3A_1056, %mul3A_1057 : vector<32xbf16>
      %add3A_1059 = arith.addf %add3A_1055, %add3A_1058 : vector<32xbf16>
      %unpack3A_1060 = tpu.unpack_subelements %add3A_1059, 0 {pack_format = #tpu.pack_format<interleaved>} : vector<32xbf16> -> vector<16xf32>
      %unpack3A_1061 = tpu.unpack_subelements %add3A_1059, 1 {pack_format = #tpu.pack_format<interleaved>} : vector<32xbf16> -> vector<16xf32>
      %add3A_1062 = arith.addf %unpack3A_1060, %unpack3A_1061 : vector<16xf32>
      %mul3A_1063 = arith.constant 256 : i32
      %mul3A_1064 = arith.muli %scan3A_928, %mul3A_1063 : i32
      %add3A_1065 = arith.constant 16 : i32
      %add3A_1066 = arith.addi %mul3A_1064, %add3A_1065 : i32
      %swap3A_1067 = arith.index_cast %add3A_1066 : i32 to index
      %swap3A_1068 = tpu.vector_load %arg15[%swap3A_1067] {strides = array<i32>} : memref<2048xf32, #tpu.memory_space<vmem>>, vector<16xf32>,
      tpu.vector_store %arg15[%swap3A_1067], %add3A_1062 {strides = array<i32>} : memref<2048xf32, #tpu.memory_space<vmem>>, vector<16xf32>,
      %add3A_1069 = arith.constant 2 : i32
      %add3A_1070 = arith.addi %mul3A_930, %add3A_1069 : i32
      %add3A_1071 = arith.constant 2 : i32
      %add3A_1072 = arith.addi %add3A_1070, %add3A_1071 : i32
      %get3A_1073 = arith.index_cast %add3A_1072 : i32 to index
      %get3A_1074 = arith.constant 0 : index
      %get3A_1075 = tpu.vector_load %arg8[%get3A_1073, %get3A_1074] {strides = array<i32>} : memref<128x128xbf16, #tpu.memory_space<vmem>>, vector<32xbf16>,
      %get3A_1076 = arith.index_cast %add3A_1072 : i32 to index
      %get3A_1077 = arith.constant 0 : index
      %get3A_1078 = tpu.vector_load %arg9[%get3A_1076, %get3A_1077] {strides = array<i32>} : memref<128x128xbf16, #tpu.memory_space<vmem>>, vector<32xbf16>,
      %get3A_1079 = arith.index_cast %add3A_1072 : i32 to index
      %get3A_1080 = arith.constant 32 : index
      %get3A_1081 = tpu.vector_load %arg8[%get3A_1079, %get3A_1080] {strides = array<i32>} : memref<128x128xbf16, #tpu.memory_space<vmem>>, vector<32xbf16>,
      %get3A_1082 = arith.index_cast %add3A_1072 : i32 to index
      %get3A_1083 = arith.constant 32 : index
      %get3A_1084 = tpu.vector_load %arg9[%get3A_1082, %get3A_1083] {strides = array<i32>} : memref<128x128xbf16, #tpu.memory_space<vmem>>, vector<32xbf16>,
      %get3A_1085 = arith.index_cast %add3A_1072 : i32 to index
      %get3A_1086 = arith.constant 64 : index
      %get3A_1087 = tpu.vector_load %arg8[%get3A_1085, %get3A_1086] {strides = array<i32>} : memref<128x128xbf16, #tpu.memory_space<vmem>>, vector<32xbf16>,
      %get3A_1088 = arith.index_cast %add3A_1072 : i32 to index
      %get3A_1089 = arith.constant 64 : index
      %get3A_1090 = tpu.vector_load %arg9[%get3A_1088, %get3A_1089] {strides = array<i32>} : memref<128x128xbf16, #tpu.memory_space<vmem>>, vector<32xbf16>,
      %get3A_1091 = arith.index_cast %add3A_1072 : i32 to index
      %get3A_1092 = arith.constant 96 : index
      %get3A_1093 = tpu.vector_load %arg8[%get3A_1091, %get3A_1092] {strides = array<i32>} : memref<128x128xbf16, #tpu.memory_space<vmem>>, vector<32xbf16>,
      %get3A_1094 = arith.index_cast %add3A_1072 : i32 to index
      %get3A_1095 = arith.constant 96 : index
      %get3A_1096 = tpu.vector_load %arg9[%get3A_1094, %get3A_1095] {strides = array<i32>} : memref<128x128xbf16, #tpu.memory_space<vmem>>, vector<32xbf16>,
      %mul3A_1097 = arith.mulf %get3A_987, %get3A_990 : vector<32xbf16>
      %mul3A_1098 = arith.mulf %get3A_993, %get3A_996 : vector<32xbf16>
      %add3A_1099 = arith.addf %mul3A_1097, %mul3A_1098 : vector<32xbf16>
      %mul3A_1100 = arith.mulf %get3A_999, %get3A_1002 : vector<32xbf16>
      %mul3A_1101 = arith.mulf %get3A_1005, %get3A_1008 : vector<32xbf16>
      %add3A_1102 = arith.addf %mul3A_1100, %mul3A_1101 : vector<32xbf16>
      %add3A_1103 = arith.addf %add3A_1099, %add3A_1102 : vector<32xbf16>
      %unpack3A_1104 = tpu.unpack_subelements %add3A_1103, 0 {pack_format = #tpu.pack_format<interleaved>} : vector<32xbf16> -> vector<16xf32>
      %unpack3A_1105 = tpu.unpack_subelements %add3A_1103, 1 {pack_format = #tpu.pack_format<interleaved>} : vector<32xbf16> -> vector<16xf32>
      %add3A_1106 = arith.addf %unpack3A_1104, %unpack3A_1105 : vector<16xf32>
      %mul3A_1107 = arith.constant 256 : i32
      %mul3A_1108 = arith.muli %scan3A_928, %mul3A_1107 : i32
      %add3A_1109 = arith.constant 32 : i32
      %add3A_1110 = arith.addi %mul3A_1108, %add3A_1109 : i32
      %swap3A_1111 = arith.index_cast %add3A_1110 : i32 to index
      %swap3A_1112 = tpu.vector_load %arg15[%swap3A_1111] {strides = array<i32>} : memref<2048xf32, #tpu.memory_space<vmem>>, vector<16xf32>,
      tpu.vector_store %arg15[%swap3A_1111], %add3A_1106 {strides = array<i32>} : memref<2048xf32, #tpu.memory_space<vmem>>, vector<16xf32>,
      %add3A_1113 = arith.constant 3 : i32
      %add3A_1114 = arith.addi %mul3A_930, %add3A_1113 : i32
      %add3A_1115 = arith.constant 2 : i32
      %add3A_1116 = arith.addi %add3A_1114, %add3A_1115 : i32
      %get3A_1117 = arith.index_cast %add3A_1116 : i32 to index
      %get3A_1118 = arith.constant 0 : index
      %get3A_1119 = tpu.vector_load %arg8[%get3A_1117, %get3A_1118] {strides = array<i32>} : memref<128x128xbf16, #tpu.memory_space<vmem>>, vector<32xbf16>,
      %get3A_1120 = arith.index_cast %add3A_1116 : i32 to index
      %get3A_1121 = arith.constant 0 : index
      %get3A_1122 = tpu.vector_load %arg9[%get3A_1120, %get3A_1121] {strides = array<i32>} : memref<128x128xbf16, #tpu.memory_space<vmem>>, vector<32xbf16>,
      %get3A_1123 = arith.index_cast %add3A_1116 : i32 to index
      %get3A_1124 = arith.constant 32 : index
      %get3A_1125 = tpu.vector_load %arg8[%get3A_1123, %get3A_1124] {strides = array<i32>} : memref<128x128xbf16, #tpu.memory_space<vmem>>, vector<32xbf16>,
      %get3A_1126 = arith.index_cast %add3A_1116 : i32 to index
      %get3A_1127 = arith.constant 32 : index
      %get3A_1128 = tpu.vector_load %arg9[%get3A_1126, %get3A_1127] {strides = array<i32>} : memref<128x128xbf16, #tpu.memory_space<vmem>>, vector<32xbf16>,
      %get3A_1129 = arith.index_cast %add3A_1116 : i32 to index
      %get3A_1130 = arith.constant 64 : index
      %get3A_1131 = tpu.vector_load %arg8[%get3A_1129, %get3A_1130] {strides = array<i32>} : memref<128x128xbf16, #tpu.memory_space<vmem>>, vector<32xbf16>,
      %get3A_1132 = arith.index_cast %add3A_1116 : i32 to index
      %get3A_1133 = arith.constant 64 : index
      %get3A_1134 = tpu.vector_load %arg9[%get3A_1132, %get3A_1133] {strides = array<i32>} : memref<128x128xbf16, #tpu.memory_space<vmem>>, vector<32xbf16>,
      %get3A_1135 = arith.index_cast %add3A_1116 : i32 to index
      %get3A_1136 = arith.constant 96 : index
      %get3A_1137 = tpu.vector_load %arg8[%get3A_1135, %get3A_1136] {strides = array<i32>} : memref<128x128xbf16, #tpu.memory_space<vmem>>, vector<32xbf16>,
      %get3A_1138 = arith.index_cast %add3A_1116 : i32 to index
      %get3A_1139 = arith.constant 96 : index
      %get3A_1140 = tpu.vector_load %arg9[%get3A_1138, %get3A_1139] {strides = array<i32>} : memref<128x128xbf16, #tpu.memory_space<vmem>>, vector<32xbf16>,
      %mul3A_1141 = arith.mulf %get3A_1031, %get3A_1034 : vector<32xbf16>
      %mul3A_1142 = arith.mulf %get3A_1037, %get3A_1040 : vector<32xbf16>
      %add3A_1143 = arith.addf %mul3A_1141, %mul3A_1142 : vector<32xbf16>
      %mul3A_1144 = arith.mulf %get3A_1043, %get3A_1046 : vector<32xbf16>
      %mul3A_1145 = arith.mulf %get3A_1049, %get3A_1052 : vector<32xbf16>
      %add3A_1146 = arith.addf %mul3A_1144, %mul3A_1145 : vector<32xbf16>
      %add3A_1147 = arith.addf %add3A_1143, %add3A_1146 : vector<32xbf16>
      %unpack3A_1148 = tpu.unpack_subelements %add3A_1147, 0 {pack_format = #tpu.pack_format<interleaved>} : vector<32xbf16> -> vector<16xf32>
      %unpack3A_1149 = tpu.unpack_subelements %add3A_1147, 1 {pack_format = #tpu.pack_format<interleaved>} : vector<32xbf16> -> vector<16xf32>
      %add3A_1150 = arith.addf %unpack3A_1148, %unpack3A_1149 : vector<16xf32>
      %mul3A_1151 = arith.constant 256 : i32
      %mul3A_1152 = arith.muli %scan3A_928, %mul3A_1151 : i32
      %add3A_1153 = arith.constant 48 : i32
      %add3A_1154 = arith.addi %mul3A_1152, %add3A_1153 : i32
      %swap3A_1155 = arith.index_cast %add3A_1154 : i32 to index
      %swap3A_1156 = tpu.vector_load %arg15[%swap3A_1155] {strides = array<i32>} : memref<2048xf32, #tpu.memory_space<vmem>>, vector<16xf32>,
      tpu.vector_store %arg15[%swap3A_1155], %add3A_1150 {strides = array<i32>} : memref<2048xf32, #tpu.memory_space<vmem>>, vector<16xf32>,
      %add3A_1157 = arith.constant 4 : i32
      %add3A_1158 = arith.addi %mul3A_930, %add3A_1157 : i32
      %add3A_1159 = arith.constant 2 : i32
      %add3A_1160 = arith.addi %add3A_1158, %add3A_1159 : i32
      %get3A_1161 = arith.index_cast %add3A_1160 : i32 to index
      %get3A_1162 = arith.constant 0 : index
      %get3A_1163 = tpu.vector_load %arg8[%get3A_1161, %get3A_1162] {strides = array<i32>} : memref<128x128xbf16, #tpu.memory_space<vmem>>, vector<32xbf16>,
      %get3A_1164 = arith.index_cast %add3A_1160 : i32 to index
      %get3A_1165 = arith.constant 0 : index
      %get3A_1166 = tpu.vector_load %arg9[%get3A_1164, %get3A_1165] {strides = array<i32>} : memref<128x128xbf16, #tpu.memory_space<vmem>>, vector<32xbf16>,
      %get3A_1167 = arith.index_cast %add3A_1160 : i32 to index
      %get3A_1168 = arith.constant 32 : index
      %get3A_1169 = tpu.vector_load %arg8[%get3A_1167, %get3A_1168] {strides = array<i32>} : memref<128x128xbf16, #tpu.memory_space<vmem>>, vector<32xbf16>,
      %get3A_1170 = arith.index_cast %add3A_1160 : i32 to index
      %get3A_1171 = arith.constant 32 : index
      %get3A_1172 = tpu.vector_load %arg9[%get3A_1170, %get3A_1171] {strides = array<i32>} : memref<128x128xbf16, #tpu.memory_space<vmem>>, vector<32xbf16>,
      %get3A_1173 = arith.index_cast %add3A_1160 : i32 to index
      %get3A_1174 = arith.constant 64 : index
      %get3A_1175 = tpu.vector_load %arg8[%get3A_1173, %get3A_1174] {strides = array<i32>} : memref<128x128xbf16, #tpu.memory_space<vmem>>, vector<32xbf16>,
      %get3A_1176 = arith.index_cast %add3A_1160 : i32 to index
      %get3A_1177 = arith.constant 64 : index
      %get3A_1178 = tpu.vector_load %arg9[%get3A_1176, %get3A_1177] {strides = array<i32>} : memref<128x128xbf16, #tpu.memory_space<vmem>>, vector<32xbf16>,
      %get3A_1179 = arith.index_cast %add3A_1160 : i32 to index
      %get3A_1180 = arith.constant 96 : index
      %get3A_1181 = tpu.vector_load %arg8[%get3A_1179, %get3A_1180] {strides = array<i32>} : memref<128x128xbf16, #tpu.memory_space<vmem>>, vector<32xbf16>,
      %get3A_1182 = arith.index_cast %add3A_1160 : i32 to index
      %get3A_1183 = arith.constant 96 : index
      %get3A_1184 = tpu.vector_load %arg9[%get3A_1182, %get3A_1183] {strides = array<i32>} : memref<128x128xbf16, #tpu.memory_space<vmem>>, vector<32xbf16>,
      %mul3A_1185 = arith.mulf %get3A_1075, %get3A_1078 : vector<32xbf16>
      %mul3A_1186 = arith.mulf %get3A_1081, %get3A_1084 : vector<32xbf16>
      %add3A_1187 = arith.addf %mul3A_1185, %mul3A_1186 : vector<32xbf16>
      %mul3A_1188 = arith.mulf %get3A_1087, %get3A_1090 : vector<32xbf16>
      %mul3A_1189 = arith.mulf %get3A_1093, %get3A_1096 : vector<32xbf16>
      %add3A_1190 = arith.addf %mul3A_1188, %mul3A_1189 : vector<32xbf16>
      %add3A_1191 = arith.addf %add3A_1187, %add3A_1190 : vector<32xbf16>
      %unpack3A_1192 = tpu.unpack_subelements %add3A_1191, 0 {pack_format = #tpu.pack_format<interleaved>} : vector<32xbf16> -> vector<16xf32>
      %unpack3A_1193 = tpu.unpack_subelements %add3A_1191, 1 {pack_format = #tpu.pack_format<interleaved>} : vector<32xbf16> -> vector<16xf32>
      %add3A_1194 = arith.addf %unpack3A_1192, %unpack3A_1193 : vector<16xf32>
      %mul3A_1195 = arith.constant 256 : i32
      %mul3A_1196 = arith.muli %scan3A_928, %mul3A_1195 : i32
      %add3A_1197 = arith.constant 64 : i32
      %add3A_1198 = arith.addi %mul3A_1196, %add3A_1197 : i32
      %swap3A_1199 = arith.index_cast %add3A_1198 : i32 to index
      %swap3A_1200 = tpu.vector_load %arg15[%swap3A_1199] {strides = array<i32>} : memref<2048xf32, #tpu.memory_space<vmem>>, vector<16xf32>,
      tpu.vector_store %arg15[%swap3A_1199], %add3A_1194 {strides = array<i32>} : memref<2048xf32, #tpu.memory_space<vmem>>, vector<16xf32>,
      %add3A_1201 = arith.constant 5 : i32
      %add3A_1202 = arith.addi %mul3A_930, %add3A_1201 : i32
      %add3A_1203 = arith.constant 2 : i32
      %add3A_1204 = arith.addi %add3A_1202, %add3A_1203 : i32
      %get3A_1205 = arith.index_cast %add3A_1204 : i32 to index
      %get3A_1206 = arith.constant 0 : index
      %get3A_1207 = tpu.vector_load %arg8[%get3A_1205, %get3A_1206] {strides = array<i32>} : memref<128x128xbf16, #tpu.memory_space<vmem>>, vector<32xbf16>,
      %get3A_1208 = arith.index_cast %add3A_1204 : i32 to index
      %get3A_1209 = arith.constant 0 : index
      %get3A_1210 = tpu.vector_load %arg9[%get3A_1208, %get3A_1209] {strides = array<i32>} : memref<128x128xbf16, #tpu.memory_space<vmem>>, vector<32xbf16>,
      %get3A_1211 = arith.index_cast %add3A_1204 : i32 to index
      %get3A_1212 = arith.constant 32 : index
      %get3A_1213 = tpu.vector_load %arg8[%get3A_1211, %get3A_1212] {strides = array<i32>} : memref<128x128xbf16, #tpu.memory_space<vmem>>, vector<32xbf16>,
      %get3A_1214 = arith.index_cast %add3A_1204 : i32 to index
      %get3A_1215 = arith.constant 32 : index
      %get3A_1216 = tpu.vector_load %arg9[%get3A_1214, %get3A_1215] {strides = array<i32>} : memref<128x128xbf16, #tpu.memory_space<vmem>>, vector<32xbf16>,
      %get3A_1217 = arith.index_cast %add3A_1204 : i32 to index
      %get3A_1218 = arith.constant 64 : index
      %get3A_1219 = tpu.vector_load %arg8[%get3A_1217, %get3A_1218] {strides = array<i32>} : memref<128x128xbf16, #tpu.memory_space<vmem>>, vector<32xbf16>,
      %get3A_1220 = arith.index_cast %add3A_1204 : i32 to index
      %get3A_1221 = arith.constant 64 : index
      %get3A_1222 = tpu.vector_load %arg9[%get3A_1220, %get3A_1221] {strides = array<i32>} : memref<128x128xbf16, #tpu.memory_space<vmem>>, vector<32xbf16>,
      %get3A_1223 = arith.index_cast %add3A_1204 : i32 to index
      %get3A_1224 = arith.constant 96 : index
      %get3A_1225 = tpu.vector_load %arg8[%get3A_1223, %get3A_1224] {strides = array<i32>} : memref<128x128xbf16, #tpu.memory_space<vmem>>, vector<32xbf16>,
      %get3A_1226 = arith.index_cast %add3A_1204 : i32 to index
      %get3A_1227 = arith.constant 96 : index
      %get3A_1228 = tpu.vector_load %arg9[%get3A_1226, %get3A_1227] {strides = array<i32>} : memref<128x128xbf16, #tpu.memory_space<vmem>>, vector<32xbf16>,
      %mul3A_1229 = arith.mulf %get3A_1119, %get3A_1122 : vector<32xbf16>
      %mul3A_1230 = arith.mulf %get3A_1125, %get3A_1128 : vector<32xbf16>
      %add3A_1231 = arith.addf %mul3A_1229, %mul3A_1230 : vector<32xbf16>
      %mul3A_1232 = arith.mulf %get3A_1131, %get3A_1134 : vector<32xbf16>
      %mul3A_1233 = arith.mulf %get3A_1137, %get3A_1140 : vector<32xbf16>
      %add3A_1234 = arith.addf %mul3A_1232, %mul3A_1233 : vector<32xbf16>
      %add3A_1235 = arith.addf %add3A_1231, %add3A_1234 : vector<32xbf16>
      %unpack3A_1236 = tpu.unpack_subelements %add3A_1235, 0 {pack_format = #tpu.pack_format<interleaved>} : vector<32xbf16> -> vector<16xf32>
      %unpack3A_1237 = tpu.unpack_subelements %add3A_1235, 1 {pack_format = #tpu.pack_format<interleaved>} : vector<32xbf16> -> vector<16xf32>
      %add3A_1238 = arith.addf %unpack3A_1236, %unpack3A_1237 : vector<16xf32>
      %mul3A_1239 = arith.constant 256 : i32
      %mul3A_1240 = arith.muli %scan3A_928, %mul3A_1239 : i32
      %add3A_1241 = arith.constant 80 : i32
      %add3A_1242 = arith.addi %mul3A_1240, %add3A_1241 : i32
      %swap3A_1243 = arith.index_cast %add3A_1242 : i32 to index
      %swap3A_1244 = tpu.vector_load %arg15[%swap3A_1243] {strides = array<i32>} : memref<2048xf32, #tpu.memory_space<vmem>>, vector<16xf32>,
      tpu.vector_store %arg15[%swap3A_1243], %add3A_1238 {strides = array<i32>} : memref<2048xf32, #tpu.memory_space<vmem>>, vector<16xf32>,
      %add3A_1245 = arith.constant 6 : i32
      %add3A_1246 = arith.addi %mul3A_930, %add3A_1245 : i32
      %add3A_1247 = arith.constant 2 : i32
      %add3A_1248 = arith.addi %add3A_1246, %add3A_1247 : i32
      %get3A_1249 = arith.index_cast %add3A_1248 : i32 to index
      %get3A_1250 = arith.constant 0 : index
      %get3A_1251 = tpu.vector_load %arg8[%get3A_1249, %get3A_1250] {strides = array<i32>} : memref<128x128xbf16, #tpu.memory_space<vmem>>, vector<32xbf16>,
      %get3A_1252 = arith.index_cast %add3A_1248 : i32 to index
      %get3A_1253 = arith.constant 0 : index
      %get3A_1254 = tpu.vector_load %arg9[%get3A_1252, %get3A_1253] {strides = array<i32>} : memref<128x128xbf16, #tpu.memory_space<vmem>>, vector<32xbf16>,
      %get3A_1255 = arith.index_cast %add3A_1248 : i32 to index
      %get3A_1256 = arith.constant 32 : index
      %get3A_1257 = tpu.vector_load %arg8[%get3A_1255, %get3A_1256] {strides = array<i32>} : memref<128x128xbf16, #tpu.memory_space<vmem>>, vector<32xbf16>,
      %get3A_1258 = arith.index_cast %add3A_1248 : i32 to index
      %get3A_1259 = arith.constant 32 : index
      %get3A_1260 = tpu.vector_load %arg9[%get3A_1258, %get3A_1259] {strides = array<i32>} : memref<128x128xbf16, #tpu.memory_space<vmem>>, vector<32xbf16>,
      %get3A_1261 = arith.index_cast %add3A_1248 : i32 to index
      %get3A_1262 = arith.constant 64 : index
      %get3A_1263 = tpu.vector_load %arg8[%get3A_1261, %get3A_1262] {strides = array<i32>} : memref<128x128xbf16, #tpu.memory_space<vmem>>, vector<32xbf16>,
      %get3A_1264 = arith.index_cast %add3A_1248 : i32 to index
      %get3A_1265 = arith.constant 64 : index
      %get3A_1266 = tpu.vector_load %arg9[%get3A_1264, %get3A_1265] {strides = array<i32>} : memref<128x128xbf16, #tpu.memory_space<vmem>>, vector<32xbf16>,
      %get3A_1267 = arith.index_cast %add3A_1248 : i32 to index
      %get3A_1268 = arith.constant 96 : index
      %get3A_1269 = tpu.vector_load %arg8[%get3A_1267, %get3A_1268] {strides = array<i32>} : memref<128x128xbf16, #tpu.memory_space<vmem>>, vector<32xbf16>,
      %get3A_1270 = arith.index_cast %add3A_1248 : i32 to index
      %get3A_1271 = arith.constant 96 : index
      %get3A_1272 = tpu.vector_load %arg9[%get3A_1270, %get3A_1271] {strides = array<i32>} : memref<128x128xbf16, #tpu.memory_space<vmem>>, vector<32xbf16>,
      %mul3A_1273 = arith.mulf %get3A_1163, %get3A_1166 : vector<32xbf16>
      %mul3A_1274 = arith.mulf %get3A_1169, %get3A_1172 : vector<32xbf16>
      %add3A_1275 = arith.addf %mul3A_1273, %mul3A_1274 : vector<32xbf16>
      %mul3A_1276 = arith.mulf %get3A_1175, %get3A_1178 : vector<32xbf16>
      %mul3A_1277 = arith.mulf %get3A_1181, %get3A_1184 : vector<32xbf16>
      %add3A_1278 = arith.addf %mul3A_1276, %mul3A_1277 : vector<32xbf16>
      %add3A_1279 = arith.addf %add3A_1275, %add3A_1278 : vector<32xbf16>
      %unpack3A_1280 = tpu.unpack_subelements %add3A_1279, 0 {pack_format = #tpu.pack_format<interleaved>} : vector<32xbf16> -> vector<16xf32>
      %unpack3A_1281 = tpu.unpack_subelements %add3A_1279, 1 {pack_format = #tpu.pack_format<interleaved>} : vector<32xbf16> -> vector<16xf32>
      %add3A_1282 = arith.addf %unpack3A_1280, %unpack3A_1281 : vector<16xf32>
      %mul3A_1283 = arith.constant 256 : i32
      %mul3A_1284 = arith.muli %scan3A_928, %mul3A_1283 : i32
      %add3A_1285 = arith.constant 96 : i32
      %add3A_1286 = arith.addi %mul3A_1284, %add3A_1285 : i32
      %swap3A_1287 = arith.index_cast %add3A_1286 : i32 to index
      %swap3A_1288 = tpu.vector_load %arg15[%swap3A_1287] {strides = array<i32>} : memref<2048xf32, #tpu.memory_space<vmem>>, vector<16xf32>,
      tpu.vector_store %arg15[%swap3A_1287], %add3A_1282 {strides = array<i32>} : memref<2048xf32, #tpu.memory_space<vmem>>, vector<16xf32>,
      %add3A_1289 = arith.constant 7 : i32
      %add3A_1290 = arith.addi %mul3A_930, %add3A_1289 : i32
      %add3A_1291 = arith.constant 2 : i32
      %add3A_1292 = arith.addi %add3A_1290, %add3A_1291 : i32
      %get3A_1293 = arith.index_cast %add3A_1292 : i32 to index
      %get3A_1294 = arith.constant 0 : index
      %get3A_1295 = tpu.vector_load %arg8[%get3A_1293, %get3A_1294] {strides = array<i32>} : memref<128x128xbf16, #tpu.memory_space<vmem>>, vector<32xbf16>,
      %get3A_1296 = arith.index_cast %add3A_1292 : i32 to index
      %get3A_1297 = arith.constant 0 : index
      %get3A_1298 = tpu.vector_load %arg9[%get3A_1296, %get3A_1297] {strides = array<i32>} : memref<128x128xbf16, #tpu.memory_space<vmem>>, vector<32xbf16>,
      %get3A_1299 = arith.index_cast %add3A_1292 : i32 to index
      %get3A_1300 = arith.constant 32 : index
      %get3A_1301 = tpu.vector_load %arg8[%get3A_1299, %get3A_1300] {strides = array<i32>} : memref<128x128xbf16, #tpu.memory_space<vmem>>, vector<32xbf16>,
      %get3A_1302 = arith.index_cast %add3A_1292 : i32 to index
      %get3A_1303 = arith.constant 32 : index
      %get3A_1304 = tpu.vector_load %arg9[%get3A_1302, %get3A_1303] {strides = array<i32>} : memref<128x128xbf16, #tpu.memory_space<vmem>>, vector<32xbf16>,
      %get3A_1305 = arith.index_cast %add3A_1292 : i32 to index
      %get3A_1306 = arith.constant 64 : index
      %get3A_1307 = tpu.vector_load %arg8[%get3A_1305, %get3A_1306] {strides = array<i32>} : memref<128x128xbf16, #tpu.memory_space<vmem>>, vector<32xbf16>,
      %get3A_1308 = arith.index_cast %add3A_1292 : i32 to index
      %get3A_1309 = arith.constant 64 : index
      %get3A_1310 = tpu.vector_load %arg9[%get3A_1308, %get3A_1309] {strides = array<i32>} : memref<128x128xbf16, #tpu.memory_space<vmem>>, vector<32xbf16>,
      %get3A_1311 = arith.index_cast %add3A_1292 : i32 to index
      %get3A_1312 = arith.constant 96 : index
      %get3A_1313 = tpu.vector_load %arg8[%get3A_1311, %get3A_1312] {strides = array<i32>} : memref<128x128xbf16, #tpu.memory_space<vmem>>, vector<32xbf16>,
      %get3A_1314 = arith.index_cast %add3A_1292 : i32 to index
      %get3A_1315 = arith.constant 96 : index
      %get3A_1316 = tpu.vector_load %arg9[%get3A_1314, %get3A_1315] {strides = array<i32>} : memref<128x128xbf16, #tpu.memory_space<vmem>>, vector<32xbf16>,
      %mul3A_1317 = arith.mulf %get3A_1207, %get3A_1210 : vector<32xbf16>
      %mul3A_1318 = arith.mulf %get3A_1213, %get3A_1216 : vector<32xbf16>
      %add3A_1319 = arith.addf %mul3A_1317, %mul3A_1318 : vector<32xbf16>
      %mul3A_1320 = arith.mulf %get3A_1219, %get3A_1222 : vector<32xbf16>
      %mul3A_1321 = arith.mulf %get3A_1225, %get3A_1228 : vector<32xbf16>
      %add3A_1322 = arith.addf %mul3A_1320, %mul3A_1321 : vector<32xbf16>
      %add3A_1323 = arith.addf %add3A_1319, %add3A_1322 : vector<32xbf16>
      %unpack3A_1324 = tpu.unpack_subelements %add3A_1323, 0 {pack_format = #tpu.pack_format<interleaved>} : vector<32xbf16> -> vector<16xf32>
      %unpack3A_1325 = tpu.unpack_subelements %add3A_1323, 1 {pack_format = #tpu.pack_format<interleaved>} : vector<32xbf16> -> vector<16xf32>
      %add3A_1326 = arith.addf %unpack3A_1324, %unpack3A_1325 : vector<16xf32>
      %mul3A_1327 = arith.constant 256 : i32
      %mul3A_1328 = arith.muli %scan3A_928, %mul3A_1327 : i32
      %add3A_1329 = arith.constant 112 : i32
      %add3A_1330 = arith.addi %mul3A_1328, %add3A_1329 : i32
      %swap3A_1331 = arith.index_cast %add3A_1330 : i32 to index
      %swap3A_1332 = tpu.vector_load %arg15[%swap3A_1331] {strides = array<i32>} : memref<2048xf32, #tpu.memory_space<vmem>>, vector<16xf32>,
      tpu.vector_store %arg15[%swap3A_1331], %add3A_1326 {strides = array<i32>} : memref<2048xf32, #tpu.memory_space<vmem>>, vector<16xf32>,
      %add3A_1333 = arith.constant 8 : i32
      %add3A_1334 = arith.addi %mul3A_930, %add3A_1333 : i32
      %add3A_1335 = arith.constant 2 : i32
      %add3A_1336 = arith.addi %add3A_1334, %add3A_1335 : i32
      %get3A_1337 = arith.index_cast %add3A_1336 : i32 to index
      %get3A_1338 = arith.constant 0 : index
      %get3A_1339 = tpu.vector_load %arg8[%get3A_1337, %get3A_1338] {strides = array<i32>} : memref<128x128xbf16, #tpu.memory_space<vmem>>, vector<32xbf16>,
      %get3A_1340 = arith.index_cast %add3A_1336 : i32 to index
      %get3A_1341 = arith.constant 0 : index
      %get3A_1342 = tpu.vector_load %arg9[%get3A_1340, %get3A_1341] {strides = array<i32>} : memref<128x128xbf16, #tpu.memory_space<vmem>>, vector<32xbf16>,
      %get3A_1343 = arith.index_cast %add3A_1336 : i32 to index
      %get3A_1344 = arith.constant 32 : index
      %get3A_1345 = tpu.vector_load %arg8[%get3A_1343, %get3A_1344] {strides = array<i32>} : memref<128x128xbf16, #tpu.memory_space<vmem>>, vector<32xbf16>,
      %get3A_1346 = arith.index_cast %add3A_1336 : i32 to index
      %get3A_1347 = arith.constant 32 : index
      %get3A_1348 = tpu.vector_load %arg9[%get3A_1346, %get3A_1347] {strides = array<i32>} : memref<128x128xbf16, #tpu.memory_space<vmem>>, vector<32xbf16>,
      %get3A_1349 = arith.index_cast %add3A_1336 : i32 to index
      %get3A_1350 = arith.constant 64 : index
      %get3A_1351 = tpu.vector_load %arg8[%get3A_1349, %get3A_1350] {strides = array<i32>} : memref<128x128xbf16, #tpu.memory_space<vmem>>, vector<32xbf16>,
      %get3A_1352 = arith.index_cast %add3A_1336 : i32 to index
      %get3A_1353 = arith.constant 64 : index
      %get3A_1354 = tpu.vector_load %arg9[%get3A_1352, %get3A_1353] {strides = array<i32>} : memref<128x128xbf16, #tpu.memory_space<vmem>>, vector<32xbf16>,
      %get3A_1355 = arith.index_cast %add3A_1336 : i32 to index
      %get3A_1356 = arith.constant 96 : index
      %get3A_1357 = tpu.vector_load %arg8[%get3A_1355, %get3A_1356] {strides = array<i32>} : memref<128x128xbf16, #tpu.memory_space<vmem>>, vector<32xbf16>,
      %get3A_1358 = arith.index_cast %add3A_1336 : i32 to index
      %get3A_1359 = arith.constant 96 : index
      %get3A_1360 = tpu.vector_load %arg9[%get3A_1358, %get3A_1359] {strides = array<i32>} : memref<128x128xbf16, #tpu.memory_space<vmem>>, vector<32xbf16>,
      %mul3A_1361 = arith.mulf %get3A_1251, %get3A_1254 : vector<32xbf16>
      %mul3A_1362 = arith.mulf %get3A_1257, %get3A_1260 : vector<32xbf16>
      %add3A_1363 = arith.addf %mul3A_1361, %mul3A_1362 : vector<32xbf16>
      %mul3A_1364 = arith.mulf %get3A_1263, %get3A_1266 : vector<32xbf16>
      %mul3A_1365 = arith.mulf %get3A_1269, %get3A_1272 : vector<32xbf16>
      %add3A_1366 = arith.addf %mul3A_1364, %mul3A_1365 : vector<32xbf16>
      %add3A_1367 = arith.addf %add3A_1363, %add3A_1366 : vector<32xbf16>
      %unpack3A_1368 = tpu.unpack_subelements %add3A_1367, 0 {pack_format = #tpu.pack_format<interleaved>} : vector<32xbf16> -> vector<16xf32>
      %unpack3A_1369 = tpu.unpack_subelements %add3A_1367, 1 {pack_format = #tpu.pack_format<interleaved>} : vector<32xbf16> -> vector<16xf32>
      %add3A_1370 = arith.addf %unpack3A_1368, %unpack3A_1369 : vector<16xf32>
      %mul3A_1371 = arith.constant 256 : i32
      %mul3A_1372 = arith.muli %scan3A_928, %mul3A_1371 : i32
      %add3A_1373 = arith.constant 128 : i32
      %add3A_1374 = arith.addi %mul3A_1372, %add3A_1373 : i32
      %swap3A_1375 = arith.index_cast %add3A_1374 : i32 to index
      %swap3A_1376 = tpu.vector_load %arg15[%swap3A_1375] {strides = array<i32>} : memref<2048xf32, #tpu.memory_space<vmem>>, vector<16xf32>,
      tpu.vector_store %arg15[%swap3A_1375], %add3A_1370 {strides = array<i32>} : memref<2048xf32, #tpu.memory_space<vmem>>, vector<16xf32>,
      %add3A_1377 = arith.constant 9 : i32
      %add3A_1378 = arith.addi %mul3A_930, %add3A_1377 : i32
      %add3A_1379 = arith.constant 2 : i32
      %add3A_1380 = arith.addi %add3A_1378, %add3A_1379 : i32
      %get3A_1381 = arith.index_cast %add3A_1380 : i32 to index
      %get3A_1382 = arith.constant 0 : index
      %get3A_1383 = tpu.vector_load %arg8[%get3A_1381, %get3A_1382] {strides = array<i32>} : memref<128x128xbf16, #tpu.memory_space<vmem>>, vector<32xbf16>,
      %get3A_1384 = arith.index_cast %add3A_1380 : i32 to index
      %get3A_1385 = arith.constant 0 : index
      %get3A_1386 = tpu.vector_load %arg9[%get3A_1384, %get3A_1385] {strides = array<i32>} : memref<128x128xbf16, #tpu.memory_space<vmem>>, vector<32xbf16>,
      %get3A_1387 = arith.index_cast %add3A_1380 : i32 to index
      %get3A_1388 = arith.constant 32 : index
      %get3A_1389 = tpu.vector_load %arg8[%get3A_1387, %get3A_1388] {strides = array<i32>} : memref<128x128xbf16, #tpu.memory_space<vmem>>, vector<32xbf16>,
      %get3A_1390 = arith.index_cast %add3A_1380 : i32 to index
      %get3A_1391 = arith.constant 32 : index
      %get3A_1392 = tpu.vector_load %arg9[%get3A_1390, %get3A_1391] {strides = array<i32>} : memref<128x128xbf16, #tpu.memory_space<vmem>>, vector<32xbf16>,
      %get3A_1393 = arith.index_cast %add3A_1380 : i32 to index
      %get3A_1394 = arith.constant 64 : index
      %get3A_1395 = tpu.vector_load %arg8[%get3A_1393, %get3A_1394] {strides = array<i32>} : memref<128x128xbf16, #tpu.memory_space<vmem>>, vector<32xbf16>,
      %get3A_1396 = arith.index_cast %add3A_1380 : i32 to index
      %get3A_1397 = arith.constant 64 : index
      %get3A_1398 = tpu.vector_load %arg9[%get3A_1396, %get3A_1397] {strides = array<i32>} : memref<128x128xbf16, #tpu.memory_space<vmem>>, vector<32xbf16>,
      %get3A_1399 = arith.index_cast %add3A_1380 : i32 to index
      %get3A_1400 = arith.constant 96 : index
      %get3A_1401 = tpu.vector_load %arg8[%get3A_1399, %get3A_1400] {strides = array<i32>} : memref<128x128xbf16, #tpu.memory_space<vmem>>, vector<32xbf16>,
      %get3A_1402 = arith.index_cast %add3A_1380 : i32 to index
      %get3A_1403 = arith.constant 96 : index
      %get3A_1404 = tpu.vector_load %arg9[%get3A_1402, %get3A_1403] {strides = array<i32>} : memref<128x128xbf16, #tpu.memory_space<vmem>>, vector<32xbf16>,
      %mul3A_1405 = arith.mulf %get3A_1295, %get3A_1298 : vector<32xbf16>
      %mul3A_1406 = arith.mulf %get3A_1301, %get3A_1304 : vector<32xbf16>
      %add3A_1407 = arith.addf %mul3A_1405, %mul3A_1406 : vector<32xbf16>
      %mul3A_1408 = arith.mulf %get3A_1307, %get3A_1310 : vector<32xbf16>
      %mul3A_1409 = arith.mulf %get3A_1313, %get3A_1316 : vector<32xbf16>
      %add3A_1410 = arith.addf %mul3A_1408, %mul3A_1409 : vector<32xbf16>
      %add3A_1411 = arith.addf %add3A_1407, %add3A_1410 : vector<32xbf16>
      %unpack3A_1412 = tpu.unpack_subelements %add3A_1411, 0 {pack_format = #tpu.pack_format<interleaved>} : vector<32xbf16> -> vector<16xf32>
      %unpack3A_1413 = tpu.unpack_subelements %add3A_1411, 1 {pack_format = #tpu.pack_format<interleaved>} : vector<32xbf16> -> vector<16xf32>
      %add3A_1414 = arith.addf %unpack3A_1412, %unpack3A_1413 : vector<16xf32>
      %mul3A_1415 = arith.constant 256 : i32
      %mul3A_1416 = arith.muli %scan3A_928, %mul3A_1415 : i32
      %add3A_1417 = arith.constant 144 : i32
      %add3A_1418 = arith.addi %mul3A_1416, %add3A_1417 : i32
      %swap3A_1419 = arith.index_cast %add3A_1418 : i32 to index
      %swap3A_1420 = tpu.vector_load %arg15[%swap3A_1419] {strides = array<i32>} : memref<2048xf32, #tpu.memory_space<vmem>>, vector<16xf32>,
      tpu.vector_store %arg15[%swap3A_1419], %add3A_1414 {strides = array<i32>} : memref<2048xf32, #tpu.memory_space<vmem>>, vector<16xf32>,
      %add3A_1421 = arith.constant 10 : i32
      %add3A_1422 = arith.addi %mul3A_930, %add3A_1421 : i32
      %add3A_1423 = arith.constant 2 : i32
      %add3A_1424 = arith.addi %add3A_1422, %add3A_1423 : i32
      %get3A_1425 = arith.index_cast %add3A_1424 : i32 to index
      %get3A_1426 = arith.constant 0 : index
      %get3A_1427 = tpu.vector_load %arg8[%get3A_1425, %get3A_1426] {strides = array<i32>} : memref<128x128xbf16, #tpu.memory_space<vmem>>, vector<32xbf16>,
      %get3A_1428 = arith.index_cast %add3A_1424 : i32 to index
      %get3A_1429 = arith.constant 0 : index
      %get3A_1430 = tpu.vector_load %arg9[%get3A_1428, %get3A_1429] {strides = array<i32>} : memref<128x128xbf16, #tpu.memory_space<vmem>>, vector<32xbf16>,
      %get3A_1431 = arith.index_cast %add3A_1424 : i32 to index
      %get3A_1432 = arith.constant 32 : index
      %get3A_1433 = tpu.vector_load %arg8[%get3A_1431, %get3A_1432] {strides = array<i32>} : memref<128x128xbf16, #tpu.memory_space<vmem>>, vector<32xbf16>,
      %get3A_1434 = arith.index_cast %add3A_1424 : i32 to index
      %get3A_1435 = arith.constant 32 : index
      %get3A_1436 = tpu.vector_load %arg9[%get3A_1434, %get3A_1435] {strides = array<i32>} : memref<128x128xbf16, #tpu.memory_space<vmem>>, vector<32xbf16>,
      %get3A_1437 = arith.index_cast %add3A_1424 : i32 to index
      %get3A_1438 = arith.constant 64 : index
      %get3A_1439 = tpu.vector_load %arg8[%get3A_1437, %get3A_1438] {strides = array<i32>} : memref<128x128xbf16, #tpu.memory_space<vmem>>, vector<32xbf16>,
      %get3A_1440 = arith.index_cast %add3A_1424 : i32 to index
      %get3A_1441 = arith.constant 64 : index
      %get3A_1442 = tpu.vector_load %arg9[%get3A_1440, %get3A_1441] {strides = array<i32>} : memref<128x128xbf16, #tpu.memory_space<vmem>>, vector<32xbf16>,
      %get3A_1443 = arith.index_cast %add3A_1424 : i32 to index
      %get3A_1444 = arith.constant 96 : index
      %get3A_1445 = tpu.vector_load %arg8[%get3A_1443, %get3A_1444] {strides = array<i32>} : memref<128x128xbf16, #tpu.memory_space<vmem>>, vector<32xbf16>,
      %get3A_1446 = arith.index_cast %add3A_1424 : i32 to index
      %get3A_1447 = arith.constant 96 : index
      %get3A_1448 = tpu.vector_load %arg9[%get3A_1446, %get3A_1447] {strides = array<i32>} : memref<128x128xbf16, #tpu.memory_space<vmem>>, vector<32xbf16>,
      %mul3A_1449 = arith.mulf %get3A_1339, %get3A_1342 : vector<32xbf16>
      %mul3A_1450 = arith.mulf %get3A_1345, %get3A_1348 : vector<32xbf16>
      %add3A_1451 = arith.addf %mul3A_1449, %mul3A_1450 : vector<32xbf16>
      %mul3A_1452 = arith.mulf %get3A_1351, %get3A_1354 : vector<32xbf16>
      %mul3A_1453 = arith.mulf %get3A_1357, %get3A_1360 : vector<32xbf16>
      %add3A_1454 = arith.addf %mul3A_1452, %mul3A_1453 : vector<32xbf16>
      %add3A_1455 = arith.addf %add3A_1451, %add3A_1454 : vector<32xbf16>
      %unpack3A_1456 = tpu.unpack_subelements %add3A_1455, 0 {pack_format = #tpu.pack_format<interleaved>} : vector<32xbf16> -> vector<16xf32>
      %unpack3A_1457 = tpu.unpack_subelements %add3A_1455, 1 {pack_format = #tpu.pack_format<interleaved>} : vector<32xbf16> -> vector<16xf32>
      %add3A_1458 = arith.addf %unpack3A_1456, %unpack3A_1457 : vector<16xf32>
      %mul3A_1459 = arith.constant 256 : i32
      %mul3A_1460 = arith.muli %scan3A_928, %mul3A_1459 : i32
      %add3A_1461 = arith.constant 160 : i32
      %add3A_1462 = arith.addi %mul3A_1460, %add3A_1461 : i32
      %swap3A_1463 = arith.index_cast %add3A_1462 : i32 to index
      %swap3A_1464 = tpu.vector_load %arg15[%swap3A_1463] {strides = array<i32>} : memref<2048xf32, #tpu.memory_space<vmem>>, vector<16xf32>,
      tpu.vector_store %arg15[%swap3A_1463], %add3A_1458 {strides = array<i32>} : memref<2048xf32, #tpu.memory_space<vmem>>, vector<16xf32>,
      %add3A_1465 = arith.constant 11 : i32
      %add3A_1466 = arith.addi %mul3A_930, %add3A_1465 : i32
      %add3A_1467 = arith.constant 2 : i32
      %add3A_1468 = arith.addi %add3A_1466, %add3A_1467 : i32
      %get3A_1469 = arith.index_cast %add3A_1468 : i32 to index
      %get3A_1470 = arith.constant 0 : index
      %get3A_1471 = tpu.vector_load %arg8[%get3A_1469, %get3A_1470] {strides = array<i32>} : memref<128x128xbf16, #tpu.memory_space<vmem>>, vector<32xbf16>,
      %get3A_1472 = arith.index_cast %add3A_1468 : i32 to index
      %get3A_1473 = arith.constant 0 : index
      %get3A_1474 = tpu.vector_load %arg9[%get3A_1472, %get3A_1473] {strides = array<i32>} : memref<128x128xbf16, #tpu.memory_space<vmem>>, vector<32xbf16>,
      %get3A_1475 = arith.index_cast %add3A_1468 : i32 to index
      %get3A_1476 = arith.constant 32 : index
      %get3A_1477 = tpu.vector_load %arg8[%get3A_1475, %get3A_1476] {strides = array<i32>} : memref<128x128xbf16, #tpu.memory_space<vmem>>, vector<32xbf16>,
      %get3A_1478 = arith.index_cast %add3A_1468 : i32 to index
      %get3A_1479 = arith.constant 32 : index
      %get3A_1480 = tpu.vector_load %arg9[%get3A_1478, %get3A_1479] {strides = array<i32>} : memref<128x128xbf16, #tpu.memory_space<vmem>>, vector<32xbf16>,
      %get3A_1481 = arith.index_cast %add3A_1468 : i32 to index
      %get3A_1482 = arith.constant 64 : index
      %get3A_1483 = tpu.vector_load %arg8[%get3A_1481, %get3A_1482] {strides = array<i32>} : memref<128x128xbf16, #tpu.memory_space<vmem>>, vector<32xbf16>,
      %get3A_1484 = arith.index_cast %add3A_1468 : i32 to index
      %get3A_1485 = arith.constant 64 : index
      %get3A_1486 = tpu.vector_load %arg9[%get3A_1484, %get3A_1485] {strides = array<i32>} : memref<128x128xbf16, #tpu.memory_space<vmem>>, vector<32xbf16>,
      %get3A_1487 = arith.index_cast %add3A_1468 : i32 to index
      %get3A_1488 = arith.constant 96 : index
      %get3A_1489 = tpu.vector_load %arg8[%get3A_1487, %get3A_1488] {strides = array<i32>} : memref<128x128xbf16, #tpu.memory_space<vmem>>, vector<32xbf16>,
      %get3A_1490 = arith.index_cast %add3A_1468 : i32 to index
      %get3A_1491 = arith.constant 96 : index
      %get3A_1492 = tpu.vector_load %arg9[%get3A_1490, %get3A_1491] {strides = array<i32>} : memref<128x128xbf16, #tpu.memory_space<vmem>>, vector<32xbf16>,
      %mul3A_1493 = arith.mulf %get3A_1383, %get3A_1386 : vector<32xbf16>
      %mul3A_1494 = arith.mulf %get3A_1389, %get3A_1392 : vector<32xbf16>
      %add3A_1495 = arith.addf %mul3A_1493, %mul3A_1494 : vector<32xbf16>
      %mul3A_1496 = arith.mulf %get3A_1395, %get3A_1398 : vector<32xbf16>
      %mul3A_1497 = arith.mulf %get3A_1401, %get3A_1404 : vector<32xbf16>
      %add3A_1498 = arith.addf %mul3A_1496, %mul3A_1497 : vector<32xbf16>
      %add3A_1499 = arith.addf %add3A_1495, %add3A_1498 : vector<32xbf16>
      %unpack3A_1500 = tpu.unpack_subelements %add3A_1499, 0 {pack_format = #tpu.pack_format<interleaved>} : vector<32xbf16> -> vector<16xf32>
      %unpack3A_1501 = tpu.unpack_subelements %add3A_1499, 1 {pack_format = #tpu.pack_format<interleaved>} : vector<32xbf16> -> vector<16xf32>
      %add3A_1502 = arith.addf %unpack3A_1500, %unpack3A_1501 : vector<16xf32>
      %mul3A_1503 = arith.constant 256 : i32
      %mul3A_1504 = arith.muli %scan3A_928, %mul3A_1503 : i32
      %add3A_1505 = arith.constant 176 : i32
      %add3A_1506 = arith.addi %mul3A_1504, %add3A_1505 : i32
      %swap3A_1507 = arith.index_cast %add3A_1506 : i32 to index
      %swap3A_1508 = tpu.vector_load %arg15[%swap3A_1507] {strides = array<i32>} : memref<2048xf32, #tpu.memory_space<vmem>>, vector<16xf32>,
      tpu.vector_store %arg15[%swap3A_1507], %add3A_1502 {strides = array<i32>} : memref<2048xf32, #tpu.memory_space<vmem>>, vector<16xf32>,
      %add3A_1509 = arith.constant 12 : i32
      %add3A_1510 = arith.addi %mul3A_930, %add3A_1509 : i32
      %add3A_1511 = arith.constant 2 : i32
      %add3A_1512 = arith.addi %add3A_1510, %add3A_1511 : i32
      %get3A_1513 = arith.index_cast %add3A_1512 : i32 to index
      %get3A_1514 = arith.constant 0 : index
      %get3A_1515 = tpu.vector_load %arg8[%get3A_1513, %get3A_1514] {strides = array<i32>} : memref<128x128xbf16, #tpu.memory_space<vmem>>, vector<32xbf16>,
      %get3A_1516 = arith.index_cast %add3A_1512 : i32 to index
      %get3A_1517 = arith.constant 0 : index
      %get3A_1518 = tpu.vector_load %arg9[%get3A_1516, %get3A_1517] {strides = array<i32>} : memref<128x128xbf16, #tpu.memory_space<vmem>>, vector<32xbf16>,
      %get3A_1519 = arith.index_cast %add3A_1512 : i32 to index
      %get3A_1520 = arith.constant 32 : index
      %get3A_1521 = tpu.vector_load %arg8[%get3A_1519, %get3A_1520] {strides = array<i32>} : memref<128x128xbf16, #tpu.memory_space<vmem>>, vector<32xbf16>,
      %get3A_1522 = arith.index_cast %add3A_1512 : i32 to index
      %get3A_1523 = arith.constant 32 : index
      %get3A_1524 = tpu.vector_load %arg9[%get3A_1522, %get3A_1523] {strides = array<i32>} : memref<128x128xbf16, #tpu.memory_space<vmem>>, vector<32xbf16>,
      %get3A_1525 = arith.index_cast %add3A_1512 : i32 to index
      %get3A_1526 = arith.constant 64 : index
      %get3A_1527 = tpu.vector_load %arg8[%get3A_1525, %get3A_1526] {strides = array<i32>} : memref<128x128xbf16, #tpu.memory_space<vmem>>, vector<32xbf16>,
      %get3A_1528 = arith.index_cast %add3A_1512 : i32 to index
      %get3A_1529 = arith.constant 64 : index
      %get3A_1530 = tpu.vector_load %arg9[%get3A_1528, %get3A_1529] {strides = array<i32>} : memref<128x128xbf16, #tpu.memory_space<vmem>>, vector<32xbf16>,
      %get3A_1531 = arith.index_cast %add3A_1512 : i32 to index
      %get3A_1532 = arith.constant 96 : index
      %get3A_1533 = tpu.vector_load %arg8[%get3A_1531, %get3A_1532] {strides = array<i32>} : memref<128x128xbf16, #tpu.memory_space<vmem>>, vector<32xbf16>,
      %get3A_1534 = arith.index_cast %add3A_1512 : i32 to index
      %get3A_1535 = arith.constant 96 : index
      %get3A_1536 = tpu.vector_load %arg9[%get3A_1534, %get3A_1535] {strides = array<i32>} : memref<128x128xbf16, #tpu.memory_space<vmem>>, vector<32xbf16>,
      %mul3A_1537 = arith.mulf %get3A_1427, %get3A_1430 : vector<32xbf16>
      %mul3A_1538 = arith.mulf %get3A_1433, %get3A_1436 : vector<32xbf16>
      %add3A_1539 = arith.addf %mul3A_1537, %mul3A_1538 : vector<32xbf16>
      %mul3A_1540 = arith.mulf %get3A_1439, %get3A_1442 : vector<32xbf16>
      %mul3A_1541 = arith.mulf %get3A_1445, %get3A_1448 : vector<32xbf16>
      %add3A_1542 = arith.addf %mul3A_1540, %mul3A_1541 : vector<32xbf16>
      %add3A_1543 = arith.addf %add3A_1539, %add3A_1542 : vector<32xbf16>
      %unpack3A_1544 = tpu.unpack_subelements %add3A_1543, 0 {pack_format = #tpu.pack_format<interleaved>} : vector<32xbf16> -> vector<16xf32>
      %unpack3A_1545 = tpu.unpack_subelements %add3A_1543, 1 {pack_format = #tpu.pack_format<interleaved>} : vector<32xbf16> -> vector<16xf32>
      %add3A_1546 = arith.addf %unpack3A_1544, %unpack3A_1545 : vector<16xf32>
      %mul3A_1547 = arith.constant 256 : i32
      %mul3A_1548 = arith.muli %scan3A_928, %mul3A_1547 : i32
      %add3A_1549 = arith.constant 192 : i32
      %add3A_1550 = arith.addi %mul3A_1548, %add3A_1549 : i32
      %swap3A_1551 = arith.index_cast %add3A_1550 : i32 to index
      %swap3A_1552 = tpu.vector_load %arg15[%swap3A_1551] {strides = array<i32>} : memref<2048xf32, #tpu.memory_space<vmem>>, vector<16xf32>,
      tpu.vector_store %arg15[%swap3A_1551], %add3A_1546 {strides = array<i32>} : memref<2048xf32, #tpu.memory_space<vmem>>, vector<16xf32>,
      %add3A_1553 = arith.constant 13 : i32
      %add3A_1554 = arith.addi %mul3A_930, %add3A_1553 : i32
      %add3A_1555 = arith.constant 2 : i32
      %add3A_1556 = arith.addi %add3A_1554, %add3A_1555 : i32
      %get3A_1557 = arith.index_cast %add3A_1556 : i32 to index
      %get3A_1558 = arith.constant 0 : index
      %get3A_1559 = tpu.vector_load %arg8[%get3A_1557, %get3A_1558] {strides = array<i32>} : memref<128x128xbf16, #tpu.memory_space<vmem>>, vector<32xbf16>,
      %get3A_1560 = arith.index_cast %add3A_1556 : i32 to index
      %get3A_1561 = arith.constant 0 : index
      %get3A_1562 = tpu.vector_load %arg9[%get3A_1560, %get3A_1561] {strides = array<i32>} : memref<128x128xbf16, #tpu.memory_space<vmem>>, vector<32xbf16>,
      %get3A_1563 = arith.index_cast %add3A_1556 : i32 to index
      %get3A_1564 = arith.constant 32 : index
      %get3A_1565 = tpu.vector_load %arg8[%get3A_1563, %get3A_1564] {strides = array<i32>} : memref<128x128xbf16, #tpu.memory_space<vmem>>, vector<32xbf16>,
      %get3A_1566 = arith.index_cast %add3A_1556 : i32 to index
      %get3A_1567 = arith.constant 32 : index
      %get3A_1568 = tpu.vector_load %arg9[%get3A_1566, %get3A_1567] {strides = array<i32>} : memref<128x128xbf16, #tpu.memory_space<vmem>>, vector<32xbf16>,
      %get3A_1569 = arith.index_cast %add3A_1556 : i32 to index
      %get3A_1570 = arith.constant 64 : index
      %get3A_1571 = tpu.vector_load %arg8[%get3A_1569, %get3A_1570] {strides = array<i32>} : memref<128x128xbf16, #tpu.memory_space<vmem>>, vector<32xbf16>,
      %get3A_1572 = arith.index_cast %add3A_1556 : i32 to index
      %get3A_1573 = arith.constant 64 : index
      %get3A_1574 = tpu.vector_load %arg9[%get3A_1572, %get3A_1573] {strides = array<i32>} : memref<128x128xbf16, #tpu.memory_space<vmem>>, vector<32xbf16>,
      %get3A_1575 = arith.index_cast %add3A_1556 : i32 to index
      %get3A_1576 = arith.constant 96 : index
      %get3A_1577 = tpu.vector_load %arg8[%get3A_1575, %get3A_1576] {strides = array<i32>} : memref<128x128xbf16, #tpu.memory_space<vmem>>, vector<32xbf16>,
      %get3A_1578 = arith.index_cast %add3A_1556 : i32 to index
      %get3A_1579 = arith.constant 96 : index
      %get3A_1580 = tpu.vector_load %arg9[%get3A_1578, %get3A_1579] {strides = array<i32>} : memref<128x128xbf16, #tpu.memory_space<vmem>>, vector<32xbf16>,
      %mul3A_1581 = arith.mulf %get3A_1471, %get3A_1474 : vector<32xbf16>
      %mul3A_1582 = arith.mulf %get3A_1477, %get3A_1480 : vector<32xbf16>
      %add3A_1583 = arith.addf %mul3A_1581, %mul3A_1582 : vector<32xbf16>
      %mul3A_1584 = arith.mulf %get3A_1483, %get3A_1486 : vector<32xbf16>
      %mul3A_1585 = arith.mulf %get3A_1489, %get3A_1492 : vector<32xbf16>
      %add3A_1586 = arith.addf %mul3A_1584, %mul3A_1585 : vector<32xbf16>
      %add3A_1587 = arith.addf %add3A_1583, %add3A_1586 : vector<32xbf16>
      %unpack3A_1588 = tpu.unpack_subelements %add3A_1587, 0 {pack_format = #tpu.pack_format<interleaved>} : vector<32xbf16> -> vector<16xf32>
      %unpack3A_1589 = tpu.unpack_subelements %add3A_1587, 1 {pack_format = #tpu.pack_format<interleaved>} : vector<32xbf16> -> vector<16xf32>
      %add3A_1590 = arith.addf %unpack3A_1588, %unpack3A_1589 : vector<16xf32>
      %mul3A_1591 = arith.constant 256 : i32
      %mul3A_1592 = arith.muli %scan3A_928, %mul3A_1591 : i32
      %add3A_1593 = arith.constant 208 : i32
      %add3A_1594 = arith.addi %mul3A_1592, %add3A_1593 : i32
      %swap3A_1595 = arith.index_cast %add3A_1594 : i32 to index
      %swap3A_1596 = tpu.vector_load %arg15[%swap3A_1595] {strides = array<i32>} : memref<2048xf32, #tpu.memory_space<vmem>>, vector<16xf32>,
      tpu.vector_store %arg15[%swap3A_1595], %add3A_1590 {strides = array<i32>} : memref<2048xf32, #tpu.memory_space<vmem>>, vector<16xf32>,
      %mul3A_1597 = arith.mulf %get3A_1515, %get3A_1518 : vector<32xbf16>
      %mul3A_1598 = arith.mulf %get3A_1521, %get3A_1524 : vector<32xbf16>
      %add3A_1599 = arith.addf %mul3A_1597, %mul3A_1598 : vector<32xbf16>
      %mul3A_1600 = arith.mulf %get3A_1527, %get3A_1530 : vector<32xbf16>
      %mul3A_1601 = arith.mulf %get3A_1533, %get3A_1536 : vector<32xbf16>
      %add3A_1602 = arith.addf %mul3A_1600, %mul3A_1601 : vector<32xbf16>
      %add3A_1603 = arith.addf %add3A_1599, %add3A_1602 : vector<32xbf16>
      %unpack3A_1604 = tpu.unpack_subelements %add3A_1603, 0 {pack_format = #tpu.pack_format<interleaved>} : vector<32xbf16> -> vector<16xf32>
      %unpack3A_1605 = tpu.unpack_subelements %add3A_1603, 1 {pack_format = #tpu.pack_format<interleaved>} : vector<32xbf16> -> vector<16xf32>
      %add3A_1606 = arith.addf %unpack3A_1604, %unpack3A_1605 : vector<16xf32>
      %mul3A_1607 = arith.constant 256 : i32
      %mul3A_1608 = arith.muli %scan3A_928, %mul3A_1607 : i32
      %add3A_1609 = arith.constant 224 : i32
      %add3A_1610 = arith.addi %mul3A_1608, %add3A_1609 : i32
      %swap3A_1611 = arith.index_cast %add3A_1610 : i32 to index
      %swap3A_1612 = tpu.vector_load %arg15[%swap3A_1611] {strides = array<i32>} : memref<2048xf32, #tpu.memory_space<vmem>>, vector<16xf32>,
      tpu.vector_store %arg15[%swap3A_1611], %add3A_1606 {strides = array<i32>} : memref<2048xf32, #tpu.memory_space<vmem>>, vector<16xf32>,
      %mul3A_1613 = arith.mulf %get3A_1559, %get3A_1562 : vector<32xbf16>
      %mul3A_1614 = arith.mulf %get3A_1565, %get3A_1568 : vector<32xbf16>
      %add3A_1615 = arith.addf %mul3A_1613, %mul3A_1614 : vector<32xbf16>
      %mul3A_1616 = arith.mulf %get3A_1571, %get3A_1574 : vector<32xbf16>
      %mul3A_1617 = arith.mulf %get3A_1577, %get3A_1580 : vector<32xbf16>
      %add3A_1618 = arith.addf %mul3A_1616, %mul3A_1617 : vector<32xbf16>
      %add3A_1619 = arith.addf %add3A_1615, %add3A_1618 : vector<32xbf16>
      %unpack3A_1620 = tpu.unpack_subelements %add3A_1619, 0 {pack_format = #tpu.pack_format<interleaved>} : vector<32xbf16> -> vector<16xf32>
      %unpack3A_1621 = tpu.unpack_subelements %add3A_1619, 1 {pack_format = #tpu.pack_format<interleaved>} : vector<32xbf16> -> vector<16xf32>
      %add3A_1622 = arith.addf %unpack3A_1620, %unpack3A_1621 : vector<16xf32>
      %mul3A_1623 = arith.constant 256 : i32
      %mul3A_1624 = arith.muli %scan3A_928, %mul3A_1623 : i32
      %add3A_1625 = arith.constant 240 : i32
      %add3A_1626 = arith.addi %mul3A_1624, %add3A_1625 : i32
      %swap3A_1627 = arith.index_cast %add3A_1626 : i32 to index
      %swap3A_1628 = tpu.vector_load %arg15[%swap3A_1627] {strides = array<i32>} : memref<2048xf32, #tpu.memory_space<vmem>>, vector<16xf32>,
      tpu.vector_store %arg15[%swap3A_1627], %add3A_1622 {strides = array<i32>} : memref<2048xf32, #tpu.memory_space<vmem>>, vector<16xf32>,
    }
    %scan3A_47 = arith.constant 8 : i32
    %scan3A_48 = arith.constant 0 : i32
    %scan3A_49 = arith.constant 0 : i32
    %scan3A_50 = arith.constant 8 : i32
    %scan3A_51 = arith.addi %scan3A_49, %scan3A_50 : i32
    %scan3A_52 = arith.constant 1 : i32
    scf.for %scan3A_928 = %scan3A_49 to %scan3A_51 step %scan3A_52  : i32 {
      %mul3A_929 = arith.constant 256 : i32
      %mul3A_930 = arith.muli %scan3A_928, %mul3A_929 : i32
      %add3A_931 = vector.broadcast %mul3A_930 : i32 to vector<16xi32>
      %add3A_932 = arith.addi %add3A_931, %mul3A_5 : vector<16xi32>
      %add3A_933 = arith.constant 0 : i32
      %add3A_934 = vector.broadcast %add3A_933 : i32 to vector<16xi32>
      %add3A_935 = arith.addi %add3A_932, %add3A_934 : vector<16xi32>
      %gather3A_936 = tpu.vector_load_idx %arg15[%add3A_935] : memref<2048xf32, #tpu.memory_space<vmem>>[vector<16xi32>], vector<16xf32>,
      %add3A_937 = vector.broadcast %mul3A_930 : i32 to vector<16xi32>
      %add3A_938 = arith.addi %add3A_937, %mul3A_5 : vector<16xi32>
      %add3A_939 = arith.constant 1 : i32
      %add3A_940 = vector.broadcast %add3A_939 : i32 to vector<16xi32>
      %add3A_941 = arith.addi %add3A_938, %add3A_940 : vector<16xi32>
      %gather3A_942 = tpu.vector_load_idx %arg15[%add3A_941] : memref<2048xf32, #tpu.memory_space<vmem>>[vector<16xi32>], vector<16xf32>,
      %add3A_943 = vector.broadcast %mul3A_930 : i32 to vector<16xi32>
      %add3A_944 = arith.addi %add3A_943, %mul3A_5 : vector<16xi32>
      %add3A_945 = arith.constant 2 : i32
      %add3A_946 = vector.broadcast %add3A_945 : i32 to vector<16xi32>
      %add3A_947 = arith.addi %add3A_944, %add3A_946 : vector<16xi32>
      %gather3A_948 = tpu.vector_load_idx %arg15[%add3A_947] : memref<2048xf32, #tpu.memory_space<vmem>>[vector<16xi32>], vector<16xf32>,
      %add3A_949 = vector.broadcast %mul3A_930 : i32 to vector<16xi32>
      %add3A_950 = arith.addi %add3A_949, %mul3A_5 : vector<16xi32>
      %add3A_951 = arith.constant 3 : i32
      %add3A_952 = vector.broadcast %add3A_951 : i32 to vector<16xi32>
      %add3A_953 = arith.addi %add3A_950, %add3A_952 : vector<16xi32>
      %gather3A_954 = tpu.vector_load_idx %arg15[%add3A_953] : memref<2048xf32, #tpu.memory_space<vmem>>[vector<16xi32>], vector<16xf32>,
      %add3A_955 = vector.broadcast %mul3A_930 : i32 to vector<16xi32>
      %add3A_956 = arith.addi %add3A_955, %mul3A_5 : vector<16xi32>
      %add3A_957 = arith.constant 4 : i32
      %add3A_958 = vector.broadcast %add3A_957 : i32 to vector<16xi32>
      %add3A_959 = arith.addi %add3A_956, %add3A_958 : vector<16xi32>
      %gather3A_960 = tpu.vector_load_idx %arg15[%add3A_959] : memref<2048xf32, #tpu.memory_space<vmem>>[vector<16xi32>], vector<16xf32>,
      %add3A_961 = vector.broadcast %mul3A_930 : i32 to vector<16xi32>
      %add3A_962 = arith.addi %add3A_961, %mul3A_5 : vector<16xi32>
      %add3A_963 = arith.constant 5 : i32
      %add3A_964 = vector.broadcast %add3A_963 : i32 to vector<16xi32>
      %add3A_965 = arith.addi %add3A_962, %add3A_964 : vector<16xi32>
      %gather3A_966 = tpu.vector_load_idx %arg15[%add3A_965] : memref<2048xf32, #tpu.memory_space<vmem>>[vector<16xi32>], vector<16xf32>,
      %add3A_967 = vector.broadcast %mul3A_930 : i32 to vector<16xi32>
      %add3A_968 = arith.addi %add3A_967, %mul3A_5 : vector<16xi32>
      %add3A_969 = arith.constant 6 : i32
      %add3A_970 = vector.broadcast %add3A_969 : i32 to vector<16xi32>
      %add3A_971 = arith.addi %add3A_968, %add3A_970 : vector<16xi32>
      %gather3A_972 = tpu.vector_load_idx %arg15[%add3A_971] : memref<2048xf32, #tpu.memory_space<vmem>>[vector<16xi32>], vector<16xf32>,
      %add3A_973 = vector.broadcast %mul3A_930 : i32 to vector<16xi32>
      %add3A_974 = arith.addi %add3A_973, %mul3A_5 : vector<16xi32>
      %add3A_975 = arith.constant 7 : i32
      %add3A_976 = vector.broadcast %add3A_975 : i32 to vector<16xi32>
      %add3A_977 = arith.addi %add3A_974, %add3A_976 : vector<16xi32>
      %gather3A_978 = tpu.vector_load_idx %arg15[%add3A_977] : memref<2048xf32, #tpu.memory_space<vmem>>[vector<16xi32>], vector<16xf32>,
      %add3A_979 = vector.broadcast %mul3A_930 : i32 to vector<16xi32>
      %add3A_980 = arith.addi %add3A_979, %mul3A_5 : vector<16xi32>
      %add3A_981 = arith.constant 8 : i32
      %add3A_982 = vector.broadcast %add3A_981 : i32 to vector<16xi32>
      %add3A_983 = arith.addi %add3A_980, %add3A_982 : vector<16xi32>
      %gather3A_984 = tpu.vector_load_idx %arg15[%add3A_983] : memref<2048xf32, #tpu.memory_space<vmem>>[vector<16xi32>], vector<16xf32>,
      %add3A_985 = vector.broadcast %mul3A_930 : i32 to vector<16xi32>
      %add3A_986 = arith.addi %add3A_985, %mul3A_5 : vector<16xi32>
      %add3A_987 = arith.constant 9 : i32
      %add3A_988 = vector.broadcast %add3A_987 : i32 to vector<16xi32>
      %add3A_989 = arith.addi %add3A_986, %add3A_988 : vector<16xi32>
      %gather3A_990 = tpu.vector_load_idx %arg15[%add3A_989] : memref<2048xf32, #tpu.memory_space<vmem>>[vector<16xi32>], vector<16xf32>,
      %add3A_991 = vector.broadcast %mul3A_930 : i32 to vector<16xi32>
      %add3A_992 = arith.addi %add3A_991, %mul3A_5 : vector<16xi32>
      %add3A_993 = arith.constant 10 : i32
      %add3A_994 = vector.broadcast %add3A_993 : i32 to vector<16xi32>
      %add3A_995 = arith.addi %add3A_992, %add3A_994 : vector<16xi32>
      %gather3A_996 = tpu.vector_load_idx %arg15[%add3A_995] : memref<2048xf32, #tpu.memory_space<vmem>>[vector<16xi32>], vector<16xf32>,
      %add3A_997 = vector.broadcast %mul3A_930 : i32 to vector<16xi32>
      %add3A_998 = arith.addi %add3A_997, %mul3A_5 : vector<16xi32>
      %add3A_999 = arith.constant 11 : i32
      %add3A_1000 = vector.broadcast %add3A_999 : i32 to vector<16xi32>
      %add3A_1001 = arith.addi %add3A_998, %add3A_1000 : vector<16xi32>
      %gather3A_1002 = tpu.vector_load_idx %arg15[%add3A_1001] : memref<2048xf32, #tpu.memory_space<vmem>>[vector<16xi32>], vector<16xf32>,
      %add3A_1003 = vector.broadcast %mul3A_930 : i32 to vector<16xi32>
      %add3A_1004 = arith.addi %add3A_1003, %mul3A_5 : vector<16xi32>
      %add3A_1005 = arith.constant 12 : i32
      %add3A_1006 = vector.broadcast %add3A_1005 : i32 to vector<16xi32>
      %add3A_1007 = arith.addi %add3A_1004, %add3A_1006 : vector<16xi32>
      %gather3A_1008 = tpu.vector_load_idx %arg15[%add3A_1007] : memref<2048xf32, #tpu.memory_space<vmem>>[vector<16xi32>], vector<16xf32>,
      %add3A_1009 = vector.broadcast %mul3A_930 : i32 to vector<16xi32>
      %add3A_1010 = arith.addi %add3A_1009, %mul3A_5 : vector<16xi32>
      %add3A_1011 = arith.constant 13 : i32
      %add3A_1012 = vector.broadcast %add3A_1011 : i32 to vector<16xi32>
      %add3A_1013 = arith.addi %add3A_1010, %add3A_1012 : vector<16xi32>
      %gather3A_1014 = tpu.vector_load_idx %arg15[%add3A_1013] : memref<2048xf32, #tpu.memory_space<vmem>>[vector<16xi32>], vector<16xf32>,
      %add3A_1015 = vector.broadcast %mul3A_930 : i32 to vector<16xi32>
      %add3A_1016 = arith.addi %add3A_1015, %mul3A_5 : vector<16xi32>
      %add3A_1017 = arith.constant 14 : i32
      %add3A_1018 = vector.broadcast %add3A_1017 : i32 to vector<16xi32>
      %add3A_1019 = arith.addi %add3A_1016, %add3A_1018 : vector<16xi32>
      %gather3A_1020 = tpu.vector_load_idx %arg15[%add3A_1019] : memref<2048xf32, #tpu.memory_space<vmem>>[vector<16xi32>], vector<16xf32>,
      %add3A_1021 = vector.broadcast %mul3A_930 : i32 to vector<16xi32>
      %add3A_1022 = arith.addi %add3A_1021, %mul3A_5 : vector<16xi32>
      %add3A_1023 = arith.constant 15 : i32
      %add3A_1024 = vector.broadcast %add3A_1023 : i32 to vector<16xi32>
      %add3A_1025 = arith.addi %add3A_1022, %add3A_1024 : vector<16xi32>
      %gather3A_1026 = tpu.vector_load_idx %arg15[%add3A_1025] : memref<2048xf32, #tpu.memory_space<vmem>>[vector<16xi32>], vector<16xf32>,
      %add3A_1027 = arith.addf %gather3A_936, %gather3A_942 : vector<16xf32>
      %add3A_1028 = arith.addf %gather3A_948, %gather3A_954 : vector<16xf32>
      %add3A_1029 = arith.addf %gather3A_960, %gather3A_966 : vector<16xf32>
      %add3A_1030 = arith.addf %gather3A_972, %gather3A_978 : vector<16xf32>
      %add3A_1031 = arith.addf %gather3A_984, %gather3A_990 : vector<16xf32>
      %add3A_1032 = arith.addf %gather3A_996, %gather3A_1002 : vector<16xf32>
      %add3A_1033 = arith.addf %gather3A_1008, %gather3A_1014 : vector<16xf32>
      %add3A_1034 = arith.addf %gather3A_1020, %gather3A_1026 : vector<16xf32>
      %add3A_1035 = arith.addf %add3A_1027, %add3A_1028 : vector<16xf32>
      %add3A_1036 = arith.addf %add3A_1029, %add3A_1030 : vector<16xf32>
      %add3A_1037 = arith.addf %add3A_1031, %add3A_1032 : vector<16xf32>
      %add3A_1038 = arith.addf %add3A_1033, %add3A_1034 : vector<16xf32>
      %add3A_1039 = arith.addf %add3A_1035, %add3A_1036 : vector<16xf32>
      %add3A_1040 = arith.addf %add3A_1037, %add3A_1038 : vector<16xf32>
      %add3A_1041 = arith.addf %add3A_1039, %add3A_1040 : vector<16xf32>
      %neg3A_1042 = arith.constant 0.000000e+00 : f32
      %neg3A_1043 = vector.broadcast %neg3A_1042 : f32 to vector<16xf32>
      %neg3A_1044 = arith.subf %neg3A_1043, %add3A_1041 : vector<16xf32>
      %exp3A_1045 = math.exp %neg3A_1044 : vector<16xf32>
      %add3A_1046 = arith.constant 1.000000e+00 : f32
      %add3A_1047 = vector.broadcast %add3A_1046 : f32 to vector<16xf32>
      %add3A_1048 = arith.addf %add3A_1047, %exp3A_1045 : vector<16xf32>
      %div3A_1049 = arith.constant 1.000000e+00 : f32
      %div3A_1050 = vector.broadcast %div3A_1049 : f32 to vector<16xf32>
      %div3A_1051 = arith.divf %div3A_1050, %add3A_1048 : vector<16xf32>
      %mul3A_1052 = arith.constant 16 : i32
      %mul3A_1053 = arith.muli %scan3A_928, %mul3A_1052 : i32
      %add3A_1054 = arith.constant 9728 : i32
      %add3A_1055 = arith.addi %add3A_1054, %mul3A_1053 : i32
      %swap3A_1056 = arith.index_cast %add3A_1055 : i32 to index
      %swap3A_1057 = tpu.vector_load %arg14[%swap3A_1056] {strides = array<i32>} : memref<10000xf32, #tpu.memory_space<vmem>>, vector<16xf32>,
      tpu.vector_store %arg14[%swap3A_1056], %div3A_1051 {strides = array<i32>} : memref<10000xf32, #tpu.memory_space<vmem>>, vector<16xf32>,
    }
    %scan3A_53 = arith.constant 8 : i32
    %dma_start3A_54 = arith.constant 9984 : i32
    %dma_start3A_55 = tpu.memref_slice %arg6[%dma_start3A_54] : memref<10000xi32, #tpu.memory_space<vmem>> -> memref<16xi32, #tpu.memory_space<vmem>>
    %dma_start3A_56 = arith.constant 0 : i32
    %dma_start3A_57 = arith.constant 0 : i32
    %dma_start3A_58 = tpu.memref_slice %arg2[%dma_start3A_56, %dma_start3A_57] : memref<10000x128xbf16, #tpu.memory_space<hbm>> -> memref<10000x128xbf16, #tpu.memory_space<hbm>>
    tpu.enqueue_indirect_dma source(%dma_start3A_58 : memref<10000x128xbf16, #tpu.memory_space<hbm>>) target(%arg12 : memref<16x128xbf16, #tpu.memory_space<vmem>>) offsets(%dma_start3A_55 : memref<16xi32, #tpu.memory_space<vmem>>) semaphore(%arg20 : memref<!tpu.dma_semaphore, #tpu.memory_space<semaphore_mem>>)
    %dma_start3A_59 = arith.constant 9984 : i32
    %dma_start3A_60 = tpu.memref_slice %arg7[%dma_start3A_59] : memref<10000xi32, #tpu.memory_space<vmem>> -> memref<16xi32, #tpu.memory_space<vmem>>
    %dma_start3A_61 = arith.constant 0 : i32
    %dma_start3A_62 = arith.constant 0 : i32
    %dma_start3A_63 = tpu.memref_slice %arg3[%dma_start3A_61, %dma_start3A_62] : memref<10000x128xbf16, #tpu.memory_space<hbm>> -> memref<10000x128xbf16, #tpu.memory_space<hbm>>
    tpu.enqueue_indirect_dma source(%dma_start3A_63 : memref<10000x128xbf16, #tpu.memory_space<hbm>>) target(%arg13 : memref<16x128xbf16, #tpu.memory_space<vmem>>) offsets(%dma_start3A_60 : memref<16xi32, #tpu.memory_space<vmem>>) semaphore(%arg21 : memref<!tpu.dma_semaphore, #tpu.memory_space<semaphore_mem>>)
    %dma_wait3A_64 = arith.constant 0 : i32
    %dma_wait3A_65 = arith.constant 0 : i32
    %dma_wait3A_66 = tpu.memref_slice %arg2[%dma_wait3A_64, %dma_wait3A_65] : memref<10000x128xbf16, #tpu.memory_space<hbm>> -> memref<128x128xbf16, #tpu.memory_space<hbm>>
    %dma_wait3A_67 = arith.constant 0 : i32
    %dma_wait3A_68 = arith.constant 0 : i32
    %dma_wait3A_69 = tpu.memref_slice %arg2[%dma_wait3A_67, %dma_wait3A_68] : memref<10000x128xbf16, #tpu.memory_space<hbm>> -> memref<128x128xbf16, #tpu.memory_space<hbm>>
    tpu.wait_dma2 semaphore(%arg18 : memref<!tpu.dma_semaphore, #tpu.memory_space<semaphore_mem>>) src(%dma_wait3A_69 : memref<128x128xbf16, #tpu.memory_space<hbm>>) dst(%arg10 : memref<128x128xbf16, #tpu.memory_space<vmem>>)
    %dma_wait3A_70 = arith.constant 0 : i32
    %dma_wait3A_71 = arith.constant 0 : i32
    %dma_wait3A_72 = tpu.memref_slice %arg3[%dma_wait3A_70, %dma_wait3A_71] : memref<10000x128xbf16, #tpu.memory_space<hbm>> -> memref<128x128xbf16, #tpu.memory_space<hbm>>
    %dma_wait3A_73 = arith.constant 0 : i32
    %dma_wait3A_74 = arith.constant 0 : i32
    %dma_wait3A_75 = tpu.memref_slice %arg3[%dma_wait3A_73, %dma_wait3A_74] : memref<10000x128xbf16, #tpu.memory_space<hbm>> -> memref<128x128xbf16, #tpu.memory_space<hbm>>
    tpu.wait_dma2 semaphore(%arg19 : memref<!tpu.dma_semaphore, #tpu.memory_space<semaphore_mem>>) src(%dma_wait3A_75 : memref<128x128xbf16, #tpu.memory_space<hbm>>) dst(%arg11 : memref<128x128xbf16, #tpu.memory_space<vmem>>)
    %scan3A_76 = arith.constant 0 : i32
    %scan3A_77 = arith.constant 0 : i32
    %scan3A_78 = arith.constant 8 : i32
    %scan3A_79 = arith.addi %scan3A_77, %scan3A_78 : i32
    %scan3A_80 = arith.constant 1 : i32
    scf.for %scan3A_928 = %scan3A_77 to %scan3A_79 step %scan3A_80  : i32 {
      %mul3A_929 = arith.constant 16 : i32
      %mul3A_930 = arith.muli %scan3A_928, %mul3A_929 : i32
      %get3A_931 = arith.index_cast %mul3A_930 : i32 to index
      %get3A_932 = arith.constant 0 : index
      %get3A_933 = tpu.vector_load %arg10[%get3A_931, %get3A_932] {strides = array<i32>} : memref<128x128xbf16, #tpu.memory_space<vmem>>, vector<32xbf16>,
      %get3A_934 = arith.index_cast %mul3A_930 : i32 to index
      %get3A_935 = arith.constant 0 : index
      %get3A_936 = tpu.vector_load %arg11[%get3A_934, %get3A_935] {strides = array<i32>} : memref<128x128xbf16, #tpu.memory_space<vmem>>, vector<32xbf16>,
      %get3A_937 = arith.index_cast %mul3A_930 : i32 to index
      %get3A_938 = arith.constant 32 : index
      %get3A_939 = tpu.vector_load %arg10[%get3A_937, %get3A_938] {strides = array<i32>} : memref<128x128xbf16, #tpu.memory_space<vmem>>, vector<32xbf16>,
      %get3A_940 = arith.index_cast %mul3A_930 : i32 to index
      %get3A_941 = arith.constant 32 : index
      %get3A_942 = tpu.vector_load %arg11[%get3A_940, %get3A_941] {strides = array<i32>} : memref<128x128xbf16, #tpu.memory_space<vmem>>, vector<32xbf16>,
      %get3A_943 = arith.index_cast %mul3A_930 : i32 to index
      %get3A_944 = arith.constant 64 : index
      %get3A_945 = tpu.vector_load %arg10[%get3A_943, %get3A_944] {strides = array<i32>} : memref<128x128xbf16, #tpu.memory_space<vmem>>, vector<32xbf16>,
      %get3A_946 = arith.index_cast %mul3A_930 : i32 to index
      %get3A_947 = arith.constant 64 : index
      %get3A_948 = tpu.vector_load %arg11[%get3A_946, %get3A_947] {strides = array<i32>} : memref<128x128xbf16, #tpu.memory_space<vmem>>, vector<32xbf16>,
      %get3A_949 = arith.index_cast %mul3A_930 : i32 to index
      %get3A_950 = arith.constant 96 : index
      %get3A_951 = tpu.vector_load %arg10[%get3A_949, %get3A_950] {strides = array<i32>} : memref<128x128xbf16, #tpu.memory_space<vmem>>, vector<32xbf16>,
      %get3A_952 = arith.index_cast %mul3A_930 : i32 to index
      %get3A_953 = arith.constant 96 : index
      %get3A_954 = tpu.vector_load %arg11[%get3A_952, %get3A_953] {strides = array<i32>} : memref<128x128xbf16, #tpu.memory_space<vmem>>, vector<32xbf16>,
      %add3A_955 = arith.constant 1 : i32
      %add3A_956 = arith.addi %mul3A_930, %add3A_955 : i32
      %get3A_957 = arith.index_cast %add3A_956 : i32 to index
      %get3A_958 = arith.constant 0 : index
      %get3A_959 = tpu.vector_load %arg10[%get3A_957, %get3A_958] {strides = array<i32>} : memref<128x128xbf16, #tpu.memory_space<vmem>>, vector<32xbf16>,
      %get3A_960 = arith.index_cast %add3A_956 : i32 to index
      %get3A_961 = arith.constant 0 : index
      %get3A_962 = tpu.vector_load %arg11[%get3A_960, %get3A_961] {strides = array<i32>} : memref<128x128xbf16, #tpu.memory_space<vmem>>, vector<32xbf16>,
      %get3A_963 = arith.index_cast %add3A_956 : i32 to index
      %get3A_964 = arith.constant 32 : index
      %get3A_965 = tpu.vector_load %arg10[%get3A_963, %get3A_964] {strides = array<i32>} : memref<128x128xbf16, #tpu.memory_space<vmem>>, vector<32xbf16>,
      %get3A_966 = arith.index_cast %add3A_956 : i32 to index
      %get3A_967 = arith.constant 32 : index
      %get3A_968 = tpu.vector_load %arg11[%get3A_966, %get3A_967] {strides = array<i32>} : memref<128x128xbf16, #tpu.memory_space<vmem>>, vector<32xbf16>,
      %get3A_969 = arith.index_cast %add3A_956 : i32 to index
      %get3A_970 = arith.constant 64 : index
      %get3A_971 = tpu.vector_load %arg10[%get3A_969, %get3A_970] {strides = array<i32>} : memref<128x128xbf16, #tpu.memory_space<vmem>>, vector<32xbf16>,
      %get3A_972 = arith.index_cast %add3A_956 : i32 to index
      %get3A_973 = arith.constant 64 : index
      %get3A_974 = tpu.vector_load %arg11[%get3A_972, %get3A_973] {strides = array<i32>} : memref<128x128xbf16, #tpu.memory_space<vmem>>, vector<32xbf16>,
      %get3A_975 = arith.index_cast %add3A_956 : i32 to index
      %get3A_976 = arith.constant 96 : index
      %get3A_977 = tpu.vector_load %arg10[%get3A_975, %get3A_976] {strides = array<i32>} : memref<128x128xbf16, #tpu.memory_space<vmem>>, vector<32xbf16>,
      %get3A_978 = arith.index_cast %add3A_956 : i32 to index
      %get3A_979 = arith.constant 96 : index
      %get3A_980 = tpu.vector_load %arg11[%get3A_978, %get3A_979] {strides = array<i32>} : memref<128x128xbf16, #tpu.memory_space<vmem>>, vector<32xbf16>,
      %add3A_981 = arith.constant 0 : i32
      %add3A_982 = arith.addi %mul3A_930, %add3A_981 : i32
      %add3A_983 = arith.constant 2 : i32
      %add3A_984 = arith.addi %add3A_982, %add3A_983 : i32
      %get3A_985 = arith.index_cast %add3A_984 : i32 to index
      %get3A_986 = arith.constant 0 : index
      %get3A_987 = tpu.vector_load %arg10[%get3A_985, %get3A_986] {strides = array<i32>} : memref<128x128xbf16, #tpu.memory_space<vmem>>, vector<32xbf16>,
      %get3A_988 = arith.index_cast %add3A_984 : i32 to index
      %get3A_989 = arith.constant 0 : index
      %get3A_990 = tpu.vector_load %arg11[%get3A_988, %get3A_989] {strides = array<i32>} : memref<128x128xbf16, #tpu.memory_space<vmem>>, vector<32xbf16>,
      %get3A_991 = arith.index_cast %add3A_984 : i32 to index
      %get3A_992 = arith.constant 32 : index
      %get3A_993 = tpu.vector_load %arg10[%get3A_991, %get3A_992] {strides = array<i32>} : memref<128x128xbf16, #tpu.memory_space<vmem>>, vector<32xbf16>,
      %get3A_994 = arith.index_cast %add3A_984 : i32 to index
      %get3A_995 = arith.constant 32 : index
      %get3A_996 = tpu.vector_load %arg11[%get3A_994, %get3A_995] {strides = array<i32>} : memref<128x128xbf16, #tpu.memory_space<vmem>>, vector<32xbf16>,
      %get3A_997 = arith.index_cast %add3A_984 : i32 to index
      %get3A_998 = arith.constant 64 : index
      %get3A_999 = tpu.vector_load %arg10[%get3A_997, %get3A_998] {strides = array<i32>} : memref<128x128xbf16, #tpu.memory_space<vmem>>, vector<32xbf16>,
      %get3A_1000 = arith.index_cast %add3A_984 : i32 to index
      %get3A_1001 = arith.constant 64 : index
      %get3A_1002 = tpu.vector_load %arg11[%get3A_1000, %get3A_1001] {strides = array<i32>} : memref<128x128xbf16, #tpu.memory_space<vmem>>, vector<32xbf16>,
      %get3A_1003 = arith.index_cast %add3A_984 : i32 to index
      %get3A_1004 = arith.constant 96 : index
      %get3A_1005 = tpu.vector_load %arg10[%get3A_1003, %get3A_1004] {strides = array<i32>} : memref<128x128xbf16, #tpu.memory_space<vmem>>, vector<32xbf16>,
      %get3A_1006 = arith.index_cast %add3A_984 : i32 to index
      %get3A_1007 = arith.constant 96 : index
      %get3A_1008 = tpu.vector_load %arg11[%get3A_1006, %get3A_1007] {strides = array<i32>} : memref<128x128xbf16, #tpu.memory_space<vmem>>, vector<32xbf16>,
      %mul3A_1009 = arith.mulf %get3A_933, %get3A_936 : vector<32xbf16>
      %mul3A_1010 = arith.mulf %get3A_939, %get3A_942 : vector<32xbf16>
      %add3A_1011 = arith.addf %mul3A_1009, %mul3A_1010 : vector<32xbf16>
      %mul3A_1012 = arith.mulf %get3A_945, %get3A_948 : vector<32xbf16>
      %mul3A_1013 = arith.mulf %get3A_951, %get3A_954 : vector<32xbf16>
      %add3A_1014 = arith.addf %mul3A_1012, %mul3A_1013 : vector<32xbf16>
      %add3A_1015 = arith.addf %add3A_1011, %add3A_1014 : vector<32xbf16>
      %unpack3A_1016 = tpu.unpack_subelements %add3A_1015, 0 {pack_format = #tpu.pack_format<interleaved>} : vector<32xbf16> -> vector<16xf32>
      %unpack3A_1017 = tpu.unpack_subelements %add3A_1015, 1 {pack_format = #tpu.pack_format<interleaved>} : vector<32xbf16> -> vector<16xf32>
      %add3A_1018 = arith.addf %unpack3A_1016, %unpack3A_1017 : vector<16xf32>
      %mul3A_1019 = arith.constant 256 : i32
      %mul3A_1020 = arith.muli %scan3A_928, %mul3A_1019 : i32
      %add3A_1021 = arith.constant 0 : i32
      %add3A_1022 = arith.addi %mul3A_1020, %add3A_1021 : i32
      %swap3A_1023 = arith.index_cast %add3A_1022 : i32 to index
      %swap3A_1024 = tpu.vector_load %arg15[%swap3A_1023] {strides = array<i32>} : memref<2048xf32, #tpu.memory_space<vmem>>, vector<16xf32>,
      tpu.vector_store %arg15[%swap3A_1023], %add3A_1018 {strides = array<i32>} : memref<2048xf32, #tpu.memory_space<vmem>>, vector<16xf32>,
      %add3A_1025 = arith.constant 1 : i32
      %add3A_1026 = arith.addi %mul3A_930, %add3A_1025 : i32
      %add3A_1027 = arith.constant 2 : i32
      %add3A_1028 = arith.addi %add3A_1026, %add3A_1027 : i32
      %get3A_1029 = arith.index_cast %add3A_1028 : i32 to index
      %get3A_1030 = arith.constant 0 : index
      %get3A_1031 = tpu.vector_load %arg10[%get3A_1029, %get3A_1030] {strides = array<i32>} : memref<128x128xbf16, #tpu.memory_space<vmem>>, vector<32xbf16>,
      %get3A_1032 = arith.index_cast %add3A_1028 : i32 to index
      %get3A_1033 = arith.constant 0 : index
      %get3A_1034 = tpu.vector_load %arg11[%get3A_1032, %get3A_1033] {strides = array<i32>} : memref<128x128xbf16, #tpu.memory_space<vmem>>, vector<32xbf16>,
      %get3A_1035 = arith.index_cast %add3A_1028 : i32 to index
      %get3A_1036 = arith.constant 32 : index
      %get3A_1037 = tpu.vector_load %arg10[%get3A_1035, %get3A_1036] {strides = array<i32>} : memref<128x128xbf16, #tpu.memory_space<vmem>>, vector<32xbf16>,
      %get3A_1038 = arith.index_cast %add3A_1028 : i32 to index
      %get3A_1039 = arith.constant 32 : index
      %get3A_1040 = tpu.vector_load %arg11[%get3A_1038, %get3A_1039] {strides = array<i32>} : memref<128x128xbf16, #tpu.memory_space<vmem>>, vector<32xbf16>,
      %get3A_1041 = arith.index_cast %add3A_1028 : i32 to index
      %get3A_1042 = arith.constant 64 : index
      %get3A_1043 = tpu.vector_load %arg10[%get3A_1041, %get3A_1042] {strides = array<i32>} : memref<128x128xbf16, #tpu.memory_space<vmem>>, vector<32xbf16>,
      %get3A_1044 = arith.index_cast %add3A_1028 : i32 to index
      %get3A_1045 = arith.constant 64 : index
      %get3A_1046 = tpu.vector_load %arg11[%get3A_1044, %get3A_1045] {strides = array<i32>} : memref<128x128xbf16, #tpu.memory_space<vmem>>, vector<32xbf16>,
      %get3A_1047 = arith.index_cast %add3A_1028 : i32 to index
      %get3A_1048 = arith.constant 96 : index
      %get3A_1049 = tpu.vector_load %arg10[%get3A_1047, %get3A_1048] {strides = array<i32>} : memref<128x128xbf16, #tpu.memory_space<vmem>>, vector<32xbf16>,
      %get3A_1050 = arith.index_cast %add3A_1028 : i32 to index
      %get3A_1051 = arith.constant 96 : index
      %get3A_1052 = tpu.vector_load %arg11[%get3A_1050, %get3A_1051] {strides = array<i32>} : memref<128x128xbf16, #tpu.memory_space<vmem>>, vector<32xbf16>,
      %mul3A_1053 = arith.mulf %get3A_959, %get3A_962 : vector<32xbf16>
      %mul3A_1054 = arith.mulf %get3A_965, %get3A_968 : vector<32xbf16>
      %add3A_1055 = arith.addf %mul3A_1053, %mul3A_1054 : vector<32xbf16>
      %mul3A_1056 = arith.mulf %get3A_971, %get3A_974 : vector<32xbf16>
      %mul3A_1057 = arith.mulf %get3A_977, %get3A_980 : vector<32xbf16>
      %add3A_1058 = arith.addf %mul3A_1056, %mul3A_1057 : vector<32xbf16>
      %add3A_1059 = arith.addf %add3A_1055, %add3A_1058 : vector<32xbf16>
      %unpack3A_1060 = tpu.unpack_subelements %add3A_1059, 0 {pack_format = #tpu.pack_format<interleaved>} : vector<32xbf16> -> vector<16xf32>
      %unpack3A_1061 = tpu.unpack_subelements %add3A_1059, 1 {pack_format = #tpu.pack_format<interleaved>} : vector<32xbf16> -> vector<16xf32>
      %add3A_1062 = arith.addf %unpack3A_1060, %unpack3A_1061 : vector<16xf32>
      %mul3A_1063 = arith.constant 256 : i32
      %mul3A_1064 = arith.muli %scan3A_928, %mul3A_1063 : i32
      %add3A_1065 = arith.constant 16 : i32
      %add3A_1066 = arith.addi %mul3A_1064, %add3A_1065 : i32
      %swap3A_1067 = arith.index_cast %add3A_1066 : i32 to index
      %swap3A_1068 = tpu.vector_load %arg15[%swap3A_1067] {strides = array<i32>} : memref<2048xf32, #tpu.memory_space<vmem>>, vector<16xf32>,
      tpu.vector_store %arg15[%swap3A_1067], %add3A_1062 {strides = array<i32>} : memref<2048xf32, #tpu.memory_space<vmem>>, vector<16xf32>,
      %add3A_1069 = arith.constant 2 : i32
      %add3A_1070 = arith.addi %mul3A_930, %add3A_1069 : i32
      %add3A_1071 = arith.constant 2 : i32
      %add3A_1072 = arith.addi %add3A_1070, %add3A_1071 : i32
      %get3A_1073 = arith.index_cast %add3A_1072 : i32 to index
      %get3A_1074 = arith.constant 0 : index
      %get3A_1075 = tpu.vector_load %arg10[%get3A_1073, %get3A_1074] {strides = array<i32>} : memref<128x128xbf16, #tpu.memory_space<vmem>>, vector<32xbf16>,
      %get3A_1076 = arith.index_cast %add3A_1072 : i32 to index
      %get3A_1077 = arith.constant 0 : index
      %get3A_1078 = tpu.vector_load %arg11[%get3A_1076, %get3A_1077] {strides = array<i32>} : memref<128x128xbf16, #tpu.memory_space<vmem>>, vector<32xbf16>,
      %get3A_1079 = arith.index_cast %add3A_1072 : i32 to index
      %get3A_1080 = arith.constant 32 : index
      %get3A_1081 = tpu.vector_load %arg10[%get3A_1079, %get3A_1080] {strides = array<i32>} : memref<128x128xbf16, #tpu.memory_space<vmem>>, vector<32xbf16>,
      %get3A_1082 = arith.index_cast %add3A_1072 : i32 to index
      %get3A_1083 = arith.constant 32 : index
      %get3A_1084 = tpu.vector_load %arg11[%get3A_1082, %get3A_1083] {strides = array<i32>} : memref<128x128xbf16, #tpu.memory_space<vmem>>, vector<32xbf16>,
      %get3A_1085 = arith.index_cast %add3A_1072 : i32 to index
      %get3A_1086 = arith.constant 64 : index
      %get3A_1087 = tpu.vector_load %arg10[%get3A_1085, %get3A_1086] {strides = array<i32>} : memref<128x128xbf16, #tpu.memory_space<vmem>>, vector<32xbf16>,
      %get3A_1088 = arith.index_cast %add3A_1072 : i32 to index
      %get3A_1089 = arith.constant 64 : index
      %get3A_1090 = tpu.vector_load %arg11[%get3A_1088, %get3A_1089] {strides = array<i32>} : memref<128x128xbf16, #tpu.memory_space<vmem>>, vector<32xbf16>,
      %get3A_1091 = arith.index_cast %add3A_1072 : i32 to index
      %get3A_1092 = arith.constant 96 : index
      %get3A_1093 = tpu.vector_load %arg10[%get3A_1091, %get3A_1092] {strides = array<i32>} : memref<128x128xbf16, #tpu.memory_space<vmem>>, vector<32xbf16>,
      %get3A_1094 = arith.index_cast %add3A_1072 : i32 to index
      %get3A_1095 = arith.constant 96 : index
      %get3A_1096 = tpu.vector_load %arg11[%get3A_1094, %get3A_1095] {strides = array<i32>} : memref<128x128xbf16, #tpu.memory_space<vmem>>, vector<32xbf16>,
      %mul3A_1097 = arith.mulf %get3A_987, %get3A_990 : vector<32xbf16>
      %mul3A_1098 = arith.mulf %get3A_993, %get3A_996 : vector<32xbf16>
      %add3A_1099 = arith.addf %mul3A_1097, %mul3A_1098 : vector<32xbf16>
      %mul3A_1100 = arith.mulf %get3A_999, %get3A_1002 : vector<32xbf16>
      %mul3A_1101 = arith.mulf %get3A_1005, %get3A_1008 : vector<32xbf16>
      %add3A_1102 = arith.addf %mul3A_1100, %mul3A_1101 : vector<32xbf16>
      %add3A_1103 = arith.addf %add3A_1099, %add3A_1102 : vector<32xbf16>
      %unpack3A_1104 = tpu.unpack_subelements %add3A_1103, 0 {pack_format = #tpu.pack_format<interleaved>} : vector<32xbf16> -> vector<16xf32>
      %unpack3A_1105 = tpu.unpack_subelements %add3A_1103, 1 {pack_format = #tpu.pack_format<interleaved>} : vector<32xbf16> -> vector<16xf32>
      %add3A_1106 = arith.addf %unpack3A_1104, %unpack3A_1105 : vector<16xf32>
      %mul3A_1107 = arith.constant 256 : i32
      %mul3A_1108 = arith.muli %scan3A_928, %mul3A_1107 : i32
      %add3A_1109 = arith.constant 32 : i32
      %add3A_1110 = arith.addi %mul3A_1108, %add3A_1109 : i32
      %swap3A_1111 = arith.index_cast %add3A_1110 : i32 to index
      %swap3A_1112 = tpu.vector_load %arg15[%swap3A_1111] {strides = array<i32>} : memref<2048xf32, #tpu.memory_space<vmem>>, vector<16xf32>,
      tpu.vector_store %arg15[%swap3A_1111], %add3A_1106 {strides = array<i32>} : memref<2048xf32, #tpu.memory_space<vmem>>, vector<16xf32>,
      %add3A_1113 = arith.constant 3 : i32
      %add3A_1114 = arith.addi %mul3A_930, %add3A_1113 : i32
      %add3A_1115 = arith.constant 2 : i32
      %add3A_1116 = arith.addi %add3A_1114, %add3A_1115 : i32
      %get3A_1117 = arith.index_cast %add3A_1116 : i32 to index
      %get3A_1118 = arith.constant 0 : index
      %get3A_1119 = tpu.vector_load %arg10[%get3A_1117, %get3A_1118] {strides = array<i32>} : memref<128x128xbf16, #tpu.memory_space<vmem>>, vector<32xbf16>,
      %get3A_1120 = arith.index_cast %add3A_1116 : i32 to index
      %get3A_1121 = arith.constant 0 : index
      %get3A_1122 = tpu.vector_load %arg11[%get3A_1120, %get3A_1121] {strides = array<i32>} : memref<128x128xbf16, #tpu.memory_space<vmem>>, vector<32xbf16>,
      %get3A_1123 = arith.index_cast %add3A_1116 : i32 to index
      %get3A_1124 = arith.constant 32 : index
      %get3A_1125 = tpu.vector_load %arg10[%get3A_1123, %get3A_1124] {strides = array<i32>} : memref<128x128xbf16, #tpu.memory_space<vmem>>, vector<32xbf16>,
      %get3A_1126 = arith.index_cast %add3A_1116 : i32 to index
      %get3A_1127 = arith.constant 32 : index
      %get3A_1128 = tpu.vector_load %arg11[%get3A_1126, %get3A_1127] {strides = array<i32>} : memref<128x128xbf16, #tpu.memory_space<vmem>>, vector<32xbf16>,
      %get3A_1129 = arith.index_cast %add3A_1116 : i32 to index
      %get3A_1130 = arith.constant 64 : index
      %get3A_1131 = tpu.vector_load %arg10[%get3A_1129, %get3A_1130] {strides = array<i32>} : memref<128x128xbf16, #tpu.memory_space<vmem>>, vector<32xbf16>,
      %get3A_1132 = arith.index_cast %add3A_1116 : i32 to index
      %get3A_1133 = arith.constant 64 : index
      %get3A_1134 = tpu.vector_load %arg11[%get3A_1132, %get3A_1133] {strides = array<i32>} : memref<128x128xbf16, #tpu.memory_space<vmem>>, vector<32xbf16>,
      %get3A_1135 = arith.index_cast %add3A_1116 : i32 to index
      %get3A_1136 = arith.constant 96 : index
      %get3A_1137 = tpu.vector_load %arg10[%get3A_1135, %get3A_1136] {strides = array<i32>} : memref<128x128xbf16, #tpu.memory_space<vmem>>, vector<32xbf16>,
      %get3A_1138 = arith.index_cast %add3A_1116 : i32 to index
      %get3A_1139 = arith.constant 96 : index
      %get3A_1140 = tpu.vector_load %arg11[%get3A_1138, %get3A_1139] {strides = array<i32>} : memref<128x128xbf16, #tpu.memory_space<vmem>>, vector<32xbf16>,
      %mul3A_1141 = arith.mulf %get3A_1031, %get3A_1034 : vector<32xbf16>
      %mul3A_1142 = arith.mulf %get3A_1037, %get3A_1040 : vector<32xbf16>
      %add3A_1143 = arith.addf %mul3A_1141, %mul3A_1142 : vector<32xbf16>
      %mul3A_1144 = arith.mulf %get3A_1043, %get3A_1046 : vector<32xbf16>
      %mul3A_1145 = arith.mulf %get3A_1049, %get3A_1052 : vector<32xbf16>
      %add3A_1146 = arith.addf %mul3A_1144, %mul3A_1145 : vector<32xbf16>
      %add3A_1147 = arith.addf %add3A_1143, %add3A_1146 : vector<32xbf16>
      %unpack3A_1148 = tpu.unpack_subelements %add3A_1147, 0 {pack_format = #tpu.pack_format<interleaved>} : vector<32xbf16> -> vector<16xf32>
      %unpack3A_1149 = tpu.unpack_subelements %add3A_1147, 1 {pack_format = #tpu.pack_format<interleaved>} : vector<32xbf16> -> vector<16xf32>
      %add3A_1150 = arith.addf %unpack3A_1148, %unpack3A_1149 : vector<16xf32>
      %mul3A_1151 = arith.constant 256 : i32
      %mul3A_1152 = arith.muli %scan3A_928, %mul3A_1151 : i32
      %add3A_1153 = arith.constant 48 : i32
      %add3A_1154 = arith.addi %mul3A_1152, %add3A_1153 : i32
      %swap3A_1155 = arith.index_cast %add3A_1154 : i32 to index
      %swap3A_1156 = tpu.vector_load %arg15[%swap3A_1155] {strides = array<i32>} : memref<2048xf32, #tpu.memory_space<vmem>>, vector<16xf32>,
      tpu.vector_store %arg15[%swap3A_1155], %add3A_1150 {strides = array<i32>} : memref<2048xf32, #tpu.memory_space<vmem>>, vector<16xf32>,
      %add3A_1157 = arith.constant 4 : i32
      %add3A_1158 = arith.addi %mul3A_930, %add3A_1157 : i32
      %add3A_1159 = arith.constant 2 : i32
      %add3A_1160 = arith.addi %add3A_1158, %add3A_1159 : i32
      %get3A_1161 = arith.index_cast %add3A_1160 : i32 to index
      %get3A_1162 = arith.constant 0 : index
      %get3A_1163 = tpu.vector_load %arg10[%get3A_1161, %get3A_1162] {strides = array<i32>} : memref<128x128xbf16, #tpu.memory_space<vmem>>, vector<32xbf16>,
      %get3A_1164 = arith.index_cast %add3A_1160 : i32 to index
      %get3A_1165 = arith.constant 0 : index
      %get3A_1166 = tpu.vector_load %arg11[%get3A_1164, %get3A_1165] {strides = array<i32>} : memref<128x128xbf16, #tpu.memory_space<vmem>>, vector<32xbf16>,
      %get3A_1167 = arith.index_cast %add3A_1160 : i32 to index
      %get3A_1168 = arith.constant 32 : index
      %get3A_1169 = tpu.vector_load %arg10[%get3A_1167, %get3A_1168] {strides = array<i32>} : memref<128x128xbf16, #tpu.memory_space<vmem>>, vector<32xbf16>,
      %get3A_1170 = arith.index_cast %add3A_1160 : i32 to index
      %get3A_1171 = arith.constant 32 : index
      %get3A_1172 = tpu.vector_load %arg11[%get3A_1170, %get3A_1171] {strides = array<i32>} : memref<128x128xbf16, #tpu.memory_space<vmem>>, vector<32xbf16>,
      %get3A_1173 = arith.index_cast %add3A_1160 : i32 to index
      %get3A_1174 = arith.constant 64 : index
      %get3A_1175 = tpu.vector_load %arg10[%get3A_1173, %get3A_1174] {strides = array<i32>} : memref<128x128xbf16, #tpu.memory_space<vmem>>, vector<32xbf16>,
      %get3A_1176 = arith.index_cast %add3A_1160 : i32 to index
      %get3A_1177 = arith.constant 64 : index
      %get3A_1178 = tpu.vector_load %arg11[%get3A_1176, %get3A_1177] {strides = array<i32>} : memref<128x128xbf16, #tpu.memory_space<vmem>>, vector<32xbf16>,
      %get3A_1179 = arith.index_cast %add3A_1160 : i32 to index
      %get3A_1180 = arith.constant 96 : index
      %get3A_1181 = tpu.vector_load %arg10[%get3A_1179, %get3A_1180] {strides = array<i32>} : memref<128x128xbf16, #tpu.memory_space<vmem>>, vector<32xbf16>,
      %get3A_1182 = arith.index_cast %add3A_1160 : i32 to index
      %get3A_1183 = arith.constant 96 : index
      %get3A_1184 = tpu.vector_load %arg11[%get3A_1182, %get3A_1183] {strides = array<i32>} : memref<128x128xbf16, #tpu.memory_space<vmem>>, vector<32xbf16>,
      %mul3A_1185 = arith.mulf %get3A_1075, %get3A_1078 : vector<32xbf16>
      %mul3A_1186 = arith.mulf %get3A_1081, %get3A_1084 : vector<32xbf16>
      %add3A_1187 = arith.addf %mul3A_1185, %mul3A_1186 : vector<32xbf16>
      %mul3A_1188 = arith.mulf %get3A_1087, %get3A_1090 : vector<32xbf16>
      %mul3A_1189 = arith.mulf %get3A_1093, %get3A_1096 : vector<32xbf16>
      %add3A_1190 = arith.addf %mul3A_1188, %mul3A_1189 : vector<32xbf16>
      %add3A_1191 = arith.addf %add3A_1187, %add3A_1190 : vector<32xbf16>
      %unpack3A_1192 = tpu.unpack_subelements %add3A_1191, 0 {pack_format = #tpu.pack_format<interleaved>} : vector<32xbf16> -> vector<16xf32>
      %unpack3A_1193 = tpu.unpack_subelements %add3A_1191, 1 {pack_format = #tpu.pack_format<interleaved>} : vector<32xbf16> -> vector<16xf32>
      %add3A_1194 = arith.addf %unpack3A_1192, %unpack3A_1193 : vector<16xf32>
      %mul3A_1195 = arith.constant 256 : i32
      %mul3A_1196 = arith.muli %scan3A_928, %mul3A_1195 : i32
      %add3A_1197 = arith.constant 64 : i32
      %add3A_1198 = arith.addi %mul3A_1196, %add3A_1197 : i32
      %swap3A_1199 = arith.index_cast %add3A_1198 : i32 to index
      %swap3A_1200 = tpu.vector_load %arg15[%swap3A_1199] {strides = array<i32>} : memref<2048xf32, #tpu.memory_space<vmem>>, vector<16xf32>,
      tpu.vector_store %arg15[%swap3A_1199], %add3A_1194 {strides = array<i32>} : memref<2048xf32, #tpu.memory_space<vmem>>, vector<16xf32>,
      %add3A_1201 = arith.constant 5 : i32
      %add3A_1202 = arith.addi %mul3A_930, %add3A_1201 : i32
      %add3A_1203 = arith.constant 2 : i32
      %add3A_1204 = arith.addi %add3A_1202, %add3A_1203 : i32
      %get3A_1205 = arith.index_cast %add3A_1204 : i32 to index
      %get3A_1206 = arith.constant 0 : index
      %get3A_1207 = tpu.vector_load %arg10[%get3A_1205, %get3A_1206] {strides = array<i32>} : memref<128x128xbf16, #tpu.memory_space<vmem>>, vector<32xbf16>,
      %get3A_1208 = arith.index_cast %add3A_1204 : i32 to index
      %get3A_1209 = arith.constant 0 : index
      %get3A_1210 = tpu.vector_load %arg11[%get3A_1208, %get3A_1209] {strides = array<i32>} : memref<128x128xbf16, #tpu.memory_space<vmem>>, vector<32xbf16>,
      %get3A_1211 = arith.index_cast %add3A_1204 : i32 to index
      %get3A_1212 = arith.constant 32 : index
      %get3A_1213 = tpu.vector_load %arg10[%get3A_1211, %get3A_1212] {strides = array<i32>} : memref<128x128xbf16, #tpu.memory_space<vmem>>, vector<32xbf16>,
      %get3A_1214 = arith.index_cast %add3A_1204 : i32 to index
      %get3A_1215 = arith.constant 32 : index
      %get3A_1216 = tpu.vector_load %arg11[%get3A_1214, %get3A_1215] {strides = array<i32>} : memref<128x128xbf16, #tpu.memory_space<vmem>>, vector<32xbf16>,
      %get3A_1217 = arith.index_cast %add3A_1204 : i32 to index
      %get3A_1218 = arith.constant 64 : index
      %get3A_1219 = tpu.vector_load %arg10[%get3A_1217, %get3A_1218] {strides = array<i32>} : memref<128x128xbf16, #tpu.memory_space<vmem>>, vector<32xbf16>,
      %get3A_1220 = arith.index_cast %add3A_1204 : i32 to index
      %get3A_1221 = arith.constant 64 : index
      %get3A_1222 = tpu.vector_load %arg11[%get3A_1220, %get3A_1221] {strides = array<i32>} : memref<128x128xbf16, #tpu.memory_space<vmem>>, vector<32xbf16>,
      %get3A_1223 = arith.index_cast %add3A_1204 : i32 to index
      %get3A_1224 = arith.constant 96 : index
      %get3A_1225 = tpu.vector_load %arg10[%get3A_1223, %get3A_1224] {strides = array<i32>} : memref<128x128xbf16, #tpu.memory_space<vmem>>, vector<32xbf16>,
      %get3A_1226 = arith.index_cast %add3A_1204 : i32 to index
      %get3A_1227 = arith.constant 96 : index
      %get3A_1228 = tpu.vector_load %arg11[%get3A_1226, %get3A_1227] {strides = array<i32>} : memref<128x128xbf16, #tpu.memory_space<vmem>>, vector<32xbf16>,
      %mul3A_1229 = arith.mulf %get3A_1119, %get3A_1122 : vector<32xbf16>
      %mul3A_1230 = arith.mulf %get3A_1125, %get3A_1128 : vector<32xbf16>
      %add3A_1231 = arith.addf %mul3A_1229, %mul3A_1230 : vector<32xbf16>
      %mul3A_1232 = arith.mulf %get3A_1131, %get3A_1134 : vector<32xbf16>
      %mul3A_1233 = arith.mulf %get3A_1137, %get3A_1140 : vector<32xbf16>
      %add3A_1234 = arith.addf %mul3A_1232, %mul3A_1233 : vector<32xbf16>
      %add3A_1235 = arith.addf %add3A_1231, %add3A_1234 : vector<32xbf16>
      %unpack3A_1236 = tpu.unpack_subelements %add3A_1235, 0 {pack_format = #tpu.pack_format<interleaved>} : vector<32xbf16> -> vector<16xf32>
      %unpack3A_1237 = tpu.unpack_subelements %add3A_1235, 1 {pack_format = #tpu.pack_format<interleaved>} : vector<32xbf16> -> vector<16xf32>
      %add3A_1238 = arith.addf %unpack3A_1236, %unpack3A_1237 : vector<16xf32>
      %mul3A_1239 = arith.constant 256 : i32
      %mul3A_1240 = arith.muli %scan3A_928, %mul3A_1239 : i32
      %add3A_1241 = arith.constant 80 : i32
      %add3A_1242 = arith.addi %mul3A_1240, %add3A_1241 : i32
      %swap3A_1243 = arith.index_cast %add3A_1242 : i32 to index
      %swap3A_1244 = tpu.vector_load %arg15[%swap3A_1243] {strides = array<i32>} : memref<2048xf32, #tpu.memory_space<vmem>>, vector<16xf32>,
      tpu.vector_store %arg15[%swap3A_1243], %add3A_1238 {strides = array<i32>} : memref<2048xf32, #tpu.memory_space<vmem>>, vector<16xf32>,
      %add3A_1245 = arith.constant 6 : i32
      %add3A_1246 = arith.addi %mul3A_930, %add3A_1245 : i32
      %add3A_1247 = arith.constant 2 : i32
      %add3A_1248 = arith.addi %add3A_1246, %add3A_1247 : i32
      %get3A_1249 = arith.index_cast %add3A_1248 : i32 to index
      %get3A_1250 = arith.constant 0 : index
      %get3A_1251 = tpu.vector_load %arg10[%get3A_1249, %get3A_1250] {strides = array<i32>} : memref<128x128xbf16, #tpu.memory_space<vmem>>, vector<32xbf16>,
      %get3A_1252 = arith.index_cast %add3A_1248 : i32 to index
      %get3A_1253 = arith.constant 0 : index
      %get3A_1254 = tpu.vector_load %arg11[%get3A_1252, %get3A_1253] {strides = array<i32>} : memref<128x128xbf16, #tpu.memory_space<vmem>>, vector<32xbf16>,
      %get3A_1255 = arith.index_cast %add3A_1248 : i32 to index
      %get3A_1256 = arith.constant 32 : index
      %get3A_1257 = tpu.vector_load %arg10[%get3A_1255, %get3A_1256] {strides = array<i32>} : memref<128x128xbf16, #tpu.memory_space<vmem>>, vector<32xbf16>,
      %get3A_1258 = arith.index_cast %add3A_1248 : i32 to index
      %get3A_1259 = arith.constant 32 : index
      %get3A_1260 = tpu.vector_load %arg11[%get3A_1258, %get3A_1259] {strides = array<i32>} : memref<128x128xbf16, #tpu.memory_space<vmem>>, vector<32xbf16>,
      %get3A_1261 = arith.index_cast %add3A_1248 : i32 to index
      %get3A_1262 = arith.constant 64 : index
      %get3A_1263 = tpu.vector_load %arg10[%get3A_1261, %get3A_1262] {strides = array<i32>} : memref<128x128xbf16, #tpu.memory_space<vmem>>, vector<32xbf16>,
      %get3A_1264 = arith.index_cast %add3A_1248 : i32 to index
      %get3A_1265 = arith.constant 64 : index
      %get3A_1266 = tpu.vector_load %arg11[%get3A_1264, %get3A_1265] {strides = array<i32>} : memref<128x128xbf16, #tpu.memory_space<vmem>>, vector<32xbf16>,
      %get3A_1267 = arith.index_cast %add3A_1248 : i32 to index
      %get3A_1268 = arith.constant 96 : index
      %get3A_1269 = tpu.vector_load %arg10[%get3A_1267, %get3A_1268] {strides = array<i32>} : memref<128x128xbf16, #tpu.memory_space<vmem>>, vector<32xbf16>,
      %get3A_1270 = arith.index_cast %add3A_1248 : i32 to index
      %get3A_1271 = arith.constant 96 : index
      %get3A_1272 = tpu.vector_load %arg11[%get3A_1270, %get3A_1271] {strides = array<i32>} : memref<128x128xbf16, #tpu.memory_space<vmem>>, vector<32xbf16>,
      %mul3A_1273 = arith.mulf %get3A_1163, %get3A_1166 : vector<32xbf16>
      %mul3A_1274 = arith.mulf %get3A_1169, %get3A_1172 : vector<32xbf16>
      %add3A_1275 = arith.addf %mul3A_1273, %mul3A_1274 : vector<32xbf16>
      %mul3A_1276 = arith.mulf %get3A_1175, %get3A_1178 : vector<32xbf16>
      %mul3A_1277 = arith.mulf %get3A_1181, %get3A_1184 : vector<32xbf16>
      %add3A_1278 = arith.addf %mul3A_1276, %mul3A_1277 : vector<32xbf16>
      %add3A_1279 = arith.addf %add3A_1275, %add3A_1278 : vector<32xbf16>
      %unpack3A_1280 = tpu.unpack_subelements %add3A_1279, 0 {pack_format = #tpu.pack_format<interleaved>} : vector<32xbf16> -> vector<16xf32>
      %unpack3A_1281 = tpu.unpack_subelements %add3A_1279, 1 {pack_format = #tpu.pack_format<interleaved>} : vector<32xbf16> -> vector<16xf32>
      %add3A_1282 = arith.addf %unpack3A_1280, %unpack3A_1281 : vector<16xf32>
      %mul3A_1283 = arith.constant 256 : i32
      %mul3A_1284 = arith.muli %scan3A_928, %mul3A_1283 : i32
      %add3A_1285 = arith.constant 96 : i32
      %add3A_1286 = arith.addi %mul3A_1284, %add3A_1285 : i32
      %swap3A_1287 = arith.index_cast %add3A_1286 : i32 to index
      %swap3A_1288 = tpu.vector_load %arg15[%swap3A_1287] {strides = array<i32>} : memref<2048xf32, #tpu.memory_space<vmem>>, vector<16xf32>,
      tpu.vector_store %arg15[%swap3A_1287], %add3A_1282 {strides = array<i32>} : memref<2048xf32, #tpu.memory_space<vmem>>, vector<16xf32>,
      %add3A_1289 = arith.constant 7 : i32
      %add3A_1290 = arith.addi %mul3A_930, %add3A_1289 : i32
      %add3A_1291 = arith.constant 2 : i32
      %add3A_1292 = arith.addi %add3A_1290, %add3A_1291 : i32
      %get3A_1293 = arith.index_cast %add3A_1292 : i32 to index
      %get3A_1294 = arith.constant 0 : index
      %get3A_1295 = tpu.vector_load %arg10[%get3A_1293, %get3A_1294] {strides = array<i32>} : memref<128x128xbf16, #tpu.memory_space<vmem>>, vector<32xbf16>,
      %get3A_1296 = arith.index_cast %add3A_1292 : i32 to index
      %get3A_1297 = arith.constant 0 : index
      %get3A_1298 = tpu.vector_load %arg11[%get3A_1296, %get3A_1297] {strides = array<i32>} : memref<128x128xbf16, #tpu.memory_space<vmem>>, vector<32xbf16>,
      %get3A_1299 = arith.index_cast %add3A_1292 : i32 to index
      %get3A_1300 = arith.constant 32 : index
      %get3A_1301 = tpu.vector_load %arg10[%get3A_1299, %get3A_1300] {strides = array<i32>} : memref<128x128xbf16, #tpu.memory_space<vmem>>, vector<32xbf16>,
      %get3A_1302 = arith.index_cast %add3A_1292 : i32 to index
      %get3A_1303 = arith.constant 32 : index
      %get3A_1304 = tpu.vector_load %arg11[%get3A_1302, %get3A_1303] {strides = array<i32>} : memref<128x128xbf16, #tpu.memory_space<vmem>>, vector<32xbf16>,
      %get3A_1305 = arith.index_cast %add3A_1292 : i32 to index
      %get3A_1306 = arith.constant 64 : index
      %get3A_1307 = tpu.vector_load %arg10[%get3A_1305, %get3A_1306] {strides = array<i32>} : memref<128x128xbf16, #tpu.memory_space<vmem>>, vector<32xbf16>,
      %get3A_1308 = arith.index_cast %add3A_1292 : i32 to index
      %get3A_1309 = arith.constant 64 : index
      %get3A_1310 = tpu.vector_load %arg11[%get3A_1308, %get3A_1309] {strides = array<i32>} : memref<128x128xbf16, #tpu.memory_space<vmem>>, vector<32xbf16>,
      %get3A_1311 = arith.index_cast %add3A_1292 : i32 to index
      %get3A_1312 = arith.constant 96 : index
      %get3A_1313 = tpu.vector_load %arg10[%get3A_1311, %get3A_1312] {strides = array<i32>} : memref<128x128xbf16, #tpu.memory_space<vmem>>, vector<32xbf16>,
      %get3A_1314 = arith.index_cast %add3A_1292 : i32 to index
      %get3A_1315 = arith.constant 96 : index
      %get3A_1316 = tpu.vector_load %arg11[%get3A_1314, %get3A_1315] {strides = array<i32>} : memref<128x128xbf16, #tpu.memory_space<vmem>>, vector<32xbf16>,
      %mul3A_1317 = arith.mulf %get3A_1207, %get3A_1210 : vector<32xbf16>
      %mul3A_1318 = arith.mulf %get3A_1213, %get3A_1216 : vector<32xbf16>
      %add3A_1319 = arith.addf %mul3A_1317, %mul3A_1318 : vector<32xbf16>
      %mul3A_1320 = arith.mulf %get3A_1219, %get3A_1222 : vector<32xbf16>
      %mul3A_1321 = arith.mulf %get3A_1225, %get3A_1228 : vector<32xbf16>
      %add3A_1322 = arith.addf %mul3A_1320, %mul3A_1321 : vector<32xbf16>
      %add3A_1323 = arith.addf %add3A_1319, %add3A_1322 : vector<32xbf16>
      %unpack3A_1324 = tpu.unpack_subelements %add3A_1323, 0 {pack_format = #tpu.pack_format<interleaved>} : vector<32xbf16> -> vector<16xf32>
      %unpack3A_1325 = tpu.unpack_subelements %add3A_1323, 1 {pack_format = #tpu.pack_format<interleaved>} : vector<32xbf16> -> vector<16xf32>
      %add3A_1326 = arith.addf %unpack3A_1324, %unpack3A_1325 : vector<16xf32>
      %mul3A_1327 = arith.constant 256 : i32
      %mul3A_1328 = arith.muli %scan3A_928, %mul3A_1327 : i32
      %add3A_1329 = arith.constant 112 : i32
      %add3A_1330 = arith.addi %mul3A_1328, %add3A_1329 : i32
      %swap3A_1331 = arith.index_cast %add3A_1330 : i32 to index
      %swap3A_1332 = tpu.vector_load %arg15[%swap3A_1331] {strides = array<i32>} : memref<2048xf32, #tpu.memory_space<vmem>>, vector<16xf32>,
      tpu.vector_store %arg15[%swap3A_1331], %add3A_1326 {strides = array<i32>} : memref<2048xf32, #tpu.memory_space<vmem>>, vector<16xf32>,
      %add3A_1333 = arith.constant 8 : i32
      %add3A_1334 = arith.addi %mul3A_930, %add3A_1333 : i32
      %add3A_1335 = arith.constant 2 : i32
      %add3A_1336 = arith.addi %add3A_1334, %add3A_1335 : i32
      %get3A_1337 = arith.index_cast %add3A_1336 : i32 to index
      %get3A_1338 = arith.constant 0 : index
      %get3A_1339 = tpu.vector_load %arg10[%get3A_1337, %get3A_1338] {strides = array<i32>} : memref<128x128xbf16, #tpu.memory_space<vmem>>, vector<32xbf16>,
      %get3A_1340 = arith.index_cast %add3A_1336 : i32 to index
      %get3A_1341 = arith.constant 0 : index
      %get3A_1342 = tpu.vector_load %arg11[%get3A_1340, %get3A_1341] {strides = array<i32>} : memref<128x128xbf16, #tpu.memory_space<vmem>>, vector<32xbf16>,
      %get3A_1343 = arith.index_cast %add3A_1336 : i32 to index
      %get3A_1344 = arith.constant 32 : index
      %get3A_1345 = tpu.vector_load %arg10[%get3A_1343, %get3A_1344] {strides = array<i32>} : memref<128x128xbf16, #tpu.memory_space<vmem>>, vector<32xbf16>,
      %get3A_1346 = arith.index_cast %add3A_1336 : i32 to index
      %get3A_1347 = arith.constant 32 : index
      %get3A_1348 = tpu.vector_load %arg11[%get3A_1346, %get3A_1347] {strides = array<i32>} : memref<128x128xbf16, #tpu.memory_space<vmem>>, vector<32xbf16>,
      %get3A_1349 = arith.index_cast %add3A_1336 : i32 to index
      %get3A_1350 = arith.constant 64 : index
      %get3A_1351 = tpu.vector_load %arg10[%get3A_1349, %get3A_1350] {strides = array<i32>} : memref<128x128xbf16, #tpu.memory_space<vmem>>, vector<32xbf16>,
      %get3A_1352 = arith.index_cast %add3A_1336 : i32 to index
      %get3A_1353 = arith.constant 64 : index
      %get3A_1354 = tpu.vector_load %arg11[%get3A_1352, %get3A_1353] {strides = array<i32>} : memref<128x128xbf16, #tpu.memory_space<vmem>>, vector<32xbf16>,
      %get3A_1355 = arith.index_cast %add3A_1336 : i32 to index
      %get3A_1356 = arith.constant 96 : index
      %get3A_1357 = tpu.vector_load %arg10[%get3A_1355, %get3A_1356] {strides = array<i32>} : memref<128x128xbf16, #tpu.memory_space<vmem>>, vector<32xbf16>,
      %get3A_1358 = arith.index_cast %add3A_1336 : i32 to index
      %get3A_1359 = arith.constant 96 : index
      %get3A_1360 = tpu.vector_load %arg11[%get3A_1358, %get3A_1359] {strides = array<i32>} : memref<128x128xbf16, #tpu.memory_space<vmem>>, vector<32xbf16>,
      %mul3A_1361 = arith.mulf %get3A_1251, %get3A_1254 : vector<32xbf16>
      %mul3A_1362 = arith.mulf %get3A_1257, %get3A_1260 : vector<32xbf16>
      %add3A_1363 = arith.addf %mul3A_1361, %mul3A_1362 : vector<32xbf16>
      %mul3A_1364 = arith.mulf %get3A_1263, %get3A_1266 : vector<32xbf16>
      %mul3A_1365 = arith.mulf %get3A_1269, %get3A_1272 : vector<32xbf16>
      %add3A_1366 = arith.addf %mul3A_1364, %mul3A_1365 : vector<32xbf16>
      %add3A_1367 = arith.addf %add3A_1363, %add3A_1366 : vector<32xbf16>
      %unpack3A_1368 = tpu.unpack_subelements %add3A_1367, 0 {pack_format = #tpu.pack_format<interleaved>} : vector<32xbf16> -> vector<16xf32>
      %unpack3A_1369 = tpu.unpack_subelements %add3A_1367, 1 {pack_format = #tpu.pack_format<interleaved>} : vector<32xbf16> -> vector<16xf32>
      %add3A_1370 = arith.addf %unpack3A_1368, %unpack3A_1369 : vector<16xf32>
      %mul3A_1371 = arith.constant 256 : i32
      %mul3A_1372 = arith.muli %scan3A_928, %mul3A_1371 : i32
      %add3A_1373 = arith.constant 128 : i32
      %add3A_1374 = arith.addi %mul3A_1372, %add3A_1373 : i32
      %swap3A_1375 = arith.index_cast %add3A_1374 : i32 to index
      %swap3A_1376 = tpu.vector_load %arg15[%swap3A_1375] {strides = array<i32>} : memref<2048xf32, #tpu.memory_space<vmem>>, vector<16xf32>,
      tpu.vector_store %arg15[%swap3A_1375], %add3A_1370 {strides = array<i32>} : memref<2048xf32, #tpu.memory_space<vmem>>, vector<16xf32>,
      %add3A_1377 = arith.constant 9 : i32
      %add3A_1378 = arith.addi %mul3A_930, %add3A_1377 : i32
      %add3A_1379 = arith.constant 2 : i32
      %add3A_1380 = arith.addi %add3A_1378, %add3A_1379 : i32
      %get3A_1381 = arith.index_cast %add3A_1380 : i32 to index
      %get3A_1382 = arith.constant 0 : index
      %get3A_1383 = tpu.vector_load %arg10[%get3A_1381, %get3A_1382] {strides = array<i32>} : memref<128x128xbf16, #tpu.memory_space<vmem>>, vector<32xbf16>,
      %get3A_1384 = arith.index_cast %add3A_1380 : i32 to index
      %get3A_1385 = arith.constant 0 : index
      %get3A_1386 = tpu.vector_load %arg11[%get3A_1384, %get3A_1385] {strides = array<i32>} : memref<128x128xbf16, #tpu.memory_space<vmem>>, vector<32xbf16>,
      %get3A_1387 = arith.index_cast %add3A_1380 : i32 to index
      %get3A_1388 = arith.constant 32 : index
      %get3A_1389 = tpu.vector_load %arg10[%get3A_1387, %get3A_1388] {strides = array<i32>} : memref<128x128xbf16, #tpu.memory_space<vmem>>, vector<32xbf16>,
      %get3A_1390 = arith.index_cast %add3A_1380 : i32 to index
      %get3A_1391 = arith.constant 32 : index
      %get3A_1392 = tpu.vector_load %arg11[%get3A_1390, %get3A_1391] {strides = array<i32>} : memref<128x128xbf16, #tpu.memory_space<vmem>>, vector<32xbf16>,
      %get3A_1393 = arith.index_cast %add3A_1380 : i32 to index
      %get3A_1394 = arith.constant 64 : index
      %get3A_1395 = tpu.vector_load %arg10[%get3A_1393, %get3A_1394] {strides = array<i32>} : memref<128x128xbf16, #tpu.memory_space<vmem>>, vector<32xbf16>,
      %get3A_1396 = arith.index_cast %add3A_1380 : i32 to index
      %get3A_1397 = arith.constant 64 : index
      %get3A_1398 = tpu.vector_load %arg11[%get3A_1396, %get3A_1397] {strides = array<i32>} : memref<128x128xbf16, #tpu.memory_space<vmem>>, vector<32xbf16>,
      %get3A_1399 = arith.index_cast %add3A_1380 : i32 to index
      %get3A_1400 = arith.constant 96 : index
      %get3A_1401 = tpu.vector_load %arg10[%get3A_1399, %get3A_1400] {strides = array<i32>} : memref<128x128xbf16, #tpu.memory_space<vmem>>, vector<32xbf16>,
      %get3A_1402 = arith.index_cast %add3A_1380 : i32 to index
      %get3A_1403 = arith.constant 96 : index
      %get3A_1404 = tpu.vector_load %arg11[%get3A_1402, %get3A_1403] {strides = array<i32>} : memref<128x128xbf16, #tpu.memory_space<vmem>>, vector<32xbf16>,
      %mul3A_1405 = arith.mulf %get3A_1295, %get3A_1298 : vector<32xbf16>
      %mul3A_1406 = arith.mulf %get3A_1301, %get3A_1304 : vector<32xbf16>
      %add3A_1407 = arith.addf %mul3A_1405, %mul3A_1406 : vector<32xbf16>
      %mul3A_1408 = arith.mulf %get3A_1307, %get3A_1310 : vector<32xbf16>
      %mul3A_1409 = arith.mulf %get3A_1313, %get3A_1316 : vector<32xbf16>
      %add3A_1410 = arith.addf %mul3A_1408, %mul3A_1409 : vector<32xbf16>
      %add3A_1411 = arith.addf %add3A_1407, %add3A_1410 : vector<32xbf16>
      %unpack3A_1412 = tpu.unpack_subelements %add3A_1411, 0 {pack_format = #tpu.pack_format<interleaved>} : vector<32xbf16> -> vector<16xf32>
      %unpack3A_1413 = tpu.unpack_subelements %add3A_1411, 1 {pack_format = #tpu.pack_format<interleaved>} : vector<32xbf16> -> vector<16xf32>
      %add3A_1414 = arith.addf %unpack3A_1412, %unpack3A_1413 : vector<16xf32>
      %mul3A_1415 = arith.constant 256 : i32
      %mul3A_1416 = arith.muli %scan3A_928, %mul3A_1415 : i32
      %add3A_1417 = arith.constant 144 : i32
      %add3A_1418 = arith.addi %mul3A_1416, %add3A_1417 : i32
      %swap3A_1419 = arith.index_cast %add3A_1418 : i32 to index
      %swap3A_1420 = tpu.vector_load %arg15[%swap3A_1419] {strides = array<i32>} : memref<2048xf32, #tpu.memory_space<vmem>>, vector<16xf32>,
      tpu.vector_store %arg15[%swap3A_1419], %add3A_1414 {strides = array<i32>} : memref<2048xf32, #tpu.memory_space<vmem>>, vector<16xf32>,
      %add3A_1421 = arith.constant 10 : i32
      %add3A_1422 = arith.addi %mul3A_930, %add3A_1421 : i32
      %add3A_1423 = arith.constant 2 : i32
      %add3A_1424 = arith.addi %add3A_1422, %add3A_1423 : i32
      %get3A_1425 = arith.index_cast %add3A_1424 : i32 to index
      %get3A_1426 = arith.constant 0 : index
      %get3A_1427 = tpu.vector_load %arg10[%get3A_1425, %get3A_1426] {strides = array<i32>} : memref<128x128xbf16, #tpu.memory_space<vmem>>, vector<32xbf16>,
      %get3A_1428 = arith.index_cast %add3A_1424 : i32 to index
      %get3A_1429 = arith.constant 0 : index
      %get3A_1430 = tpu.vector_load %arg11[%get3A_1428, %get3A_1429] {strides = array<i32>} : memref<128x128xbf16, #tpu.memory_space<vmem>>, vector<32xbf16>,
      %get3A_1431 = arith.index_cast %add3A_1424 : i32 to index
      %get3A_1432 = arith.constant 32 : index
      %get3A_1433 = tpu.vector_load %arg10[%get3A_1431, %get3A_1432] {strides = array<i32>} : memref<128x128xbf16, #tpu.memory_space<vmem>>, vector<32xbf16>,
      %get3A_1434 = arith.index_cast %add3A_1424 : i32 to index
      %get3A_1435 = arith.constant 32 : index
      %get3A_1436 = tpu.vector_load %arg11[%get3A_1434, %get3A_1435] {strides = array<i32>} : memref<128x128xbf16, #tpu.memory_space<vmem>>, vector<32xbf16>,
      %get3A_1437 = arith.index_cast %add3A_1424 : i32 to index
      %get3A_1438 = arith.constant 64 : index
      %get3A_1439 = tpu.vector_load %arg10[%get3A_1437, %get3A_1438] {strides = array<i32>} : memref<128x128xbf16, #tpu.memory_space<vmem>>, vector<32xbf16>,
      %get3A_1440 = arith.index_cast %add3A_1424 : i32 to index
      %get3A_1441 = arith.constant 64 : index
      %get3A_1442 = tpu.vector_load %arg11[%get3A_1440, %get3A_1441] {strides = array<i32>} : memref<128x128xbf16, #tpu.memory_space<vmem>>, vector<32xbf16>,
      %get3A_1443 = arith.index_cast %add3A_1424 : i32 to index
      %get3A_1444 = arith.constant 96 : index
      %get3A_1445 = tpu.vector_load %arg10[%get3A_1443, %get3A_1444] {strides = array<i32>} : memref<128x128xbf16, #tpu.memory_space<vmem>>, vector<32xbf16>,
      %get3A_1446 = arith.index_cast %add3A_1424 : i32 to index
      %get3A_1447 = arith.constant 96 : index
      %get3A_1448 = tpu.vector_load %arg11[%get3A_1446, %get3A_1447] {strides = array<i32>} : memref<128x128xbf16, #tpu.memory_space<vmem>>, vector<32xbf16>,
      %mul3A_1449 = arith.mulf %get3A_1339, %get3A_1342 : vector<32xbf16>
      %mul3A_1450 = arith.mulf %get3A_1345, %get3A_1348 : vector<32xbf16>
      %add3A_1451 = arith.addf %mul3A_1449, %mul3A_1450 : vector<32xbf16>
      %mul3A_1452 = arith.mulf %get3A_1351, %get3A_1354 : vector<32xbf16>
      %mul3A_1453 = arith.mulf %get3A_1357, %get3A_1360 : vector<32xbf16>
      %add3A_1454 = arith.addf %mul3A_1452, %mul3A_1453 : vector<32xbf16>
      %add3A_1455 = arith.addf %add3A_1451, %add3A_1454 : vector<32xbf16>
      %unpack3A_1456 = tpu.unpack_subelements %add3A_1455, 0 {pack_format = #tpu.pack_format<interleaved>} : vector<32xbf16> -> vector<16xf32>
      %unpack3A_1457 = tpu.unpack_subelements %add3A_1455, 1 {pack_format = #tpu.pack_format<interleaved>} : vector<32xbf16> -> vector<16xf32>
      %add3A_1458 = arith.addf %unpack3A_1456, %unpack3A_1457 : vector<16xf32>
      %mul3A_1459 = arith.constant 256 : i32
      %mul3A_1460 = arith.muli %scan3A_928, %mul3A_1459 : i32
      %add3A_1461 = arith.constant 160 : i32
      %add3A_1462 = arith.addi %mul3A_1460, %add3A_1461 : i32
      %swap3A_1463 = arith.index_cast %add3A_1462 : i32 to index
      %swap3A_1464 = tpu.vector_load %arg15[%swap3A_1463] {strides = array<i32>} : memref<2048xf32, #tpu.memory_space<vmem>>, vector<16xf32>,
      tpu.vector_store %arg15[%swap3A_1463], %add3A_1458 {strides = array<i32>} : memref<2048xf32, #tpu.memory_space<vmem>>, vector<16xf32>,
      %add3A_1465 = arith.constant 11 : i32
      %add3A_1466 = arith.addi %mul3A_930, %add3A_1465 : i32
      %add3A_1467 = arith.constant 2 : i32
      %add3A_1468 = arith.addi %add3A_1466, %add3A_1467 : i32
      %get3A_1469 = arith.index_cast %add3A_1468 : i32 to index
      %get3A_1470 = arith.constant 0 : index
      %get3A_1471 = tpu.vector_load %arg10[%get3A_1469, %get3A_1470] {strides = array<i32>} : memref<128x128xbf16, #tpu.memory_space<vmem>>, vector<32xbf16>,
      %get3A_1472 = arith.index_cast %add3A_1468 : i32 to index
      %get3A_1473 = arith.constant 0 : index
      %get3A_1474 = tpu.vector_load %arg11[%get3A_1472, %get3A_1473] {strides = array<i32>} : memref<128x128xbf16, #tpu.memory_space<vmem>>, vector<32xbf16>,
      %get3A_1475 = arith.index_cast %add3A_1468 : i32 to index
      %get3A_1476 = arith.constant 32 : index
      %get3A_1477 = tpu.vector_load %arg10[%get3A_1475, %get3A_1476] {strides = array<i32>} : memref<128x128xbf16, #tpu.memory_space<vmem>>, vector<32xbf16>,
      %get3A_1478 = arith.index_cast %add3A_1468 : i32 to index
      %get3A_1479 = arith.constant 32 : index
      %get3A_1480 = tpu.vector_load %arg11[%get3A_1478, %get3A_1479] {strides = array<i32>} : memref<128x128xbf16, #tpu.memory_space<vmem>>, vector<32xbf16>,
      %get3A_1481 = arith.index_cast %add3A_1468 : i32 to index
      %get3A_1482 = arith.constant 64 : index
      %get3A_1483 = tpu.vector_load %arg10[%get3A_1481, %get3A_1482] {strides = array<i32>} : memref<128x128xbf16, #tpu.memory_space<vmem>>, vector<32xbf16>,
      %get3A_1484 = arith.index_cast %add3A_1468 : i32 to index
      %get3A_1485 = arith.constant 64 : index
      %get3A_1486 = tpu.vector_load %arg11[%get3A_1484, %get3A_1485] {strides = array<i32>} : memref<128x128xbf16, #tpu.memory_space<vmem>>, vector<32xbf16>,
      %get3A_1487 = arith.index_cast %add3A_1468 : i32 to index
      %get3A_1488 = arith.constant 96 : index
      %get3A_1489 = tpu.vector_load %arg10[%get3A_1487, %get3A_1488] {strides = array<i32>} : memref<128x128xbf16, #tpu.memory_space<vmem>>, vector<32xbf16>,
      %get3A_1490 = arith.index_cast %add3A_1468 : i32 to index
      %get3A_1491 = arith.constant 96 : index
      %get3A_1492 = tpu.vector_load %arg11[%get3A_1490, %get3A_1491] {strides = array<i32>} : memref<128x128xbf16, #tpu.memory_space<vmem>>, vector<32xbf16>,
      %mul3A_1493 = arith.mulf %get3A_1383, %get3A_1386 : vector<32xbf16>
      %mul3A_1494 = arith.mulf %get3A_1389, %get3A_1392 : vector<32xbf16>
      %add3A_1495 = arith.addf %mul3A_1493, %mul3A_1494 : vector<32xbf16>
      %mul3A_1496 = arith.mulf %get3A_1395, %get3A_1398 : vector<32xbf16>
      %mul3A_1497 = arith.mulf %get3A_1401, %get3A_1404 : vector<32xbf16>
      %add3A_1498 = arith.addf %mul3A_1496, %mul3A_1497 : vector<32xbf16>
      %add3A_1499 = arith.addf %add3A_1495, %add3A_1498 : vector<32xbf16>
      %unpack3A_1500 = tpu.unpack_subelements %add3A_1499, 0 {pack_format = #tpu.pack_format<interleaved>} : vector<32xbf16> -> vector<16xf32>
      %unpack3A_1501 = tpu.unpack_subelements %add3A_1499, 1 {pack_format = #tpu.pack_format<interleaved>} : vector<32xbf16> -> vector<16xf32>
      %add3A_1502 = arith.addf %unpack3A_1500, %unpack3A_1501 : vector<16xf32>
      %mul3A_1503 = arith.constant 256 : i32
      %mul3A_1504 = arith.muli %scan3A_928, %mul3A_1503 : i32
      %add3A_1505 = arith.constant 176 : i32
      %add3A_1506 = arith.addi %mul3A_1504, %add3A_1505 : i32
      %swap3A_1507 = arith.index_cast %add3A_1506 : i32 to index
      %swap3A_1508 = tpu.vector_load %arg15[%swap3A_1507] {strides = array<i32>} : memref<2048xf32, #tpu.memory_space<vmem>>, vector<16xf32>,
      tpu.vector_store %arg15[%swap3A_1507], %add3A_1502 {strides = array<i32>} : memref<2048xf32, #tpu.memory_space<vmem>>, vector<16xf32>,
      %add3A_1509 = arith.constant 12 : i32
      %add3A_1510 = arith.addi %mul3A_930, %add3A_1509 : i32
      %add3A_1511 = arith.constant 2 : i32
      %add3A_1512 = arith.addi %add3A_1510, %add3A_1511 : i32
      %get3A_1513 = arith.index_cast %add3A_1512 : i32 to index
      %get3A_1514 = arith.constant 0 : index
      %get3A_1515 = tpu.vector_load %arg10[%get3A_1513, %get3A_1514] {strides = array<i32>} : memref<128x128xbf16, #tpu.memory_space<vmem>>, vector<32xbf16>,
      %get3A_1516 = arith.index_cast %add3A_1512 : i32 to index
      %get3A_1517 = arith.constant 0 : index
      %get3A_1518 = tpu.vector_load %arg11[%get3A_1516, %get3A_1517] {strides = array<i32>} : memref<128x128xbf16, #tpu.memory_space<vmem>>, vector<32xbf16>,
      %get3A_1519 = arith.index_cast %add3A_1512 : i32 to index
      %get3A_1520 = arith.constant 32 : index
      %get3A_1521 = tpu.vector_load %arg10[%get3A_1519, %get3A_1520] {strides = array<i32>} : memref<128x128xbf16, #tpu.memory_space<vmem>>, vector<32xbf16>,
      %get3A_1522 = arith.index_cast %add3A_1512 : i32 to index
      %get3A_1523 = arith.constant 32 : index
      %get3A_1524 = tpu.vector_load %arg11[%get3A_1522, %get3A_1523] {strides = array<i32>} : memref<128x128xbf16, #tpu.memory_space<vmem>>, vector<32xbf16>,
      %get3A_1525 = arith.index_cast %add3A_1512 : i32 to index
      %get3A_1526 = arith.constant 64 : index
      %get3A_1527 = tpu.vector_load %arg10[%get3A_1525, %get3A_1526] {strides = array<i32>} : memref<128x128xbf16, #tpu.memory_space<vmem>>, vector<32xbf16>,
      %get3A_1528 = arith.index_cast %add3A_1512 : i32 to index
      %get3A_1529 = arith.constant 64 : index
      %get3A_1530 = tpu.vector_load %arg11[%get3A_1528, %get3A_1529] {strides = array<i32>} : memref<128x128xbf16, #tpu.memory_space<vmem>>, vector<32xbf16>,
      %get3A_1531 = arith.index_cast %add3A_1512 : i32 to index
      %get3A_1532 = arith.constant 96 : index
      %get3A_1533 = tpu.vector_load %arg10[%get3A_1531, %get3A_1532] {strides = array<i32>} : memref<128x128xbf16, #tpu.memory_space<vmem>>, vector<32xbf16>,
      %get3A_1534 = arith.index_cast %add3A_1512 : i32 to index
      %get3A_1535 = arith.constant 96 : index
      %get3A_1536 = tpu.vector_load %arg11[%get3A_1534, %get3A_1535] {strides = array<i32>} : memref<128x128xbf16, #tpu.memory_space<vmem>>, vector<32xbf16>,
      %mul3A_1537 = arith.mulf %get3A_1427, %get3A_1430 : vector<32xbf16>
      %mul3A_1538 = arith.mulf %get3A_1433, %get3A_1436 : vector<32xbf16>
      %add3A_1539 = arith.addf %mul3A_1537, %mul3A_1538 : vector<32xbf16>
      %mul3A_1540 = arith.mulf %get3A_1439, %get3A_1442 : vector<32xbf16>
      %mul3A_1541 = arith.mulf %get3A_1445, %get3A_1448 : vector<32xbf16>
      %add3A_1542 = arith.addf %mul3A_1540, %mul3A_1541 : vector<32xbf16>
      %add3A_1543 = arith.addf %add3A_1539, %add3A_1542 : vector<32xbf16>
      %unpack3A_1544 = tpu.unpack_subelements %add3A_1543, 0 {pack_format = #tpu.pack_format<interleaved>} : vector<32xbf16> -> vector<16xf32>
      %unpack3A_1545 = tpu.unpack_subelements %add3A_1543, 1 {pack_format = #tpu.pack_format<interleaved>} : vector<32xbf16> -> vector<16xf32>
      %add3A_1546 = arith.addf %unpack3A_1544, %unpack3A_1545 : vector<16xf32>
      %mul3A_1547 = arith.constant 256 : i32
      %mul3A_1548 = arith.muli %scan3A_928, %mul3A_1547 : i32
      %add3A_1549 = arith.constant 192 : i32
      %add3A_1550 = arith.addi %mul3A_1548, %add3A_1549 : i32
      %swap3A_1551 = arith.index_cast %add3A_1550 : i32 to index
      %swap3A_1552 = tpu.vector_load %arg15[%swap3A_1551] {strides = array<i32>} : memref<2048xf32, #tpu.memory_space<vmem>>, vector<16xf32>,
      tpu.vector_store %arg15[%swap3A_1551], %add3A_1546 {strides = array<i32>} : memref<2048xf32, #tpu.memory_space<vmem>>, vector<16xf32>,
      %add3A_1553 = arith.constant 13 : i32
      %add3A_1554 = arith.addi %mul3A_930, %add3A_1553 : i32
      %add3A_1555 = arith.constant 2 : i32
      %add3A_1556 = arith.addi %add3A_1554, %add3A_1555 : i32
      %get3A_1557 = arith.index_cast %add3A_1556 : i32 to index
      %get3A_1558 = arith.constant 0 : index
      %get3A_1559 = tpu.vector_load %arg10[%get3A_1557, %get3A_1558] {strides = array<i32>} : memref<128x128xbf16, #tpu.memory_space<vmem>>, vector<32xbf16>,
      %get3A_1560 = arith.index_cast %add3A_1556 : i32 to index
      %get3A_1561 = arith.constant 0 : index
      %get3A_1562 = tpu.vector_load %arg11[%get3A_1560, %get3A_1561] {strides = array<i32>} : memref<128x128xbf16, #tpu.memory_space<vmem>>, vector<32xbf16>,
      %get3A_1563 = arith.index_cast %add3A_1556 : i32 to index
      %get3A_1564 = arith.constant 32 : index
      %get3A_1565 = tpu.vector_load %arg10[%get3A_1563, %get3A_1564] {strides = array<i32>} : memref<128x128xbf16, #tpu.memory_space<vmem>>, vector<32xbf16>,
      %get3A_1566 = arith.index_cast %add3A_1556 : i32 to index
      %get3A_1567 = arith.constant 32 : index
      %get3A_1568 = tpu.vector_load %arg11[%get3A_1566, %get3A_1567] {strides = array<i32>} : memref<128x128xbf16, #tpu.memory_space<vmem>>, vector<32xbf16>,
      %get3A_1569 = arith.index_cast %add3A_1556 : i32 to index
      %get3A_1570 = arith.constant 64 : index
      %get3A_1571 = tpu.vector_load %arg10[%get3A_1569, %get3A_1570] {strides = array<i32>} : memref<128x128xbf16, #tpu.memory_space<vmem>>, vector<32xbf16>,
      %get3A_1572 = arith.index_cast %add3A_1556 : i32 to index
      %get3A_1573 = arith.constant 64 : index
      %get3A_1574 = tpu.vector_load %arg11[%get3A_1572, %get3A_1573] {strides = array<i32>} : memref<128x128xbf16, #tpu.memory_space<vmem>>, vector<32xbf16>,
      %get3A_1575 = arith.index_cast %add3A_1556 : i32 to index
      %get3A_1576 = arith.constant 96 : index
      %get3A_1577 = tpu.vector_load %arg10[%get3A_1575, %get3A_1576] {strides = array<i32>} : memref<128x128xbf16, #tpu.memory_space<vmem>>, vector<32xbf16>,
      %get3A_1578 = arith.index_cast %add3A_1556 : i32 to index
      %get3A_1579 = arith.constant 96 : index
      %get3A_1580 = tpu.vector_load %arg11[%get3A_1578, %get3A_1579] {strides = array<i32>} : memref<128x128xbf16, #tpu.memory_space<vmem>>, vector<32xbf16>,
      %mul3A_1581 = arith.mulf %get3A_1471, %get3A_1474 : vector<32xbf16>
      %mul3A_1582 = arith.mulf %get3A_1477, %get3A_1480 : vector<32xbf16>
      %add3A_1583 = arith.addf %mul3A_1581, %mul3A_1582 : vector<32xbf16>
      %mul3A_1584 = arith.mulf %get3A_1483, %get3A_1486 : vector<32xbf16>
      %mul3A_1585 = arith.mulf %get3A_1489, %get3A_1492 : vector<32xbf16>
      %add3A_1586 = arith.addf %mul3A_1584, %mul3A_1585 : vector<32xbf16>
      %add3A_1587 = arith.addf %add3A_1583, %add3A_1586 : vector<32xbf16>
      %unpack3A_1588 = tpu.unpack_subelements %add3A_1587, 0 {pack_format = #tpu.pack_format<interleaved>} : vector<32xbf16> -> vector<16xf32>
      %unpack3A_1589 = tpu.unpack_subelements %add3A_1587, 1 {pack_format = #tpu.pack_format<interleaved>} : vector<32xbf16> -> vector<16xf32>
      %add3A_1590 = arith.addf %unpack3A_1588, %unpack3A_1589 : vector<16xf32>
      %mul3A_1591 = arith.constant 256 : i32
      %mul3A_1592 = arith.muli %scan3A_928, %mul3A_1591 : i32
      %add3A_1593 = arith.constant 208 : i32
      %add3A_1594 = arith.addi %mul3A_1592, %add3A_1593 : i32
      %swap3A_1595 = arith.index_cast %add3A_1594 : i32 to index
      %swap3A_1596 = tpu.vector_load %arg15[%swap3A_1595] {strides = array<i32>} : memref<2048xf32, #tpu.memory_space<vmem>>, vector<16xf32>,
      tpu.vector_store %arg15[%swap3A_1595], %add3A_1590 {strides = array<i32>} : memref<2048xf32, #tpu.memory_space<vmem>>, vector<16xf32>,
      %mul3A_1597 = arith.mulf %get3A_1515, %get3A_1518 : vector<32xbf16>
      %mul3A_1598 = arith.mulf %get3A_1521, %get3A_1524 : vector<32xbf16>
      %add3A_1599 = arith.addf %mul3A_1597, %mul3A_1598 : vector<32xbf16>
      %mul3A_1600 = arith.mulf %get3A_1527, %get3A_1530 : vector<32xbf16>
      %mul3A_1601 = arith.mulf %get3A_1533, %get3A_1536 : vector<32xbf16>
      %add3A_1602 = arith.addf %mul3A_1600, %mul3A_1601 : vector<32xbf16>
      %add3A_1603 = arith.addf %add3A_1599, %add3A_1602 : vector<32xbf16>
      %unpack3A_1604 = tpu.unpack_subelements %add3A_1603, 0 {pack_format = #tpu.pack_format<interleaved>} : vector<32xbf16> -> vector<16xf32>
      %unpack3A_1605 = tpu.unpack_subelements %add3A_1603, 1 {pack_format = #tpu.pack_format<interleaved>} : vector<32xbf16> -> vector<16xf32>
      %add3A_1606 = arith.addf %unpack3A_1604, %unpack3A_1605 : vector<16xf32>
      %mul3A_1607 = arith.constant 256 : i32
      %mul3A_1608 = arith.muli %scan3A_928, %mul3A_1607 : i32
      %add3A_1609 = arith.constant 224 : i32
      %add3A_1610 = arith.addi %mul3A_1608, %add3A_1609 : i32
      %swap3A_1611 = arith.index_cast %add3A_1610 : i32 to index
      %swap3A_1612 = tpu.vector_load %arg15[%swap3A_1611] {strides = array<i32>} : memref<2048xf32, #tpu.memory_space<vmem>>, vector<16xf32>,
      tpu.vector_store %arg15[%swap3A_1611], %add3A_1606 {strides = array<i32>} : memref<2048xf32, #tpu.memory_space<vmem>>, vector<16xf32>,
      %mul3A_1613 = arith.mulf %get3A_1559, %get3A_1562 : vector<32xbf16>
      %mul3A_1614 = arith.mulf %get3A_1565, %get3A_1568 : vector<32xbf16>
      %add3A_1615 = arith.addf %mul3A_1613, %mul3A_1614 : vector<32xbf16>
      %mul3A_1616 = arith.mulf %get3A_1571, %get3A_1574 : vector<32xbf16>
      %mul3A_1617 = arith.mulf %get3A_1577, %get3A_1580 : vector<32xbf16>
      %add3A_1618 = arith.addf %mul3A_1616, %mul3A_1617 : vector<32xbf16>
      %add3A_1619 = arith.addf %add3A_1615, %add3A_1618 : vector<32xbf16>
      %unpack3A_1620 = tpu.unpack_subelements %add3A_1619, 0 {pack_format = #tpu.pack_format<interleaved>} : vector<32xbf16> -> vector<16xf32>
      %unpack3A_1621 = tpu.unpack_subelements %add3A_1619, 1 {pack_format = #tpu.pack_format<interleaved>} : vector<32xbf16> -> vector<16xf32>
      %add3A_1622 = arith.addf %unpack3A_1620, %unpack3A_1621 : vector<16xf32>
      %mul3A_1623 = arith.constant 256 : i32
      %mul3A_1624 = arith.muli %scan3A_928, %mul3A_1623 : i32
      %add3A_1625 = arith.constant 240 : i32
      %add3A_1626 = arith.addi %mul3A_1624, %add3A_1625 : i32
      %swap3A_1627 = arith.index_cast %add3A_1626 : i32 to index
      %swap3A_1628 = tpu.vector_load %arg15[%swap3A_1627] {strides = array<i32>} : memref<2048xf32, #tpu.memory_space<vmem>>, vector<16xf32>,
      tpu.vector_store %arg15[%swap3A_1627], %add3A_1622 {strides = array<i32>} : memref<2048xf32, #tpu.memory_space<vmem>>, vector<16xf32>,
    }
    %scan3A_81 = arith.constant 8 : i32
    %scan3A_82 = arith.constant 0 : i32
    %scan3A_83 = arith.constant 0 : i32
    %scan3A_84 = arith.constant 8 : i32
    %scan3A_85 = arith.addi %scan3A_83, %scan3A_84 : i32
    %scan3A_86 = arith.constant 1 : i32
    scf.for %scan3A_928 = %scan3A_83 to %scan3A_85 step %scan3A_86  : i32 {
      %mul3A_929 = arith.constant 256 : i32
      %mul3A_930 = arith.muli %scan3A_928, %mul3A_929 : i32
      %add3A_931 = vector.broadcast %mul3A_930 : i32 to vector<16xi32>
      %add3A_932 = arith.addi %add3A_931, %mul3A_5 : vector<16xi32>
      %add3A_933 = arith.constant 0 : i32
      %add3A_934 = vector.broadcast %add3A_933 : i32 to vector<16xi32>
      %add3A_935 = arith.addi %add3A_932, %add3A_934 : vector<16xi32>
      %gather3A_936 = tpu.vector_load_idx %arg15[%add3A_935] : memref<2048xf32, #tpu.memory_space<vmem>>[vector<16xi32>], vector<16xf32>,
      %add3A_937 = vector.broadcast %mul3A_930 : i32 to vector<16xi32>
      %add3A_938 = arith.addi %add3A_937, %mul3A_5 : vector<16xi32>
      %add3A_939 = arith.constant 1 : i32
      %add3A_940 = vector.broadcast %add3A_939 : i32 to vector<16xi32>
      %add3A_941 = arith.addi %add3A_938, %add3A_940 : vector<16xi32>
      %gather3A_942 = tpu.vector_load_idx %arg15[%add3A_941] : memref<2048xf32, #tpu.memory_space<vmem>>[vector<16xi32>], vector<16xf32>,
      %add3A_943 = vector.broadcast %mul3A_930 : i32 to vector<16xi32>
      %add3A_944 = arith.addi %add3A_943, %mul3A_5 : vector<16xi32>
      %add3A_945 = arith.constant 2 : i32
      %add3A_946 = vector.broadcast %add3A_945 : i32 to vector<16xi32>
      %add3A_947 = arith.addi %add3A_944, %add3A_946 : vector<16xi32>
      %gather3A_948 = tpu.vector_load_idx %arg15[%add3A_947] : memref<2048xf32, #tpu.memory_space<vmem>>[vector<16xi32>], vector<16xf32>,
      %add3A_949 = vector.broadcast %mul3A_930 : i32 to vector<16xi32>
      %add3A_950 = arith.addi %add3A_949, %mul3A_5 : vector<16xi32>
      %add3A_951 = arith.constant 3 : i32
      %add3A_952 = vector.broadcast %add3A_951 : i32 to vector<16xi32>
      %add3A_953 = arith.addi %add3A_950, %add3A_952 : vector<16xi32>
      %gather3A_954 = tpu.vector_load_idx %arg15[%add3A_953] : memref<2048xf32, #tpu.memory_space<vmem>>[vector<16xi32>], vector<16xf32>,
      %add3A_955 = vector.broadcast %mul3A_930 : i32 to vector<16xi32>
      %add3A_956 = arith.addi %add3A_955, %mul3A_5 : vector<16xi32>
      %add3A_957 = arith.constant 4 : i32
      %add3A_958 = vector.broadcast %add3A_957 : i32 to vector<16xi32>
      %add3A_959 = arith.addi %add3A_956, %add3A_958 : vector<16xi32>
      %gather3A_960 = tpu.vector_load_idx %arg15[%add3A_959] : memref<2048xf32, #tpu.memory_space<vmem>>[vector<16xi32>], vector<16xf32>,
      %add3A_961 = vector.broadcast %mul3A_930 : i32 to vector<16xi32>
      %add3A_962 = arith.addi %add3A_961, %mul3A_5 : vector<16xi32>
      %add3A_963 = arith.constant 5 : i32
      %add3A_964 = vector.broadcast %add3A_963 : i32 to vector<16xi32>
      %add3A_965 = arith.addi %add3A_962, %add3A_964 : vector<16xi32>
      %gather3A_966 = tpu.vector_load_idx %arg15[%add3A_965] : memref<2048xf32, #tpu.memory_space<vmem>>[vector<16xi32>], vector<16xf32>,
      %add3A_967 = vector.broadcast %mul3A_930 : i32 to vector<16xi32>
      %add3A_968 = arith.addi %add3A_967, %mul3A_5 : vector<16xi32>
      %add3A_969 = arith.constant 6 : i32
      %add3A_970 = vector.broadcast %add3A_969 : i32 to vector<16xi32>
      %add3A_971 = arith.addi %add3A_968, %add3A_970 : vector<16xi32>
      %gather3A_972 = tpu.vector_load_idx %arg15[%add3A_971] : memref<2048xf32, #tpu.memory_space<vmem>>[vector<16xi32>], vector<16xf32>,
      %add3A_973 = vector.broadcast %mul3A_930 : i32 to vector<16xi32>
      %add3A_974 = arith.addi %add3A_973, %mul3A_5 : vector<16xi32>
      %add3A_975 = arith.constant 7 : i32
      %add3A_976 = vector.broadcast %add3A_975 : i32 to vector<16xi32>
      %add3A_977 = arith.addi %add3A_974, %add3A_976 : vector<16xi32>
      %gather3A_978 = tpu.vector_load_idx %arg15[%add3A_977] : memref<2048xf32, #tpu.memory_space<vmem>>[vector<16xi32>], vector<16xf32>,
      %add3A_979 = vector.broadcast %mul3A_930 : i32 to vector<16xi32>
      %add3A_980 = arith.addi %add3A_979, %mul3A_5 : vector<16xi32>
      %add3A_981 = arith.constant 8 : i32
      %add3A_982 = vector.broadcast %add3A_981 : i32 to vector<16xi32>
      %add3A_983 = arith.addi %add3A_980, %add3A_982 : vector<16xi32>
      %gather3A_984 = tpu.vector_load_idx %arg15[%add3A_983] : memref<2048xf32, #tpu.memory_space<vmem>>[vector<16xi32>], vector<16xf32>,
      %add3A_985 = vector.broadcast %mul3A_930 : i32 to vector<16xi32>
      %add3A_986 = arith.addi %add3A_985, %mul3A_5 : vector<16xi32>
      %add3A_987 = arith.constant 9 : i32
      %add3A_988 = vector.broadcast %add3A_987 : i32 to vector<16xi32>
      %add3A_989 = arith.addi %add3A_986, %add3A_988 : vector<16xi32>
      %gather3A_990 = tpu.vector_load_idx %arg15[%add3A_989] : memref<2048xf32, #tpu.memory_space<vmem>>[vector<16xi32>], vector<16xf32>,
      %add3A_991 = vector.broadcast %mul3A_930 : i32 to vector<16xi32>
      %add3A_992 = arith.addi %add3A_991, %mul3A_5 : vector<16xi32>
      %add3A_993 = arith.constant 10 : i32
      %add3A_994 = vector.broadcast %add3A_993 : i32 to vector<16xi32>
      %add3A_995 = arith.addi %add3A_992, %add3A_994 : vector<16xi32>
      %gather3A_996 = tpu.vector_load_idx %arg15[%add3A_995] : memref<2048xf32, #tpu.memory_space<vmem>>[vector<16xi32>], vector<16xf32>,
      %add3A_997 = vector.broadcast %mul3A_930 : i32 to vector<16xi32>
      %add3A_998 = arith.addi %add3A_997, %mul3A_5 : vector<16xi32>
      %add3A_999 = arith.constant 11 : i32
      %add3A_1000 = vector.broadcast %add3A_999 : i32 to vector<16xi32>
      %add3A_1001 = arith.addi %add3A_998, %add3A_1000 : vector<16xi32>
      %gather3A_1002 = tpu.vector_load_idx %arg15[%add3A_1001] : memref<2048xf32, #tpu.memory_space<vmem>>[vector<16xi32>], vector<16xf32>,
      %add3A_1003 = vector.broadcast %mul3A_930 : i32 to vector<16xi32>
      %add3A_1004 = arith.addi %add3A_1003, %mul3A_5 : vector<16xi32>
      %add3A_1005 = arith.constant 12 : i32
      %add3A_1006 = vector.broadcast %add3A_1005 : i32 to vector<16xi32>
      %add3A_1007 = arith.addi %add3A_1004, %add3A_1006 : vector<16xi32>
      %gather3A_1008 = tpu.vector_load_idx %arg15[%add3A_1007] : memref<2048xf32, #tpu.memory_space<vmem>>[vector<16xi32>], vector<16xf32>,
      %add3A_1009 = vector.broadcast %mul3A_930 : i32 to vector<16xi32>
      %add3A_1010 = arith.addi %add3A_1009, %mul3A_5 : vector<16xi32>
      %add3A_1011 = arith.constant 13 : i32
      %add3A_1012 = vector.broadcast %add3A_1011 : i32 to vector<16xi32>
      %add3A_1013 = arith.addi %add3A_1010, %add3A_1012 : vector<16xi32>
      %gather3A_1014 = tpu.vector_load_idx %arg15[%add3A_1013] : memref<2048xf32, #tpu.memory_space<vmem>>[vector<16xi32>], vector<16xf32>,
      %add3A_1015 = vector.broadcast %mul3A_930 : i32 to vector<16xi32>
      %add3A_1016 = arith.addi %add3A_1015, %mul3A_5 : vector<16xi32>
      %add3A_1017 = arith.constant 14 : i32
      %add3A_1018 = vector.broadcast %add3A_1017 : i32 to vector<16xi32>
      %add3A_1019 = arith.addi %add3A_1016, %add3A_1018 : vector<16xi32>
      %gather3A_1020 = tpu.vector_load_idx %arg15[%add3A_1019] : memref<2048xf32, #tpu.memory_space<vmem>>[vector<16xi32>], vector<16xf32>,
      %add3A_1021 = vector.broadcast %mul3A_930 : i32 to vector<16xi32>
      %add3A_1022 = arith.addi %add3A_1021, %mul3A_5 : vector<16xi32>
      %add3A_1023 = arith.constant 15 : i32
      %add3A_1024 = vector.broadcast %add3A_1023 : i32 to vector<16xi32>
      %add3A_1025 = arith.addi %add3A_1022, %add3A_1024 : vector<16xi32>
      %gather3A_1026 = tpu.vector_load_idx %arg15[%add3A_1025] : memref<2048xf32, #tpu.memory_space<vmem>>[vector<16xi32>], vector<16xf32>,
      %add3A_1027 = arith.addf %gather3A_936, %gather3A_942 : vector<16xf32>
      %add3A_1028 = arith.addf %gather3A_948, %gather3A_954 : vector<16xf32>
      %add3A_1029 = arith.addf %gather3A_960, %gather3A_966 : vector<16xf32>
      %add3A_1030 = arith.addf %gather3A_972, %gather3A_978 : vector<16xf32>
      %add3A_1031 = arith.addf %gather3A_984, %gather3A_990 : vector<16xf32>
      %add3A_1032 = arith.addf %gather3A_996, %gather3A_1002 : vector<16xf32>
      %add3A_1033 = arith.addf %gather3A_1008, %gather3A_1014 : vector<16xf32>
      %add3A_1034 = arith.addf %gather3A_1020, %gather3A_1026 : vector<16xf32>
      %add3A_1035 = arith.addf %add3A_1027, %add3A_1028 : vector<16xf32>
      %add3A_1036 = arith.addf %add3A_1029, %add3A_1030 : vector<16xf32>
      %add3A_1037 = arith.addf %add3A_1031, %add3A_1032 : vector<16xf32>
      %add3A_1038 = arith.addf %add3A_1033, %add3A_1034 : vector<16xf32>
      %add3A_1039 = arith.addf %add3A_1035, %add3A_1036 : vector<16xf32>
      %add3A_1040 = arith.addf %add3A_1037, %add3A_1038 : vector<16xf32>
      %add3A_1041 = arith.addf %add3A_1039, %add3A_1040 : vector<16xf32>
      %neg3A_1042 = arith.constant 0.000000e+00 : f32
      %neg3A_1043 = vector.broadcast %neg3A_1042 : f32 to vector<16xf32>
      %neg3A_1044 = arith.subf %neg3A_1043, %add3A_1041 : vector<16xf32>
      %exp3A_1045 = math.exp %neg3A_1044 : vector<16xf32>
      %add3A_1046 = arith.constant 1.000000e+00 : f32
      %add3A_1047 = vector.broadcast %add3A_1046 : f32 to vector<16xf32>
      %add3A_1048 = arith.addf %add3A_1047, %exp3A_1045 : vector<16xf32>
      %div3A_1049 = arith.constant 1.000000e+00 : f32
      %div3A_1050 = vector.broadcast %div3A_1049 : f32 to vector<16xf32>
      %div3A_1051 = arith.divf %div3A_1050, %add3A_1048 : vector<16xf32>
      %mul3A_1052 = arith.constant 16 : i32
      %mul3A_1053 = arith.muli %scan3A_928, %mul3A_1052 : i32
      %add3A_1054 = arith.constant 9856 : i32
      %add3A_1055 = arith.addi %add3A_1054, %mul3A_1053 : i32
      %swap3A_1056 = arith.index_cast %add3A_1055 : i32 to index
      %swap3A_1057 = tpu.vector_load %arg14[%swap3A_1056] {strides = array<i32>} : memref<10000xf32, #tpu.memory_space<vmem>>, vector<16xf32>,
      tpu.vector_store %arg14[%swap3A_1056], %div3A_1051 {strides = array<i32>} : memref<10000xf32, #tpu.memory_space<vmem>>, vector<16xf32>,
    }
    %scan3A_87 = arith.constant 8 : i32
    %dma_wait3A_88 = arith.constant 0 : i32
    %dma_wait3A_89 = arith.constant 0 : i32
    %dma_wait3A_90 = tpu.memref_slice %arg2[%dma_wait3A_88, %dma_wait3A_89] : memref<10000x128xbf16, #tpu.memory_space<hbm>> -> memref<16x128xbf16, #tpu.memory_space<hbm>>
    %dma_wait3A_91 = arith.constant 0 : i32
    %dma_wait3A_92 = arith.constant 0 : i32
    %dma_wait3A_93 = tpu.memref_slice %arg2[%dma_wait3A_91, %dma_wait3A_92] : memref<10000x128xbf16, #tpu.memory_space<hbm>> -> memref<16x128xbf16, #tpu.memory_space<hbm>>
    tpu.wait_dma2 semaphore(%arg20 : memref<!tpu.dma_semaphore, #tpu.memory_space<semaphore_mem>>) src(%dma_wait3A_93 : memref<16x128xbf16, #tpu.memory_space<hbm>>) dst(%arg12 : memref<16x128xbf16, #tpu.memory_space<vmem>>)
    %dma_wait3A_94 = arith.constant 0 : i32
    %dma_wait3A_95 = arith.constant 0 : i32
    %dma_wait3A_96 = tpu.memref_slice %arg3[%dma_wait3A_94, %dma_wait3A_95] : memref<10000x128xbf16, #tpu.memory_space<hbm>> -> memref<16x128xbf16, #tpu.memory_space<hbm>>
    %dma_wait3A_97 = arith.constant 0 : i32
    %dma_wait3A_98 = arith.constant 0 : i32
    %dma_wait3A_99 = tpu.memref_slice %arg3[%dma_wait3A_97, %dma_wait3A_98] : memref<10000x128xbf16, #tpu.memory_space<hbm>> -> memref<16x128xbf16, #tpu.memory_space<hbm>>
    tpu.wait_dma2 semaphore(%arg21 : memref<!tpu.dma_semaphore, #tpu.memory_space<semaphore_mem>>) src(%dma_wait3A_99 : memref<16x128xbf16, #tpu.memory_space<hbm>>) dst(%arg13 : memref<16x128xbf16, #tpu.memory_space<vmem>>)
    %scan3A_100 = arith.constant 0 : i32
    %scan3A_101 = arith.constant 0 : i32
    %mul3A_102 = arith.constant 16 : i32
    %mul3A_103 = arith.muli %scan3A_101, %mul3A_102 : i32
    %get3A = arith.index_cast %mul3A_103 : i32 to index
    %get3A_104 = arith.constant 0 : index
    %get3A_105 = tpu.vector_load %arg12[%get3A, %get3A_104] {strides = array<i32>} : memref<16x128xbf16, #tpu.memory_space<vmem>>, vector<32xbf16>,
    %get3A_106 = arith.index_cast %mul3A_103 : i32 to index
    %get3A_107 = arith.constant 0 : index
    %get3A_108 = tpu.vector_load %arg13[%get3A_106, %get3A_107] {strides = array<i32>} : memref<16x128xbf16, #tpu.memory_space<vmem>>, vector<32xbf16>,
    %get3A_109 = arith.index_cast %mul3A_103 : i32 to index
    %get3A_110 = arith.constant 32 : index
    %get3A_111 = tpu.vector_load %arg12[%get3A_109, %get3A_110] {strides = array<i32>} : memref<16x128xbf16, #tpu.memory_space<vmem>>, vector<32xbf16>,
    %get3A_112 = arith.index_cast %mul3A_103 : i32 to index
    %get3A_113 = arith.constant 32 : index
    %get3A_114 = tpu.vector_load %arg13[%get3A_112, %get3A_113] {strides = array<i32>} : memref<16x128xbf16, #tpu.memory_space<vmem>>, vector<32xbf16>,
    %get3A_115 = arith.index_cast %mul3A_103 : i32 to index
    %get3A_116 = arith.constant 64 : index
    %get3A_117 = tpu.vector_load %arg12[%get3A_115, %get3A_116] {strides = array<i32>} : memref<16x128xbf16, #tpu.memory_space<vmem>>, vector<32xbf16>,
    %get3A_118 = arith.index_cast %mul3A_103 : i32 to index
    %get3A_119 = arith.constant 64 : index
    %get3A_120 = tpu.vector_load %arg13[%get3A_118, %get3A_119] {strides = array<i32>} : memref<16x128xbf16, #tpu.memory_space<vmem>>, vector<32xbf16>,
    %get3A_121 = arith.index_cast %mul3A_103 : i32 to index
    %get3A_122 = arith.constant 96 : index
    %get3A_123 = tpu.vector_load %arg12[%get3A_121, %get3A_122] {strides = array<i32>} : memref<16x128xbf16, #tpu.memory_space<vmem>>, vector<32xbf16>,
    %get3A_124 = arith.index_cast %mul3A_103 : i32 to index
    %get3A_125 = arith.constant 96 : index
    %get3A_126 = tpu.vector_load %arg13[%get3A_124, %get3A_125] {strides = array<i32>} : memref<16x128xbf16, #tpu.memory_space<vmem>>, vector<32xbf16>,
    %add3A_127 = arith.constant 1 : i32
    %add3A_128 = arith.addi %mul3A_103, %add3A_127 : i32
    %get3A_129 = arith.index_cast %add3A_128 : i32 to index
    %get3A_130 = arith.constant 0 : index
    %get3A_131 = tpu.vector_load %arg12[%get3A_129, %get3A_130] {strides = array<i32>} : memref<16x128xbf16, #tpu.memory_space<vmem>>, vector<32xbf16>,
    %get3A_132 = arith.index_cast %add3A_128 : i32 to index
    %get3A_133 = arith.constant 0 : index
    %get3A_134 = tpu.vector_load %arg13[%get3A_132, %get3A_133] {strides = array<i32>} : memref<16x128xbf16, #tpu.memory_space<vmem>>, vector<32xbf16>,
    %get3A_135 = arith.index_cast %add3A_128 : i32 to index
    %get3A_136 = arith.constant 32 : index
    %get3A_137 = tpu.vector_load %arg12[%get3A_135, %get3A_136] {strides = array<i32>} : memref<16x128xbf16, #tpu.memory_space<vmem>>, vector<32xbf16>,
    %get3A_138 = arith.index_cast %add3A_128 : i32 to index
    %get3A_139 = arith.constant 32 : index
    %get3A_140 = tpu.vector_load %arg13[%get3A_138, %get3A_139] {strides = array<i32>} : memref<16x128xbf16, #tpu.memory_space<vmem>>, vector<32xbf16>,
    %get3A_141 = arith.index_cast %add3A_128 : i32 to index
    %get3A_142 = arith.constant 64 : index
    %get3A_143 = tpu.vector_load %arg12[%get3A_141, %get3A_142] {strides = array<i32>} : memref<16x128xbf16, #tpu.memory_space<vmem>>, vector<32xbf16>,
    %get3A_144 = arith.index_cast %add3A_128 : i32 to index
    %get3A_145 = arith.constant 64 : index
    %get3A_146 = tpu.vector_load %arg13[%get3A_144, %get3A_145] {strides = array<i32>} : memref<16x128xbf16, #tpu.memory_space<vmem>>, vector<32xbf16>,
    %get3A_147 = arith.index_cast %add3A_128 : i32 to index
    %get3A_148 = arith.constant 96 : index
    %get3A_149 = tpu.vector_load %arg12[%get3A_147, %get3A_148] {strides = array<i32>} : memref<16x128xbf16, #tpu.memory_space<vmem>>, vector<32xbf16>,
    %get3A_150 = arith.index_cast %add3A_128 : i32 to index
    %get3A_151 = arith.constant 96 : index
    %get3A_152 = tpu.vector_load %arg13[%get3A_150, %get3A_151] {strides = array<i32>} : memref<16x128xbf16, #tpu.memory_space<vmem>>, vector<32xbf16>,
    %add3A_153 = arith.constant 0 : i32
    %add3A_154 = arith.addi %mul3A_103, %add3A_153 : i32
    %add3A_155 = arith.constant 2 : i32
    %add3A_156 = arith.addi %add3A_154, %add3A_155 : i32
    %get3A_157 = arith.index_cast %add3A_156 : i32 to index
    %get3A_158 = arith.constant 0 : index
    %get3A_159 = tpu.vector_load %arg12[%get3A_157, %get3A_158] {strides = array<i32>} : memref<16x128xbf16, #tpu.memory_space<vmem>>, vector<32xbf16>,
    %get3A_160 = arith.index_cast %add3A_156 : i32 to index
    %get3A_161 = arith.constant 0 : index
    %get3A_162 = tpu.vector_load %arg13[%get3A_160, %get3A_161] {strides = array<i32>} : memref<16x128xbf16, #tpu.memory_space<vmem>>, vector<32xbf16>,
    %get3A_163 = arith.index_cast %add3A_156 : i32 to index
    %get3A_164 = arith.constant 32 : index
    %get3A_165 = tpu.vector_load %arg12[%get3A_163, %get3A_164] {strides = array<i32>} : memref<16x128xbf16, #tpu.memory_space<vmem>>, vector<32xbf16>,
    %get3A_166 = arith.index_cast %add3A_156 : i32 to index
    %get3A_167 = arith.constant 32 : index
    %get3A_168 = tpu.vector_load %arg13[%get3A_166, %get3A_167] {strides = array<i32>} : memref<16x128xbf16, #tpu.memory_space<vmem>>, vector<32xbf16>,
    %get3A_169 = arith.index_cast %add3A_156 : i32 to index
    %get3A_170 = arith.constant 64 : index
    %get3A_171 = tpu.vector_load %arg12[%get3A_169, %get3A_170] {strides = array<i32>} : memref<16x128xbf16, #tpu.memory_space<vmem>>, vector<32xbf16>,
    %get3A_172 = arith.index_cast %add3A_156 : i32 to index
    %get3A_173 = arith.constant 64 : index
    %get3A_174 = tpu.vector_load %arg13[%get3A_172, %get3A_173] {strides = array<i32>} : memref<16x128xbf16, #tpu.memory_space<vmem>>, vector<32xbf16>,
    %get3A_175 = arith.index_cast %add3A_156 : i32 to index
    %get3A_176 = arith.constant 96 : index
    %get3A_177 = tpu.vector_load %arg12[%get3A_175, %get3A_176] {strides = array<i32>} : memref<16x128xbf16, #tpu.memory_space<vmem>>, vector<32xbf16>,
    %get3A_178 = arith.index_cast %add3A_156 : i32 to index
    %get3A_179 = arith.constant 96 : index
    %get3A_180 = tpu.vector_load %arg13[%get3A_178, %get3A_179] {strides = array<i32>} : memref<16x128xbf16, #tpu.memory_space<vmem>>, vector<32xbf16>,
    %mul3A_181 = arith.mulf %get3A_105, %get3A_108 : vector<32xbf16>
    %mul3A_182 = arith.mulf %get3A_111, %get3A_114 : vector<32xbf16>
    %add3A_183 = arith.addf %mul3A_181, %mul3A_182 : vector<32xbf16>
    %mul3A_184 = arith.mulf %get3A_117, %get3A_120 : vector<32xbf16>
    %mul3A_185 = arith.mulf %get3A_123, %get3A_126 : vector<32xbf16>
    %add3A_186 = arith.addf %mul3A_184, %mul3A_185 : vector<32xbf16>
    %add3A_187 = arith.addf %add3A_183, %add3A_186 : vector<32xbf16>
    %unpack3A = tpu.unpack_subelements %add3A_187, 0 {pack_format = #tpu.pack_format<interleaved>} : vector<32xbf16> -> vector<16xf32>
    %unpack3A_188 = tpu.unpack_subelements %add3A_187, 1 {pack_format = #tpu.pack_format<interleaved>} : vector<32xbf16> -> vector<16xf32>
    %add3A_189 = arith.addf %unpack3A, %unpack3A_188 : vector<16xf32>
    %mul3A_190 = arith.constant 256 : i32
    %mul3A_191 = arith.muli %scan3A_101, %mul3A_190 : i32
    %add3A_192 = arith.constant 0 : i32
    %add3A_193 = arith.addi %mul3A_191, %add3A_192 : i32
    %swap3A = arith.index_cast %add3A_193 : i32 to index
    %swap3A_194 = tpu.vector_load %arg15[%swap3A] {strides = array<i32>} : memref<2048xf32, #tpu.memory_space<vmem>>, vector<16xf32>,
    tpu.vector_store %arg15[%swap3A], %add3A_189 {strides = array<i32>} : memref<2048xf32, #tpu.memory_space<vmem>>, vector<16xf32>,
    %add3A_195 = arith.constant 1 : i32
    %add3A_196 = arith.addi %mul3A_103, %add3A_195 : i32
    %add3A_197 = arith.constant 2 : i32
    %add3A_198 = arith.addi %add3A_196, %add3A_197 : i32
    %get3A_199 = arith.index_cast %add3A_198 : i32 to index
    %get3A_200 = arith.constant 0 : index
    %get3A_201 = tpu.vector_load %arg12[%get3A_199, %get3A_200] {strides = array<i32>} : memref<16x128xbf16, #tpu.memory_space<vmem>>, vector<32xbf16>,
    %get3A_202 = arith.index_cast %add3A_198 : i32 to index
    %get3A_203 = arith.constant 0 : index
    %get3A_204 = tpu.vector_load %arg13[%get3A_202, %get3A_203] {strides = array<i32>} : memref<16x128xbf16, #tpu.memory_space<vmem>>, vector<32xbf16>,
    %get3A_205 = arith.index_cast %add3A_198 : i32 to index
    %get3A_206 = arith.constant 32 : index
    %get3A_207 = tpu.vector_load %arg12[%get3A_205, %get3A_206] {strides = array<i32>} : memref<16x128xbf16, #tpu.memory_space<vmem>>, vector<32xbf16>,
    %get3A_208 = arith.index_cast %add3A_198 : i32 to index
    %get3A_209 = arith.constant 32 : index
    %get3A_210 = tpu.vector_load %arg13[%get3A_208, %get3A_209] {strides = array<i32>} : memref<16x128xbf16, #tpu.memory_space<vmem>>, vector<32xbf16>,
    %get3A_211 = arith.index_cast %add3A_198 : i32 to index
    %get3A_212 = arith.constant 64 : index
    %get3A_213 = tpu.vector_load %arg12[%get3A_211, %get3A_212] {strides = array<i32>} : memref<16x128xbf16, #tpu.memory_space<vmem>>, vector<32xbf16>,
    %get3A_214 = arith.index_cast %add3A_198 : i32 to index
    %get3A_215 = arith.constant 64 : index
    %get3A_216 = tpu.vector_load %arg13[%get3A_214, %get3A_215] {strides = array<i32>} : memref<16x128xbf16, #tpu.memory_space<vmem>>, vector<32xbf16>,
    %get3A_217 = arith.index_cast %add3A_198 : i32 to index
    %get3A_218 = arith.constant 96 : index
    %get3A_219 = tpu.vector_load %arg12[%get3A_217, %get3A_218] {strides = array<i32>} : memref<16x128xbf16, #tpu.memory_space<vmem>>, vector<32xbf16>,
    %get3A_220 = arith.index_cast %add3A_198 : i32 to index
    %get3A_221 = arith.constant 96 : index
    %get3A_222 = tpu.vector_load %arg13[%get3A_220, %get3A_221] {strides = array<i32>} : memref<16x128xbf16, #tpu.memory_space<vmem>>, vector<32xbf16>,
    %mul3A_223 = arith.mulf %get3A_131, %get3A_134 : vector<32xbf16>
    %mul3A_224 = arith.mulf %get3A_137, %get3A_140 : vector<32xbf16>
    %add3A_225 = arith.addf %mul3A_223, %mul3A_224 : vector<32xbf16>
    %mul3A_226 = arith.mulf %get3A_143, %get3A_146 : vector<32xbf16>
    %mul3A_227 = arith.mulf %get3A_149, %get3A_152 : vector<32xbf16>
    %add3A_228 = arith.addf %mul3A_226, %mul3A_227 : vector<32xbf16>
    %add3A_229 = arith.addf %add3A_225, %add3A_228 : vector<32xbf16>
    %unpack3A_230 = tpu.unpack_subelements %add3A_229, 0 {pack_format = #tpu.pack_format<interleaved>} : vector<32xbf16> -> vector<16xf32>
    %unpack3A_231 = tpu.unpack_subelements %add3A_229, 1 {pack_format = #tpu.pack_format<interleaved>} : vector<32xbf16> -> vector<16xf32>
    %add3A_232 = arith.addf %unpack3A_230, %unpack3A_231 : vector<16xf32>
    %mul3A_233 = arith.constant 256 : i32
    %mul3A_234 = arith.muli %scan3A_101, %mul3A_233 : i32
    %add3A_235 = arith.constant 16 : i32
    %add3A_236 = arith.addi %mul3A_234, %add3A_235 : i32
    %swap3A_237 = arith.index_cast %add3A_236 : i32 to index
    %swap3A_238 = tpu.vector_load %arg15[%swap3A_237] {strides = array<i32>} : memref<2048xf32, #tpu.memory_space<vmem>>, vector<16xf32>,
    tpu.vector_store %arg15[%swap3A_237], %add3A_232 {strides = array<i32>} : memref<2048xf32, #tpu.memory_space<vmem>>, vector<16xf32>,
    %add3A_239 = arith.constant 2 : i32
    %add3A_240 = arith.addi %mul3A_103, %add3A_239 : i32
    %add3A_241 = arith.constant 2 : i32
    %add3A_242 = arith.addi %add3A_240, %add3A_241 : i32
    %get3A_243 = arith.index_cast %add3A_242 : i32 to index
    %get3A_244 = arith.constant 0 : index
    %get3A_245 = tpu.vector_load %arg12[%get3A_243, %get3A_244] {strides = array<i32>} : memref<16x128xbf16, #tpu.memory_space<vmem>>, vector<32xbf16>,
    %get3A_246 = arith.index_cast %add3A_242 : i32 to index
    %get3A_247 = arith.constant 0 : index
    %get3A_248 = tpu.vector_load %arg13[%get3A_246, %get3A_247] {strides = array<i32>} : memref<16x128xbf16, #tpu.memory_space<vmem>>, vector<32xbf16>,
    %get3A_249 = arith.index_cast %add3A_242 : i32 to index
    %get3A_250 = arith.constant 32 : index
    %get3A_251 = tpu.vector_load %arg12[%get3A_249, %get3A_250] {strides = array<i32>} : memref<16x128xbf16, #tpu.memory_space<vmem>>, vector<32xbf16>,
    %get3A_252 = arith.index_cast %add3A_242 : i32 to index
    %get3A_253 = arith.constant 32 : index
    %get3A_254 = tpu.vector_load %arg13[%get3A_252, %get3A_253] {strides = array<i32>} : memref<16x128xbf16, #tpu.memory_space<vmem>>, vector<32xbf16>,
    %get3A_255 = arith.index_cast %add3A_242 : i32 to index
    %get3A_256 = arith.constant 64 : index
    %get3A_257 = tpu.vector_load %arg12[%get3A_255, %get3A_256] {strides = array<i32>} : memref<16x128xbf16, #tpu.memory_space<vmem>>, vector<32xbf16>,
    %get3A_258 = arith.index_cast %add3A_242 : i32 to index
    %get3A_259 = arith.constant 64 : index
    %get3A_260 = tpu.vector_load %arg13[%get3A_258, %get3A_259] {strides = array<i32>} : memref<16x128xbf16, #tpu.memory_space<vmem>>, vector<32xbf16>,
    %get3A_261 = arith.index_cast %add3A_242 : i32 to index
    %get3A_262 = arith.constant 96 : index
    %get3A_263 = tpu.vector_load %arg12[%get3A_261, %get3A_262] {strides = array<i32>} : memref<16x128xbf16, #tpu.memory_space<vmem>>, vector<32xbf16>,
    %get3A_264 = arith.index_cast %add3A_242 : i32 to index
    %get3A_265 = arith.constant 96 : index
    %get3A_266 = tpu.vector_load %arg13[%get3A_264, %get3A_265] {strides = array<i32>} : memref<16x128xbf16, #tpu.memory_space<vmem>>, vector<32xbf16>,
    %mul3A_267 = arith.mulf %get3A_159, %get3A_162 : vector<32xbf16>
    %mul3A_268 = arith.mulf %get3A_165, %get3A_168 : vector<32xbf16>
    %add3A_269 = arith.addf %mul3A_267, %mul3A_268 : vector<32xbf16>
    %mul3A_270 = arith.mulf %get3A_171, %get3A_174 : vector<32xbf16>
    %mul3A_271 = arith.mulf %get3A_177, %get3A_180 : vector<32xbf16>
    %add3A_272 = arith.addf %mul3A_270, %mul3A_271 : vector<32xbf16>
    %add3A_273 = arith.addf %add3A_269, %add3A_272 : vector<32xbf16>
    %unpack3A_274 = tpu.unpack_subelements %add3A_273, 0 {pack_format = #tpu.pack_format<interleaved>} : vector<32xbf16> -> vector<16xf32>
    %unpack3A_275 = tpu.unpack_subelements %add3A_273, 1 {pack_format = #tpu.pack_format<interleaved>} : vector<32xbf16> -> vector<16xf32>
    %add3A_276 = arith.addf %unpack3A_274, %unpack3A_275 : vector<16xf32>
    %mul3A_277 = arith.constant 256 : i32
    %mul3A_278 = arith.muli %scan3A_101, %mul3A_277 : i32
    %add3A_279 = arith.constant 32 : i32
    %add3A_280 = arith.addi %mul3A_278, %add3A_279 : i32
    %swap3A_281 = arith.index_cast %add3A_280 : i32 to index
    %swap3A_282 = tpu.vector_load %arg15[%swap3A_281] {strides = array<i32>} : memref<2048xf32, #tpu.memory_space<vmem>>, vector<16xf32>,
    tpu.vector_store %arg15[%swap3A_281], %add3A_276 {strides = array<i32>} : memref<2048xf32, #tpu.memory_space<vmem>>, vector<16xf32>,
    %add3A_283 = arith.constant 3 : i32
    %add3A_284 = arith.addi %mul3A_103, %add3A_283 : i32
    %add3A_285 = arith.constant 2 : i32
    %add3A_286 = arith.addi %add3A_284, %add3A_285 : i32
    %get3A_287 = arith.index_cast %add3A_286 : i32 to index
    %get3A_288 = arith.constant 0 : index
    %get3A_289 = tpu.vector_load %arg12[%get3A_287, %get3A_288] {strides = array<i32>} : memref<16x128xbf16, #tpu.memory_space<vmem>>, vector<32xbf16>,
    %get3A_290 = arith.index_cast %add3A_286 : i32 to index
    %get3A_291 = arith.constant 0 : index
    %get3A_292 = tpu.vector_load %arg13[%get3A_290, %get3A_291] {strides = array<i32>} : memref<16x128xbf16, #tpu.memory_space<vmem>>, vector<32xbf16>,
    %get3A_293 = arith.index_cast %add3A_286 : i32 to index
    %get3A_294 = arith.constant 32 : index
    %get3A_295 = tpu.vector_load %arg12[%get3A_293, %get3A_294] {strides = array<i32>} : memref<16x128xbf16, #tpu.memory_space<vmem>>, vector<32xbf16>,
    %get3A_296 = arith.index_cast %add3A_286 : i32 to index
    %get3A_297 = arith.constant 32 : index
    %get3A_298 = tpu.vector_load %arg13[%get3A_296, %get3A_297] {strides = array<i32>} : memref<16x128xbf16, #tpu.memory_space<vmem>>, vector<32xbf16>,
    %get3A_299 = arith.index_cast %add3A_286 : i32 to index
    %get3A_300 = arith.constant 64 : index
    %get3A_301 = tpu.vector_load %arg12[%get3A_299, %get3A_300] {strides = array<i32>} : memref<16x128xbf16, #tpu.memory_space<vmem>>, vector<32xbf16>,
    %get3A_302 = arith.index_cast %add3A_286 : i32 to index
    %get3A_303 = arith.constant 64 : index
    %get3A_304 = tpu.vector_load %arg13[%get3A_302, %get3A_303] {strides = array<i32>} : memref<16x128xbf16, #tpu.memory_space<vmem>>, vector<32xbf16>,
    %get3A_305 = arith.index_cast %add3A_286 : i32 to index
    %get3A_306 = arith.constant 96 : index
    %get3A_307 = tpu.vector_load %arg12[%get3A_305, %get3A_306] {strides = array<i32>} : memref<16x128xbf16, #tpu.memory_space<vmem>>, vector<32xbf16>,
    %get3A_308 = arith.index_cast %add3A_286 : i32 to index
    %get3A_309 = arith.constant 96 : index
    %get3A_310 = tpu.vector_load %arg13[%get3A_308, %get3A_309] {strides = array<i32>} : memref<16x128xbf16, #tpu.memory_space<vmem>>, vector<32xbf16>,
    %mul3A_311 = arith.mulf %get3A_201, %get3A_204 : vector<32xbf16>
    %mul3A_312 = arith.mulf %get3A_207, %get3A_210 : vector<32xbf16>
    %add3A_313 = arith.addf %mul3A_311, %mul3A_312 : vector<32xbf16>
    %mul3A_314 = arith.mulf %get3A_213, %get3A_216 : vector<32xbf16>
    %mul3A_315 = arith.mulf %get3A_219, %get3A_222 : vector<32xbf16>
    %add3A_316 = arith.addf %mul3A_314, %mul3A_315 : vector<32xbf16>
    %add3A_317 = arith.addf %add3A_313, %add3A_316 : vector<32xbf16>
    %unpack3A_318 = tpu.unpack_subelements %add3A_317, 0 {pack_format = #tpu.pack_format<interleaved>} : vector<32xbf16> -> vector<16xf32>
    %unpack3A_319 = tpu.unpack_subelements %add3A_317, 1 {pack_format = #tpu.pack_format<interleaved>} : vector<32xbf16> -> vector<16xf32>
    %add3A_320 = arith.addf %unpack3A_318, %unpack3A_319 : vector<16xf32>
    %mul3A_321 = arith.constant 256 : i32
    %mul3A_322 = arith.muli %scan3A_101, %mul3A_321 : i32
    %add3A_323 = arith.constant 48 : i32
    %add3A_324 = arith.addi %mul3A_322, %add3A_323 : i32
    %swap3A_325 = arith.index_cast %add3A_324 : i32 to index
    %swap3A_326 = tpu.vector_load %arg15[%swap3A_325] {strides = array<i32>} : memref<2048xf32, #tpu.memory_space<vmem>>, vector<16xf32>,
    tpu.vector_store %arg15[%swap3A_325], %add3A_320 {strides = array<i32>} : memref<2048xf32, #tpu.memory_space<vmem>>, vector<16xf32>,
    %add3A_327 = arith.constant 4 : i32
    %add3A_328 = arith.addi %mul3A_103, %add3A_327 : i32
    %add3A_329 = arith.constant 2 : i32
    %add3A_330 = arith.addi %add3A_328, %add3A_329 : i32
    %get3A_331 = arith.index_cast %add3A_330 : i32 to index
    %get3A_332 = arith.constant 0 : index
    %get3A_333 = tpu.vector_load %arg12[%get3A_331, %get3A_332] {strides = array<i32>} : memref<16x128xbf16, #tpu.memory_space<vmem>>, vector<32xbf16>,
    %get3A_334 = arith.index_cast %add3A_330 : i32 to index
    %get3A_335 = arith.constant 0 : index
    %get3A_336 = tpu.vector_load %arg13[%get3A_334, %get3A_335] {strides = array<i32>} : memref<16x128xbf16, #tpu.memory_space<vmem>>, vector<32xbf16>,
    %get3A_337 = arith.index_cast %add3A_330 : i32 to index
    %get3A_338 = arith.constant 32 : index
    %get3A_339 = tpu.vector_load %arg12[%get3A_337, %get3A_338] {strides = array<i32>} : memref<16x128xbf16, #tpu.memory_space<vmem>>, vector<32xbf16>,
    %get3A_340 = arith.index_cast %add3A_330 : i32 to index
    %get3A_341 = arith.constant 32 : index
    %get3A_342 = tpu.vector_load %arg13[%get3A_340, %get3A_341] {strides = array<i32>} : memref<16x128xbf16, #tpu.memory_space<vmem>>, vector<32xbf16>,
    %get3A_343 = arith.index_cast %add3A_330 : i32 to index
    %get3A_344 = arith.constant 64 : index
    %get3A_345 = tpu.vector_load %arg12[%get3A_343, %get3A_344] {strides = array<i32>} : memref<16x128xbf16, #tpu.memory_space<vmem>>, vector<32xbf16>,
    %get3A_346 = arith.index_cast %add3A_330 : i32 to index
    %get3A_347 = arith.constant 64 : index
    %get3A_348 = tpu.vector_load %arg13[%get3A_346, %get3A_347] {strides = array<i32>} : memref<16x128xbf16, #tpu.memory_space<vmem>>, vector<32xbf16>,
    %get3A_349 = arith.index_cast %add3A_330 : i32 to index
    %get3A_350 = arith.constant 96 : index
    %get3A_351 = tpu.vector_load %arg12[%get3A_349, %get3A_350] {strides = array<i32>} : memref<16x128xbf16, #tpu.memory_space<vmem>>, vector<32xbf16>,
    %get3A_352 = arith.index_cast %add3A_330 : i32 to index
    %get3A_353 = arith.constant 96 : index
    %get3A_354 = tpu.vector_load %arg13[%get3A_352, %get3A_353] {strides = array<i32>} : memref<16x128xbf16, #tpu.memory_space<vmem>>, vector<32xbf16>,
    %mul3A_355 = arith.mulf %get3A_245, %get3A_248 : vector<32xbf16>
    %mul3A_356 = arith.mulf %get3A_251, %get3A_254 : vector<32xbf16>
    %add3A_357 = arith.addf %mul3A_355, %mul3A_356 : vector<32xbf16>
    %mul3A_358 = arith.mulf %get3A_257, %get3A_260 : vector<32xbf16>
    %mul3A_359 = arith.mulf %get3A_263, %get3A_266 : vector<32xbf16>
    %add3A_360 = arith.addf %mul3A_358, %mul3A_359 : vector<32xbf16>
    %add3A_361 = arith.addf %add3A_357, %add3A_360 : vector<32xbf16>
    %unpack3A_362 = tpu.unpack_subelements %add3A_361, 0 {pack_format = #tpu.pack_format<interleaved>} : vector<32xbf16> -> vector<16xf32>
    %unpack3A_363 = tpu.unpack_subelements %add3A_361, 1 {pack_format = #tpu.pack_format<interleaved>} : vector<32xbf16> -> vector<16xf32>
    %add3A_364 = arith.addf %unpack3A_362, %unpack3A_363 : vector<16xf32>
    %mul3A_365 = arith.constant 256 : i32
    %mul3A_366 = arith.muli %scan3A_101, %mul3A_365 : i32
    %add3A_367 = arith.constant 64 : i32
    %add3A_368 = arith.addi %mul3A_366, %add3A_367 : i32
    %swap3A_369 = arith.index_cast %add3A_368 : i32 to index
    %swap3A_370 = tpu.vector_load %arg15[%swap3A_369] {strides = array<i32>} : memref<2048xf32, #tpu.memory_space<vmem>>, vector<16xf32>,
    tpu.vector_store %arg15[%swap3A_369], %add3A_364 {strides = array<i32>} : memref<2048xf32, #tpu.memory_space<vmem>>, vector<16xf32>,
    %add3A_371 = arith.constant 5 : i32
    %add3A_372 = arith.addi %mul3A_103, %add3A_371 : i32
    %add3A_373 = arith.constant 2 : i32
    %add3A_374 = arith.addi %add3A_372, %add3A_373 : i32
    %get3A_375 = arith.index_cast %add3A_374 : i32 to index
    %get3A_376 = arith.constant 0 : index
    %get3A_377 = tpu.vector_load %arg12[%get3A_375, %get3A_376] {strides = array<i32>} : memref<16x128xbf16, #tpu.memory_space<vmem>>, vector<32xbf16>,
    %get3A_378 = arith.index_cast %add3A_374 : i32 to index
    %get3A_379 = arith.constant 0 : index
    %get3A_380 = tpu.vector_load %arg13[%get3A_378, %get3A_379] {strides = array<i32>} : memref<16x128xbf16, #tpu.memory_space<vmem>>, vector<32xbf16>,
    %get3A_381 = arith.index_cast %add3A_374 : i32 to index
    %get3A_382 = arith.constant 32 : index
    %get3A_383 = tpu.vector_load %arg12[%get3A_381, %get3A_382] {strides = array<i32>} : memref<16x128xbf16, #tpu.memory_space<vmem>>, vector<32xbf16>,
    %get3A_384 = arith.index_cast %add3A_374 : i32 to index
    %get3A_385 = arith.constant 32 : index
    %get3A_386 = tpu.vector_load %arg13[%get3A_384, %get3A_385] {strides = array<i32>} : memref<16x128xbf16, #tpu.memory_space<vmem>>, vector<32xbf16>,
    %get3A_387 = arith.index_cast %add3A_374 : i32 to index
    %get3A_388 = arith.constant 64 : index
    %get3A_389 = tpu.vector_load %arg12[%get3A_387, %get3A_388] {strides = array<i32>} : memref<16x128xbf16, #tpu.memory_space<vmem>>, vector<32xbf16>,
    %get3A_390 = arith.index_cast %add3A_374 : i32 to index
    %get3A_391 = arith.constant 64 : index
    %get3A_392 = tpu.vector_load %arg13[%get3A_390, %get3A_391] {strides = array<i32>} : memref<16x128xbf16, #tpu.memory_space<vmem>>, vector<32xbf16>,
    %get3A_393 = arith.index_cast %add3A_374 : i32 to index
    %get3A_394 = arith.constant 96 : index
    %get3A_395 = tpu.vector_load %arg12[%get3A_393, %get3A_394] {strides = array<i32>} : memref<16x128xbf16, #tpu.memory_space<vmem>>, vector<32xbf16>,
    %get3A_396 = arith.index_cast %add3A_374 : i32 to index
    %get3A_397 = arith.constant 96 : index
    %get3A_398 = tpu.vector_load %arg13[%get3A_396, %get3A_397] {strides = array<i32>} : memref<16x128xbf16, #tpu.memory_space<vmem>>, vector<32xbf16>,
    %mul3A_399 = arith.mulf %get3A_289, %get3A_292 : vector<32xbf16>
    %mul3A_400 = arith.mulf %get3A_295, %get3A_298 : vector<32xbf16>
    %add3A_401 = arith.addf %mul3A_399, %mul3A_400 : vector<32xbf16>
    %mul3A_402 = arith.mulf %get3A_301, %get3A_304 : vector<32xbf16>
    %mul3A_403 = arith.mulf %get3A_307, %get3A_310 : vector<32xbf16>
    %add3A_404 = arith.addf %mul3A_402, %mul3A_403 : vector<32xbf16>
    %add3A_405 = arith.addf %add3A_401, %add3A_404 : vector<32xbf16>
    %unpack3A_406 = tpu.unpack_subelements %add3A_405, 0 {pack_format = #tpu.pack_format<interleaved>} : vector<32xbf16> -> vector<16xf32>
    %unpack3A_407 = tpu.unpack_subelements %add3A_405, 1 {pack_format = #tpu.pack_format<interleaved>} : vector<32xbf16> -> vector<16xf32>
    %add3A_408 = arith.addf %unpack3A_406, %unpack3A_407 : vector<16xf32>
    %mul3A_409 = arith.constant 256 : i32
    %mul3A_410 = arith.muli %scan3A_101, %mul3A_409 : i32
    %add3A_411 = arith.constant 80 : i32
    %add3A_412 = arith.addi %mul3A_410, %add3A_411 : i32
    %swap3A_413 = arith.index_cast %add3A_412 : i32 to index
    %swap3A_414 = tpu.vector_load %arg15[%swap3A_413] {strides = array<i32>} : memref<2048xf32, #tpu.memory_space<vmem>>, vector<16xf32>,
    tpu.vector_store %arg15[%swap3A_413], %add3A_408 {strides = array<i32>} : memref<2048xf32, #tpu.memory_space<vmem>>, vector<16xf32>,
    %add3A_415 = arith.constant 6 : i32
    %add3A_416 = arith.addi %mul3A_103, %add3A_415 : i32
    %add3A_417 = arith.constant 2 : i32
    %add3A_418 = arith.addi %add3A_416, %add3A_417 : i32
    %get3A_419 = arith.index_cast %add3A_418 : i32 to index
    %get3A_420 = arith.constant 0 : index
    %get3A_421 = tpu.vector_load %arg12[%get3A_419, %get3A_420] {strides = array<i32>} : memref<16x128xbf16, #tpu.memory_space<vmem>>, vector<32xbf16>,
    %get3A_422 = arith.index_cast %add3A_418 : i32 to index
    %get3A_423 = arith.constant 0 : index
    %get3A_424 = tpu.vector_load %arg13[%get3A_422, %get3A_423] {strides = array<i32>} : memref<16x128xbf16, #tpu.memory_space<vmem>>, vector<32xbf16>,
    %get3A_425 = arith.index_cast %add3A_418 : i32 to index
    %get3A_426 = arith.constant 32 : index
    %get3A_427 = tpu.vector_load %arg12[%get3A_425, %get3A_426] {strides = array<i32>} : memref<16x128xbf16, #tpu.memory_space<vmem>>, vector<32xbf16>,
    %get3A_428 = arith.index_cast %add3A_418 : i32 to index
    %get3A_429 = arith.constant 32 : index
    %get3A_430 = tpu.vector_load %arg13[%get3A_428, %get3A_429] {strides = array<i32>} : memref<16x128xbf16, #tpu.memory_space<vmem>>, vector<32xbf16>,
    %get3A_431 = arith.index_cast %add3A_418 : i32 to index
    %get3A_432 = arith.constant 64 : index
    %get3A_433 = tpu.vector_load %arg12[%get3A_431, %get3A_432] {strides = array<i32>} : memref<16x128xbf16, #tpu.memory_space<vmem>>, vector<32xbf16>,
    %get3A_434 = arith.index_cast %add3A_418 : i32 to index
    %get3A_435 = arith.constant 64 : index
    %get3A_436 = tpu.vector_load %arg13[%get3A_434, %get3A_435] {strides = array<i32>} : memref<16x128xbf16, #tpu.memory_space<vmem>>, vector<32xbf16>,
    %get3A_437 = arith.index_cast %add3A_418 : i32 to index
    %get3A_438 = arith.constant 96 : index
    %get3A_439 = tpu.vector_load %arg12[%get3A_437, %get3A_438] {strides = array<i32>} : memref<16x128xbf16, #tpu.memory_space<vmem>>, vector<32xbf16>,
    %get3A_440 = arith.index_cast %add3A_418 : i32 to index
    %get3A_441 = arith.constant 96 : index
    %get3A_442 = tpu.vector_load %arg13[%get3A_440, %get3A_441] {strides = array<i32>} : memref<16x128xbf16, #tpu.memory_space<vmem>>, vector<32xbf16>,
    %mul3A_443 = arith.mulf %get3A_333, %get3A_336 : vector<32xbf16>
    %mul3A_444 = arith.mulf %get3A_339, %get3A_342 : vector<32xbf16>
    %add3A_445 = arith.addf %mul3A_443, %mul3A_444 : vector<32xbf16>
    %mul3A_446 = arith.mulf %get3A_345, %get3A_348 : vector<32xbf16>
    %mul3A_447 = arith.mulf %get3A_351, %get3A_354 : vector<32xbf16>
    %add3A_448 = arith.addf %mul3A_446, %mul3A_447 : vector<32xbf16>
    %add3A_449 = arith.addf %add3A_445, %add3A_448 : vector<32xbf16>
    %unpack3A_450 = tpu.unpack_subelements %add3A_449, 0 {pack_format = #tpu.pack_format<interleaved>} : vector<32xbf16> -> vector<16xf32>
    %unpack3A_451 = tpu.unpack_subelements %add3A_449, 1 {pack_format = #tpu.pack_format<interleaved>} : vector<32xbf16> -> vector<16xf32>
    %add3A_452 = arith.addf %unpack3A_450, %unpack3A_451 : vector<16xf32>
    %mul3A_453 = arith.constant 256 : i32
    %mul3A_454 = arith.muli %scan3A_101, %mul3A_453 : i32
    %add3A_455 = arith.constant 96 : i32
    %add3A_456 = arith.addi %mul3A_454, %add3A_455 : i32
    %swap3A_457 = arith.index_cast %add3A_456 : i32 to index
    %swap3A_458 = tpu.vector_load %arg15[%swap3A_457] {strides = array<i32>} : memref<2048xf32, #tpu.memory_space<vmem>>, vector<16xf32>,
    tpu.vector_store %arg15[%swap3A_457], %add3A_452 {strides = array<i32>} : memref<2048xf32, #tpu.memory_space<vmem>>, vector<16xf32>,
    %add3A_459 = arith.constant 7 : i32
    %add3A_460 = arith.addi %mul3A_103, %add3A_459 : i32
    %add3A_461 = arith.constant 2 : i32
    %add3A_462 = arith.addi %add3A_460, %add3A_461 : i32
    %get3A_463 = arith.index_cast %add3A_462 : i32 to index
    %get3A_464 = arith.constant 0 : index
    %get3A_465 = tpu.vector_load %arg12[%get3A_463, %get3A_464] {strides = array<i32>} : memref<16x128xbf16, #tpu.memory_space<vmem>>, vector<32xbf16>,
    %get3A_466 = arith.index_cast %add3A_462 : i32 to index
    %get3A_467 = arith.constant 0 : index
    %get3A_468 = tpu.vector_load %arg13[%get3A_466, %get3A_467] {strides = array<i32>} : memref<16x128xbf16, #tpu.memory_space<vmem>>, vector<32xbf16>,
    %get3A_469 = arith.index_cast %add3A_462 : i32 to index
    %get3A_470 = arith.constant 32 : index
    %get3A_471 = tpu.vector_load %arg12[%get3A_469, %get3A_470] {strides = array<i32>} : memref<16x128xbf16, #tpu.memory_space<vmem>>, vector<32xbf16>,
    %get3A_472 = arith.index_cast %add3A_462 : i32 to index
    %get3A_473 = arith.constant 32 : index
    %get3A_474 = tpu.vector_load %arg13[%get3A_472, %get3A_473] {strides = array<i32>} : memref<16x128xbf16, #tpu.memory_space<vmem>>, vector<32xbf16>,
    %get3A_475 = arith.index_cast %add3A_462 : i32 to index
    %get3A_476 = arith.constant 64 : index
    %get3A_477 = tpu.vector_load %arg12[%get3A_475, %get3A_476] {strides = array<i32>} : memref<16x128xbf16, #tpu.memory_space<vmem>>, vector<32xbf16>,
    %get3A_478 = arith.index_cast %add3A_462 : i32 to index
    %get3A_479 = arith.constant 64 : index
    %get3A_480 = tpu.vector_load %arg13[%get3A_478, %get3A_479] {strides = array<i32>} : memref<16x128xbf16, #tpu.memory_space<vmem>>, vector<32xbf16>,
    %get3A_481 = arith.index_cast %add3A_462 : i32 to index
    %get3A_482 = arith.constant 96 : index
    %get3A_483 = tpu.vector_load %arg12[%get3A_481, %get3A_482] {strides = array<i32>} : memref<16x128xbf16, #tpu.memory_space<vmem>>, vector<32xbf16>,
    %get3A_484 = arith.index_cast %add3A_462 : i32 to index
    %get3A_485 = arith.constant 96 : index
    %get3A_486 = tpu.vector_load %arg13[%get3A_484, %get3A_485] {strides = array<i32>} : memref<16x128xbf16, #tpu.memory_space<vmem>>, vector<32xbf16>,
    %mul3A_487 = arith.mulf %get3A_377, %get3A_380 : vector<32xbf16>
    %mul3A_488 = arith.mulf %get3A_383, %get3A_386 : vector<32xbf16>
    %add3A_489 = arith.addf %mul3A_487, %mul3A_488 : vector<32xbf16>
    %mul3A_490 = arith.mulf %get3A_389, %get3A_392 : vector<32xbf16>
    %mul3A_491 = arith.mulf %get3A_395, %get3A_398 : vector<32xbf16>
    %add3A_492 = arith.addf %mul3A_490, %mul3A_491 : vector<32xbf16>
    %add3A_493 = arith.addf %add3A_489, %add3A_492 : vector<32xbf16>
    %unpack3A_494 = tpu.unpack_subelements %add3A_493, 0 {pack_format = #tpu.pack_format<interleaved>} : vector<32xbf16> -> vector<16xf32>
    %unpack3A_495 = tpu.unpack_subelements %add3A_493, 1 {pack_format = #tpu.pack_format<interleaved>} : vector<32xbf16> -> vector<16xf32>
    %add3A_496 = arith.addf %unpack3A_494, %unpack3A_495 : vector<16xf32>
    %mul3A_497 = arith.constant 256 : i32
    %mul3A_498 = arith.muli %scan3A_101, %mul3A_497 : i32
    %add3A_499 = arith.constant 112 : i32
    %add3A_500 = arith.addi %mul3A_498, %add3A_499 : i32
    %swap3A_501 = arith.index_cast %add3A_500 : i32 to index
    %swap3A_502 = tpu.vector_load %arg15[%swap3A_501] {strides = array<i32>} : memref<2048xf32, #tpu.memory_space<vmem>>, vector<16xf32>,
    tpu.vector_store %arg15[%swap3A_501], %add3A_496 {strides = array<i32>} : memref<2048xf32, #tpu.memory_space<vmem>>, vector<16xf32>,
    %add3A_503 = arith.constant 8 : i32
    %add3A_504 = arith.addi %mul3A_103, %add3A_503 : i32
    %add3A_505 = arith.constant 2 : i32
    %add3A_506 = arith.addi %add3A_504, %add3A_505 : i32
    %get3A_507 = arith.index_cast %add3A_506 : i32 to index
    %get3A_508 = arith.constant 0 : index
    %get3A_509 = tpu.vector_load %arg12[%get3A_507, %get3A_508] {strides = array<i32>} : memref<16x128xbf16, #tpu.memory_space<vmem>>, vector<32xbf16>,
    %get3A_510 = arith.index_cast %add3A_506 : i32 to index
    %get3A_511 = arith.constant 0 : index
    %get3A_512 = tpu.vector_load %arg13[%get3A_510, %get3A_511] {strides = array<i32>} : memref<16x128xbf16, #tpu.memory_space<vmem>>, vector<32xbf16>,
    %get3A_513 = arith.index_cast %add3A_506 : i32 to index
    %get3A_514 = arith.constant 32 : index
    %get3A_515 = tpu.vector_load %arg12[%get3A_513, %get3A_514] {strides = array<i32>} : memref<16x128xbf16, #tpu.memory_space<vmem>>, vector<32xbf16>,
    %get3A_516 = arith.index_cast %add3A_506 : i32 to index
    %get3A_517 = arith.constant 32 : index
    %get3A_518 = tpu.vector_load %arg13[%get3A_516, %get3A_517] {strides = array<i32>} : memref<16x128xbf16, #tpu.memory_space<vmem>>, vector<32xbf16>,
    %get3A_519 = arith.index_cast %add3A_506 : i32 to index
    %get3A_520 = arith.constant 64 : index
    %get3A_521 = tpu.vector_load %arg12[%get3A_519, %get3A_520] {strides = array<i32>} : memref<16x128xbf16, #tpu.memory_space<vmem>>, vector<32xbf16>,
    %get3A_522 = arith.index_cast %add3A_506 : i32 to index
    %get3A_523 = arith.constant 64 : index
    %get3A_524 = tpu.vector_load %arg13[%get3A_522, %get3A_523] {strides = array<i32>} : memref<16x128xbf16, #tpu.memory_space<vmem>>, vector<32xbf16>,
    %get3A_525 = arith.index_cast %add3A_506 : i32 to index
    %get3A_526 = arith.constant 96 : index
    %get3A_527 = tpu.vector_load %arg12[%get3A_525, %get3A_526] {strides = array<i32>} : memref<16x128xbf16, #tpu.memory_space<vmem>>, vector<32xbf16>,
    %get3A_528 = arith.index_cast %add3A_506 : i32 to index
    %get3A_529 = arith.constant 96 : index
    %get3A_530 = tpu.vector_load %arg13[%get3A_528, %get3A_529] {strides = array<i32>} : memref<16x128xbf16, #tpu.memory_space<vmem>>, vector<32xbf16>,
    %mul3A_531 = arith.mulf %get3A_421, %get3A_424 : vector<32xbf16>
    %mul3A_532 = arith.mulf %get3A_427, %get3A_430 : vector<32xbf16>
    %add3A_533 = arith.addf %mul3A_531, %mul3A_532 : vector<32xbf16>
    %mul3A_534 = arith.mulf %get3A_433, %get3A_436 : vector<32xbf16>
    %mul3A_535 = arith.mulf %get3A_439, %get3A_442 : vector<32xbf16>
    %add3A_536 = arith.addf %mul3A_534, %mul3A_535 : vector<32xbf16>
    %add3A_537 = arith.addf %add3A_533, %add3A_536 : vector<32xbf16>
    %unpack3A_538 = tpu.unpack_subelements %add3A_537, 0 {pack_format = #tpu.pack_format<interleaved>} : vector<32xbf16> -> vector<16xf32>
    %unpack3A_539 = tpu.unpack_subelements %add3A_537, 1 {pack_format = #tpu.pack_format<interleaved>} : vector<32xbf16> -> vector<16xf32>
    %add3A_540 = arith.addf %unpack3A_538, %unpack3A_539 : vector<16xf32>
    %mul3A_541 = arith.constant 256 : i32
    %mul3A_542 = arith.muli %scan3A_101, %mul3A_541 : i32
    %add3A_543 = arith.constant 128 : i32
    %add3A_544 = arith.addi %mul3A_542, %add3A_543 : i32
    %swap3A_545 = arith.index_cast %add3A_544 : i32 to index
    %swap3A_546 = tpu.vector_load %arg15[%swap3A_545] {strides = array<i32>} : memref<2048xf32, #tpu.memory_space<vmem>>, vector<16xf32>,
    tpu.vector_store %arg15[%swap3A_545], %add3A_540 {strides = array<i32>} : memref<2048xf32, #tpu.memory_space<vmem>>, vector<16xf32>,
    %add3A_547 = arith.constant 9 : i32
    %add3A_548 = arith.addi %mul3A_103, %add3A_547 : i32
    %add3A_549 = arith.constant 2 : i32
    %add3A_550 = arith.addi %add3A_548, %add3A_549 : i32
    %get3A_551 = arith.index_cast %add3A_550 : i32 to index
    %get3A_552 = arith.constant 0 : index
    %get3A_553 = tpu.vector_load %arg12[%get3A_551, %get3A_552] {strides = array<i32>} : memref<16x128xbf16, #tpu.memory_space<vmem>>, vector<32xbf16>,
    %get3A_554 = arith.index_cast %add3A_550 : i32 to index
    %get3A_555 = arith.constant 0 : index
    %get3A_556 = tpu.vector_load %arg13[%get3A_554, %get3A_555] {strides = array<i32>} : memref<16x128xbf16, #tpu.memory_space<vmem>>, vector<32xbf16>,
    %get3A_557 = arith.index_cast %add3A_550 : i32 to index
    %get3A_558 = arith.constant 32 : index
    %get3A_559 = tpu.vector_load %arg12[%get3A_557, %get3A_558] {strides = array<i32>} : memref<16x128xbf16, #tpu.memory_space<vmem>>, vector<32xbf16>,
    %get3A_560 = arith.index_cast %add3A_550 : i32 to index
    %get3A_561 = arith.constant 32 : index
    %get3A_562 = tpu.vector_load %arg13[%get3A_560, %get3A_561] {strides = array<i32>} : memref<16x128xbf16, #tpu.memory_space<vmem>>, vector<32xbf16>,
    %get3A_563 = arith.index_cast %add3A_550 : i32 to index
    %get3A_564 = arith.constant 64 : index
    %get3A_565 = tpu.vector_load %arg12[%get3A_563, %get3A_564] {strides = array<i32>} : memref<16x128xbf16, #tpu.memory_space<vmem>>, vector<32xbf16>,
    %get3A_566 = arith.index_cast %add3A_550 : i32 to index
    %get3A_567 = arith.constant 64 : index
    %get3A_568 = tpu.vector_load %arg13[%get3A_566, %get3A_567] {strides = array<i32>} : memref<16x128xbf16, #tpu.memory_space<vmem>>, vector<32xbf16>,
    %get3A_569 = arith.index_cast %add3A_550 : i32 to index
    %get3A_570 = arith.constant 96 : index
    %get3A_571 = tpu.vector_load %arg12[%get3A_569, %get3A_570] {strides = array<i32>} : memref<16x128xbf16, #tpu.memory_space<vmem>>, vector<32xbf16>,
    %get3A_572 = arith.index_cast %add3A_550 : i32 to index
    %get3A_573 = arith.constant 96 : index
    %get3A_574 = tpu.vector_load %arg13[%get3A_572, %get3A_573] {strides = array<i32>} : memref<16x128xbf16, #tpu.memory_space<vmem>>, vector<32xbf16>,
    %mul3A_575 = arith.mulf %get3A_465, %get3A_468 : vector<32xbf16>
    %mul3A_576 = arith.mulf %get3A_471, %get3A_474 : vector<32xbf16>
    %add3A_577 = arith.addf %mul3A_575, %mul3A_576 : vector<32xbf16>
    %mul3A_578 = arith.mulf %get3A_477, %get3A_480 : vector<32xbf16>
    %mul3A_579 = arith.mulf %get3A_483, %get3A_486 : vector<32xbf16>
    %add3A_580 = arith.addf %mul3A_578, %mul3A_579 : vector<32xbf16>
    %add3A_581 = arith.addf %add3A_577, %add3A_580 : vector<32xbf16>
    %unpack3A_582 = tpu.unpack_subelements %add3A_581, 0 {pack_format = #tpu.pack_format<interleaved>} : vector<32xbf16> -> vector<16xf32>
    %unpack3A_583 = tpu.unpack_subelements %add3A_581, 1 {pack_format = #tpu.pack_format<interleaved>} : vector<32xbf16> -> vector<16xf32>
    %add3A_584 = arith.addf %unpack3A_582, %unpack3A_583 : vector<16xf32>
    %mul3A_585 = arith.constant 256 : i32
    %mul3A_586 = arith.muli %scan3A_101, %mul3A_585 : i32
    %add3A_587 = arith.constant 144 : i32
    %add3A_588 = arith.addi %mul3A_586, %add3A_587 : i32
    %swap3A_589 = arith.index_cast %add3A_588 : i32 to index
    %swap3A_590 = tpu.vector_load %arg15[%swap3A_589] {strides = array<i32>} : memref<2048xf32, #tpu.memory_space<vmem>>, vector<16xf32>,
    tpu.vector_store %arg15[%swap3A_589], %add3A_584 {strides = array<i32>} : memref<2048xf32, #tpu.memory_space<vmem>>, vector<16xf32>,
    %add3A_591 = arith.constant 10 : i32
    %add3A_592 = arith.addi %mul3A_103, %add3A_591 : i32
    %add3A_593 = arith.constant 2 : i32
    %add3A_594 = arith.addi %add3A_592, %add3A_593 : i32
    %get3A_595 = arith.index_cast %add3A_594 : i32 to index
    %get3A_596 = arith.constant 0 : index
    %get3A_597 = tpu.vector_load %arg12[%get3A_595, %get3A_596] {strides = array<i32>} : memref<16x128xbf16, #tpu.memory_space<vmem>>, vector<32xbf16>,
    %get3A_598 = arith.index_cast %add3A_594 : i32 to index
    %get3A_599 = arith.constant 0 : index
    %get3A_600 = tpu.vector_load %arg13[%get3A_598, %get3A_599] {strides = array<i32>} : memref<16x128xbf16, #tpu.memory_space<vmem>>, vector<32xbf16>,
    %get3A_601 = arith.index_cast %add3A_594 : i32 to index
    %get3A_602 = arith.constant 32 : index
    %get3A_603 = tpu.vector_load %arg12[%get3A_601, %get3A_602] {strides = array<i32>} : memref<16x128xbf16, #tpu.memory_space<vmem>>, vector<32xbf16>,
    %get3A_604 = arith.index_cast %add3A_594 : i32 to index
    %get3A_605 = arith.constant 32 : index
    %get3A_606 = tpu.vector_load %arg13[%get3A_604, %get3A_605] {strides = array<i32>} : memref<16x128xbf16, #tpu.memory_space<vmem>>, vector<32xbf16>,
    %get3A_607 = arith.index_cast %add3A_594 : i32 to index
    %get3A_608 = arith.constant 64 : index
    %get3A_609 = tpu.vector_load %arg12[%get3A_607, %get3A_608] {strides = array<i32>} : memref<16x128xbf16, #tpu.memory_space<vmem>>, vector<32xbf16>,
    %get3A_610 = arith.index_cast %add3A_594 : i32 to index
    %get3A_611 = arith.constant 64 : index
    %get3A_612 = tpu.vector_load %arg13[%get3A_610, %get3A_611] {strides = array<i32>} : memref<16x128xbf16, #tpu.memory_space<vmem>>, vector<32xbf16>,
    %get3A_613 = arith.index_cast %add3A_594 : i32 to index
    %get3A_614 = arith.constant 96 : index
    %get3A_615 = tpu.vector_load %arg12[%get3A_613, %get3A_614] {strides = array<i32>} : memref<16x128xbf16, #tpu.memory_space<vmem>>, vector<32xbf16>,
    %get3A_616 = arith.index_cast %add3A_594 : i32 to index
    %get3A_617 = arith.constant 96 : index
    %get3A_618 = tpu.vector_load %arg13[%get3A_616, %get3A_617] {strides = array<i32>} : memref<16x128xbf16, #tpu.memory_space<vmem>>, vector<32xbf16>,
    %mul3A_619 = arith.mulf %get3A_509, %get3A_512 : vector<32xbf16>
    %mul3A_620 = arith.mulf %get3A_515, %get3A_518 : vector<32xbf16>
    %add3A_621 = arith.addf %mul3A_619, %mul3A_620 : vector<32xbf16>
    %mul3A_622 = arith.mulf %get3A_521, %get3A_524 : vector<32xbf16>
    %mul3A_623 = arith.mulf %get3A_527, %get3A_530 : vector<32xbf16>
    %add3A_624 = arith.addf %mul3A_622, %mul3A_623 : vector<32xbf16>
    %add3A_625 = arith.addf %add3A_621, %add3A_624 : vector<32xbf16>
    %unpack3A_626 = tpu.unpack_subelements %add3A_625, 0 {pack_format = #tpu.pack_format<interleaved>} : vector<32xbf16> -> vector<16xf32>
    %unpack3A_627 = tpu.unpack_subelements %add3A_625, 1 {pack_format = #tpu.pack_format<interleaved>} : vector<32xbf16> -> vector<16xf32>
    %add3A_628 = arith.addf %unpack3A_626, %unpack3A_627 : vector<16xf32>
    %mul3A_629 = arith.constant 256 : i32
    %mul3A_630 = arith.muli %scan3A_101, %mul3A_629 : i32
    %add3A_631 = arith.constant 160 : i32
    %add3A_632 = arith.addi %mul3A_630, %add3A_631 : i32
    %swap3A_633 = arith.index_cast %add3A_632 : i32 to index
    %swap3A_634 = tpu.vector_load %arg15[%swap3A_633] {strides = array<i32>} : memref<2048xf32, #tpu.memory_space<vmem>>, vector<16xf32>,
    tpu.vector_store %arg15[%swap3A_633], %add3A_628 {strides = array<i32>} : memref<2048xf32, #tpu.memory_space<vmem>>, vector<16xf32>,
    %add3A_635 = arith.constant 11 : i32
    %add3A_636 = arith.addi %mul3A_103, %add3A_635 : i32
    %add3A_637 = arith.constant 2 : i32
    %add3A_638 = arith.addi %add3A_636, %add3A_637 : i32
    %get3A_639 = arith.index_cast %add3A_638 : i32 to index
    %get3A_640 = arith.constant 0 : index
    %get3A_641 = tpu.vector_load %arg12[%get3A_639, %get3A_640] {strides = array<i32>} : memref<16x128xbf16, #tpu.memory_space<vmem>>, vector<32xbf16>,
    %get3A_642 = arith.index_cast %add3A_638 : i32 to index
    %get3A_643 = arith.constant 0 : index
    %get3A_644 = tpu.vector_load %arg13[%get3A_642, %get3A_643] {strides = array<i32>} : memref<16x128xbf16, #tpu.memory_space<vmem>>, vector<32xbf16>,
    %get3A_645 = arith.index_cast %add3A_638 : i32 to index
    %get3A_646 = arith.constant 32 : index
    %get3A_647 = tpu.vector_load %arg12[%get3A_645, %get3A_646] {strides = array<i32>} : memref<16x128xbf16, #tpu.memory_space<vmem>>, vector<32xbf16>,
    %get3A_648 = arith.index_cast %add3A_638 : i32 to index
    %get3A_649 = arith.constant 32 : index
    %get3A_650 = tpu.vector_load %arg13[%get3A_648, %get3A_649] {strides = array<i32>} : memref<16x128xbf16, #tpu.memory_space<vmem>>, vector<32xbf16>,
    %get3A_651 = arith.index_cast %add3A_638 : i32 to index
    %get3A_652 = arith.constant 64 : index
    %get3A_653 = tpu.vector_load %arg12[%get3A_651, %get3A_652] {strides = array<i32>} : memref<16x128xbf16, #tpu.memory_space<vmem>>, vector<32xbf16>,
    %get3A_654 = arith.index_cast %add3A_638 : i32 to index
    %get3A_655 = arith.constant 64 : index
    %get3A_656 = tpu.vector_load %arg13[%get3A_654, %get3A_655] {strides = array<i32>} : memref<16x128xbf16, #tpu.memory_space<vmem>>, vector<32xbf16>,
    %get3A_657 = arith.index_cast %add3A_638 : i32 to index
    %get3A_658 = arith.constant 96 : index
    %get3A_659 = tpu.vector_load %arg12[%get3A_657, %get3A_658] {strides = array<i32>} : memref<16x128xbf16, #tpu.memory_space<vmem>>, vector<32xbf16>,
    %get3A_660 = arith.index_cast %add3A_638 : i32 to index
    %get3A_661 = arith.constant 96 : index
    %get3A_662 = tpu.vector_load %arg13[%get3A_660, %get3A_661] {strides = array<i32>} : memref<16x128xbf16, #tpu.memory_space<vmem>>, vector<32xbf16>,
    %mul3A_663 = arith.mulf %get3A_553, %get3A_556 : vector<32xbf16>
    %mul3A_664 = arith.mulf %get3A_559, %get3A_562 : vector<32xbf16>
    %add3A_665 = arith.addf %mul3A_663, %mul3A_664 : vector<32xbf16>
    %mul3A_666 = arith.mulf %get3A_565, %get3A_568 : vector<32xbf16>
    %mul3A_667 = arith.mulf %get3A_571, %get3A_574 : vector<32xbf16>
    %add3A_668 = arith.addf %mul3A_666, %mul3A_667 : vector<32xbf16>
    %add3A_669 = arith.addf %add3A_665, %add3A_668 : vector<32xbf16>
    %unpack3A_670 = tpu.unpack_subelements %add3A_669, 0 {pack_format = #tpu.pack_format<interleaved>} : vector<32xbf16> -> vector<16xf32>
    %unpack3A_671 = tpu.unpack_subelements %add3A_669, 1 {pack_format = #tpu.pack_format<interleaved>} : vector<32xbf16> -> vector<16xf32>
    %add3A_672 = arith.addf %unpack3A_670, %unpack3A_671 : vector<16xf32>
    %mul3A_673 = arith.constant 256 : i32
    %mul3A_674 = arith.muli %scan3A_101, %mul3A_673 : i32
    %add3A_675 = arith.constant 176 : i32
    %add3A_676 = arith.addi %mul3A_674, %add3A_675 : i32
    %swap3A_677 = arith.index_cast %add3A_676 : i32 to index
    %swap3A_678 = tpu.vector_load %arg15[%swap3A_677] {strides = array<i32>} : memref<2048xf32, #tpu.memory_space<vmem>>, vector<16xf32>,
    tpu.vector_store %arg15[%swap3A_677], %add3A_672 {strides = array<i32>} : memref<2048xf32, #tpu.memory_space<vmem>>, vector<16xf32>,
    %add3A_679 = arith.constant 12 : i32
    %add3A_680 = arith.addi %mul3A_103, %add3A_679 : i32
    %add3A_681 = arith.constant 2 : i32
    %add3A_682 = arith.addi %add3A_680, %add3A_681 : i32
    %get3A_683 = arith.index_cast %add3A_682 : i32 to index
    %get3A_684 = arith.constant 0 : index
    %get3A_685 = tpu.vector_load %arg12[%get3A_683, %get3A_684] {strides = array<i32>} : memref<16x128xbf16, #tpu.memory_space<vmem>>, vector<32xbf16>,
    %get3A_686 = arith.index_cast %add3A_682 : i32 to index
    %get3A_687 = arith.constant 0 : index
    %get3A_688 = tpu.vector_load %arg13[%get3A_686, %get3A_687] {strides = array<i32>} : memref<16x128xbf16, #tpu.memory_space<vmem>>, vector<32xbf16>,
    %get3A_689 = arith.index_cast %add3A_682 : i32 to index
    %get3A_690 = arith.constant 32 : index
    %get3A_691 = tpu.vector_load %arg12[%get3A_689, %get3A_690] {strides = array<i32>} : memref<16x128xbf16, #tpu.memory_space<vmem>>, vector<32xbf16>,
    %get3A_692 = arith.index_cast %add3A_682 : i32 to index
    %get3A_693 = arith.constant 32 : index
    %get3A_694 = tpu.vector_load %arg13[%get3A_692, %get3A_693] {strides = array<i32>} : memref<16x128xbf16, #tpu.memory_space<vmem>>, vector<32xbf16>,
    %get3A_695 = arith.index_cast %add3A_682 : i32 to index
    %get3A_696 = arith.constant 64 : index
    %get3A_697 = tpu.vector_load %arg12[%get3A_695, %get3A_696] {strides = array<i32>} : memref<16x128xbf16, #tpu.memory_space<vmem>>, vector<32xbf16>,
    %get3A_698 = arith.index_cast %add3A_682 : i32 to index
    %get3A_699 = arith.constant 64 : index
    %get3A_700 = tpu.vector_load %arg13[%get3A_698, %get3A_699] {strides = array<i32>} : memref<16x128xbf16, #tpu.memory_space<vmem>>, vector<32xbf16>,
    %get3A_701 = arith.index_cast %add3A_682 : i32 to index
    %get3A_702 = arith.constant 96 : index
    %get3A_703 = tpu.vector_load %arg12[%get3A_701, %get3A_702] {strides = array<i32>} : memref<16x128xbf16, #tpu.memory_space<vmem>>, vector<32xbf16>,
    %get3A_704 = arith.index_cast %add3A_682 : i32 to index
    %get3A_705 = arith.constant 96 : index
    %get3A_706 = tpu.vector_load %arg13[%get3A_704, %get3A_705] {strides = array<i32>} : memref<16x128xbf16, #tpu.memory_space<vmem>>, vector<32xbf16>,
    %mul3A_707 = arith.mulf %get3A_597, %get3A_600 : vector<32xbf16>
    %mul3A_708 = arith.mulf %get3A_603, %get3A_606 : vector<32xbf16>
    %add3A_709 = arith.addf %mul3A_707, %mul3A_708 : vector<32xbf16>
    %mul3A_710 = arith.mulf %get3A_609, %get3A_612 : vector<32xbf16>
    %mul3A_711 = arith.mulf %get3A_615, %get3A_618 : vector<32xbf16>
    %add3A_712 = arith.addf %mul3A_710, %mul3A_711 : vector<32xbf16>
    %add3A_713 = arith.addf %add3A_709, %add3A_712 : vector<32xbf16>
    %unpack3A_714 = tpu.unpack_subelements %add3A_713, 0 {pack_format = #tpu.pack_format<interleaved>} : vector<32xbf16> -> vector<16xf32>
    %unpack3A_715 = tpu.unpack_subelements %add3A_713, 1 {pack_format = #tpu.pack_format<interleaved>} : vector<32xbf16> -> vector<16xf32>
    %add3A_716 = arith.addf %unpack3A_714, %unpack3A_715 : vector<16xf32>
    %mul3A_717 = arith.constant 256 : i32
    %mul3A_718 = arith.muli %scan3A_101, %mul3A_717 : i32
    %add3A_719 = arith.constant 192 : i32
    %add3A_720 = arith.addi %mul3A_718, %add3A_719 : i32
    %swap3A_721 = arith.index_cast %add3A_720 : i32 to index
    %swap3A_722 = tpu.vector_load %arg15[%swap3A_721] {strides = array<i32>} : memref<2048xf32, #tpu.memory_space<vmem>>, vector<16xf32>,
    tpu.vector_store %arg15[%swap3A_721], %add3A_716 {strides = array<i32>} : memref<2048xf32, #tpu.memory_space<vmem>>, vector<16xf32>,
    %add3A_723 = arith.constant 13 : i32
    %add3A_724 = arith.addi %mul3A_103, %add3A_723 : i32
    %add3A_725 = arith.constant 2 : i32
    %add3A_726 = arith.addi %add3A_724, %add3A_725 : i32
    %get3A_727 = arith.index_cast %add3A_726 : i32 to index
    %get3A_728 = arith.constant 0 : index
    %get3A_729 = tpu.vector_load %arg12[%get3A_727, %get3A_728] {strides = array<i32>} : memref<16x128xbf16, #tpu.memory_space<vmem>>, vector<32xbf16>,
    %get3A_730 = arith.index_cast %add3A_726 : i32 to index
    %get3A_731 = arith.constant 0 : index
    %get3A_732 = tpu.vector_load %arg13[%get3A_730, %get3A_731] {strides = array<i32>} : memref<16x128xbf16, #tpu.memory_space<vmem>>, vector<32xbf16>,
    %get3A_733 = arith.index_cast %add3A_726 : i32 to index
    %get3A_734 = arith.constant 32 : index
    %get3A_735 = tpu.vector_load %arg12[%get3A_733, %get3A_734] {strides = array<i32>} : memref<16x128xbf16, #tpu.memory_space<vmem>>, vector<32xbf16>,
    %get3A_736 = arith.index_cast %add3A_726 : i32 to index
    %get3A_737 = arith.constant 32 : index
    %get3A_738 = tpu.vector_load %arg13[%get3A_736, %get3A_737] {strides = array<i32>} : memref<16x128xbf16, #tpu.memory_space<vmem>>, vector<32xbf16>,
    %get3A_739 = arith.index_cast %add3A_726 : i32 to index
    %get3A_740 = arith.constant 64 : index
    %get3A_741 = tpu.vector_load %arg12[%get3A_739, %get3A_740] {strides = array<i32>} : memref<16x128xbf16, #tpu.memory_space<vmem>>, vector<32xbf16>,
    %get3A_742 = arith.index_cast %add3A_726 : i32 to index
    %get3A_743 = arith.constant 64 : index
    %get3A_744 = tpu.vector_load %arg13[%get3A_742, %get3A_743] {strides = array<i32>} : memref<16x128xbf16, #tpu.memory_space<vmem>>, vector<32xbf16>,
    %get3A_745 = arith.index_cast %add3A_726 : i32 to index
    %get3A_746 = arith.constant 96 : index
    %get3A_747 = tpu.vector_load %arg12[%get3A_745, %get3A_746] {strides = array<i32>} : memref<16x128xbf16, #tpu.memory_space<vmem>>, vector<32xbf16>,
    %get3A_748 = arith.index_cast %add3A_726 : i32 to index
    %get3A_749 = arith.constant 96 : index
    %get3A_750 = tpu.vector_load %arg13[%get3A_748, %get3A_749] {strides = array<i32>} : memref<16x128xbf16, #tpu.memory_space<vmem>>, vector<32xbf16>,
    %mul3A_751 = arith.mulf %get3A_641, %get3A_644 : vector<32xbf16>
    %mul3A_752 = arith.mulf %get3A_647, %get3A_650 : vector<32xbf16>
    %add3A_753 = arith.addf %mul3A_751, %mul3A_752 : vector<32xbf16>
    %mul3A_754 = arith.mulf %get3A_653, %get3A_656 : vector<32xbf16>
    %mul3A_755 = arith.mulf %get3A_659, %get3A_662 : vector<32xbf16>
    %add3A_756 = arith.addf %mul3A_754, %mul3A_755 : vector<32xbf16>
    %add3A_757 = arith.addf %add3A_753, %add3A_756 : vector<32xbf16>
    %unpack3A_758 = tpu.unpack_subelements %add3A_757, 0 {pack_format = #tpu.pack_format<interleaved>} : vector<32xbf16> -> vector<16xf32>
    %unpack3A_759 = tpu.unpack_subelements %add3A_757, 1 {pack_format = #tpu.pack_format<interleaved>} : vector<32xbf16> -> vector<16xf32>
    %add3A_760 = arith.addf %unpack3A_758, %unpack3A_759 : vector<16xf32>
    %mul3A_761 = arith.constant 256 : i32
    %mul3A_762 = arith.muli %scan3A_101, %mul3A_761 : i32
    %add3A_763 = arith.constant 208 : i32
    %add3A_764 = arith.addi %mul3A_762, %add3A_763 : i32
    %swap3A_765 = arith.index_cast %add3A_764 : i32 to index
    %swap3A_766 = tpu.vector_load %arg15[%swap3A_765] {strides = array<i32>} : memref<2048xf32, #tpu.memory_space<vmem>>, vector<16xf32>,
    tpu.vector_store %arg15[%swap3A_765], %add3A_760 {strides = array<i32>} : memref<2048xf32, #tpu.memory_space<vmem>>, vector<16xf32>,
    %mul3A_767 = arith.mulf %get3A_685, %get3A_688 : vector<32xbf16>
    %mul3A_768 = arith.mulf %get3A_691, %get3A_694 : vector<32xbf16>
    %add3A_769 = arith.addf %mul3A_767, %mul3A_768 : vector<32xbf16>
    %mul3A_770 = arith.mulf %get3A_697, %get3A_700 : vector<32xbf16>
    %mul3A_771 = arith.mulf %get3A_703, %get3A_706 : vector<32xbf16>
    %add3A_772 = arith.addf %mul3A_770, %mul3A_771 : vector<32xbf16>
    %add3A_773 = arith.addf %add3A_769, %add3A_772 : vector<32xbf16>
    %unpack3A_774 = tpu.unpack_subelements %add3A_773, 0 {pack_format = #tpu.pack_format<interleaved>} : vector<32xbf16> -> vector<16xf32>
    %unpack3A_775 = tpu.unpack_subelements %add3A_773, 1 {pack_format = #tpu.pack_format<interleaved>} : vector<32xbf16> -> vector<16xf32>
    %add3A_776 = arith.addf %unpack3A_774, %unpack3A_775 : vector<16xf32>
    %mul3A_777 = arith.constant 256 : i32
    %mul3A_778 = arith.muli %scan3A_101, %mul3A_777 : i32
    %add3A_779 = arith.constant 224 : i32
    %add3A_780 = arith.addi %mul3A_778, %add3A_779 : i32
    %swap3A_781 = arith.index_cast %add3A_780 : i32 to index
    %swap3A_782 = tpu.vector_load %arg15[%swap3A_781] {strides = array<i32>} : memref<2048xf32, #tpu.memory_space<vmem>>, vector<16xf32>,
    tpu.vector_store %arg15[%swap3A_781], %add3A_776 {strides = array<i32>} : memref<2048xf32, #tpu.memory_space<vmem>>, vector<16xf32>,
    %mul3A_783 = arith.mulf %get3A_729, %get3A_732 : vector<32xbf16>
    %mul3A_784 = arith.mulf %get3A_735, %get3A_738 : vector<32xbf16>
    %add3A_785 = arith.addf %mul3A_783, %mul3A_784 : vector<32xbf16>
    %mul3A_786 = arith.mulf %get3A_741, %get3A_744 : vector<32xbf16>
    %mul3A_787 = arith.mulf %get3A_747, %get3A_750 : vector<32xbf16>
    %add3A_788 = arith.addf %mul3A_786, %mul3A_787 : vector<32xbf16>
    %add3A_789 = arith.addf %add3A_785, %add3A_788 : vector<32xbf16>
    %unpack3A_790 = tpu.unpack_subelements %add3A_789, 0 {pack_format = #tpu.pack_format<interleaved>} : vector<32xbf16> -> vector<16xf32>
    %unpack3A_791 = tpu.unpack_subelements %add3A_789, 1 {pack_format = #tpu.pack_format<interleaved>} : vector<32xbf16> -> vector<16xf32>
    %add3A_792 = arith.addf %unpack3A_790, %unpack3A_791 : vector<16xf32>
    %mul3A_793 = arith.constant 256 : i32
    %mul3A_794 = arith.muli %scan3A_101, %mul3A_793 : i32
    %add3A_795 = arith.constant 240 : i32
    %add3A_796 = arith.addi %mul3A_794, %add3A_795 : i32
    %swap3A_797 = arith.index_cast %add3A_796 : i32 to index
    %swap3A_798 = tpu.vector_load %arg15[%swap3A_797] {strides = array<i32>} : memref<2048xf32, #tpu.memory_space<vmem>>, vector<16xf32>,
    tpu.vector_store %arg15[%swap3A_797], %add3A_792 {strides = array<i32>} : memref<2048xf32, #tpu.memory_space<vmem>>, vector<16xf32>,
    %scan3A_799 = arith.constant 1 : i32
    %scan3A_800 = arith.constant 0 : i32
    %scan3A_801 = arith.constant 0 : i32
    %mul3A_802 = arith.constant 256 : i32
    %mul3A_803 = arith.muli %scan3A_801, %mul3A_802 : i32
    %add3A_804 = vector.broadcast %mul3A_803 : i32 to vector<16xi32>
    %add3A_805 = arith.addi %add3A_804, %mul3A_5 : vector<16xi32>
    %add3A_806 = arith.constant 0 : i32
    %add3A_807 = vector.broadcast %add3A_806 : i32 to vector<16xi32>
    %add3A_808 = arith.addi %add3A_805, %add3A_807 : vector<16xi32>
    %gather3A = tpu.vector_load_idx %arg15[%add3A_808] : memref<2048xf32, #tpu.memory_space<vmem>>[vector<16xi32>], vector<16xf32>,
    %add3A_809 = vector.broadcast %mul3A_803 : i32 to vector<16xi32>
    %add3A_810 = arith.addi %add3A_809, %mul3A_5 : vector<16xi32>
    %add3A_811 = arith.constant 1 : i32
    %add3A_812 = vector.broadcast %add3A_811 : i32 to vector<16xi32>
    %add3A_813 = arith.addi %add3A_810, %add3A_812 : vector<16xi32>
    %gather3A_814 = tpu.vector_load_idx %arg15[%add3A_813] : memref<2048xf32, #tpu.memory_space<vmem>>[vector<16xi32>], vector<16xf32>,
    %add3A_815 = vector.broadcast %mul3A_803 : i32 to vector<16xi32>
    %add3A_816 = arith.addi %add3A_815, %mul3A_5 : vector<16xi32>
    %add3A_817 = arith.constant 2 : i32
    %add3A_818 = vector.broadcast %add3A_817 : i32 to vector<16xi32>
    %add3A_819 = arith.addi %add3A_816, %add3A_818 : vector<16xi32>
    %gather3A_820 = tpu.vector_load_idx %arg15[%add3A_819] : memref<2048xf32, #tpu.memory_space<vmem>>[vector<16xi32>], vector<16xf32>,
    %add3A_821 = vector.broadcast %mul3A_803 : i32 to vector<16xi32>
    %add3A_822 = arith.addi %add3A_821, %mul3A_5 : vector<16xi32>
    %add3A_823 = arith.constant 3 : i32
    %add3A_824 = vector.broadcast %add3A_823 : i32 to vector<16xi32>
    %add3A_825 = arith.addi %add3A_822, %add3A_824 : vector<16xi32>
    %gather3A_826 = tpu.vector_load_idx %arg15[%add3A_825] : memref<2048xf32, #tpu.memory_space<vmem>>[vector<16xi32>], vector<16xf32>,
    %add3A_827 = vector.broadcast %mul3A_803 : i32 to vector<16xi32>
    %add3A_828 = arith.addi %add3A_827, %mul3A_5 : vector<16xi32>
    %add3A_829 = arith.constant 4 : i32
    %add3A_830 = vector.broadcast %add3A_829 : i32 to vector<16xi32>
    %add3A_831 = arith.addi %add3A_828, %add3A_830 : vector<16xi32>
    %gather3A_832 = tpu.vector_load_idx %arg15[%add3A_831] : memref<2048xf32, #tpu.memory_space<vmem>>[vector<16xi32>], vector<16xf32>,
    %add3A_833 = vector.broadcast %mul3A_803 : i32 to vector<16xi32>
    %add3A_834 = arith.addi %add3A_833, %mul3A_5 : vector<16xi32>
    %add3A_835 = arith.constant 5 : i32
    %add3A_836 = vector.broadcast %add3A_835 : i32 to vector<16xi32>
    %add3A_837 = arith.addi %add3A_834, %add3A_836 : vector<16xi32>
    %gather3A_838 = tpu.vector_load_idx %arg15[%add3A_837] : memref<2048xf32, #tpu.memory_space<vmem>>[vector<16xi32>], vector<16xf32>,
    %add3A_839 = vector.broadcast %mul3A_803 : i32 to vector<16xi32>
    %add3A_840 = arith.addi %add3A_839, %mul3A_5 : vector<16xi32>
    %add3A_841 = arith.constant 6 : i32
    %add3A_842 = vector.broadcast %add3A_841 : i32 to vector<16xi32>
    %add3A_843 = arith.addi %add3A_840, %add3A_842 : vector<16xi32>
    %gather3A_844 = tpu.vector_load_idx %arg15[%add3A_843] : memref<2048xf32, #tpu.memory_space<vmem>>[vector<16xi32>], vector<16xf32>,
    %add3A_845 = vector.broadcast %mul3A_803 : i32 to vector<16xi32>
    %add3A_846 = arith.addi %add3A_845, %mul3A_5 : vector<16xi32>
    %add3A_847 = arith.constant 7 : i32
    %add3A_848 = vector.broadcast %add3A_847 : i32 to vector<16xi32>
    %add3A_849 = arith.addi %add3A_846, %add3A_848 : vector<16xi32>
    %gather3A_850 = tpu.vector_load_idx %arg15[%add3A_849] : memref<2048xf32, #tpu.memory_space<vmem>>[vector<16xi32>], vector<16xf32>,
    %add3A_851 = vector.broadcast %mul3A_803 : i32 to vector<16xi32>
    %add3A_852 = arith.addi %add3A_851, %mul3A_5 : vector<16xi32>
    %add3A_853 = arith.constant 8 : i32
    %add3A_854 = vector.broadcast %add3A_853 : i32 to vector<16xi32>
    %add3A_855 = arith.addi %add3A_852, %add3A_854 : vector<16xi32>
    %gather3A_856 = tpu.vector_load_idx %arg15[%add3A_855] : memref<2048xf32, #tpu.memory_space<vmem>>[vector<16xi32>], vector<16xf32>,
    %add3A_857 = vector.broadcast %mul3A_803 : i32 to vector<16xi32>
    %add3A_858 = arith.addi %add3A_857, %mul3A_5 : vector<16xi32>
    %add3A_859 = arith.constant 9 : i32
    %add3A_860 = vector.broadcast %add3A_859 : i32 to vector<16xi32>
    %add3A_861 = arith.addi %add3A_858, %add3A_860 : vector<16xi32>
    %gather3A_862 = tpu.vector_load_idx %arg15[%add3A_861] : memref<2048xf32, #tpu.memory_space<vmem>>[vector<16xi32>], vector<16xf32>,
    %add3A_863 = vector.broadcast %mul3A_803 : i32 to vector<16xi32>
    %add3A_864 = arith.addi %add3A_863, %mul3A_5 : vector<16xi32>
    %add3A_865 = arith.constant 10 : i32
    %add3A_866 = vector.broadcast %add3A_865 : i32 to vector<16xi32>
    %add3A_867 = arith.addi %add3A_864, %add3A_866 : vector<16xi32>
    %gather3A_868 = tpu.vector_load_idx %arg15[%add3A_867] : memref<2048xf32, #tpu.memory_space<vmem>>[vector<16xi32>], vector<16xf32>,
    %add3A_869 = vector.broadcast %mul3A_803 : i32 to vector<16xi32>
    %add3A_870 = arith.addi %add3A_869, %mul3A_5 : vector<16xi32>
    %add3A_871 = arith.constant 11 : i32
    %add3A_872 = vector.broadcast %add3A_871 : i32 to vector<16xi32>
    %add3A_873 = arith.addi %add3A_870, %add3A_872 : vector<16xi32>
    %gather3A_874 = tpu.vector_load_idx %arg15[%add3A_873] : memref<2048xf32, #tpu.memory_space<vmem>>[vector<16xi32>], vector<16xf32>,
    %add3A_875 = vector.broadcast %mul3A_803 : i32 to vector<16xi32>
    %add3A_876 = arith.addi %add3A_875, %mul3A_5 : vector<16xi32>
    %add3A_877 = arith.constant 12 : i32
    %add3A_878 = vector.broadcast %add3A_877 : i32 to vector<16xi32>
    %add3A_879 = arith.addi %add3A_876, %add3A_878 : vector<16xi32>
    %gather3A_880 = tpu.vector_load_idx %arg15[%add3A_879] : memref<2048xf32, #tpu.memory_space<vmem>>[vector<16xi32>], vector<16xf32>,
    %add3A_881 = vector.broadcast %mul3A_803 : i32 to vector<16xi32>
    %add3A_882 = arith.addi %add3A_881, %mul3A_5 : vector<16xi32>
    %add3A_883 = arith.constant 13 : i32
    %add3A_884 = vector.broadcast %add3A_883 : i32 to vector<16xi32>
    %add3A_885 = arith.addi %add3A_882, %add3A_884 : vector<16xi32>
    %gather3A_886 = tpu.vector_load_idx %arg15[%add3A_885] : memref<2048xf32, #tpu.memory_space<vmem>>[vector<16xi32>], vector<16xf32>,
    %add3A_887 = vector.broadcast %mul3A_803 : i32 to vector<16xi32>
    %add3A_888 = arith.addi %add3A_887, %mul3A_5 : vector<16xi32>
    %add3A_889 = arith.constant 14 : i32
    %add3A_890 = vector.broadcast %add3A_889 : i32 to vector<16xi32>
    %add3A_891 = arith.addi %add3A_888, %add3A_890 : vector<16xi32>
    %gather3A_892 = tpu.vector_load_idx %arg15[%add3A_891] : memref<2048xf32, #tpu.memory_space<vmem>>[vector<16xi32>], vector<16xf32>,
    %add3A_893 = vector.broadcast %mul3A_803 : i32 to vector<16xi32>
    %add3A_894 = arith.addi %add3A_893, %mul3A_5 : vector<16xi32>
    %add3A_895 = arith.constant 15 : i32
    %add3A_896 = vector.broadcast %add3A_895 : i32 to vector<16xi32>
    %add3A_897 = arith.addi %add3A_894, %add3A_896 : vector<16xi32>
    %gather3A_898 = tpu.vector_load_idx %arg15[%add3A_897] : memref<2048xf32, #tpu.memory_space<vmem>>[vector<16xi32>], vector<16xf32>,
    %add3A_899 = arith.addf %gather3A, %gather3A_814 : vector<16xf32>
    %add3A_900 = arith.addf %gather3A_820, %gather3A_826 : vector<16xf32>
    %add3A_901 = arith.addf %gather3A_832, %gather3A_838 : vector<16xf32>
    %add3A_902 = arith.addf %gather3A_844, %gather3A_850 : vector<16xf32>
    %add3A_903 = arith.addf %gather3A_856, %gather3A_862 : vector<16xf32>
    %add3A_904 = arith.addf %gather3A_868, %gather3A_874 : vector<16xf32>
    %add3A_905 = arith.addf %gather3A_880, %gather3A_886 : vector<16xf32>
    %add3A_906 = arith.addf %gather3A_892, %gather3A_898 : vector<16xf32>
    %add3A_907 = arith.addf %add3A_899, %add3A_900 : vector<16xf32>
    %add3A_908 = arith.addf %add3A_901, %add3A_902 : vector<16xf32>
    %add3A_909 = arith.addf %add3A_903, %add3A_904 : vector<16xf32>
    %add3A_910 = arith.addf %add3A_905, %add3A_906 : vector<16xf32>
    %add3A_911 = arith.addf %add3A_907, %add3A_908 : vector<16xf32>
    %add3A_912 = arith.addf %add3A_909, %add3A_910 : vector<16xf32>
    %add3A_913 = arith.addf %add3A_911, %add3A_912 : vector<16xf32>
    %neg3A = arith.constant 0.000000e+00 : f32
    %neg3A_914 = vector.broadcast %neg3A : f32 to vector<16xf32>
    %neg3A_915 = arith.subf %neg3A_914, %add3A_913 : vector<16xf32>
    %exp3A = math.exp %neg3A_915 : vector<16xf32>
    %add3A_916 = arith.constant 1.000000e+00 : f32
    %add3A_917 = vector.broadcast %add3A_916 : f32 to vector<16xf32>
    %add3A_918 = arith.addf %add3A_917, %exp3A : vector<16xf32>
    %div3A = arith.constant 1.000000e+00 : f32
    %div3A_919 = vector.broadcast %div3A : f32 to vector<16xf32>
    %div3A_920 = arith.divf %div3A_919, %add3A_918 : vector<16xf32>
    %mul3A_921 = arith.constant 16 : i32
    %mul3A_922 = arith.muli %scan3A_801, %mul3A_921 : i32
    %add3A_923 = arith.constant 9984 : i32
    %add3A_924 = arith.addi %add3A_923, %mul3A_922 : i32
    %swap3A_925 = arith.index_cast %add3A_924 : i32 to index
    %swap3A_926 = tpu.vector_load %arg14[%swap3A_925] {strides = array<i32>} : memref<10000xf32, #tpu.memory_space<vmem>>, vector<16xf32>,
    tpu.vector_store %arg14[%swap3A_925], %div3A_920 {strides = array<i32>} : memref<10000xf32, #tpu.memory_space<vmem>>, vector<16xf32>,
    %scan3A_927 = arith.constant 1 : i32
    "tpu.region"() ({
      %run_scoped3A_928 = tpu.sem_alloc : memref<!tpu.dma_semaphore, #tpu.memory_space<semaphore_mem>>
      %dma_start3A_929 = tpu.memref_slice %arg5[%mul3A_2] : memref<320000xf32, #tpu.memory_space<hbm>> -> memref<10000xf32, #tpu.memory_space<hbm>>
      %dma_start3A_930 = tpu.memref_slice %arg5[%mul3A_2] : memref<320000xf32, #tpu.memory_space<hbm>> -> memref<10000xf32, #tpu.memory_space<hbm>>
      tpu.enqueue_dma source(%arg14 : memref<10000xf32, #tpu.memory_space<vmem>>) target(%dma_start3A_930 : memref<10000xf32, #tpu.memory_space<hbm>>) target_semaphore(%run_scoped3A_928 : memref<!tpu.dma_semaphore, #tpu.memory_space<semaphore_mem>>)
      %dma_wait3A_931 = tpu.memref_slice %arg5[%mul3A_2] : memref<320000xf32, #tpu.memory_space<hbm>> -> memref<10000xf32, #tpu.memory_space<hbm>>
      %dma_wait3A_932 = tpu.memref_slice %arg5[%mul3A_2] : memref<320000xf32, #tpu.memory_space<hbm>> -> memref<10000xf32, #tpu.memory_space<hbm>>
      tpu.wait_dma2 semaphore(%run_scoped3A_928 : memref<!tpu.dma_semaphore, #tpu.memory_space<semaphore_mem>>) src(%arg14 : memref<10000xf32, #tpu.memory_space<vmem>>) dst(%dma_wait3A_932 : memref<10000xf32, #tpu.memory_space<hbm>>)
      tpu.yield
    }) : () -> ()
    return
  }
}

module attributes {stable_mosaic.version = 14 : i64} {
  func.func @_cast_body(%arg0: i32, %arg1: memref<1000x128xf32, #tpu.memory_space<vmem>>, %arg2: memref<1000x128xf32, #tpu.memory_space<vmem>>, %arg3: memref<1000x128xbf16, #tpu.memory_space<vmem>>, %arg4: memref<1000x128xbf16, #tpu.memory_space<vmem>>) attributes {dimension_semantics = [#tpu.dimension_semantics<arbitrary>], iteration_bounds = array<i64: 10>, scalar_prefetch = 0 : i64, scratch_operands = 0 : i64, tpu.core_type = #tpu.core_type<tc>, window_params = [{transform_indices = @transform_0, window_bounds = array<i64: 1000, 128>}, {transform_indices = @transform_1, window_bounds = array<i64: 1000, 128>}, {transform_indices = @transform_2, window_bounds = array<i64: 1000, 128>}, {transform_indices = @transform_3, window_bounds = array<i64: 1000, 128>}]} {
    %get3A = arith.constant 0 : index
    %get3A_0 = arith.constant 0 : index
    %get3A_1 = vector.load %arg1[%get3A, %get3A_0] : memref<1000x128xf32, #tpu.memory_space<vmem>>, vector<1000x128xf32>
    %convert_element_type3A = arith.truncf %get3A_1 : vector<1000x128xf32> to vector<1000x128xbf16>
    %swap3A = arith.constant 0 : index
    %swap3A_2 = arith.constant 0 : index
    %swap3A_3 = vector.load %arg3[%swap3A, %swap3A_2] : memref<1000x128xbf16, #tpu.memory_space<vmem>>, vector<1000x128xbf16>
    tpu.vector_store %arg3[%swap3A, %swap3A_2], %convert_element_type3A {strides = array<i32>} : memref<1000x128xbf16, #tpu.memory_space<vmem>>, vector<1000x128xbf16>,
    %get3A_4 = arith.constant 0 : index
    %get3A_5 = arith.constant 0 : index
    %get3A_6 = vector.load %arg2[%get3A_4, %get3A_5] : memref<1000x128xf32, #tpu.memory_space<vmem>>, vector<1000x128xf32>
    %convert_element_type3A_7 = arith.truncf %get3A_6 : vector<1000x128xf32> to vector<1000x128xbf16>
    %swap3A_8 = arith.constant 0 : index
    %swap3A_9 = arith.constant 0 : index
    %swap3A_10 = vector.load %arg4[%swap3A_8, %swap3A_9] : memref<1000x128xbf16, #tpu.memory_space<vmem>>, vector<1000x128xbf16>
    tpu.vector_store %arg4[%swap3A_8, %swap3A_9], %convert_element_type3A_7 {strides = array<i32>} : memref<1000x128xbf16, #tpu.memory_space<vmem>>, vector<1000x128xbf16>,
    return
  }
  func.func @transform_0(%arg0: i32) -> (i32, i32) {
    %c0_i32 = arith.constant 0 : i32
    %c0_i32_0 = arith.constant 0 : i32
    return %arg0, %c0_i32 : i32, i32
  }
  func.func @transform_1(%arg0: i32) -> (i32, i32) {
    %c0_i32 = arith.constant 0 : i32
    %c0_i32_0 = arith.constant 0 : i32
    return %arg0, %c0_i32 : i32, i32
  }
  func.func @transform_2(%arg0: i32) -> (i32, i32) {
    %c0_i32 = arith.constant 0 : i32
    %c0_i32_0 = arith.constant 0 : i32
    return %arg0, %c0_i32 : i32, i32
  }
  func.func @transform_3(%arg0: i32) -> (i32, i32) {
    %c0_i32 = arith.constant 0 : i32
    %c0_i32_0 = arith.constant 0 : i32
    return %arg0, %c0_i32 : i32, i32
  }
}

</mosaic_0001>

<sc_bundles>
// kernel: kernel.4.cloned.1.call-start
scs
__scs_entry_jumppad:
0x0: {  	(pc) =	sbr.rel $0x88, $3  }
0x1: {  	(tag) =	ssettag $0x0;
	lr =	simm.s32 $0x1  }
0x2: {  	[smem:$0x3F9E] =	sst lr;
	_ =	strace $0xD0000000  }
0x3: {  	_ = 	snop  }
0x4: {  	_ = 	snop  }
0x5: {  	_ = 	snop  }
0x6: {  	_ = 	snop  }
0x7: {  	_ = 	snop  }
__scs_overlays_trampoline_lowered:
0x8: {  	[smem:$0x3FAD] =	sst s0  }
0x9: {  	[smem:$0x3FAE] =	sst s1  }
0xa: {  	[smem:$0x3FAF] =	sst s2  }
0xb: {  	[smem:$0x3FB0] =	sst s3  }
0xc: {  	[smem:$0x3FB1] =	sst s4  }
0xd: {  	[smem:$0x3FB2] =	sst s5  }
0xe: {  	[smem:$0x3FB3] =	sst s6  }
0xf: {  	[smem:$0x3FB4] =	sst s7  }
0x10: {  	[smem:$0x3FB5] =	sst s8  }
0x11: {  	[smem:$0x3FB6] =	sst s9;
	s0 =	simm.s32 @!p0 $0x0  }
0x12: {  	s1 =	sld [smem:$0x3F9C];
	s0 =	simm.s32 @p0 $0x1  }
0x13: {  	[smem:$0x3FB7] =	sst s0;
	s0 =	simm.s32 @!p1 $0x0  }
0x14: {  	s2 =	sld [smem:$0x3F9B];
	s0 =	simm.s32 @p1 $0x1  }
0x15: {  	[smem:$0x3FB8] =	sst s0;
	s0 =	simm.s32 @!p2 $0x0  }
0x16: {  	s3 =	sld [smem:$0x3FDB];
	s0 =	simm.s32 @p2 $0x1  }
0x17: {  	s4 =	simm.s32 $0x1BF5;
	[smem:$0x3FBA] =	sst s0  }
0x18: {  	s0 =	sld [smem:$0x3F9D];
	_ =	swait.ge [sflag:s4], $0x0  }
0x19: {  	s7 =	sld [smem:$0x3F9E]  }
0x1a: {  	s8 =	sadd.s32 $0xFFFFE003, lr  }
0x1b: {  	s9 =	sadd.s32 $0xFFFFFEF7, lr;
	s5 =	simm.s32 $0xFFFFFFFF;
	p2 =	slt.u32 s8, $0xFFFFF086  }
0x1c: {  	p1 =	slt.u32 s9, $0xF7A;
	s5 =	simm.s32 @!p2 $0x0  }
0x1d: {  	s5 =	simm.s32 @p1 $0x1;
	p0 =	seq.s32 s7, s2  }
0x1e: {  	s7 =	smul.u32 @!p0 $0xF7A, s2;
	p2 =	seq.s32 @!p0 s5, $0x0  }
0x1f: {  	s9 =	smul.u32 $0xF7A, s1;
	s8 =	simm.s32 @!p0 $0x1BF5;
	p2 =	por !p2, p0  }
0x20: {  	[sflag:s8] =	ssyncset.s32 @!p0 $0xFFFFF086;
	s6 =	sadd.s32 @!p0 s3, s7;
	s7 =	simm.s32 @!p0 $0x108  }
0x21: {  	s3 =	sadd.s32 s3, s9;
	s6 =	sadd.s32 @!p0 $0x88, s6;
	s7 =	simm.s32 @p2 $0x1082  }
0x22: {  	[simem:s7], [sflag:s8] =	dma.local @!p0 [hbm:s6], $0xF7A  }
0x23: {  	s9 =	sor.u32 $0xD0000000, s2;
	s6 =	simm.s32 $0x108;
	_ =	swait.ge @!p0 [sflag:s8], $0x0  }
0x24: {  	s3 =	sadd.s32 $0x88, s3;
	s6 =	simm.s32 @!p1 $0x1082;
	[sflag:s4] =	ssyncset.s32 $0xFFFFF086  }
0x25: {  	[simem:s6], [sflag:s4] =	dma.local [hbm:s3], $0xF7A  }
0x26: {  	[smem:$0x3F9E] =	sst s1;
	(tag) =	ssettag s2;
	_ =	strace s9  }
0x27: {  	s1 =	sld [smem:$0x3FAE]  }
0x28: {  	s2 =	sld [smem:$0x3FAF]  }
0x29: {  	s4 =	sld [smem:$0x3FB1]  }
0x2a: {  	p0 =	seq.s32 s5, $0x0;
	s5 =	sld [smem:$0x3FB2]  }
0x2b: {  	s6 =	sld [smem:$0x3FB3]  }
0x2c: {  	s7 =	sld [smem:$0x3FB4]  }
0x2d: {  	s3 =	simm.s32 $0x108;
	s8 =	sld [smem:$0x3FB5]  }
0x2e: {  	s3 =	simm.s32 @!p0 $0x1082;
	s9 =	sld [smem:$0x3FB6]  }
0x2f: {  	lr =	sadd.s32 s0, s3;
	s0 =	sld [smem:$0x3FAD]  }
0x30: {  	s3 =	sld [smem:$0x3FB0]  }
0x31: {  	[smem:$0x3FB9] =	sst s10  }
0x32: {  	s10 =	sld [smem:$0x3FB7];
	_ =	sdelay $0x3  }
0x33: {  	p0 =	seq.s32 s10, $0x1;
	s10 =	sld [smem:$0x3FB9];
	_ =	sdelay $0x3  }
0x34: {  	[smem:$0x3FB9] =	sst s10  }
0x35: {  	s10 =	sld [smem:$0x3FB8];
	_ =	sdelay $0x3  }
0x36: {  	p1 =	seq.s32 s10, $0x1;
	s10 =	sld [smem:$0x3FB9];
	_ =	sdelay $0x3  }
0x37: {  	[smem:$0x3FB9] =	sst s10  }
0x38: {  	s10 =	sld [smem:$0x3FBA]  }
0x39: {  	_ = 	snop;
	(pc) =	sbr.ind lr, $3  }
0x3a: {  	_ = 	snop  }
0x3b: {  	_ = 	snop  }
0x3c: {  	p2 =	seq.s32 s10, $0x1;
	s10 =	sld [smem:$0x3FB9]  }
0x3d: {  	_ =	shalt  }
0x3e: {  	_ =	shalt  }
0x3f: {  	_ =	shalt  }
0x40: {  	_ =	shalt  }
0x41: {  	_ =	shalt  }
0x42: {  	_ =	shalt  }
0x43: {  	_ =	shalt  }
0x44: {  	_ =	shalt  }
0x45: {  	_ =	shalt  }
0x46: {  	_ =	shalt  }
0x47: {  	_ =	shalt  }
0x48: {  	_ =	shalt  }
0x49: {  	_ =	shalt  }
0x4a: {  	_ =	shalt  }
0x4b: {  	_ =	shalt  }
0x4c: {  	_ =	shalt  }
0x4d: {  	_ =	shalt  }
0x4e: {  	_ =	shalt  }
0x4f: {  	_ =	shalt  }
0x50: {  	_ =	shalt  }
0x51: {  	_ =	shalt  }
0x52: {  	_ =	shalt  }
0x53: {  	_ =	shalt  }
0x54: {  	_ =	shalt  }
0x55: {  	_ =	shalt  }
0x56: {  	_ =	shalt  }
0x57: {  	_ =	shalt  }
0x58: {  	_ =	shalt  }
0x59: {  	_ =	shalt  }
0x5a: {  	_ =	shalt  }
0x5b: {  	_ =	shalt  }
0x5c: {  	_ =	shalt  }
0x5d: {  	_ =	shalt  }
0x5e: {  	_ =	shalt  }
0x5f: {  	_ =	shalt  }
0x60: {  	_ =	shalt  }
0x61: {  	_ =	shalt  }
0x62: {  	_ =	shalt  }
0x63: {  	_ =	shalt  }
0x64: {  	_ =	shalt  }
0x65: {  	_ =	shalt  }
0x66: {  	_ =	shalt  }
0x67: {  	_ =	shalt  }
0x68: {  	_ =	shalt  }
0x69: {  	_ =	shalt  }
0x6a: {  	_ =	shalt  }
0x6b: {  	_ =	shalt  }
0x6c: {  	_ =	shalt  }
0x6d: {  	_ =	shalt  }
0x6e: {  	_ =	shalt  }
0x6f: {  	_ =	shalt  }
0x70: {  	_ =	shalt  }
0x71: {  	_ =	shalt  }
0x72: {  	_ =	shalt  }
0x73: {  	_ =	shalt  }
0x74: {  	_ =	shalt  }
0x75: {  	_ =	shalt  }
0x76: {  	_ =	shalt  }
0x77: {  	_ =	shalt  }
0x78: {  	_ =	shalt  }
0x79: {  	_ =	shalt  }
0x7a: {  	_ =	shalt  }
0x7b: {  	_ =	shalt  }
0x7c: {  	_ =	shalt  }
0x7d: {  	_ =	shalt  }
0x7e: {  	_ =	shalt  }
0x7f: {  	_ =	shalt  }
0x80: {  	_ =	shalt  }
0x81: {  	_ =	shalt  }
0x82: {  	_ =	shalt  }
0x83: {  	_ =	shalt  }
0x84: {  	_ =	shalt  }
0x85: {  	_ =	shalt  }
0x86: {  	_ =	shalt  }
0x87: {  	_ =	shalt  }
.Lfunc_end0:
.L_simem_size_0:
called_computation_lowered:
.L_overlay_start_0:
0x88: {  	s2 =	sld [smem:$0x3FD9]  }
0x89: {  	s3 =	sld [smem:$0x3FFE];
	_ =	sdelay $0x1  }
0x8a: {  	s1 =	srdreg.scid  }
0x8b: {  	s0 =	sand.u32 $0x1, s1  }
0x8c: {  	s17 =	sshll.u32 s0, $0xA;
	s2 =	sadd.s32 s3, s2  }
0x8d: {  	s2 =	sadd.s32 s2, s17  }
0x8e: {  	[smem:$0x3FC5] =	sst s2  }
0x8f: {  	_ = 	snop  }
0x90: {  	s2 =	sld [smem:$0x3FD0];
	(tm) =	ssettm $0x1  }
0x91: {  	s18 =	sld [smem:$0x3FFB];
	_ =	sdelay $0x3  }
0x92: {  	_ =	strace s18  }
0x93: {  	s3 =	sld [smem:$0x3FFC];
	_ =	sdelay $0x3  }
0x94: {  	_ =	strace s3  }
0x95: {  	s3 =	sld [smem:$0x3FFD];
	_ =	sdelay $0x3  }
0x96: {  	_ =	strace s3  }
0x97: {  	_ =	strace $0x8FFFFFFF  }
0x98: {  	s19 =	sld [smem:$0x3FDB];
	_ =	sdelay $0x1  }
0x99: {  	s4 =	simm.s32 $_scs_section_size  }
0x9a: {  	s5 =	simm.s32 $_size__tile_overlayer_lowered;
	s6 =	simm.s32 $_tile_overlayer_lowered  }
0x9b: {  	s22 =	simm.s32 $0x1BFF;
	s21 =	sshll.u32 s6, $0x1;
	s3 =	sadd.s32 s4, s19  }
0x9c: {  	s7 =	simm.s32 $0x0;
	s20 =	sshll.u32 s5, $0x1;
	s5 =	sadd.s32 s21, s3  }
0x9d: {  	[timem:s7], [sflag:s22] =	dma.local [hbm:s5], s20  }
0x9e: {  	_ =	swait.ge [sflag:s22], s20  }
0x9f: {  	s4 =	ssub.s32 $0x0, s20;
	[sflag:s22] =	ssyncset.done $0x0  }
0xa0: {  	[sflag:s22] =	ssyncadd.s32 s4;
	_ =	sdelay $0x1  }
0xa1: {  	s23 =	simm.s32 $0x1B8B  }
0xa2: {  	_ =	swait.ge [sflag:s23], $0x1  }
0xa3: {  	[sflag:s23] =	ssyncset.done $0x0  }
0xa4: {  	s25 =	simm.s32 $0x1B8E;
	s24 =	sld [smem:$0x3FFE];
	[sflag:s23] =	ssyncadd.s32 $0xFFFFFFFF  }
0xa5: {  	s26 =	simm.s32 $execute0_lowered;
	[smem:$0x3FD2] =	sst s25  }
0xa6: {  	s5 =	sshll.u32 s26, $0x1;
	_ =	strace $0x80000046;
	[dreg:$0x1] =	wrdreg $0xFFFFFFFF  }
0xa7: {  	s28 =	simm.s32 $_size_execute0_lowered;
	s3 =	sadd.s32 s3, s5;
	[dreg:$0x0] =	wrdreg $0x0  }
0xa8: {  	s5 =	sshll.u32 s28, $0x1;
	[dreg:$0x2] =	wrdreg s3  }
0xa9: {  	[dreg:$0x3] =	wrdreg s5  }
0xaa: {  	[dreg:$0x4] =	wrdreg $0xC0  }
0xab: {  	_ =	task [dreg:s7], $0x5FFFF  }
0xac: {  	[dreg:$0x1] =	wrdreg $0xFFFFFFFF  }
0xad: {  	[dreg:$0x0] =	wrdreg $0x60  }
0xae: {  	[dreg:$0x2] =	wrdreg s24  }
0xaf: {  	[dreg:$0x3] =	wrdreg s2  }
0xb0: {  	[dreg:$0x4] =	wrdreg $0x9  }
0xb1: {  	_ =	task.clear_ibuf [dreg:s7], $0x5FFFF;
	_ =	strace $0x90000046  }
0xb2: {  	s29 =	simm.s32 $0x9;
	_ =	strace $0x80000048  }
0xb3: {  	_ =	swait.ge [sflag:s29], $0x1  }
0xb4: {  	[sflag:s29] =	ssyncadd.s32 $0xFFFFFFFF  }
0xb5: {  	_ =	strace $0x90000048  }
0xb6: {  	_ =	sfence  }
0xb7: {  	s30 =	sld [smem:$0x0];
	_ =	sdelay $0x2  }
0xb8: {  	s31 =	sshll.u32 s1, $0xD;
	s1 =	sshrl.u32 s1, $0x2  }
0xb9: {  	s3 =	sand.u32 $0x4000, s31;
	s1 =	sadd.s32 s1, s30  }
0xba: {  	s0 =	sor.u32 s3, s0;
	s1 =	sshll.u32 s1, $0x11  }
0xbb: {  	s0 =	sor.u32 s1, s0  }
0xbc: {  	s0 =	sadd.s32 $0x8F2B, s0  }
0xbd: {  	[sflag:s0] =	ssyncadd.remote.s32 $0x1  }
0xbe: {  	_ =	sfence.sel $0xFFFF  }
0xbf: {  	[dreg:$0x0] =	wrdreg $0xFFFFFFFF;
	(pc) =	sbr.abs _section_cstart, $3  }
0xc0: {  	[dreg:$0x1] =	wrdreg $0xFFFFFFFF  }
0xc1: {  	_ =	task.clear_ibuf [dreg:s7], $0x2FFFF;
	_ =	strace $0x9FFFFFFF  }
0xc2: {  	(tm) =	ssettm $0x7FFFFFFF  }
0xc3: {  	_ =	shalt  }
tec
execute0_lowered:
.L_overlay_start_1:
0x0: {  	(tag) =	ssettag $0x1  }
0x1: {  	s0 =	rddreg [dreg:$0x0];
	s1 =	srdreg.scid  }
0x2: {  	s2 =	stileid.u32;
	s7 =	rddreg [dreg:$0x1];
	s9 =	simm.s32 $0x7  }
0x3: {  	s10 =	simm.s32 $0x2710;
	s11 =	simm.s32 $0x80;
	s12 =	simm.s32 $0x4E20  }
0x4: {  	s13 =	simm.s32 $0x6E20;
	s14 =	simm.s32 $0x8E20;
	s16 =	simm.s32 $0xAE20  }
0x5: {  	s17 =	simm.s32 $0x1;
	s18 =	simm.s32 $0x2;
	s19 =	simm.s32 $0xFD30  }
0x6: {  	v0 =	vlaneseq.u32;
	s20 =	simm.s32 $0x3;
	s21 =	simm.s32 $0x4;
	s22 =	simm.s32 $0x10  }
0x7: {  	s28 =	simm.s32 $0x5;
	s1 =	sand.u32 $0x1, s1;
	s3 =	sshll.u32 s2, $0x1;
	v0 =	vmul.u32 $0x10, v0  }
0x8: {  	s29 =	simm.s32 $0x6;
	s2 =	simm.s32 $0x0;
	s3 =	sor.u32 s1, s3  }
0x9: {  	[smem:$0x7FF] =	sst s2;
	s1 =	ssub.s32 $0x2, s1;
	s4 =	smul.u32 $0x2710, s3;
	v1 =	vor.u32 $0x1, v0;
	v2 =	vor.u32 $0x2, v0;
	v3 =	vor.u32 $0x3, v0  }
0xa: {  	s31 =	simm.s32 $0x0;
	_ =	strace $0x80000047;
	s5 =	sshrl.u32 s1, $0x1;
	v4 =	vor.u32 $0x4, v0;
	v5 =	vor.u32 $0x5, v0;
	v6 =	vor.u32 $0x6, v0  }
0xb: {  	s3 =	sadd.s32 $0x14600, s0;
	v7 =	vor.u32 $0x7, v0;
	v8 =	vor.u32 $0x8, v0;
	v9 =	vor.u32 $0x9, v0;
	s1 =	ssub.s32 s1, s5;
	s8 =	sshrl.u32 s4, $0x3  }
0xc: {  	v10 =	vor.u32 $0xA, v0;
	v11 =	vor.u32 $0xB, v0;
	v12 =	vor.u32 $0xC, v0;
	s4 =	sadd.s32 $0xC00, s0;
	s0 =	sadd.s32 s8, s0;
	s7 =	sadd.s32 s7, s8  }
0xd: {  	v13 =	vor.u32 $0xD, v0;
	v14 =	vor.u32 $0xE, v0;
	v15 =	vor.u32 $0xF, v0;
	s8 =	smax.u32 s1, $0x1;
	s5 =	sadd.s32 $0x28000, s0;
	s6 =	sadd.s32 $0x31C40, s0  }
.LBB2_1:
0xe: {  	[tilespmem:s2], [sflag:$0x7] =	stream.linear.gather [hbm4b:s5+s2], $0x2710, $0x38;
	[tilespmem:$0x10530] =	vst v63  }
0xf: {  	_ =	swait.ge [sflag:s9], $0x2710  }
0x10: {  	[sflag:s9] =	ssyncset.done $0x0  }
0x11: {  	[sflag:s9] =	ssyncadd.s32 $0xFFFFD8F0  }
0x12: {  	[tilespmem:s10], [sflag:$0x7] =	stream.linear.gather [hbm4b:s6+s2], $0x2710, $0x38;
	[tilespmem:$0x10530] =	vst v63  }
0x13: {  	_ =	swait.ge [sflag:s9], $0x2710  }
0x14: {  	[sflag:s9] =	ssyncset.done $0x0  }
0x15: {  	[sflag:s9] =	ssyncadd.s32 $0xFFFFD8F0  }
0x16: {  	[tilespmem:s12], [sflag:$0x1] =	stream.indirect.gather [hbm4b:s3+s11], $0x40, s2, s11, $0xb8;
	[tilespmem:$0x10530] =	vst v63  }
0x17: {  	_ = 	snop  }
0x18: {  	[tilespmem:s13], [sflag:$0x2] =	stream.indirect.gather [hbm4b:s4+s11], $0x40, s10, s11, $0xb8;
	[tilespmem:$0x10530] =	vst v63  }
0x19: {  	_ = 	snop  }
0x1a: {  	[tilespmem:s14], [sflag:$0x3] =	stream.indirect.gather [hbm4b:s3+s11], $0x40, s11, s11, $0xb8;
	[tilespmem:$0x10530] =	vst v63  }
0x1b: {  	s0 =	simm.s32 $0x2790  }
0x1c: {  	[tilespmem:s16], [sflag:$0x4] =	stream.indirect.gather [hbm4b:s4+s11], $0x40, s0, s11, $0xb8;
	[tilespmem:$0x10530] =	vst v63  }
0x1d: {  	s1 =	simm.s32 $0xD6A0;
	s15 =	simm.s32 $0x0;
	s0 =	simm.s32 $0xD620  }
.LBB2_2:
0x1e: {  	_ =	swait.ge [sflag:s17], $0x2000  }
0x1f: {  	[sflag:s17] =	ssyncset.done $0x0  }
0x20: {  	[sflag:s17] =	ssyncadd.s32 $0xFFFFE000  }
0x21: {  	_ =	swait.ge [sflag:s18], $0x2000  }
0x22: {  	s23 =	simm.s32 $0x0;
	[sflag:s18] =	ssyncset.done $0x0  }
0x23: {  	s24 =	simm.s32 $0xFDB0;
	s25 =	simm.s32 $0x0;
	[sflag:s18] =	ssyncadd.s32 $0xFFFFE000  }
.LBB2_3:
0x24: {  	s26 =	sshra.s32 s25, $0x2  }
0x25: {  	v16 =	vld [tilespmem:s26+$0x4E20]  }
0x26: {  	v17 =	vld [tilespmem:s26+$0x6E20]  }
0x27: {  	v18 =	vld [tilespmem:s26+$0x4E30]  }
0x28: {  	v19 =	vld [tilespmem:s26+$0x6E30]  }
0x29: {  	v20 =	vld [tilespmem:s26+$0x4E40]  }
0x2a: {  	v21 =	vld [tilespmem:s26+$0x6E40]  }
0x2b: {  	v22 =	vld [tilespmem:s26+$0x4E50]  }
0x2c: {  	v23 =	vld [tilespmem:s26+$0x6E50]  }
0x2d: {  	v24 =	vld [tilespmem:s26+$0x4E60]  }
0x2e: {  	v25 =	vld [tilespmem:s26+$0x6E60]  }
0x2f: {  	v26 =	vld [tilespmem:s26+$0x4E70]  }
0x30: {  	v27 =	vld [tilespmem:s26+$0x6E70]  }
0x31: {  	v28 =	vld [tilespmem:s26+$0x4E80]  }
0x32: {  	v29 =	vld [tilespmem:s26+$0x6E80];
	v16 =	vmul.bf16 v17, v16;
	v17 =	vmul.bf16 v19, v18  }
0x33: {  	v30 =	vld [tilespmem:s26+$0x4E90];
	v42 =	vmul.bf16 v21, v20;
	v43 =	vmul.bf16 v23, v22  }
0x34: {  	v41 =	vld [tilespmem:s26+$0x6E90]  }
0x35: {  	v44 =	vld [tilespmem:s26+$0x4EA0];
	v16 =	vadd.bf16 v17, v16;
	v17 =	vadd.bf16 v43, v42  }
0x36: {  	v45 =	vld [tilespmem:s26+$0x6EA0]  }
0x37: {  	v46 =	vld [tilespmem:s26+$0x4EB0];
	v16 =	vadd.bf16 v17, v16  }
0x38: {  	v47 =	vld [tilespmem:s26+$0x6EB0]  }
0x39: {  	v48 =	vld [tilespmem:s26+$0x6EC0];
	v31 =	vunpack.i.u.bf16.f32 v16;
	v16 =	vunpack.i.l.bf16.f32 v16  }
0x3a: {  	v32 =	vld [tilespmem:s26+$0x4ED0];
	v16 =	vadd.f32 v16, v31  }
0x3b: {  	v49 =	vld [tilespmem:s26+$0x6ED0];
	v24 =	vmul.bf16 v25, v24;
	v50 =	vmul.bf16 v27, v26  }
0x3c: {  	v18 =	vmul.bf16 v41, v30;
	v17 =	vld [tilespmem:s26+$0x4EC0];
	[tilespmem:s24+$0xFFFFFF80] =	vst v16;
	v16 =	vmul.bf16 v29, v28;
	_ =	sdelay $0x1  }
0x3d: {  	v24 =	vadd.bf16 v50, v24;
	v51 =	vld [tilespmem:s26+$0x4EE0];
	v16 =	vadd.bf16 v18, v16  }
0x3e: {  	v52 =	vld [tilespmem:s26+$0x6EE0]  }
0x3f: {  	v53 =	vld [tilespmem:s26+$0x4EF0];
	v16 =	vadd.bf16 v16, v24  }
0x40: {  	v54 =	vld [tilespmem:s26+$0x6EF0]  }
0x41: {  	v55 =	vld [tilespmem:s26+$0x4F00];
	v57 =	vunpack.i.u.bf16.f32 v16;
	v16 =	vunpack.i.l.bf16.f32 v16  }
0x42: {  	v56 =	vld [tilespmem:s26+$0x6F00];
	v16 =	vadd.f32 v16, v57  }
0x43: {  	v21 =	vmul.bf16 v45, v44;
	v19 =	vmul.bf16 v47, v46;
	v58 =	vld [tilespmem:s26+$0x4F10]  }
0x44: {  	v59 =	vld [tilespmem:s26+$0x6F10];
	[tilespmem:s24+$0xFFFFFF90] =	vst v16;
	v16 =	vmul.bf16 v48, v17;
	v17 =	vmul.bf16 v49, v32;
	_ =	sdelay $0x1  }
0x45: {  	v19 =	vadd.bf16 v19, v21;
	v60 =	vld [tilespmem:s26+$0x4F20];
	v16 =	vadd.bf16 v17, v16  }
0x46: {  	v61 =	vld [tilespmem:s26+$0x6F20]  }
0x47: {  	v62 =	vld [tilespmem:s26+$0x6F30];
	v16 =	vadd.bf16 v16, v19  }
0x48: {  	v63 =	vld [tilespmem:s26+$0x4F40]  }
0x49: {  	v36 =	vld [tilespmem:s26+$0x6F40];
	v37 =	vunpack.i.u.bf16.f32 v16;
	v16 =	vunpack.i.l.bf16.f32 v16  }
0x4a: {  	v38 =	vld [tilespmem:s26+$0x4F50];
	v16 =	vadd.f32 v16, v37  }
0x4b: {  	v26 =	vmul.bf16 v52, v51;
	v18 =	vmul.bf16 v54, v53;
	v39 =	vld [tilespmem:s26+$0x6F50]  }
0x4c: {  	v40 =	vmul.bf16 v59, v58;
	v17 =	vld [tilespmem:s26+$0x4F30];
	[tilespmem:s24+$0xFFFFFFA0] =	vst v16;
	v16 =	vmul.bf16 v56, v55;
	_ =	sdelay $0x1  }
0x4d: {  	v18 =	vadd.bf16 v18, v26;
	v41 =	vld [tilespmem:s26+$0x4F60];
	v16 =	vadd.bf16 v40, v16  }
0x4e: {  	v42 =	vld [tilespmem:s26+$0x6F60]  }
0x4f: {  	v43 =	vld [tilespmem:s26+$0x4F70];
	v16 =	vadd.bf16 v16, v18  }
0x50: {  	v44 =	vld [tilespmem:s26+$0x6F70]  }
0x51: {  	v45 =	vld [tilespmem:s26+$0x4F80];
	v47 =	vunpack.i.u.bf16.f32 v16;
	v16 =	vunpack.i.l.bf16.f32 v16  }
0x52: {  	v46 =	vld [tilespmem:s26+$0x6F80];
	v16 =	vadd.f32 v16, v47  }
0x53: {  	v20 =	vmul.bf16 v61, v60;
	v50 =	vmul.bf16 v39, v38;
	v48 =	vld [tilespmem:s26+$0x4F90]  }
0x54: {  	v17 =	vmul.bf16 v62, v17;
	v49 =	vld [tilespmem:s26+$0x6F90];
	[tilespmem:s24+$0xFFFFFFB0] =	vst v16;
	v16 =	vmul.bf16 v36, v63;
	_ =	sdelay $0x1  }
0x55: {  	v17 =	vadd.bf16 v17, v20;
	v51 =	vld [tilespmem:s26+$0x4FA0];
	v16 =	vadd.bf16 v50, v16  }
0x56: {  	v52 =	vld [tilespmem:s26+$0x6FA0]  }
0x57: {  	v53 =	vld [tilespmem:s26+$0x4FB0];
	v16 =	vadd.bf16 v16, v17  }
0x58: {  	v54 =	vld [tilespmem:s26+$0x6FB0]  }
0x59: {  	v55 =	vld [tilespmem:s26+$0x6FC0];
	v56 =	vunpack.i.u.bf16.f32 v16;
	v16 =	vunpack.i.l.bf16.f32 v16  }
0x5a: {  	v57 =	vld [tilespmem:s26+$0x4FD0];
	v16 =	vadd.f32 v16, v56  }
0x5b: {  	v25 =	vmul.bf16 v42, v41;
	v24 =	vmul.bf16 v44, v43;
	v58 =	vld [tilespmem:s26+$0x6FD0]  }
0x5c: {  	v59 =	vmul.bf16 v49, v48;
	v17 =	vld [tilespmem:s26+$0x4FC0];
	[tilespmem:s24+$0xFFFFFFC0] =	vst v16;
	v16 =	vmul.bf16 v46, v45;
	_ =	sdelay $0x1  }
0x5d: {  	v24 =	vadd.bf16 v24, v25;
	v60 =	vld [tilespmem:s26+$0x4FE0];
	v16 =	vadd.bf16 v59, v16  }
0x5e: {  	v61 =	vld [tilespmem:s26+$0x6FE0]  }
0x5f: {  	v62 =	vld [tilespmem:s26+$0x4FF0];
	v16 =	vadd.bf16 v16, v24  }
0x60: {  	v63 =	vld [tilespmem:s26+$0x6FF0]  }
0x61: {  	v36 =	vld [tilespmem:s26+$0x5000];
	v38 =	vunpack.i.u.bf16.f32 v16;
	v16 =	vunpack.i.l.bf16.f32 v16  }
0x62: {  	v37 =	vld [tilespmem:s26+$0x7000];
	v16 =	vadd.f32 v16, v38  }
0x63: {  	v21 =	vmul.bf16 v52, v51;
	v19 =	vmul.bf16 v54, v53;
	v39 =	vld [tilespmem:s26+$0x5010]  }
0x64: {  	v40 =	vld [tilespmem:s26+$0x7010];
	[tilespmem:s24+$0xFFFFFFD0] =	vst v16;
	v16 =	vmul.bf16 v55, v17;
	v17 =	vmul.bf16 v58, v57;
	_ =	sdelay $0x1  }
0x65: {  	v19 =	vadd.bf16 v19, v21;
	v41 =	vld [tilespmem:s26+$0x5020];
	v16 =	vadd.bf16 v17, v16  }
0x66: {  	v42 =	vld [tilespmem:s26+$0x7020]  }
0x67: {  	v43 =	vld [tilespmem:s26+$0x7030];
	v16 =	vadd.bf16 v16, v19  }
0x68: {  	v44 =	vld [tilespmem:s26+$0x5040]  }
0x69: {  	v45 =	vld [tilespmem:s26+$0x7040];
	v46 =	vunpack.i.u.bf16.f32 v16;
	v16 =	vunpack.i.l.bf16.f32 v16  }
0x6a: {  	v47 =	vld [tilespmem:s26+$0x5050];
	v16 =	vadd.f32 v16, v46  }
0x6b: {  	v26 =	vmul.bf16 v61, v60;
	v18 =	vmul.bf16 v63, v62;
	v48 =	vld [tilespmem:s26+$0x7050]  }
0x6c: {  	v49 =	vmul.bf16 v40, v39;
	v17 =	vld [tilespmem:s26+$0x5030];
	[tilespmem:s24+$0xFFFFFFE0] =	vst v16;
	v16 =	vmul.bf16 v37, v36;
	_ =	sdelay $0x1  }
0x6d: {  	v18 =	vadd.bf16 v18, v26;
	v50 =	vld [tilespmem:s26+$0x5060];
	v16 =	vadd.bf16 v49, v16  }
0x6e: {  	v51 =	vld [tilespmem:s26+$0x7060]  }
0x6f: {  	v52 =	vld [tilespmem:s26+$0x5070];
	v16 =	vadd.bf16 v16, v18  }
0x70: {  	v53 =	vld [tilespmem:s26+$0x7070]  }
0x71: {  	v54 =	vld [tilespmem:s26+$0x5080];
	v56 =	vunpack.i.u.bf16.f32 v16;
	v16 =	vunpack.i.l.bf16.f32 v16  }
0x72: {  	v55 =	vld [tilespmem:s26+$0x7080];
	v16 =	vadd.f32 v16, v56  }
0x73: {  	v20 =	vmul.bf16 v42, v41;
	v59 =	vmul.bf16 v48, v47;
	v57 =	vld [tilespmem:s26+$0x5090]  }
0x74: {  	v17 =	vmul.bf16 v43, v17;
	v58 =	vld [tilespmem:s26+$0x7090];
	[tilespmem:s24+$0xFFFFFFF0] =	vst v16;
	v16 =	vmul.bf16 v45, v44;
	_ =	sdelay $0x1  }
0x75: {  	v17 =	vadd.bf16 v17, v20;
	v60 =	vld [tilespmem:s26+$0x50A0];
	v16 =	vadd.bf16 v59, v16  }
0x76: {  	v61 =	vld [tilespmem:s26+$0x70A0]  }
0x77: {  	v62 =	vld [tilespmem:s26+$0x50B0];
	v16 =	vadd.bf16 v16, v17  }
0x78: {  	v63 =	vld [tilespmem:s26+$0x70B0]  }
0x79: {  	v36 =	vld [tilespmem:s26+$0x70C0];
	v37 =	vunpack.i.u.bf16.f32 v16;
	v16 =	vunpack.i.l.bf16.f32 v16  }
0x7a: {  	v38 =	vld [tilespmem:s26+$0x50D0];
	v16 =	vadd.f32 v16, v37  }
0x7b: {  	v25 =	vmul.bf16 v51, v50;
	v24 =	vmul.bf16 v53, v52;
	v39 =	vld [tilespmem:s26+$0x70D0]  }
0x7c: {  	v40 =	vmul.bf16 v58, v57;
	v17 =	vld [tilespmem:s26+$0x50C0];
	[tilespmem:s24+$0x0] =	vst v16;
	v16 =	vmul.bf16 v55, v54;
	_ =	sdelay $0x1  }
0x7d: {  	v24 =	vadd.bf16 v24, v25;
	v41 =	vld [tilespmem:s26+$0x50E0];
	v16 =	vadd.bf16 v40, v16  }
0x7e: {  	v42 =	vld [tilespmem:s26+$0x70E0]  }
0x7f: {  	v43 =	vld [tilespmem:s26+$0x50F0];
	v16 =	vadd.bf16 v16, v24  }
0x80: {  	v44 =	vld [tilespmem:s26+$0x70F0]  }
0x81: {  	v45 =	vld [tilespmem:s26+$0x5100];
	v47 =	vunpack.i.u.bf16.f32 v16;
	v16 =	vunpack.i.l.bf16.f32 v16  }
0x82: {  	v46 =	vld [tilespmem:s26+$0x7100];
	v16 =	vadd.f32 v16, v47  }
0x83: {  	v21 =	vmul.bf16 v61, v60;
	v19 =	vmul.bf16 v63, v62;
	v48 =	vld [tilespmem:s26+$0x5110]  }
0x84: {  	v49 =	vld [tilespmem:s26+$0x7110];
	[tilespmem:s24+$0x10] =	vst v16;
	v16 =	vmul.bf16 v36, v17;
	v17 =	vmul.bf16 v39, v38;
	_ =	sdelay $0x1  }
0x85: {  	v19 =	vadd.bf16 v19, v21;
	v50 =	vld [tilespmem:s26+$0x5120];
	v16 =	vadd.bf16 v17, v16  }
0x86: {  	v51 =	vld [tilespmem:s26+$0x7120]  }
0x87: {  	v52 =	vld [tilespmem:s26+$0x7130];
	v16 =	vadd.bf16 v16, v19  }
0x88: {  	v53 =	vld [tilespmem:s26+$0x5140]  }
0x89: {  	v54 =	vld [tilespmem:s26+$0x7140];
	v55 =	vunpack.i.u.bf16.f32 v16;
	v16 =	vunpack.i.l.bf16.f32 v16  }
0x8a: {  	v56 =	vld [tilespmem:s26+$0x5150];
	v16 =	vadd.f32 v16, v55  }
0x8b: {  	v26 =	vmul.bf16 v42, v41;
	v18 =	vmul.bf16 v44, v43;
	v57 =	vld [tilespmem:s26+$0x7150]  }
0x8c: {  	v58 =	vmul.bf16 v49, v48;
	v17 =	vld [tilespmem:s26+$0x5130];
	[tilespmem:s24+$0x20] =	vst v16;
	v16 =	vmul.bf16 v46, v45;
	_ =	sdelay $0x1  }
0x8d: {  	v18 =	vadd.bf16 v18, v26;
	v59 =	vld [tilespmem:s26+$0x5160];
	v16 =	vadd.bf16 v58, v16  }
0x8e: {  	v60 =	vld [tilespmem:s26+$0x7160]  }
0x8f: {  	v61 =	vld [tilespmem:s26+$0x5170];
	v16 =	vadd.bf16 v16, v18  }
0x90: {  	v62 =	vld [tilespmem:s26+$0x7170]  }
0x91: {  	v63 =	vld [tilespmem:s26+$0x5180];
	v43 =	vunpack.i.u.bf16.f32 v16;
	v16 =	vunpack.i.l.bf16.f32 v16  }
0x92: {  	v42 =	vld [tilespmem:s26+$0x7180];
	v16 =	vadd.f32 v16, v43  }
0x93: {  	v20 =	vmul.bf16 v51, v50;
	v17 =	vmul.bf16 v52, v17;
	v44 =	vld [tilespmem:s26+$0x5190]  }
0x94: {  	v46 =	vmul.bf16 v57, v56;
	v45 =	vld [tilespmem:s26+$0x7190];
	[tilespmem:s24+$0x30] =	vst v16;
	v16 =	vmul.bf16 v54, v53;
	_ =	sdelay $0x1  }
0x95: {  	v17 =	vadd.bf16 v17, v20;
	v47 =	vld [tilespmem:s26+$0x51A0];
	v16 =	vadd.bf16 v46, v16  }
0x96: {  	v48 =	vld [tilespmem:s26+$0x71A0]  }
0x97: {  	v49 =	vld [tilespmem:s26+$0x51B0];
	v16 =	vadd.bf16 v16, v17  }
0x98: {  	v50 =	vld [tilespmem:s26+$0x71B0]  }
0x99: {  	v51 =	vld [tilespmem:s26+$0x71C0];
	v52 =	vunpack.i.u.bf16.f32 v16;
	v16 =	vunpack.i.l.bf16.f32 v16  }
0x9a: {  	v53 =	vld [tilespmem:s26+$0x51D0];
	v16 =	vadd.f32 v16, v52  }
0x9b: {  	v54 =	vld [tilespmem:s26+$0x71D0]  }
0x9c: {  	v17 =	vld [tilespmem:s26+$0x51C0];
	[tilespmem:s24+$0x40] =	vst v16  }
0x9d: {  	v16 =	vld [tilespmem:s26+$0x51E0]  }
0x9e: {  	v33 =	vld [tilespmem:s26+$0x71E0]  }
0x9f: {  	v34 =	vld [tilespmem:s26+$0x51F0]  }
0xa0: {  	v35 =	vld [tilespmem:s26+$0x71F0]  }
0xa1: {  	v36 =	vld [tilespmem:s26+$0x5200]  }
0xa2: {  	v37 =	vld [tilespmem:s26+$0x7200]  }
0xa3: {  	v38 =	vld [tilespmem:s26+$0x5210]  }
0xa4: {  	v25 =	vmul.bf16 v60, v59;
	v24 =	vmul.bf16 v62, v61;
	v39 =	vld [tilespmem:s26+$0x7210]  }
0xa5: {  	v18 =	vmul.bf16 v42, v63;
	v55 =	vmul.bf16 v45, v44  }
0xa6: {  	v24 =	vadd.bf16 v24, v25;
	v21 =	vmul.bf16 v48, v47;
	v19 =	vmul.bf16 v50, v49  }
0xa7: {  	v18 =	vadd.bf16 v55, v18;
	v56 =	vmul.bf16 v54, v53;
	v17 =	vmul.bf16 v51, v17  }
0xa8: {  	v16 =	vmul.bf16 v33, v16;
	v57 =	vmul.bf16 v35, v34  }
0xa9: {  	v18 =	vadd.bf16 v18, v24;
	v58 =	vmul.bf16 v37, v36;
	v59 =	vmul.bf16 v39, v38  }
0xaa: {  	v19 =	vadd.bf16 v19, v21;
	v17 =	vadd.bf16 v56, v17  }
0xab: {  	v16 =	vadd.bf16 v57, v16;
	v60 =	vadd.bf16 v59, v58  }
0xac: {  	v17 =	vadd.bf16 v17, v19  }
0xad: {  	p0 =	sne.s32 s25, $0x7000;
	v61 =	vunpack.i.u.bf16.f32 v18;
	v18 =	vunpack.i.l.bf16.f32 v18;
	v16 =	vadd.bf16 v60, v16  }
.Ltmp0:
0xae: {  	v18 =	vadd.f32 v18, v61;
	v62 =	vunpack.i.u.bf16.f32 v17;
	v17 =	vunpack.i.l.bf16.f32 v17;
	(pc) =	sbr.rel @p0 .LBB2_3-.Ltmp0, $4  }
0xaf: {  	v17 =	vadd.f32 v17, v62;
	v63 =	vunpack.i.u.bf16.f32 v16;
	v16 =	vunpack.i.l.bf16.f32 v16  }
0xb0: {  	[tilespmem:s24+$0x50] =	vst v18;
	v16 =	vadd.f32 v16, v63  }
0xb1: {  	[tilespmem:s24+$0x60] =	vst v17  }
0xb2: {  	s25 =	sadd.s32 $0x1000, s25;
	[tilespmem:s24+$0x70] =	vst v16;
	s24 =	sadd.s32 $0x100, s24  }
0xb3: {  	v16 =	vor.u32 s23, v1  }
0xb4: {  	v17 =	vor.u32 s23, v0  }
0xb5: {  	v18 =	vor.u32 s23, v2  }
0xb6: {  	v19 =	vor.u32 s23, v3  }
0xb7: {  	v20 =	vor.u32 s23, v4  }
0xb8: {  	v21 =	vor.u32 s23, v5;
	v16 =	vld.idx.msk [tilespmem:v16+s19+$0x0], $0xffff  }
0xb9: {  	v22 =	vor.u32 s23, v6;
	v17 =	vld.idx.msk [tilespmem:v17+s19+$0x0], $0xffff  }
0xba: {  	v23 =	vor.u32 s23, v7;
	v18 =	vld.idx.msk [tilespmem:v18+s19+$0x0], $0xffff  }
0xbb: {  	v24 =	vor.u32 s23, v8;
	v19 =	vld.idx.msk [tilespmem:v19+s19+$0x0], $0xffff  }
0xbc: {  	v25 =	vor.u32 s23, v9;
	v20 =	vld.idx.msk [tilespmem:v20+s19+$0x0], $0xffff  }
0xbd: {  	v26 =	vor.u32 s23, v10;
	v21 =	vld.idx.msk [tilespmem:v21+s19+$0x0], $0xffff  }
0xbe: {  	v27 =	vor.u32 s23, v11;
	v22 =	vld.idx.msk [tilespmem:v22+s19+$0x0], $0xffff  }
0xbf: {  	v28 =	vor.u32 s23, v12;
	v23 =	vld.idx.msk [tilespmem:v23+s19+$0x0], $0xffff  }
0xc0: {  	v29 =	vor.u32 s23, v13;
	v24 =	vld.idx.msk [tilespmem:v24+s19+$0x0], $0xffff  }
0xc1: {  	v30 =	vor.u32 s23, v14;
	v25 =	vld.idx.msk [tilespmem:v25+s19+$0x0], $0xffff  }
0xc2: {  	v31 =	vor.u32 s23, v15;
	v26 =	vld.idx.msk [tilespmem:v26+s19+$0x0], $0xffff  }
0xc3: {  	v27 =	vld.idx.msk [tilespmem:v27+s19+$0x0], $0xffff  }
0xc4: {  	v28 =	vld.idx.msk [tilespmem:v28+s19+$0x0], $0xffff  }
0xc5: {  	v29 =	vld.idx.msk [tilespmem:v29+s19+$0x0], $0xffff  }
0xc6: {  	v30 =	vld.idx.msk [tilespmem:v30+s19+$0x0], $0xffff  }
0xc7: {  	v31 =	vld.idx.msk [tilespmem:v31+s19+$0x0], $0xffff;
	_ =	sdelay $0x1  }
0xc8: {  	v16 =	vadd.f32 v16, v17;
	v17 =	vadd.f32 v19, v18  }
0xc9: {  	v18 =	vadd.f32 v21, v20;
	v19 =	vadd.f32 v23, v22  }
0xca: {  	v20 =	vadd.f32 v25, v24;
	v21 =	vadd.f32 v27, v26  }
0xcb: {  	v22 =	vadd.f32 v29, v28;
	v23 =	vadd.f32 v31, v30  }
0xcc: {  	v16 =	vadd.f32 v17, v16;
	v17 =	vadd.f32 v19, v18  }
0xcd: {  	v18 =	vadd.f32 v21, v20;
	v19 =	vadd.f32 v23, v22;
	_ =	sdelay $0x1  }
0xce: {  	v16 =	vadd.f32 v17, v16;
	v17 =	vadd.f32 v19, v18;
	_ =	sdelay $0x1  }
0xcf: {  	v16 =	vadd.f32 v17, v16;
	_ =	sdelay $0x1  }
0xd0: {  	v16 =	vsub.f32 $0.0e+00, v16;
	_ =	sdelay $0x1  }
0xd1: {  	v16 =	vmul.f32 $1.442695020e+00, v16;
	_ =	sdelay $0x1  }
0xd2: {  	(erf) = vpow2.f32 v16;
	_ =	sdelay $0x8  }
0xd3: {  	v16 =	vpop (erf)  }
0xd4: {  	v16 =	vadd.f32 $1.000000000e+00, v16;
	_ =	sdelay $0x1  }
0xd5: {  	(erf) = vrcp.f32 v16;
	_ =	sdelay $0x4  }
0xd6: {  	s30 =	sadd.s32 $0x100, s23  }
0xd7: {  	v16 =	vor.u32 s30, v1  }
0xd8: {  	v17 =	vor.u32 s30, v0  }
0xd9: {  	v18 =	vor.u32 s30, v2  }
0xda: {  	v19 =	vor.u32 s30, v3;
	v20 =	vpop (erf)  }
0xdb: {  	v21 =	vor.u32 s30, v4;
	[tilespmem:s0+$0x0] =	vst v20  }
0xdc: {  	v22 =	vor.u32 s30, v5;
	v16 =	vld.idx.msk [tilespmem:v16+s19+$0x0], $0xffff  }
0xdd: {  	v23 =	vor.u32 s30, v6;
	v17 =	vld.idx.msk [tilespmem:v17+s19+$0x0], $0xffff  }
0xde: {  	v24 =	vor.u32 s30, v7;
	v18 =	vld.idx.msk [tilespmem:v18+s19+$0x0], $0xffff  }
0xdf: {  	v25 =	vor.u32 s30, v8;
	v19 =	vld.idx.msk [tilespmem:v19+s19+$0x0], $0xffff  }
0xe0: {  	v26 =	vor.u32 s30, v9;
	v20 =	vld.idx.msk [tilespmem:v21+s19+$0x0], $0xffff  }
0xe1: {  	v31 =	vor.u32 s30, v10;
	v21 =	vld.idx.msk [tilespmem:v22+s19+$0x0], $0xffff  }
0xe2: {  	v27 =	vor.u32 s30, v11;
	v22 =	vld.idx.msk [tilespmem:v23+s19+$0x0], $0xffff  }
0xe3: {  	v28 =	vor.u32 s30, v12;
	v23 =	vld.idx.msk [tilespmem:v24+s19+$0x0], $0xffff  }
0xe4: {  	v29 =	vor.u32 s30, v13;
	v24 =	vld.idx.msk [tilespmem:v25+s19+$0x0], $0xffff  }
0xe5: {  	v30 =	vor.u32 s30, v14;
	v25 =	vld.idx.msk [tilespmem:v26+s19+$0x0], $0xffff  }
0xe6: {  	s23 =	smov.u32 s0;
	s24 =	sadd.s32 $0x100, s30;
	v26 =	vld.idx.msk [tilespmem:v31+s19+$0x0], $0xffff;
	v31 =	vor.u32 s30, v15  }
.LBB2_5:
0xe7: {  	p0 =	sne.s32 s24, $0x700;
	v27 =	vld.idx.msk [tilespmem:v27+s19+$0x0], $0xffff  }
0xe8: {  	v28 =	vld.idx.msk [tilespmem:v28+s19+$0x0], $0xffff  }
0xe9: {  	v29 =	vld.idx.msk [tilespmem:v29+s19+$0x0], $0xffff  }
0xea: {  	v30 =	vld.idx.msk [tilespmem:v30+s19+$0x0], $0xffff  }
0xeb: {  	v31 =	vld.idx.msk [tilespmem:v31+s19+$0x0], $0xffff;
	_ =	sdelay $0x2  }
0xec: {  	v16 =	vadd.f32 v16, v17;
	v17 =	vadd.f32 v19, v18  }
0xed: {  	v18 =	vadd.f32 v21, v20;
	v19 =	vadd.f32 v23, v22  }
0xee: {  	v20 =	vadd.f32 v25, v24;
	v21 =	vadd.f32 v27, v26  }
0xef: {  	v22 =	vadd.f32 v29, v28;
	v23 =	vadd.f32 v31, v30  }
0xf0: {  	v16 =	vadd.f32 v17, v16;
	v17 =	vadd.f32 v19, v18  }
0xf1: {  	v18 =	vadd.f32 v21, v20;
	v19 =	vadd.f32 v23, v22;
	_ =	sdelay $0x1  }
0xf2: {  	v16 =	vadd.f32 v17, v16;
	v17 =	vadd.f32 v19, v18;
	_ =	sdelay $0x1  }
0xf3: {  	v16 =	vadd.f32 v17, v16;
	_ =	sdelay $0x1  }
0xf4: {  	v16 =	vsub.f32 $0.0e+00, v16;
	_ =	sdelay $0x1  }
0xf5: {  	v16 =	vmul.f32 $1.442695020e+00, v16;
	_ =	sdelay $0x1  }
0xf6: {  	(erf) = vpow2.f32 v16;
	_ =	sdelay $0x8  }
0xf7: {  	v16 =	vpop (erf)  }
0xf8: {  	v16 =	vadd.f32 $1.000000000e+00, v16;
	_ =	sdelay $0x1  }
0xf9: {  	(erf) = vrcp.f32 v16;
	_ =	sdelay $0x5  }
0xfa: {  	v16 =	vor.u32 s24, v1  }
0xfb: {  	v17 =	vor.u32 s24, v0  }
0xfc: {  	v18 =	vor.u32 s24, v2  }
0xfd: {  	s23 =	sadd.s32 $0x10, s23;
	v19 =	vor.u32 s24, v3;
	v20 =	vpop (erf)  }
0xfe: {  	v21 =	vor.u32 s24, v4;
	[tilespmem:s23+$0x0] =	vst v20  }
0xff: {  	v22 =	vor.u32 s24, v5;
	v16 =	vld.idx.msk [tilespmem:v16+s19+$0x0], $0xffff  }
0x100: {  	v23 =	vor.u32 s24, v6;
	v17 =	vld.idx.msk [tilespmem:v17+s19+$0x0], $0xffff  }
0x101: {  	v24 =	vor.u32 s24, v7;
	v18 =	vld.idx.msk [tilespmem:v18+s19+$0x0], $0xffff  }
0x102: {  	v25 =	vor.u32 s24, v8;
	v19 =	vld.idx.msk [tilespmem:v19+s19+$0x0], $0xffff  }
0x103: {  	v26 =	vor.u32 s24, v9;
	v20 =	vld.idx.msk [tilespmem:v21+s19+$0x0], $0xffff  }
0x104: {  	v31 =	vor.u32 s24, v10;
	v21 =	vld.idx.msk [tilespmem:v22+s19+$0x0], $0xffff  }
.Ltmp1:
0x105: {  	v27 =	vor.u32 s24, v11;
	v22 =	vld.idx.msk [tilespmem:v23+s19+$0x0], $0xffff;
	(pc) =	sbr.rel @p0 .LBB2_5-.Ltmp1, $4  }
0x106: {  	v28 =	vor.u32 s24, v12;
	v23 =	vld.idx.msk [tilespmem:v24+s19+$0x0], $0xffff  }
0x107: {  	v29 =	vor.u32 s24, v13;
	v24 =	vld.idx.msk [tilespmem:v25+s19+$0x0], $0xffff  }
0x108: {  	v30 =	vor.u32 s24, v14;
	v25 =	vld.idx.msk [tilespmem:v26+s19+$0x0], $0xffff  }
0x109: {  	v26 =	vld.idx.msk [tilespmem:v31+s19+$0x0], $0xffff;
	v31 =	vor.u32 s24, v15;
	s24 =	sadd.s32 $0x100, s24  }
0x10a: {  	_ =	sdelay $0x3  }
0x10b: {  	v27 =	vld.idx.msk [tilespmem:v27+s19+$0x0], $0xffff  }
0x10c: {  	v28 =	vld.idx.msk [tilespmem:v28+s19+$0x0], $0xffff  }
0x10d: {  	v29 =	vld.idx.msk [tilespmem:v29+s19+$0x0], $0xffff  }
0x10e: {  	v30 =	vld.idx.msk [tilespmem:v30+s19+$0x0], $0xffff  }
0x10f: {  	v31 =	vld.idx.msk [tilespmem:v31+s19+$0x0], $0xffff;
	_ =	sdelay $0x1  }
0x110: {  	v16 =	vadd.f32 v16, v17;
	v17 =	vadd.f32 v19, v18  }
0x111: {  	v56 =	vadd.f32 v21, v20;
	v57 =	vadd.f32 v23, v22  }
0x112: {  	v58 =	vadd.f32 v25, v24;
	v59 =	vadd.f32 v27, v26  }
0x113: {  	v60 =	vadd.f32 v29, v28;
	v61 =	vadd.f32 v31, v30  }
0x114: {  	v16 =	vadd.f32 v17, v16;
	v17 =	vadd.f32 v57, v56  }
0x115: {  	v62 =	vadd.f32 v59, v58;
	v63 =	vadd.f32 v61, v60;
	_ =	sdelay $0x1  }
0x116: {  	v16 =	vadd.f32 v17, v16;
	v17 =	vadd.f32 v63, v62;
	_ =	sdelay $0x1  }
0x117: {  	v16 =	vadd.f32 v17, v16;
	_ =	sdelay $0x1  }
0x118: {  	v16 =	vsub.f32 $0.0e+00, v16;
	_ =	sdelay $0x1  }
0x119: {  	v16 =	vmul.f32 $1.442695020e+00, v16;
	_ =	sdelay $0x1  }
0x11a: {  	(erf) = vpow2.f32 v16;
	_ =	sdelay $0x8  }
0x11b: {  	v16 =	vpop (erf)  }
0x11c: {  	v16 =	vadd.f32 $1.000000000e+00, v16;
	_ =	sdelay $0x1  }
0x11d: {  	(erf) = vrcp.f32 v16;
	_ =	sdelay $0x8  }
0x11e: {  	s24 =	sadd.s32 $0x10, s23;
	s23 =	sshll.u32 s15, $0x8;
	v16 =	vpop (erf)  }
0x11f: {  	s26 =	sadd.s32 $0x100, s23;
	[tilespmem:s24+$0x0] =	vst v16  }
0x120: {  	[tilespmem:s12], [sflag:$0x1] =	stream.indirect.gather [hbm4b:s3+s11], $0x40, s26, s11, $0xb8;
	[tilespmem:$0x10530] =	vst v63  }
0x121: {  	s30 =	sadd.s32 $0x2810, s23  }
0x122: {  	[tilespmem:s13], [sflag:$0x2] =	stream.indirect.gather [hbm4b:s4+s11], $0x40, s30, s11, $0xb8;
	[tilespmem:$0x10530] =	vst v63  }
0x123: {  	_ =	swait.ge [sflag:s20], $0x2000  }
0x124: {  	[sflag:s20] =	ssyncset.done $0x0  }
0x125: {  	[sflag:s20] =	ssyncadd.s32 $0xFFFFE000  }
0x126: {  	_ =	swait.ge [sflag:s21], $0x2000  }
0x127: {  	s25 =	simm.s32 $0xFDB0;
	[sflag:s21] =	ssyncset.done $0x0  }
0x128: {  	s24 =	simm.s32 $0x0;
	s26 =	simm.s32 $0x0;
	[sflag:s21] =	ssyncadd.s32 $0xFFFFE000  }
.LBB2_7:
0x129: {  	s30 =	sshra.s32 s26, $0x2  }
0x12a: {  	v16 =	vld [tilespmem:s30+$0x8E20]  }
0x12b: {  	v17 =	vld [tilespmem:s30+$0xAE20]  }
0x12c: {  	v18 =	vld [tilespmem:s30+$0x8E30]  }
0x12d: {  	v19 =	vld [tilespmem:s30+$0xAE30]  }
0x12e: {  	v20 =	vld [tilespmem:s30+$0x8E40]  }
0x12f: {  	v21 =	vld [tilespmem:s30+$0xAE40]  }
0x130: {  	v22 =	vld [tilespmem:s30+$0x8E50]  }
0x131: {  	v23 =	vld [tilespmem:s30+$0xAE50]  }
0x132: {  	v24 =	vld [tilespmem:s30+$0x8E60]  }
0x133: {  	v25 =	vld [tilespmem:s30+$0xAE60]  }
0x134: {  	v26 =	vld [tilespmem:s30+$0x8E70]  }
0x135: {  	v27 =	vld [tilespmem:s30+$0xAE70]  }
0x136: {  	v28 =	vld [tilespmem:s30+$0x8E80]  }
0x137: {  	v29 =	vld [tilespmem:s30+$0xAE80];
	v16 =	vmul.bf16 v17, v16;
	v17 =	vmul.bf16 v19, v18  }
0x138: {  	v30 =	vld [tilespmem:s30+$0x8E90];
	v42 =	vmul.bf16 v21, v20;
	v43 =	vmul.bf16 v23, v22  }
0x139: {  	v41 =	vld [tilespmem:s30+$0xAE90]  }
0x13a: {  	v44 =	vld [tilespmem:s30+$0x8EA0];
	v16 =	vadd.bf16 v17, v16;
	v17 =	vadd.bf16 v43, v42  }
0x13b: {  	v45 =	vld [tilespmem:s30+$0xAEA0]  }
0x13c: {  	v46 =	vld [tilespmem:s30+$0x8EB0];
	v16 =	vadd.bf16 v17, v16  }
0x13d: {  	v47 =	vld [tilespmem:s30+$0xAEB0]  }
0x13e: {  	v48 =	vld [tilespmem:s30+$0xAEC0];
	v31 =	vunpack.i.u.bf16.f32 v16;
	v16 =	vunpack.i.l.bf16.f32 v16  }
0x13f: {  	v32 =	vld [tilespmem:s30+$0x8ED0];
	v16 =	vadd.f32 v16, v31  }
0x140: {  	v49 =	vld [tilespmem:s30+$0xAED0];
	v24 =	vmul.bf16 v25, v24;
	v50 =	vmul.bf16 v27, v26  }
0x141: {  	v18 =	vmul.bf16 v41, v30;
	v17 =	vld [tilespmem:s30+$0x8EC0];
	[tilespmem:s25+$0xFFFFFF80] =	vst v16;
	v16 =	vmul.bf16 v29, v28;
	_ =	sdelay $0x1  }
0x142: {  	v24 =	vadd.bf16 v50, v24;
	v51 =	vld [tilespmem:s30+$0x8EE0];
	v16 =	vadd.bf16 v18, v16  }
0x143: {  	v52 =	vld [tilespmem:s30+$0xAEE0]  }
0x144: {  	v53 =	vld [tilespmem:s30+$0x8EF0];
	v16 =	vadd.bf16 v16, v24  }
0x145: {  	v54 =	vld [tilespmem:s30+$0xAEF0]  }
0x146: {  	v55 =	vld [tilespmem:s30+$0x8F00];
	v57 =	vunpack.i.u.bf16.f32 v16;
	v16 =	vunpack.i.l.bf16.f32 v16  }
0x147: {  	v56 =	vld [tilespmem:s30+$0xAF00];
	v16 =	vadd.f32 v16, v57  }
0x148: {  	v21 =	vmul.bf16 v45, v44;
	v19 =	vmul.bf16 v47, v46;
	v58 =	vld [tilespmem:s30+$0x8F10]  }
0x149: {  	v59 =	vld [tilespmem:s30+$0xAF10];
	[tilespmem:s25+$0xFFFFFF90] =	vst v16;
	v16 =	vmul.bf16 v48, v17;
	v17 =	vmul.bf16 v49, v32;
	_ =	sdelay $0x1  }
0x14a: {  	v19 =	vadd.bf16 v19, v21;
	v60 =	vld [tilespmem:s30+$0x8F20];
	v16 =	vadd.bf16 v17, v16  }
0x14b: {  	v61 =	vld [tilespmem:s30+$0xAF20]  }
0x14c: {  	v62 =	vld [tilespmem:s30+$0xAF30];
	v16 =	vadd.bf16 v16, v19  }
0x14d: {  	v63 =	vld [tilespmem:s30+$0x8F40]  }
0x14e: {  	v36 =	vld [tilespmem:s30+$0xAF40];
	v37 =	vunpack.i.u.bf16.f32 v16;
	v16 =	vunpack.i.l.bf16.f32 v16  }
0x14f: {  	v38 =	vld [tilespmem:s30+$0x8F50];
	v16 =	vadd.f32 v16, v37  }
0x150: {  	v26 =	vmul.bf16 v52, v51;
	v18 =	vmul.bf16 v54, v53;
	v39 =	vld [tilespmem:s30+$0xAF50]  }
0x151: {  	v40 =	vmul.bf16 v59, v58;
	v17 =	vld [tilespmem:s30+$0x8F30];
	[tilespmem:s25+$0xFFFFFFA0] =	vst v16;
	v16 =	vmul.bf16 v56, v55;
	_ =	sdelay $0x1  }
0x152: {  	v18 =	vadd.bf16 v18, v26;
	v41 =	vld [tilespmem:s30+$0x8F60];
	v16 =	vadd.bf16 v40, v16  }
0x153: {  	v42 =	vld [tilespmem:s30+$0xAF60]  }
0x154: {  	v43 =	vld [tilespmem:s30+$0x8F70];
	v16 =	vadd.bf16 v16, v18  }
0x155: {  	v44 =	vld [tilespmem:s30+$0xAF70]  }
0x156: {  	v45 =	vld [tilespmem:s30+$0x8F80];
	v47 =	vunpack.i.u.bf16.f32 v16;
	v16 =	vunpack.i.l.bf16.f32 v16  }
0x157: {  	v46 =	vld [tilespmem:s30+$0xAF80];
	v16 =	vadd.f32 v16, v47  }
0x158: {  	v20 =	vmul.bf16 v61, v60;
	v50 =	vmul.bf16 v39, v38;
	v48 =	vld [tilespmem:s30+$0x8F90]  }
0x159: {  	v17 =	vmul.bf16 v62, v17;
	v49 =	vld [tilespmem:s30+$0xAF90];
	[tilespmem:s25+$0xFFFFFFB0] =	vst v16;
	v16 =	vmul.bf16 v36, v63;
	_ =	sdelay $0x1  }
0x15a: {  	v17 =	vadd.bf16 v17, v20;
	v51 =	vld [tilespmem:s30+$0x8FA0];
	v16 =	vadd.bf16 v50, v16  }
0x15b: {  	v52 =	vld [tilespmem:s30+$0xAFA0]  }
0x15c: {  	v53 =	vld [tilespmem:s30+$0x8FB0];
	v16 =	vadd.bf16 v16, v17  }
0x15d: {  	v54 =	vld [tilespmem:s30+$0xAFB0]  }
0x15e: {  	v55 =	vld [tilespmem:s30+$0xAFC0];
	v56 =	vunpack.i.u.bf16.f32 v16;
	v16 =	vunpack.i.l.bf16.f32 v16  }
0x15f: {  	v57 =	vld [tilespmem:s30+$0x8FD0];
	v16 =	vadd.f32 v16, v56  }
0x160: {  	v25 =	vmul.bf16 v42, v41;
	v24 =	vmul.bf16 v44, v43;
	v58 =	vld [tilespmem:s30+$0xAFD0]  }
0x161: {  	v59 =	vmul.bf16 v49, v48;
	v17 =	vld [tilespmem:s30+$0x8FC0];
	[tilespmem:s25+$0xFFFFFFC0] =	vst v16;
	v16 =	vmul.bf16 v46, v45;
	_ =	sdelay $0x1  }
0x162: {  	v24 =	vadd.bf16 v24, v25;
	v60 =	vld [tilespmem:s30+$0x8FE0];
	v16 =	vadd.bf16 v59, v16  }
0x163: {  	v61 =	vld [tilespmem:s30+$0xAFE0]  }
0x164: {  	v62 =	vld [tilespmem:s30+$0x8FF0];
	v16 =	vadd.bf16 v16, v24  }
0x165: {  	v63 =	vld [tilespmem:s30+$0xAFF0]  }
0x166: {  	v36 =	vld [tilespmem:s30+$0x9000];
	v38 =	vunpack.i.u.bf16.f32 v16;
	v16 =	vunpack.i.l.bf16.f32 v16  }
0x167: {  	v37 =	vld [tilespmem:s30+$0xB000];
	v16 =	vadd.f32 v16, v38  }
0x168: {  	v21 =	vmul.bf16 v52, v51;
	v19 =	vmul.bf16 v54, v53;
	v39 =	vld [tilespmem:s30+$0x9010]  }
0x169: {  	v40 =	vld [tilespmem:s30+$0xB010];
	[tilespmem:s25+$0xFFFFFFD0] =	vst v16;
	v16 =	vmul.bf16 v55, v17;
	v17 =	vmul.bf16 v58, v57;
	_ =	sdelay $0x1  }
0x16a: {  	v19 =	vadd.bf16 v19, v21;
	v41 =	vld [tilespmem:s30+$0x9020];
	v16 =	vadd.bf16 v17, v16  }
0x16b: {  	v42 =	vld [tilespmem:s30+$0xB020]  }
0x16c: {  	v43 =	vld [tilespmem:s30+$0xB030];
	v16 =	vadd.bf16 v16, v19  }
0x16d: {  	v44 =	vld [tilespmem:s30+$0x9040]  }
0x16e: {  	v45 =	vld [tilespmem:s30+$0xB040];
	v46 =	vunpack.i.u.bf16.f32 v16;
	v16 =	vunpack.i.l.bf16.f32 v16  }
0x16f: {  	v47 =	vld [tilespmem:s30+$0x9050];
	v16 =	vadd.f32 v16, v46  }
0x170: {  	v26 =	vmul.bf16 v61, v60;
	v18 =	vmul.bf16 v63, v62;
	v48 =	vld [tilespmem:s30+$0xB050]  }
0x171: {  	v49 =	vmul.bf16 v40, v39;
	v17 =	vld [tilespmem:s30+$0x9030];
	[tilespmem:s25+$0xFFFFFFE0] =	vst v16;
	v16 =	vmul.bf16 v37, v36;
	_ =	sdelay $0x1  }
0x172: {  	v18 =	vadd.bf16 v18, v26;
	v50 =	vld [tilespmem:s30+$0x9060];
	v16 =	vadd.bf16 v49, v16  }
0x173: {  	v51 =	vld [tilespmem:s30+$0xB060]  }
0x174: {  	v52 =	vld [tilespmem:s30+$0x9070];
	v16 =	vadd.bf16 v16, v18  }
0x175: {  	v53 =	vld [tilespmem:s30+$0xB070]  }
0x176: {  	v54 =	vld [tilespmem:s30+$0x9080];
	v56 =	vunpack.i.u.bf16.f32 v16;
	v16 =	vunpack.i.l.bf16.f32 v16  }
0x177: {  	v55 =	vld [tilespmem:s30+$0xB080];
	v16 =	vadd.f32 v16, v56  }
0x178: {  	v20 =	vmul.bf16 v42, v41;
	v59 =	vmul.bf16 v48, v47;
	v57 =	vld [tilespmem:s30+$0x9090]  }
0x179: {  	v17 =	vmul.bf16 v43, v17;
	v58 =	vld [tilespmem:s30+$0xB090];
	[tilespmem:s25+$0xFFFFFFF0] =	vst v16;
	v16 =	vmul.bf16 v45, v44;
	_ =	sdelay $0x1  }
0x17a: {  	v17 =	vadd.bf16 v17, v20;
	v60 =	vld [tilespmem:s30+$0x90A0];
	v16 =	vadd.bf16 v59, v16  }
0x17b: {  	v61 =	vld [tilespmem:s30+$0xB0A0]  }
0x17c: {  	v62 =	vld [tilespmem:s30+$0x90B0];
	v16 =	vadd.bf16 v16, v17  }
0x17d: {  	v63 =	vld [tilespmem:s30+$0xB0B0]  }
0x17e: {  	v36 =	vld [tilespmem:s30+$0xB0C0];
	v37 =	vunpack.i.u.bf16.f32 v16;
	v16 =	vunpack.i.l.bf16.f32 v16  }
0x17f: {  	v38 =	vld [tilespmem:s30+$0x90D0];
	v16 =	vadd.f32 v16, v37  }
0x180: {  	v25 =	vmul.bf16 v51, v50;
	v24 =	vmul.bf16 v53, v52;
	v39 =	vld [tilespmem:s30+$0xB0D0]  }
0x181: {  	v40 =	vmul.bf16 v58, v57;
	v17 =	vld [tilespmem:s30+$0x90C0];
	[tilespmem:s25+$0x0] =	vst v16;
	v16 =	vmul.bf16 v55, v54;
	_ =	sdelay $0x1  }
0x182: {  	v24 =	vadd.bf16 v24, v25;
	v41 =	vld [tilespmem:s30+$0x90E0];
	v16 =	vadd.bf16 v40, v16  }
0x183: {  	v42 =	vld [tilespmem:s30+$0xB0E0]  }
0x184: {  	v43 =	vld [tilespmem:s30+$0x90F0];
	v16 =	vadd.bf16 v16, v24  }
0x185: {  	v44 =	vld [tilespmem:s30+$0xB0F0]  }
0x186: {  	v45 =	vld [tilespmem:s30+$0x9100];
	v47 =	vunpack.i.u.bf16.f32 v16;
	v16 =	vunpack.i.l.bf16.f32 v16  }
0x187: {  	v46 =	vld [tilespmem:s30+$0xB100];
	v16 =	vadd.f32 v16, v47  }
0x188: {  	v21 =	vmul.bf16 v61, v60;
	v19 =	vmul.bf16 v63, v62;
	v48 =	vld [tilespmem:s30+$0x9110]  }
0x189: {  	v49 =	vld [tilespmem:s30+$0xB110];
	[tilespmem:s25+$0x10] =	vst v16;
	v16 =	vmul.bf16 v36, v17;
	v17 =	vmul.bf16 v39, v38;
	_ =	sdelay $0x1  }
0x18a: {  	v19 =	vadd.bf16 v19, v21;
	v50 =	vld [tilespmem:s30+$0x9120];
	v16 =	vadd.bf16 v17, v16  }
0x18b: {  	v51 =	vld [tilespmem:s30+$0xB120]  }
0x18c: {  	v52 =	vld [tilespmem:s30+$0xB130];
	v16 =	vadd.bf16 v16, v19  }
0x18d: {  	v53 =	vld [tilespmem:s30+$0x9140]  }
0x18e: {  	v54 =	vld [tilespmem:s30+$0xB140];
	v55 =	vunpack.i.u.bf16.f32 v16;
	v16 =	vunpack.i.l.bf16.f32 v16  }
0x18f: {  	v56 =	vld [tilespmem:s30+$0x9150];
	v16 =	vadd.f32 v16, v55  }
0x190: {  	v26 =	vmul.bf16 v42, v41;
	v18 =	vmul.bf16 v44, v43;
	v57 =	vld [tilespmem:s30+$0xB150]  }
0x191: {  	v58 =	vmul.bf16 v49, v48;
	v17 =	vld [tilespmem:s30+$0x9130];
	[tilespmem:s25+$0x20] =	vst v16;
	v16 =	vmul.bf16 v46, v45;
	_ =	sdelay $0x1  }
0x192: {  	v18 =	vadd.bf16 v18, v26;
	v59 =	vld [tilespmem:s30+$0x9160];
	v16 =	vadd.bf16 v58, v16  }
0x193: {  	v60 =	vld [tilespmem:s30+$0xB160]  }
0x194: {  	v61 =	vld [tilespmem:s30+$0x9170];
	v16 =	vadd.bf16 v16, v18  }
0x195: {  	v62 =	vld [tilespmem:s30+$0xB170]  }
0x196: {  	v63 =	vld [tilespmem:s30+$0x9180];
	v43 =	vunpack.i.u.bf16.f32 v16;
	v16 =	vunpack.i.l.bf16.f32 v16  }
0x197: {  	v42 =	vld [tilespmem:s30+$0xB180];
	v16 =	vadd.f32 v16, v43  }
0x198: {  	v20 =	vmul.bf16 v51, v50;
	v17 =	vmul.bf16 v52, v17;
	v44 =	vld [tilespmem:s30+$0x9190]  }
0x199: {  	v46 =	vmul.bf16 v57, v56;
	v45 =	vld [tilespmem:s30+$0xB190];
	[tilespmem:s25+$0x30] =	vst v16;
	v16 =	vmul.bf16 v54, v53;
	_ =	sdelay $0x1  }
0x19a: {  	v17 =	vadd.bf16 v17, v20;
	v47 =	vld [tilespmem:s30+$0x91A0];
	v16 =	vadd.bf16 v46, v16  }
0x19b: {  	v48 =	vld [tilespmem:s30+$0xB1A0]  }
0x19c: {  	v49 =	vld [tilespmem:s30+$0x91B0];
	v16 =	vadd.bf16 v16, v17  }
0x19d: {  	v50 =	vld [tilespmem:s30+$0xB1B0]  }
0x19e: {  	v51 =	vld [tilespmem:s30+$0xB1C0];
	v52 =	vunpack.i.u.bf16.f32 v16;
	v16 =	vunpack.i.l.bf16.f32 v16  }
0x19f: {  	v53 =	vld [tilespmem:s30+$0x91D0];
	v16 =	vadd.f32 v16, v52  }
0x1a0: {  	v54 =	vld [tilespmem:s30+$0xB1D0]  }
0x1a1: {  	v17 =	vld [tilespmem:s30+$0x91C0];
	[tilespmem:s25+$0x40] =	vst v16  }
0x1a2: {  	v16 =	vld [tilespmem:s30+$0x91E0]  }
0x1a3: {  	v33 =	vld [tilespmem:s30+$0xB1E0]  }
0x1a4: {  	v34 =	vld [tilespmem:s30+$0x91F0]  }
0x1a5: {  	v35 =	vld [tilespmem:s30+$0xB1F0]  }
0x1a6: {  	v36 =	vld [tilespmem:s30+$0x9200]  }
0x1a7: {  	v37 =	vld [tilespmem:s30+$0xB200]  }
0x1a8: {  	v38 =	vld [tilespmem:s30+$0x9210]  }
0x1a9: {  	v25 =	vmul.bf16 v60, v59;
	v24 =	vmul.bf16 v62, v61;
	v39 =	vld [tilespmem:s30+$0xB210]  }
0x1aa: {  	v18 =	vmul.bf16 v42, v63;
	v55 =	vmul.bf16 v45, v44  }
0x1ab: {  	v24 =	vadd.bf16 v24, v25;
	v21 =	vmul.bf16 v48, v47;
	v19 =	vmul.bf16 v50, v49  }
0x1ac: {  	v18 =	vadd.bf16 v55, v18;
	v56 =	vmul.bf16 v54, v53;
	v17 =	vmul.bf16 v51, v17  }
0x1ad: {  	v16 =	vmul.bf16 v33, v16;
	v57 =	vmul.bf16 v35, v34  }
0x1ae: {  	v18 =	vadd.bf16 v18, v24;
	v58 =	vmul.bf16 v37, v36;
	v59 =	vmul.bf16 v39, v38  }
0x1af: {  	v19 =	vadd.bf16 v19, v21;
	v17 =	vadd.bf16 v56, v17  }
0x1b0: {  	v16 =	vadd.bf16 v57, v16;
	v60 =	vadd.bf16 v59, v58  }
0x1b1: {  	v17 =	vadd.bf16 v17, v19  }
0x1b2: {  	p0 =	sne.s32 s26, $0x7000;
	v61 =	vunpack.i.u.bf16.f32 v18;
	v18 =	vunpack.i.l.bf16.f32 v18;
	v16 =	vadd.bf16 v60, v16  }
.Ltmp2:
0x1b3: {  	v18 =	vadd.f32 v18, v61;
	v62 =	vunpack.i.u.bf16.f32 v17;
	v17 =	vunpack.i.l.bf16.f32 v17;
	(pc) =	sbr.rel @p0 .LBB2_7-.Ltmp2, $4  }
0x1b4: {  	v17 =	vadd.f32 v17, v62;
	v63 =	vunpack.i.u.bf16.f32 v16;
	v16 =	vunpack.i.l.bf16.f32 v16  }
0x1b5: {  	[tilespmem:s25+$0x50] =	vst v18;
	v16 =	vadd.f32 v16, v63  }
0x1b6: {  	[tilespmem:s25+$0x60] =	vst v17  }
0x1b7: {  	s26 =	sadd.s32 $0x1000, s26;
	[tilespmem:s25+$0x70] =	vst v16;
	s25 =	sadd.s32 $0x100, s25  }
0x1b8: {  	v16 =	vor.u32 s24, v1  }
0x1b9: {  	v17 =	vor.u32 s24, v0  }
0x1ba: {  	v18 =	vor.u32 s24, v2  }
0x1bb: {  	v19 =	vor.u32 s24, v3  }
0x1bc: {  	v20 =	vor.u32 s24, v4  }
0x1bd: {  	v21 =	vor.u32 s24, v5;
	v16 =	vld.idx.msk [tilespmem:v16+s19+$0x0], $0xffff  }
0x1be: {  	v22 =	vor.u32 s24, v6;
	v17 =	vld.idx.msk [tilespmem:v17+s19+$0x0], $0xffff  }
0x1bf: {  	v23 =	vor.u32 s24, v7;
	v18 =	vld.idx.msk [tilespmem:v18+s19+$0x0], $0xffff  }
0x1c0: {  	v24 =	vor.u32 s24, v8;
	v19 =	vld.idx.msk [tilespmem:v19+s19+$0x0], $0xffff  }
0x1c1: {  	v25 =	vor.u32 s24, v9;
	v20 =	vld.idx.msk [tilespmem:v20+s19+$0x0], $0xffff  }
0x1c2: {  	v26 =	vor.u32 s24, v10;
	v21 =	vld.idx.msk [tilespmem:v21+s19+$0x0], $0xffff  }
0x1c3: {  	v27 =	vor.u32 s24, v11;
	v22 =	vld.idx.msk [tilespmem:v22+s19+$0x0], $0xffff  }
0x1c4: {  	v28 =	vor.u32 s24, v12;
	v23 =	vld.idx.msk [tilespmem:v23+s19+$0x0], $0xffff  }
0x1c5: {  	v29 =	vor.u32 s24, v13;
	v24 =	vld.idx.msk [tilespmem:v24+s19+$0x0], $0xffff  }
0x1c6: {  	v30 =	vor.u32 s24, v14;
	v25 =	vld.idx.msk [tilespmem:v25+s19+$0x0], $0xffff  }
0x1c7: {  	v31 =	vor.u32 s24, v15;
	v26 =	vld.idx.msk [tilespmem:v26+s19+$0x0], $0xffff  }
0x1c8: {  	v27 =	vld.idx.msk [tilespmem:v27+s19+$0x0], $0xffff  }
0x1c9: {  	v28 =	vld.idx.msk [tilespmem:v28+s19+$0x0], $0xffff  }
0x1ca: {  	v29 =	vld.idx.msk [tilespmem:v29+s19+$0x0], $0xffff  }
0x1cb: {  	v30 =	vld.idx.msk [tilespmem:v30+s19+$0x0], $0xffff  }
0x1cc: {  	v31 =	vld.idx.msk [tilespmem:v31+s19+$0x0], $0xffff;
	_ =	sdelay $0x1  }
0x1cd: {  	v16 =	vadd.f32 v16, v17;
	v17 =	vadd.f32 v19, v18  }
0x1ce: {  	v18 =	vadd.f32 v21, v20;
	v19 =	vadd.f32 v23, v22  }
0x1cf: {  	v20 =	vadd.f32 v25, v24;
	v21 =	vadd.f32 v27, v26  }
0x1d0: {  	v22 =	vadd.f32 v29, v28;
	v23 =	vadd.f32 v31, v30  }
0x1d1: {  	v16 =	vadd.f32 v17, v16;
	v17 =	vadd.f32 v19, v18  }
0x1d2: {  	v18 =	vadd.f32 v21, v20;
	v19 =	vadd.f32 v23, v22;
	_ =	sdelay $0x1  }
0x1d3: {  	v16 =	vadd.f32 v17, v16;
	v17 =	vadd.f32 v19, v18;
	_ =	sdelay $0x1  }
0x1d4: {  	v16 =	vadd.f32 v17, v16;
	_ =	sdelay $0x1  }
0x1d5: {  	v16 =	vsub.f32 $0.0e+00, v16;
	_ =	sdelay $0x1  }
0x1d6: {  	v16 =	vmul.f32 $1.442695020e+00, v16;
	_ =	sdelay $0x1  }
0x1d7: {  	(erf) = vpow2.f32 v16;
	_ =	sdelay $0x8  }
0x1d8: {  	v16 =	vpop (erf)  }
0x1d9: {  	v16 =	vadd.f32 $1.000000000e+00, v16;
	_ =	sdelay $0x1  }
0x1da: {  	(erf) = vrcp.f32 v16;
	_ =	sdelay $0x4  }
0x1db: {  	s30 =	sadd.s32 $0x100, s24  }
0x1dc: {  	v16 =	vor.u32 s30, v1  }
0x1dd: {  	v17 =	vor.u32 s30, v0  }
0x1de: {  	v18 =	vor.u32 s30, v2  }
0x1df: {  	v19 =	vor.u32 s30, v3;
	v20 =	vpop (erf)  }
0x1e0: {  	v21 =	vor.u32 s30, v4;
	[tilespmem:s1+$0x0] =	vst v20  }
0x1e1: {  	v22 =	vor.u32 s30, v5;
	v16 =	vld.idx.msk [tilespmem:v16+s19+$0x0], $0xffff  }
0x1e2: {  	v23 =	vor.u32 s30, v6;
	v17 =	vld.idx.msk [tilespmem:v17+s19+$0x0], $0xffff  }
0x1e3: {  	v24 =	vor.u32 s30, v7;
	v18 =	vld.idx.msk [tilespmem:v18+s19+$0x0], $0xffff  }
0x1e4: {  	v25 =	vor.u32 s30, v8;
	v19 =	vld.idx.msk [tilespmem:v19+s19+$0x0], $0xffff  }
0x1e5: {  	v26 =	vor.u32 s30, v9;
	v20 =	vld.idx.msk [tilespmem:v21+s19+$0x0], $0xffff  }
0x1e6: {  	v31 =	vor.u32 s30, v10;
	v21 =	vld.idx.msk [tilespmem:v22+s19+$0x0], $0xffff  }
0x1e7: {  	v27 =	vor.u32 s30, v11;
	v22 =	vld.idx.msk [tilespmem:v23+s19+$0x0], $0xffff  }
0x1e8: {  	v28 =	vor.u32 s30, v12;
	v23 =	vld.idx.msk [tilespmem:v24+s19+$0x0], $0xffff  }
0x1e9: {  	v29 =	vor.u32 s30, v13;
	v24 =	vld.idx.msk [tilespmem:v25+s19+$0x0], $0xffff  }
0x1ea: {  	v30 =	vor.u32 s30, v14;
	v25 =	vld.idx.msk [tilespmem:v26+s19+$0x0], $0xffff  }
0x1eb: {  	s24 =	smov.u32 s1;
	s25 =	sadd.s32 $0x100, s30;
	v26 =	vld.idx.msk [tilespmem:v31+s19+$0x0], $0xffff;
	v31 =	vor.u32 s30, v15  }
.LBB2_9:
0x1ec: {  	p0 =	sne.s32 s25, $0x700;
	v27 =	vld.idx.msk [tilespmem:v27+s19+$0x0], $0xffff  }
0x1ed: {  	v28 =	vld.idx.msk [tilespmem:v28+s19+$0x0], $0xffff  }
0x1ee: {  	v29 =	vld.idx.msk [tilespmem:v29+s19+$0x0], $0xffff  }
0x1ef: {  	v30 =	vld.idx.msk [tilespmem:v30+s19+$0x0], $0xffff  }
0x1f0: {  	v31 =	vld.idx.msk [tilespmem:v31+s19+$0x0], $0xffff;
	_ =	sdelay $0x2  }
0x1f1: {  	v16 =	vadd.f32 v16, v17;
	v17 =	vadd.f32 v19, v18  }
0x1f2: {  	v18 =	vadd.f32 v21, v20;
	v19 =	vadd.f32 v23, v22  }
0x1f3: {  	v20 =	vadd.f32 v25, v24;
	v21 =	vadd.f32 v27, v26  }
0x1f4: {  	v22 =	vadd.f32 v29, v28;
	v23 =	vadd.f32 v31, v30  }
0x1f5: {  	v16 =	vadd.f32 v17, v16;
	v17 =	vadd.f32 v19, v18  }
0x1f6: {  	v18 =	vadd.f32 v21, v20;
	v19 =	vadd.f32 v23, v22;
	_ =	sdelay $0x1  }
0x1f7: {  	v16 =	vadd.f32 v17, v16;
	v17 =	vadd.f32 v19, v18;
	_ =	sdelay $0x1  }
0x1f8: {  	v16 =	vadd.f32 v17, v16;
	_ =	sdelay $0x1  }
0x1f9: {  	v16 =	vsub.f32 $0.0e+00, v16;
	_ =	sdelay $0x1  }
0x1fa: {  	v16 =	vmul.f32 $1.442695020e+00, v16;
	_ =	sdelay $0x1  }
0x1fb: {  	(erf) = vpow2.f32 v16;
	_ =	sdelay $0x8  }
0x1fc: {  	v16 =	vpop (erf)  }
0x1fd: {  	v16 =	vadd.f32 $1.000000000e+00, v16;
	_ =	sdelay $0x1  }
0x1fe: {  	(erf) = vrcp.f32 v16;
	_ =	sdelay $0x5  }
0x1ff: {  	v16 =	vor.u32 s25, v1  }
0x200: {  	v17 =	vor.u32 s25, v0  }
0x201: {  	v18 =	vor.u32 s25, v2  }
0x202: {  	s24 =	sadd.s32 $0x10, s24;
	v19 =	vor.u32 s25, v3;
	v20 =	vpop (erf)  }
0x203: {  	v21 =	vor.u32 s25, v4;
	[tilespmem:s24+$0x0] =	vst v20  }
0x204: {  	v22 =	vor.u32 s25, v5;
	v16 =	vld.idx.msk [tilespmem:v16+s19+$0x0], $0xffff  }
0x205: {  	v23 =	vor.u32 s25, v6;
	v17 =	vld.idx.msk [tilespmem:v17+s19+$0x0], $0xffff  }
0x206: {  	v24 =	vor.u32 s25, v7;
	v18 =	vld.idx.msk [tilespmem:v18+s19+$0x0], $0xffff  }
0x207: {  	v25 =	vor.u32 s25, v8;
	v19 =	vld.idx.msk [tilespmem:v19+s19+$0x0], $0xffff  }
0x208: {  	v26 =	vor.u32 s25, v9;
	v20 =	vld.idx.msk [tilespmem:v21+s19+$0x0], $0xffff  }
0x209: {  	v31 =	vor.u32 s25, v10;
	v21 =	vld.idx.msk [tilespmem:v22+s19+$0x0], $0xffff  }
.Ltmp3:
0x20a: {  	v27 =	vor.u32 s25, v11;
	v22 =	vld.idx.msk [tilespmem:v23+s19+$0x0], $0xffff;
	(pc) =	sbr.rel @p0 .LBB2_9-.Ltmp3, $4  }
0x20b: {  	v28 =	vor.u32 s25, v12;
	v23 =	vld.idx.msk [tilespmem:v24+s19+$0x0], $0xffff  }
0x20c: {  	v29 =	vor.u32 s25, v13;
	v24 =	vld.idx.msk [tilespmem:v25+s19+$0x0], $0xffff  }
0x20d: {  	v30 =	vor.u32 s25, v14;
	v25 =	vld.idx.msk [tilespmem:v26+s19+$0x0], $0xffff  }
0x20e: {  	v26 =	vld.idx.msk [tilespmem:v31+s19+$0x0], $0xffff;
	v31 =	vor.u32 s25, v15;
	s25 =	sadd.s32 $0x100, s25  }
0x20f: {  	_ =	sdelay $0x3  }
0x210: {  	v27 =	vld.idx.msk [tilespmem:v27+s19+$0x0], $0xffff  }
0x211: {  	v28 =	vld.idx.msk [tilespmem:v28+s19+$0x0], $0xffff  }
0x212: {  	v29 =	vld.idx.msk [tilespmem:v29+s19+$0x0], $0xffff  }
0x213: {  	v30 =	vld.idx.msk [tilespmem:v30+s19+$0x0], $0xffff  }
0x214: {  	v31 =	vld.idx.msk [tilespmem:v31+s19+$0x0], $0xffff;
	_ =	sdelay $0x1  }
0x215: {  	v16 =	vadd.f32 v16, v17;
	v17 =	vadd.f32 v19, v18  }
0x216: {  	v56 =	vadd.f32 v21, v20;
	v57 =	vadd.f32 v23, v22  }
0x217: {  	v58 =	vadd.f32 v25, v24;
	v59 =	vadd.f32 v27, v26  }
0x218: {  	v60 =	vadd.f32 v29, v28;
	v61 =	vadd.f32 v31, v30  }
0x219: {  	v16 =	vadd.f32 v17, v16;
	v17 =	vadd.f32 v57, v56  }
0x21a: {  	v62 =	vadd.f32 v59, v58;
	v63 =	vadd.f32 v61, v60;
	_ =	sdelay $0x1  }
0x21b: {  	v16 =	vadd.f32 v17, v16;
	v17 =	vadd.f32 v63, v62;
	_ =	sdelay $0x1  }
0x21c: {  	v16 =	vadd.f32 v17, v16;
	_ =	sdelay $0x1  }
0x21d: {  	v16 =	vsub.f32 $0.0e+00, v16;
	_ =	sdelay $0x1  }
0x21e: {  	v16 =	vmul.f32 $1.442695020e+00, v16;
	_ =	sdelay $0x1  }
0x21f: {  	(erf) = vpow2.f32 v16;
	_ =	sdelay $0x8  }
0x220: {  	v16 =	vpop (erf)  }
0x221: {  	v16 =	vadd.f32 $1.000000000e+00, v16;
	_ =	sdelay $0x1  }
0x222: {  	(erf) = vrcp.f32 v16;
	_ =	sdelay $0x6  }
0x223: {  	s15 =	sadd.s32 $0x1, s15  }
0x224: {  	p0 =	sne.s32 s15, $0x26  }
.Ltmp4:
0x225: {  	s24 =	sadd.s32 $0x10, s24;
	v16 =	vpop (erf);
	(pc) =	sbr.rel @p0 .LBB2_2-.Ltmp4, $4  }
0x226: {  	s26 =	sadd.s32 $0x180, s23;
	[tilespmem:s24+$0x0] =	vst v16  }
0x227: {  	[tilespmem:s14], [sflag:$0x3] =	stream.indirect.gather [hbm4b:s3+s11], $0x40, s26, s11, $0xb8;
	[tilespmem:$0x10530] =	vst v63  }
0x228: {  	s30 =	sadd.s32 $0x2890, s23;
	s0 =	sadd.s32 $0x100, s0;
	s1 =	sadd.s32 $0x100, s1  }
0x229: {  	[tilespmem:s16], [sflag:$0x4] =	stream.indirect.gather [hbm4b:s4+s11], $0x40, s30, s11, $0xb8;
	[tilespmem:$0x10530] =	vst v63  }
0x22a: {  	_ =	swait.ge [sflag:s17], $0x2000  }
0x22b: {  	[sflag:s17] =	ssyncset.done $0x0  }
0x22c: {  	[sflag:s17] =	ssyncadd.s32 $0xFFFFE000  }
0x22d: {  	_ =	swait.ge [sflag:s18], $0x2000  }
0x22e: {  	s0 =	simm.s32 $0x0;
	[sflag:s18] =	ssyncset.done $0x0  }
0x22f: {  	s1 =	simm.s32 $0xFDB0;
	s15 =	simm.s32 $0x0;
	[sflag:s18] =	ssyncadd.s32 $0xFFFFE000  }
.LBB2_12:
0x230: {  	s23 =	sshra.s32 s15, $0x2  }
0x231: {  	v16 =	vld [tilespmem:s23+$0x4E20]  }
0x232: {  	v17 =	vld [tilespmem:s23+$0x6E20]  }
0x233: {  	v18 =	vld [tilespmem:s23+$0x4E30]  }
0x234: {  	v19 =	vld [tilespmem:s23+$0x6E30]  }
0x235: {  	v20 =	vld [tilespmem:s23+$0x4E40]  }
0x236: {  	v21 =	vld [tilespmem:s23+$0x6E40]  }
0x237: {  	v22 =	vld [tilespmem:s23+$0x4E50]  }
0x238: {  	v23 =	vld [tilespmem:s23+$0x6E50]  }
0x239: {  	v24 =	vld [tilespmem:s23+$0x4E60]  }
0x23a: {  	v25 =	vld [tilespmem:s23+$0x6E60]  }
0x23b: {  	v26 =	vld [tilespmem:s23+$0x4E70]  }
0x23c: {  	v27 =	vld [tilespmem:s23+$0x6E70]  }
0x23d: {  	v28 =	vld [tilespmem:s23+$0x4E80]  }
0x23e: {  	v29 =	vld [tilespmem:s23+$0x6E80];
	v16 =	vmul.bf16 v17, v16;
	v17 =	vmul.bf16 v19, v18  }
0x23f: {  	v30 =	vld [tilespmem:s23+$0x4E90];
	v42 =	vmul.bf16 v21, v20;
	v43 =	vmul.bf16 v23, v22  }
0x240: {  	v41 =	vld [tilespmem:s23+$0x6E90]  }
0x241: {  	v44 =	vld [tilespmem:s23+$0x4EA0];
	v16 =	vadd.bf16 v17, v16;
	v17 =	vadd.bf16 v43, v42  }
0x242: {  	v45 =	vld [tilespmem:s23+$0x6EA0]  }
0x243: {  	v46 =	vld [tilespmem:s23+$0x4EB0];
	v16 =	vadd.bf16 v17, v16  }
0x244: {  	v47 =	vld [tilespmem:s23+$0x6EB0]  }
0x245: {  	v48 =	vld [tilespmem:s23+$0x6EC0];
	v31 =	vunpack.i.u.bf16.f32 v16;
	v16 =	vunpack.i.l.bf16.f32 v16  }
0x246: {  	v32 =	vld [tilespmem:s23+$0x4ED0];
	v16 =	vadd.f32 v16, v31  }
0x247: {  	v49 =	vld [tilespmem:s23+$0x6ED0];
	v24 =	vmul.bf16 v25, v24;
	v50 =	vmul.bf16 v27, v26  }
0x248: {  	v18 =	vmul.bf16 v41, v30;
	v17 =	vld [tilespmem:s23+$0x4EC0];
	[tilespmem:s1+$0xFFFFFF80] =	vst v16;
	v16 =	vmul.bf16 v29, v28;
	_ =	sdelay $0x1  }
0x249: {  	v24 =	vadd.bf16 v50, v24;
	v51 =	vld [tilespmem:s23+$0x4EE0];
	v16 =	vadd.bf16 v18, v16  }
0x24a: {  	v52 =	vld [tilespmem:s23+$0x6EE0]  }
0x24b: {  	v53 =	vld [tilespmem:s23+$0x4EF0];
	v16 =	vadd.bf16 v16, v24  }
0x24c: {  	v54 =	vld [tilespmem:s23+$0x6EF0]  }
0x24d: {  	v55 =	vld [tilespmem:s23+$0x4F00];
	v57 =	vunpack.i.u.bf16.f32 v16;
	v16 =	vunpack.i.l.bf16.f32 v16  }
0x24e: {  	v56 =	vld [tilespmem:s23+$0x6F00];
	v16 =	vadd.f32 v16, v57  }
0x24f: {  	v21 =	vmul.bf16 v45, v44;
	v19 =	vmul.bf16 v47, v46;
	v58 =	vld [tilespmem:s23+$0x4F10]  }
0x250: {  	v59 =	vld [tilespmem:s23+$0x6F10];
	[tilespmem:s1+$0xFFFFFF90] =	vst v16;
	v16 =	vmul.bf16 v48, v17;
	v17 =	vmul.bf16 v49, v32;
	_ =	sdelay $0x1  }
0x251: {  	v19 =	vadd.bf16 v19, v21;
	v60 =	vld [tilespmem:s23+$0x4F20];
	v16 =	vadd.bf16 v17, v16  }
0x252: {  	v61 =	vld [tilespmem:s23+$0x6F20]  }
0x253: {  	v62 =	vld [tilespmem:s23+$0x6F30];
	v16 =	vadd.bf16 v16, v19  }
0x254: {  	v63 =	vld [tilespmem:s23+$0x4F40]  }
0x255: {  	v36 =	vld [tilespmem:s23+$0x6F40];
	v37 =	vunpack.i.u.bf16.f32 v16;
	v16 =	vunpack.i.l.bf16.f32 v16  }
0x256: {  	v38 =	vld [tilespmem:s23+$0x4F50];
	v16 =	vadd.f32 v16, v37  }
0x257: {  	v26 =	vmul.bf16 v52, v51;
	v18 =	vmul.bf16 v54, v53;
	v39 =	vld [tilespmem:s23+$0x6F50]  }
0x258: {  	v40 =	vmul.bf16 v59, v58;
	v17 =	vld [tilespmem:s23+$0x4F30];
	[tilespmem:s1+$0xFFFFFFA0] =	vst v16;
	v16 =	vmul.bf16 v56, v55;
	_ =	sdelay $0x1  }
0x259: {  	v18 =	vadd.bf16 v18, v26;
	v41 =	vld [tilespmem:s23+$0x4F60];
	v16 =	vadd.bf16 v40, v16  }
0x25a: {  	v42 =	vld [tilespmem:s23+$0x6F60]  }
0x25b: {  	v43 =	vld [tilespmem:s23+$0x4F70];
	v16 =	vadd.bf16 v16, v18  }
0x25c: {  	v44 =	vld [tilespmem:s23+$0x6F70]  }
0x25d: {  	v45 =	vld [tilespmem:s23+$0x4F80];
	v47 =	vunpack.i.u.bf16.f32 v16;
	v16 =	vunpack.i.l.bf16.f32 v16  }
0x25e: {  	v46 =	vld [tilespmem:s23+$0x6F80];
	v16 =	vadd.f32 v16, v47  }
0x25f: {  	v20 =	vmul.bf16 v61, v60;
	v50 =	vmul.bf16 v39, v38;
	v48 =	vld [tilespmem:s23+$0x4F90]  }
0x260: {  	v17 =	vmul.bf16 v62, v17;
	v49 =	vld [tilespmem:s23+$0x6F90];
	[tilespmem:s1+$0xFFFFFFB0] =	vst v16;
	v16 =	vmul.bf16 v36, v63;
	_ =	sdelay $0x1  }
0x261: {  	v17 =	vadd.bf16 v17, v20;
	v51 =	vld [tilespmem:s23+$0x4FA0];
	v16 =	vadd.bf16 v50, v16  }
0x262: {  	v52 =	vld [tilespmem:s23+$0x6FA0]  }
0x263: {  	v53 =	vld [tilespmem:s23+$0x4FB0];
	v16 =	vadd.bf16 v16, v17  }
0x264: {  	v54 =	vld [tilespmem:s23+$0x6FB0]  }
0x265: {  	v55 =	vld [tilespmem:s23+$0x6FC0];
	v56 =	vunpack.i.u.bf16.f32 v16;
	v16 =	vunpack.i.l.bf16.f32 v16  }
0x266: {  	v57 =	vld [tilespmem:s23+$0x4FD0];
	v16 =	vadd.f32 v16, v56  }
0x267: {  	v25 =	vmul.bf16 v42, v41;
	v24 =	vmul.bf16 v44, v43;
	v58 =	vld [tilespmem:s23+$0x6FD0]  }
0x268: {  	v59 =	vmul.bf16 v49, v48;
	v17 =	vld [tilespmem:s23+$0x4FC0];
	[tilespmem:s1+$0xFFFFFFC0] =	vst v16;
	v16 =	vmul.bf16 v46, v45;
	_ =	sdelay $0x1  }
0x269: {  	v24 =	vadd.bf16 v24, v25;
	v60 =	vld [tilespmem:s23+$0x4FE0];
	v16 =	vadd.bf16 v59, v16  }
0x26a: {  	v61 =	vld [tilespmem:s23+$0x6FE0]  }
0x26b: {  	v62 =	vld [tilespmem:s23+$0x4FF0];
	v16 =	vadd.bf16 v16, v24  }
0x26c: {  	v63 =	vld [tilespmem:s23+$0x6FF0]  }
0x26d: {  	v36 =	vld [tilespmem:s23+$0x5000];
	v38 =	vunpack.i.u.bf16.f32 v16;
	v16 =	vunpack.i.l.bf16.f32 v16  }
0x26e: {  	v37 =	vld [tilespmem:s23+$0x7000];
	v16 =	vadd.f32 v16, v38  }
0x26f: {  	v21 =	vmul.bf16 v52, v51;
	v19 =	vmul.bf16 v54, v53;
	v39 =	vld [tilespmem:s23+$0x5010]  }
0x270: {  	v40 =	vld [tilespmem:s23+$0x7010];
	[tilespmem:s1+$0xFFFFFFD0] =	vst v16;
	v16 =	vmul.bf16 v55, v17;
	v17 =	vmul.bf16 v58, v57;
	_ =	sdelay $0x1  }
0x271: {  	v19 =	vadd.bf16 v19, v21;
	v41 =	vld [tilespmem:s23+$0x5020];
	v16 =	vadd.bf16 v17, v16  }
0x272: {  	v42 =	vld [tilespmem:s23+$0x7020]  }
0x273: {  	v43 =	vld [tilespmem:s23+$0x7030];
	v16 =	vadd.bf16 v16, v19  }
0x274: {  	v44 =	vld [tilespmem:s23+$0x5040]  }
0x275: {  	v45 =	vld [tilespmem:s23+$0x7040];
	v46 =	vunpack.i.u.bf16.f32 v16;
	v16 =	vunpack.i.l.bf16.f32 v16  }
0x276: {  	v47 =	vld [tilespmem:s23+$0x5050];
	v16 =	vadd.f32 v16, v46  }
0x277: {  	v26 =	vmul.bf16 v61, v60;
	v18 =	vmul.bf16 v63, v62;
	v48 =	vld [tilespmem:s23+$0x7050]  }
0x278: {  	v49 =	vmul.bf16 v40, v39;
	v17 =	vld [tilespmem:s23+$0x5030];
	[tilespmem:s1+$0xFFFFFFE0] =	vst v16;
	v16 =	vmul.bf16 v37, v36;
	_ =	sdelay $0x1  }
0x279: {  	v18 =	vadd.bf16 v18, v26;
	v50 =	vld [tilespmem:s23+$0x5060];
	v16 =	vadd.bf16 v49, v16  }
0x27a: {  	v51 =	vld [tilespmem:s23+$0x7060]  }
0x27b: {  	v52 =	vld [tilespmem:s23+$0x5070];
	v16 =	vadd.bf16 v16, v18  }
0x27c: {  	v53 =	vld [tilespmem:s23+$0x7070]  }
0x27d: {  	v54 =	vld [tilespmem:s23+$0x5080];
	v56 =	vunpack.i.u.bf16.f32 v16;
	v16 =	vunpack.i.l.bf16.f32 v16  }
0x27e: {  	v55 =	vld [tilespmem:s23+$0x7080];
	v16 =	vadd.f32 v16, v56  }
0x27f: {  	v20 =	vmul.bf16 v42, v41;
	v59 =	vmul.bf16 v48, v47;
	v57 =	vld [tilespmem:s23+$0x5090]  }
0x280: {  	v17 =	vmul.bf16 v43, v17;
	v58 =	vld [tilespmem:s23+$0x7090];
	[tilespmem:s1+$0xFFFFFFF0] =	vst v16;
	v16 =	vmul.bf16 v45, v44;
	_ =	sdelay $0x1  }
0x281: {  	v17 =	vadd.bf16 v17, v20;
	v60 =	vld [tilespmem:s23+$0x50A0];
	v16 =	vadd.bf16 v59, v16  }
0x282: {  	v61 =	vld [tilespmem:s23+$0x70A0]  }
0x283: {  	v62 =	vld [tilespmem:s23+$0x50B0];
	v16 =	vadd.bf16 v16, v17  }
0x284: {  	v63 =	vld [tilespmem:s23+$0x70B0]  }
0x285: {  	v36 =	vld [tilespmem:s23+$0x70C0];
	v37 =	vunpack.i.u.bf16.f32 v16;
	v16 =	vunpack.i.l.bf16.f32 v16  }
0x286: {  	v38 =	vld [tilespmem:s23+$0x50D0];
	v16 =	vadd.f32 v16, v37  }
0x287: {  	v25 =	vmul.bf16 v51, v50;
	v24 =	vmul.bf16 v53, v52;
	v39 =	vld [tilespmem:s23+$0x70D0]  }
0x288: {  	v40 =	vmul.bf16 v58, v57;
	v17 =	vld [tilespmem:s23+$0x50C0];
	[tilespmem:s1+$0x0] =	vst v16;
	v16 =	vmul.bf16 v55, v54;
	_ =	sdelay $0x1  }
0x289: {  	v24 =	vadd.bf16 v24, v25;
	v41 =	vld [tilespmem:s23+$0x50E0];
	v16 =	vadd.bf16 v40, v16  }
0x28a: {  	v42 =	vld [tilespmem:s23+$0x70E0]  }
0x28b: {  	v43 =	vld [tilespmem:s23+$0x50F0];
	v16 =	vadd.bf16 v16, v24  }
0x28c: {  	v44 =	vld [tilespmem:s23+$0x70F0]  }
0x28d: {  	v45 =	vld [tilespmem:s23+$0x5100];
	v47 =	vunpack.i.u.bf16.f32 v16;
	v16 =	vunpack.i.l.bf16.f32 v16  }
0x28e: {  	v46 =	vld [tilespmem:s23+$0x7100];
	v16 =	vadd.f32 v16, v47  }
0x28f: {  	v21 =	vmul.bf16 v61, v60;
	v19 =	vmul.bf16 v63, v62;
	v48 =	vld [tilespmem:s23+$0x5110]  }
0x290: {  	v49 =	vld [tilespmem:s23+$0x7110];
	[tilespmem:s1+$0x10] =	vst v16;
	v16 =	vmul.bf16 v36, v17;
	v17 =	vmul.bf16 v39, v38;
	_ =	sdelay $0x1  }
0x291: {  	v19 =	vadd.bf16 v19, v21;
	v50 =	vld [tilespmem:s23+$0x5120];
	v16 =	vadd.bf16 v17, v16  }
0x292: {  	v51 =	vld [tilespmem:s23+$0x7120]  }
0x293: {  	v52 =	vld [tilespmem:s23+$0x7130];
	v16 =	vadd.bf16 v16, v19  }
0x294: {  	v53 =	vld [tilespmem:s23+$0x5140]  }
0x295: {  	v54 =	vld [tilespmem:s23+$0x7140];
	v55 =	vunpack.i.u.bf16.f32 v16;
	v16 =	vunpack.i.l.bf16.f32 v16  }
0x296: {  	v56 =	vld [tilespmem:s23+$0x5150];
	v16 =	vadd.f32 v16, v55  }
0x297: {  	v26 =	vmul.bf16 v42, v41;
	v18 =	vmul.bf16 v44, v43;
	v57 =	vld [tilespmem:s23+$0x7150]  }
0x298: {  	v58 =	vmul.bf16 v49, v48;
	v17 =	vld [tilespmem:s23+$0x5130];
	[tilespmem:s1+$0x20] =	vst v16;
	v16 =	vmul.bf16 v46, v45;
	_ =	sdelay $0x1  }
0x299: {  	v18 =	vadd.bf16 v18, v26;
	v59 =	vld [tilespmem:s23+$0x5160];
	v16 =	vadd.bf16 v58, v16  }
0x29a: {  	v60 =	vld [tilespmem:s23+$0x7160]  }
0x29b: {  	v61 =	vld [tilespmem:s23+$0x5170];
	v16 =	vadd.bf16 v16, v18  }
0x29c: {  	v62 =	vld [tilespmem:s23+$0x7170]  }
0x29d: {  	v63 =	vld [tilespmem:s23+$0x5180];
	v43 =	vunpack.i.u.bf16.f32 v16;
	v16 =	vunpack.i.l.bf16.f32 v16  }
0x29e: {  	v42 =	vld [tilespmem:s23+$0x7180];
	v16 =	vadd.f32 v16, v43  }
0x29f: {  	v20 =	vmul.bf16 v51, v50;
	v17 =	vmul.bf16 v52, v17;
	v44 =	vld [tilespmem:s23+$0x5190]  }
0x2a0: {  	v46 =	vmul.bf16 v57, v56;
	v45 =	vld [tilespmem:s23+$0x7190];
	[tilespmem:s1+$0x30] =	vst v16;
	v16 =	vmul.bf16 v54, v53;
	_ =	sdelay $0x1  }
0x2a1: {  	v17 =	vadd.bf16 v17, v20;
	v47 =	vld [tilespmem:s23+$0x51A0];
	v16 =	vadd.bf16 v46, v16  }
0x2a2: {  	v48 =	vld [tilespmem:s23+$0x71A0]  }
0x2a3: {  	v49 =	vld [tilespmem:s23+$0x51B0];
	v16 =	vadd.bf16 v16, v17  }
0x2a4: {  	v50 =	vld [tilespmem:s23+$0x71B0]  }
0x2a5: {  	v51 =	vld [tilespmem:s23+$0x71C0];
	v52 =	vunpack.i.u.bf16.f32 v16;
	v16 =	vunpack.i.l.bf16.f32 v16  }
0x2a6: {  	v53 =	vld [tilespmem:s23+$0x51D0];
	v16 =	vadd.f32 v16, v52  }
0x2a7: {  	v54 =	vld [tilespmem:s23+$0x71D0]  }
0x2a8: {  	v17 =	vld [tilespmem:s23+$0x51C0];
	[tilespmem:s1+$0x40] =	vst v16  }
0x2a9: {  	v16 =	vld [tilespmem:s23+$0x51E0]  }
0x2aa: {  	v33 =	vld [tilespmem:s23+$0x71E0]  }
0x2ab: {  	v34 =	vld [tilespmem:s23+$0x51F0]  }
0x2ac: {  	v35 =	vld [tilespmem:s23+$0x71F0]  }
0x2ad: {  	v36 =	vld [tilespmem:s23+$0x5200]  }
0x2ae: {  	v37 =	vld [tilespmem:s23+$0x7200]  }
0x2af: {  	v38 =	vld [tilespmem:s23+$0x5210]  }
0x2b0: {  	v25 =	vmul.bf16 v60, v59;
	v24 =	vmul.bf16 v62, v61;
	v39 =	vld [tilespmem:s23+$0x7210]  }
0x2b1: {  	v18 =	vmul.bf16 v42, v63;
	v55 =	vmul.bf16 v45, v44  }
0x2b2: {  	v24 =	vadd.bf16 v24, v25;
	v21 =	vmul.bf16 v48, v47;
	v19 =	vmul.bf16 v50, v49  }
0x2b3: {  	v18 =	vadd.bf16 v55, v18;
	v56 =	vmul.bf16 v54, v53;
	v17 =	vmul.bf16 v51, v17  }
0x2b4: {  	v16 =	vmul.bf16 v33, v16;
	v57 =	vmul.bf16 v35, v34  }
0x2b5: {  	v18 =	vadd.bf16 v18, v24;
	v58 =	vmul.bf16 v37, v36;
	v59 =	vmul.bf16 v39, v38  }
0x2b6: {  	v19 =	vadd.bf16 v19, v21;
	v17 =	vadd.bf16 v56, v17  }
0x2b7: {  	v16 =	vadd.bf16 v57, v16;
	v60 =	vadd.bf16 v59, v58  }
0x2b8: {  	v17 =	vadd.bf16 v17, v19  }
0x2b9: {  	p0 =	sne.s32 s15, $0x7000;
	v61 =	vunpack.i.u.bf16.f32 v18;
	v18 =	vunpack.i.l.bf16.f32 v18;
	v16 =	vadd.bf16 v60, v16  }
.Ltmp5:
0x2ba: {  	v18 =	vadd.f32 v18, v61;
	v62 =	vunpack.i.u.bf16.f32 v17;
	v17 =	vunpack.i.l.bf16.f32 v17;
	(pc) =	sbr.rel @p0 .LBB2_12-.Ltmp5, $4  }
0x2bb: {  	v17 =	vadd.f32 v17, v62;
	v63 =	vunpack.i.u.bf16.f32 v16;
	v16 =	vunpack.i.l.bf16.f32 v16  }
0x2bc: {  	[tilespmem:s1+$0x50] =	vst v18;
	v16 =	vadd.f32 v16, v63  }
0x2bd: {  	[tilespmem:s1+$0x60] =	vst v17  }
0x2be: {  	s15 =	sadd.s32 $0x1000, s15;
	[tilespmem:s1+$0x70] =	vst v16;
	s1 =	sadd.s32 $0x100, s1  }
0x2bf: {  	v16 =	vor.u32 s0, v1  }
0x2c0: {  	v17 =	vor.u32 s0, v0  }
0x2c1: {  	v18 =	vor.u32 s0, v2  }
0x2c2: {  	v19 =	vor.u32 s0, v3  }
0x2c3: {  	v20 =	vor.u32 s0, v4  }
0x2c4: {  	v21 =	vor.u32 s0, v5;
	v16 =	vld.idx.msk [tilespmem:v16+s19+$0x0], $0xffff  }
0x2c5: {  	v22 =	vor.u32 s0, v6;
	v17 =	vld.idx.msk [tilespmem:v17+s19+$0x0], $0xffff  }
0x2c6: {  	v23 =	vor.u32 s0, v7;
	v18 =	vld.idx.msk [tilespmem:v18+s19+$0x0], $0xffff  }
0x2c7: {  	v24 =	vor.u32 s0, v8;
	v19 =	vld.idx.msk [tilespmem:v19+s19+$0x0], $0xffff  }
0x2c8: {  	v25 =	vor.u32 s0, v9;
	v20 =	vld.idx.msk [tilespmem:v20+s19+$0x0], $0xffff  }
0x2c9: {  	v26 =	vor.u32 s0, v10;
	v21 =	vld.idx.msk [tilespmem:v21+s19+$0x0], $0xffff  }
0x2ca: {  	v27 =	vor.u32 s0, v11;
	v22 =	vld.idx.msk [tilespmem:v22+s19+$0x0], $0xffff  }
0x2cb: {  	v28 =	vor.u32 s0, v12;
	v23 =	vld.idx.msk [tilespmem:v23+s19+$0x0], $0xffff  }
0x2cc: {  	v29 =	vor.u32 s0, v13;
	v24 =	vld.idx.msk [tilespmem:v24+s19+$0x0], $0xffff  }
0x2cd: {  	v30 =	vor.u32 s0, v14;
	v25 =	vld.idx.msk [tilespmem:v25+s19+$0x0], $0xffff  }
0x2ce: {  	v31 =	vor.u32 s0, v15;
	v26 =	vld.idx.msk [tilespmem:v26+s19+$0x0], $0xffff  }
0x2cf: {  	v27 =	vld.idx.msk [tilespmem:v27+s19+$0x0], $0xffff  }
0x2d0: {  	v28 =	vld.idx.msk [tilespmem:v28+s19+$0x0], $0xffff  }
0x2d1: {  	v29 =	vld.idx.msk [tilespmem:v29+s19+$0x0], $0xffff  }
0x2d2: {  	v30 =	vld.idx.msk [tilespmem:v30+s19+$0x0], $0xffff  }
0x2d3: {  	v31 =	vld.idx.msk [tilespmem:v31+s19+$0x0], $0xffff;
	_ =	sdelay $0x1  }
0x2d4: {  	v16 =	vadd.f32 v16, v17;
	v17 =	vadd.f32 v19, v18  }
0x2d5: {  	v18 =	vadd.f32 v21, v20;
	v19 =	vadd.f32 v23, v22  }
0x2d6: {  	v20 =	vadd.f32 v25, v24;
	v21 =	vadd.f32 v27, v26  }
0x2d7: {  	v22 =	vadd.f32 v29, v28;
	v23 =	vadd.f32 v31, v30  }
0x2d8: {  	v16 =	vadd.f32 v17, v16;
	v17 =	vadd.f32 v19, v18  }
0x2d9: {  	v18 =	vadd.f32 v21, v20;
	v19 =	vadd.f32 v23, v22;
	_ =	sdelay $0x1  }
0x2da: {  	v16 =	vadd.f32 v17, v16;
	v17 =	vadd.f32 v19, v18;
	_ =	sdelay $0x1  }
0x2db: {  	v16 =	vadd.f32 v17, v16;
	_ =	sdelay $0x1  }
0x2dc: {  	v16 =	vsub.f32 $0.0e+00, v16;
	_ =	sdelay $0x1  }
0x2dd: {  	v16 =	vmul.f32 $1.442695020e+00, v16;
	_ =	sdelay $0x1  }
0x2de: {  	(erf) = vpow2.f32 v16;
	_ =	sdelay $0x8  }
0x2df: {  	v16 =	vpop (erf)  }
0x2e0: {  	v16 =	vadd.f32 $1.000000000e+00, v16;
	_ =	sdelay $0x1  }
0x2e1: {  	(erf) = vrcp.f32 v16;
	_ =	sdelay $0x4  }
0x2e2: {  	s1 =	simm.s32 $0x100  }
0x2e3: {  	v16 =	vor.u32 s1, v1  }
0x2e4: {  	v17 =	vor.u32 s1, v0  }
0x2e5: {  	v18 =	vor.u32 s1, v2  }
0x2e6: {  	s0 =	simm.s32 $0xFC20;
	v19 =	vor.u32 s1, v3;
	v20 =	vpop (erf)  }
0x2e7: {  	v21 =	vor.u32 s1, v4;
	[tilespmem:s0+$0x0] =	vst v20  }
0x2e8: {  	v22 =	vor.u32 s1, v5;
	v16 =	vld.idx.msk [tilespmem:v16+s19+$0x0], $0xffff  }
0x2e9: {  	v23 =	vor.u32 s1, v6;
	v17 =	vld.idx.msk [tilespmem:v17+s19+$0x0], $0xffff  }
0x2ea: {  	v24 =	vor.u32 s1, v7;
	v18 =	vld.idx.msk [tilespmem:v18+s19+$0x0], $0xffff  }
0x2eb: {  	v25 =	vor.u32 s1, v8;
	v19 =	vld.idx.msk [tilespmem:v19+s19+$0x0], $0xffff  }
0x2ec: {  	v26 =	vor.u32 s1, v9;
	v20 =	vld.idx.msk [tilespmem:v21+s19+$0x0], $0xffff  }
0x2ed: {  	v31 =	vor.u32 s1, v10;
	v21 =	vld.idx.msk [tilespmem:v22+s19+$0x0], $0xffff  }
0x2ee: {  	v27 =	vor.u32 s1, v11;
	v22 =	vld.idx.msk [tilespmem:v23+s19+$0x0], $0xffff  }
0x2ef: {  	v28 =	vor.u32 s1, v12;
	v23 =	vld.idx.msk [tilespmem:v24+s19+$0x0], $0xffff  }
0x2f0: {  	v29 =	vor.u32 s1, v13;
	v24 =	vld.idx.msk [tilespmem:v25+s19+$0x0], $0xffff  }
0x2f1: {  	v30 =	vor.u32 s1, v14;
	v25 =	vld.idx.msk [tilespmem:v26+s19+$0x0], $0xffff  }
0x2f2: {  	v26 =	vld.idx.msk [tilespmem:v31+s19+$0x0], $0xffff;
	v31 =	vor.u32 s1, v15;
	s1 =	simm.s32 $0x200  }
.LBB2_14:
0x2f3: {  	p0 =	sne.s32 s1, $0x700;
	v27 =	vld.idx.msk [tilespmem:v27+s19+$0x0], $0xffff  }
0x2f4: {  	v28 =	vld.idx.msk [tilespmem:v28+s19+$0x0], $0xffff  }
0x2f5: {  	v29 =	vld.idx.msk [tilespmem:v29+s19+$0x0], $0xffff  }
0x2f6: {  	v30 =	vld.idx.msk [tilespmem:v30+s19+$0x0], $0xffff  }
0x2f7: {  	v31 =	vld.idx.msk [tilespmem:v31+s19+$0x0], $0xffff;
	_ =	sdelay $0x2  }
0x2f8: {  	v16 =	vadd.f32 v16, v17;
	v17 =	vadd.f32 v19, v18  }
0x2f9: {  	v18 =	vadd.f32 v21, v20;
	v19 =	vadd.f32 v23, v22  }
0x2fa: {  	v20 =	vadd.f32 v25, v24;
	v21 =	vadd.f32 v27, v26  }
0x2fb: {  	v22 =	vadd.f32 v29, v28;
	v23 =	vadd.f32 v31, v30  }
0x2fc: {  	v16 =	vadd.f32 v17, v16;
	v17 =	vadd.f32 v19, v18  }
0x2fd: {  	v18 =	vadd.f32 v21, v20;
	v19 =	vadd.f32 v23, v22;
	_ =	sdelay $0x1  }
0x2fe: {  	v16 =	vadd.f32 v17, v16;
	v17 =	vadd.f32 v19, v18;
	_ =	sdelay $0x1  }
0x2ff: {  	v16 =	vadd.f32 v17, v16;
	_ =	sdelay $0x1  }
0x300: {  	v16 =	vsub.f32 $0.0e+00, v16;
	_ =	sdelay $0x1  }
0x301: {  	v16 =	vmul.f32 $1.442695020e+00, v16;
	_ =	sdelay $0x1  }
0x302: {  	(erf) = vpow2.f32 v16;
	_ =	sdelay $0x8  }
0x303: {  	v16 =	vpop (erf)  }
0x304: {  	v16 =	vadd.f32 $1.000000000e+00, v16;
	_ =	sdelay $0x1  }
0x305: {  	(erf) = vrcp.f32 v16;
	_ =	sdelay $0x5  }
0x306: {  	v16 =	vor.u32 s1, v1  }
0x307: {  	v17 =	vor.u32 s1, v0  }
0x308: {  	v18 =	vor.u32 s1, v2  }
0x309: {  	s0 =	sadd.s32 $0x10, s0;
	v19 =	vor.u32 s1, v3;
	v20 =	vpop (erf)  }
0x30a: {  	v21 =	vor.u32 s1, v4;
	[tilespmem:s0+$0x0] =	vst v20  }
0x30b: {  	v22 =	vor.u32 s1, v5;
	v16 =	vld.idx.msk [tilespmem:v16+s19+$0x0], $0xffff  }
0x30c: {  	v23 =	vor.u32 s1, v6;
	v17 =	vld.idx.msk [tilespmem:v17+s19+$0x0], $0xffff  }
0x30d: {  	v24 =	vor.u32 s1, v7;
	v18 =	vld.idx.msk [tilespmem:v18+s19+$0x0], $0xffff  }
0x30e: {  	v25 =	vor.u32 s1, v8;
	v19 =	vld.idx.msk [tilespmem:v19+s19+$0x0], $0xffff  }
0x30f: {  	v26 =	vor.u32 s1, v9;
	v20 =	vld.idx.msk [tilespmem:v21+s19+$0x0], $0xffff  }
0x310: {  	v31 =	vor.u32 s1, v10;
	v21 =	vld.idx.msk [tilespmem:v22+s19+$0x0], $0xffff  }
.Ltmp6:
0x311: {  	v27 =	vor.u32 s1, v11;
	v22 =	vld.idx.msk [tilespmem:v23+s19+$0x0], $0xffff;
	(pc) =	sbr.rel @p0 .LBB2_14-.Ltmp6, $4  }
0x312: {  	v28 =	vor.u32 s1, v12;
	v23 =	vld.idx.msk [tilespmem:v24+s19+$0x0], $0xffff  }
0x313: {  	v29 =	vor.u32 s1, v13;
	v24 =	vld.idx.msk [tilespmem:v25+s19+$0x0], $0xffff  }
0x314: {  	v30 =	vor.u32 s1, v14;
	v25 =	vld.idx.msk [tilespmem:v26+s19+$0x0], $0xffff  }
0x315: {  	v26 =	vld.idx.msk [tilespmem:v31+s19+$0x0], $0xffff;
	v31 =	vor.u32 s1, v15;
	s1 =	sadd.s32 $0x100, s1  }
0x316: {  	_ =	sdelay $0x3  }
0x317: {  	v27 =	vld.idx.msk [tilespmem:v27+s19+$0x0], $0xffff  }
0x318: {  	v28 =	vld.idx.msk [tilespmem:v28+s19+$0x0], $0xffff  }
0x319: {  	v29 =	vld.idx.msk [tilespmem:v29+s19+$0x0], $0xffff  }
0x31a: {  	v30 =	vld.idx.msk [tilespmem:v30+s19+$0x0], $0xffff  }
0x31b: {  	v31 =	vld.idx.msk [tilespmem:v31+s19+$0x0], $0xffff;
	_ =	sdelay $0x1  }
0x31c: {  	v16 =	vadd.f32 v16, v17;
	v17 =	vadd.f32 v19, v18  }
0x31d: {  	v56 =	vadd.f32 v21, v20;
	v57 =	vadd.f32 v23, v22  }
0x31e: {  	v58 =	vadd.f32 v25, v24;
	v59 =	vadd.f32 v27, v26  }
0x31f: {  	v60 =	vadd.f32 v29, v28;
	v61 =	vadd.f32 v31, v30  }
0x320: {  	v16 =	vadd.f32 v17, v16;
	v17 =	vadd.f32 v57, v56  }
0x321: {  	v62 =	vadd.f32 v59, v58;
	v63 =	vadd.f32 v61, v60;
	_ =	sdelay $0x1  }
0x322: {  	v16 =	vadd.f32 v17, v16;
	v17 =	vadd.f32 v63, v62;
	_ =	sdelay $0x1  }
0x323: {  	v16 =	vadd.f32 v17, v16;
	_ =	sdelay $0x1  }
0x324: {  	v16 =	vsub.f32 $0.0e+00, v16;
	_ =	sdelay $0x1  }
0x325: {  	v16 =	vmul.f32 $1.442695020e+00, v16;
	_ =	sdelay $0x1  }
0x326: {  	(erf) = vpow2.f32 v16;
	_ =	sdelay $0x8  }
0x327: {  	v16 =	vpop (erf)  }
0x328: {  	v16 =	vadd.f32 $1.000000000e+00, v16;
	_ =	sdelay $0x1  }
0x329: {  	(erf) = vrcp.f32 v16;
	_ =	sdelay $0x8  }
0x32a: {  	s0 =	sadd.s32 $0x10, s0;
	v16 =	vpop (erf)  }
0x32b: {  	s25 =	simm.s32 $0x2700;
	s1 =	simm.s32 $0xCE20;
	[tilespmem:s0+$0x0] =	vst v16  }
0x32c: {  	[tilespmem:s1], [sflag:$0x5] =	stream.indirect.gather [hbm4b:s3+s22], $0x40, s25, s22, $0xb8;
	[tilespmem:$0x10530] =	vst v63  }
0x32d: {  	s26 =	simm.s32 $0x4E10;
	s30 =	simm.s32 $0xD220  }
0x32e: {  	[tilespmem:s30], [sflag:$0x6] =	stream.indirect.gather [hbm4b:s4+s22], $0x40, s26, s22, $0xb8;
	[tilespmem:$0x10530] =	vst v63  }
0x32f: {  	_ =	swait.ge [sflag:s20], $0x2000  }
0x330: {  	[sflag:s20] =	ssyncset.done $0x0  }
0x331: {  	[sflag:s20] =	ssyncadd.s32 $0xFFFFE000  }
0x332: {  	_ =	swait.ge [sflag:s21], $0x2000  }
0x333: {  	s15 =	simm.s32 $0x0;
	[sflag:s21] =	ssyncset.done $0x0  }
0x334: {  	s0 =	simm.s32 $0x0;
	s1 =	simm.s32 $0xFDB0;
	[sflag:s21] =	ssyncadd.s32 $0xFFFFE000  }
.LBB2_16:
0x335: {  	s23 =	sshra.s32 s15, $0x2  }
0x336: {  	v16 =	vld [tilespmem:s23+$0x8E20]  }
0x337: {  	v17 =	vld [tilespmem:s23+$0xAE20]  }
0x338: {  	v18 =	vld [tilespmem:s23+$0x8E30]  }
0x339: {  	v19 =	vld [tilespmem:s23+$0xAE30]  }
0x33a: {  	v20 =	vld [tilespmem:s23+$0x8E40]  }
0x33b: {  	v21 =	vld [tilespmem:s23+$0xAE40]  }
0x33c: {  	v22 =	vld [tilespmem:s23+$0x8E50]  }
0x33d: {  	v23 =	vld [tilespmem:s23+$0xAE50]  }
0x33e: {  	v24 =	vld [tilespmem:s23+$0x8E60]  }
0x33f: {  	v25 =	vld [tilespmem:s23+$0xAE60]  }
0x340: {  	v26 =	vld [tilespmem:s23+$0x8E70]  }
0x341: {  	v27 =	vld [tilespmem:s23+$0xAE70]  }
0x342: {  	v28 =	vld [tilespmem:s23+$0x8E80]  }
0x343: {  	v29 =	vld [tilespmem:s23+$0xAE80];
	v16 =	vmul.bf16 v17, v16;
	v17 =	vmul.bf16 v19, v18  }
0x344: {  	v30 =	vld [tilespmem:s23+$0x8E90];
	v42 =	vmul.bf16 v21, v20;
	v43 =	vmul.bf16 v23, v22  }
0x345: {  	v41 =	vld [tilespmem:s23+$0xAE90]  }
0x346: {  	v44 =	vld [tilespmem:s23+$0x8EA0];
	v16 =	vadd.bf16 v17, v16;
	v17 =	vadd.bf16 v43, v42  }
0x347: {  	v45 =	vld [tilespmem:s23+$0xAEA0]  }
0x348: {  	v46 =	vld [tilespmem:s23+$0x8EB0];
	v16 =	vadd.bf16 v17, v16  }
0x349: {  	v47 =	vld [tilespmem:s23+$0xAEB0]  }
0x34a: {  	v48 =	vld [tilespmem:s23+$0xAEC0];
	v31 =	vunpack.i.u.bf16.f32 v16;
	v16 =	vunpack.i.l.bf16.f32 v16  }
0x34b: {  	v32 =	vld [tilespmem:s23+$0x8ED0];
	v16 =	vadd.f32 v16, v31  }
0x34c: {  	v49 =	vld [tilespmem:s23+$0xAED0];
	v24 =	vmul.bf16 v25, v24;
	v50 =	vmul.bf16 v27, v26  }
0x34d: {  	v18 =	vmul.bf16 v41, v30;
	v17 =	vld [tilespmem:s23+$0x8EC0];
	[tilespmem:s1+$0xFFFFFF80] =	vst v16;
	v16 =	vmul.bf16 v29, v28;
	_ =	sdelay $0x1  }
0x34e: {  	v24 =	vadd.bf16 v50, v24;
	v51 =	vld [tilespmem:s23+$0x8EE0];
	v16 =	vadd.bf16 v18, v16  }
0x34f: {  	v52 =	vld [tilespmem:s23+$0xAEE0]  }
0x350: {  	v53 =	vld [tilespmem:s23+$0x8EF0];
	v16 =	vadd.bf16 v16, v24  }
0x351: {  	v54 =	vld [tilespmem:s23+$0xAEF0]  }
0x352: {  	v55 =	vld [tilespmem:s23+$0x8F00];
	v57 =	vunpack.i.u.bf16.f32 v16;
	v16 =	vunpack.i.l.bf16.f32 v16  }
0x353: {  	v56 =	vld [tilespmem:s23+$0xAF00];
	v16 =	vadd.f32 v16, v57  }
0x354: {  	v21 =	vmul.bf16 v45, v44;
	v19 =	vmul.bf16 v47, v46;
	v58 =	vld [tilespmem:s23+$0x8F10]  }
0x355: {  	v59 =	vld [tilespmem:s23+$0xAF10];
	[tilespmem:s1+$0xFFFFFF90] =	vst v16;
	v16 =	vmul.bf16 v48, v17;
	v17 =	vmul.bf16 v49, v32;
	_ =	sdelay $0x1  }
0x356: {  	v19 =	vadd.bf16 v19, v21;
	v60 =	vld [tilespmem:s23+$0x8F20];
	v16 =	vadd.bf16 v17, v16  }
0x357: {  	v61 =	vld [tilespmem:s23+$0xAF20]  }
0x358: {  	v62 =	vld [tilespmem:s23+$0xAF30];
	v16 =	vadd.bf16 v16, v19  }
0x359: {  	v63 =	vld [tilespmem:s23+$0x8F40]  }
0x35a: {  	v36 =	vld [tilespmem:s23+$0xAF40];
	v37 =	vunpack.i.u.bf16.f32 v16;
	v16 =	vunpack.i.l.bf16.f32 v16  }
0x35b: {  	v38 =	vld [tilespmem:s23+$0x8F50];
	v16 =	vadd.f32 v16, v37  }
0x35c: {  	v26 =	vmul.bf16 v52, v51;
	v18 =	vmul.bf16 v54, v53;
	v39 =	vld [tilespmem:s23+$0xAF50]  }
0x35d: {  	v40 =	vmul.bf16 v59, v58;
	v17 =	vld [tilespmem:s23+$0x8F30];
	[tilespmem:s1+$0xFFFFFFA0] =	vst v16;
	v16 =	vmul.bf16 v56, v55;
	_ =	sdelay $0x1  }
0x35e: {  	v18 =	vadd.bf16 v18, v26;
	v41 =	vld [tilespmem:s23+$0x8F60];
	v16 =	vadd.bf16 v40, v16  }
0x35f: {  	v42 =	vld [tilespmem:s23+$0xAF60]  }
0x360: {  	v43 =	vld [tilespmem:s23+$0x8F70];
	v16 =	vadd.bf16 v16, v18  }
0x361: {  	v44 =	vld [tilespmem:s23+$0xAF70]  }
0x362: {  	v45 =	vld [tilespmem:s23+$0x8F80];
	v47 =	vunpack.i.u.bf16.f32 v16;
	v16 =	vunpack.i.l.bf16.f32 v16  }
0x363: {  	v46 =	vld [tilespmem:s23+$0xAF80];
	v16 =	vadd.f32 v16, v47  }
0x364: {  	v20 =	vmul.bf16 v61, v60;
	v50 =	vmul.bf16 v39, v38;
	v48 =	vld [tilespmem:s23+$0x8F90]  }
0x365: {  	v17 =	vmul.bf16 v62, v17;
	v49 =	vld [tilespmem:s23+$0xAF90];
	[tilespmem:s1+$0xFFFFFFB0] =	vst v16;
	v16 =	vmul.bf16 v36, v63;
	_ =	sdelay $0x1  }
0x366: {  	v17 =	vadd.bf16 v17, v20;
	v51 =	vld [tilespmem:s23+$0x8FA0];
	v16 =	vadd.bf16 v50, v16  }
0x367: {  	v52 =	vld [tilespmem:s23+$0xAFA0]  }
0x368: {  	v53 =	vld [tilespmem:s23+$0x8FB0];
	v16 =	vadd.bf16 v16, v17  }
0x369: {  	v54 =	vld [tilespmem:s23+$0xAFB0]  }
0x36a: {  	v55 =	vld [tilespmem:s23+$0xAFC0];
	v56 =	vunpack.i.u.bf16.f32 v16;
	v16 =	vunpack.i.l.bf16.f32 v16  }
0x36b: {  	v57 =	vld [tilespmem:s23+$0x8FD0];
	v16 =	vadd.f32 v16, v56  }
0x36c: {  	v25 =	vmul.bf16 v42, v41;
	v24 =	vmul.bf16 v44, v43;
	v58 =	vld [tilespmem:s23+$0xAFD0]  }
0x36d: {  	v59 =	vmul.bf16 v49, v48;
	v17 =	vld [tilespmem:s23+$0x8FC0];
	[tilespmem:s1+$0xFFFFFFC0] =	vst v16;
	v16 =	vmul.bf16 v46, v45;
	_ =	sdelay $0x1  }
0x36e: {  	v24 =	vadd.bf16 v24, v25;
	v60 =	vld [tilespmem:s23+$0x8FE0];
	v16 =	vadd.bf16 v59, v16  }
0x36f: {  	v61 =	vld [tilespmem:s23+$0xAFE0]  }
0x370: {  	v62 =	vld [tilespmem:s23+$0x8FF0];
	v16 =	vadd.bf16 v16, v24  }
0x371: {  	v63 =	vld [tilespmem:s23+$0xAFF0]  }
0x372: {  	v36 =	vld [tilespmem:s23+$0x9000];
	v38 =	vunpack.i.u.bf16.f32 v16;
	v16 =	vunpack.i.l.bf16.f32 v16  }
0x373: {  	v37 =	vld [tilespmem:s23+$0xB000];
	v16 =	vadd.f32 v16, v38  }
0x374: {  	v21 =	vmul.bf16 v52, v51;
	v19 =	vmul.bf16 v54, v53;
	v39 =	vld [tilespmem:s23+$0x9010]  }
0x375: {  	v40 =	vld [tilespmem:s23+$0xB010];
	[tilespmem:s1+$0xFFFFFFD0] =	vst v16;
	v16 =	vmul.bf16 v55, v17;
	v17 =	vmul.bf16 v58, v57;
	_ =	sdelay $0x1  }
0x376: {  	v19 =	vadd.bf16 v19, v21;
	v41 =	vld [tilespmem:s23+$0x9020];
	v16 =	vadd.bf16 v17, v16  }
0x377: {  	v42 =	vld [tilespmem:s23+$0xB020]  }
0x378: {  	v43 =	vld [tilespmem:s23+$0xB030];
	v16 =	vadd.bf16 v16, v19  }
0x379: {  	v44 =	vld [tilespmem:s23+$0x9040]  }
0x37a: {  	v45 =	vld [tilespmem:s23+$0xB040];
	v46 =	vunpack.i.u.bf16.f32 v16;
	v16 =	vunpack.i.l.bf16.f32 v16  }
0x37b: {  	v47 =	vld [tilespmem:s23+$0x9050];
	v16 =	vadd.f32 v16, v46  }
0x37c: {  	v26 =	vmul.bf16 v61, v60;
	v18 =	vmul.bf16 v63, v62;
	v48 =	vld [tilespmem:s23+$0xB050]  }
0x37d: {  	v49 =	vmul.bf16 v40, v39;
	v17 =	vld [tilespmem:s23+$0x9030];
	[tilespmem:s1+$0xFFFFFFE0] =	vst v16;
	v16 =	vmul.bf16 v37, v36;
	_ =	sdelay $0x1  }
0x37e: {  	v18 =	vadd.bf16 v18, v26;
	v50 =	vld [tilespmem:s23+$0x9060];
	v16 =	vadd.bf16 v49, v16  }
0x37f: {  	v51 =	vld [tilespmem:s23+$0xB060]  }
0x380: {  	v52 =	vld [tilespmem:s23+$0x9070];
	v16 =	vadd.bf16 v16, v18  }
0x381: {  	v53 =	vld [tilespmem:s23+$0xB070]  }
0x382: {  	v54 =	vld [tilespmem:s23+$0x9080];
	v56 =	vunpack.i.u.bf16.f32 v16;
	v16 =	vunpack.i.l.bf16.f32 v16  }
0x383: {  	v55 =	vld [tilespmem:s23+$0xB080];
	v16 =	vadd.f32 v16, v56  }
0x384: {  	v20 =	vmul.bf16 v42, v41;
	v59 =	vmul.bf16 v48, v47;
	v57 =	vld [tilespmem:s23+$0x9090]  }
0x385: {  	v17 =	vmul.bf16 v43, v17;
	v58 =	vld [tilespmem:s23+$0xB090];
	[tilespmem:s1+$0xFFFFFFF0] =	vst v16;
	v16 =	vmul.bf16 v45, v44;
	_ =	sdelay $0x1  }
0x386: {  	v17 =	vadd.bf16 v17, v20;
	v60 =	vld [tilespmem:s23+$0x90A0];
	v16 =	vadd.bf16 v59, v16  }
0x387: {  	v61 =	vld [tilespmem:s23+$0xB0A0]  }
0x388: {  	v62 =	vld [tilespmem:s23+$0x90B0];
	v16 =	vadd.bf16 v16, v17  }
0x389: {  	v63 =	vld [tilespmem:s23+$0xB0B0]  }
0x38a: {  	v36 =	vld [tilespmem:s23+$0xB0C0];
	v37 =	vunpack.i.u.bf16.f32 v16;
	v16 =	vunpack.i.l.bf16.f32 v16  }
0x38b: {  	v38 =	vld [tilespmem:s23+$0x90D0];
	v16 =	vadd.f32 v16, v37  }
0x38c: {  	v25 =	vmul.bf16 v51, v50;
	v24 =	vmul.bf16 v53, v52;
	v39 =	vld [tilespmem:s23+$0xB0D0]  }
0x38d: {  	v40 =	vmul.bf16 v58, v57;
	v17 =	vld [tilespmem:s23+$0x90C0];
	[tilespmem:s1+$0x0] =	vst v16;
	v16 =	vmul.bf16 v55, v54;
	_ =	sdelay $0x1  }
0x38e: {  	v24 =	vadd.bf16 v24, v25;
	v41 =	vld [tilespmem:s23+$0x90E0];
	v16 =	vadd.bf16 v40, v16  }
0x38f: {  	v42 =	vld [tilespmem:s23+$0xB0E0]  }
0x390: {  	v43 =	vld [tilespmem:s23+$0x90F0];
	v16 =	vadd.bf16 v16, v24  }
0x391: {  	v44 =	vld [tilespmem:s23+$0xB0F0]  }
0x392: {  	v45 =	vld [tilespmem:s23+$0x9100];
	v47 =	vunpack.i.u.bf16.f32 v16;
	v16 =	vunpack.i.l.bf16.f32 v16  }
0x393: {  	v46 =	vld [tilespmem:s23+$0xB100];
	v16 =	vadd.f32 v16, v47  }
0x394: {  	v21 =	vmul.bf16 v61, v60;
	v19 =	vmul.bf16 v63, v62;
	v48 =	vld [tilespmem:s23+$0x9110]  }
0x395: {  	v49 =	vld [tilespmem:s23+$0xB110];
	[tilespmem:s1+$0x10] =	vst v16;
	v16 =	vmul.bf16 v36, v17;
	v17 =	vmul.bf16 v39, v38;
	_ =	sdelay $0x1  }
0x396: {  	v19 =	vadd.bf16 v19, v21;
	v50 =	vld [tilespmem:s23+$0x9120];
	v16 =	vadd.bf16 v17, v16  }
0x397: {  	v51 =	vld [tilespmem:s23+$0xB120]  }
0x398: {  	v52 =	vld [tilespmem:s23+$0xB130];
	v16 =	vadd.bf16 v16, v19  }
0x399: {  	v53 =	vld [tilespmem:s23+$0x9140]  }
0x39a: {  	v54 =	vld [tilespmem:s23+$0xB140];
	v55 =	vunpack.i.u.bf16.f32 v16;
	v16 =	vunpack.i.l.bf16.f32 v16  }
0x39b: {  	v56 =	vld [tilespmem:s23+$0x9150];
	v16 =	vadd.f32 v16, v55  }
0x39c: {  	v26 =	vmul.bf16 v42, v41;
	v18 =	vmul.bf16 v44, v43;
	v57 =	vld [tilespmem:s23+$0xB150]  }
0x39d: {  	v58 =	vmul.bf16 v49, v48;
	v17 =	vld [tilespmem:s23+$0x9130];
	[tilespmem:s1+$0x20] =	vst v16;
	v16 =	vmul.bf16 v46, v45;
	_ =	sdelay $0x1  }
0x39e: {  	v18 =	vadd.bf16 v18, v26;
	v59 =	vld [tilespmem:s23+$0x9160];
	v16 =	vadd.bf16 v58, v16  }
0x39f: {  	v60 =	vld [tilespmem:s23+$0xB160]  }
0x3a0: {  	v61 =	vld [tilespmem:s23+$0x9170];
	v16 =	vadd.bf16 v16, v18  }
0x3a1: {  	v62 =	vld [tilespmem:s23+$0xB170]  }
0x3a2: {  	v63 =	vld [tilespmem:s23+$0x9180];
	v43 =	vunpack.i.u.bf16.f32 v16;
	v16 =	vunpack.i.l.bf16.f32 v16  }
0x3a3: {  	v42 =	vld [tilespmem:s23+$0xB180];
	v16 =	vadd.f32 v16, v43  }
0x3a4: {  	v20 =	vmul.bf16 v51, v50;
	v17 =	vmul.bf16 v52, v17;
	v44 =	vld [tilespmem:s23+$0x9190]  }
0x3a5: {  	v46 =	vmul.bf16 v57, v56;
	v45 =	vld [tilespmem:s23+$0xB190];
	[tilespmem:s1+$0x30] =	vst v16;
	v16 =	vmul.bf16 v54, v53;
	_ =	sdelay $0x1  }
0x3a6: {  	v17 =	vadd.bf16 v17, v20;
	v47 =	vld [tilespmem:s23+$0x91A0];
	v16 =	vadd.bf16 v46, v16  }
0x3a7: {  	v48 =	vld [tilespmem:s23+$0xB1A0]  }
0x3a8: {  	v49 =	vld [tilespmem:s23+$0x91B0];
	v16 =	vadd.bf16 v16, v17  }
0x3a9: {  	v50 =	vld [tilespmem:s23+$0xB1B0]  }
0x3aa: {  	v51 =	vld [tilespmem:s23+$0xB1C0];
	v52 =	vunpack.i.u.bf16.f32 v16;
	v16 =	vunpack.i.l.bf16.f32 v16  }
0x3ab: {  	v53 =	vld [tilespmem:s23+$0x91D0];
	v16 =	vadd.f32 v16, v52  }
0x3ac: {  	v54 =	vld [tilespmem:s23+$0xB1D0]  }
0x3ad: {  	v17 =	vld [tilespmem:s23+$0x91C0];
	[tilespmem:s1+$0x40] =	vst v16  }
0x3ae: {  	v16 =	vld [tilespmem:s23+$0x91E0]  }
0x3af: {  	v33 =	vld [tilespmem:s23+$0xB1E0]  }
0x3b0: {  	v34 =	vld [tilespmem:s23+$0x91F0]  }
0x3b1: {  	v35 =	vld [tilespmem:s23+$0xB1F0]  }
0x3b2: {  	v36 =	vld [tilespmem:s23+$0x9200]  }
0x3b3: {  	v37 =	vld [tilespmem:s23+$0xB200]  }
0x3b4: {  	v38 =	vld [tilespmem:s23+$0x9210]  }
0x3b5: {  	v25 =	vmul.bf16 v60, v59;
	v24 =	vmul.bf16 v62, v61;
	v39 =	vld [tilespmem:s23+$0xB210]  }
0x3b6: {  	v18 =	vmul.bf16 v42, v63;
	v55 =	vmul.bf16 v45, v44  }
0x3b7: {  	v24 =	vadd.bf16 v24, v25;
	v21 =	vmul.bf16 v48, v47;
	v19 =	vmul.bf16 v50, v49  }
0x3b8: {  	v18 =	vadd.bf16 v55, v18;
	v56 =	vmul.bf16 v54, v53;
	v17 =	vmul.bf16 v51, v17  }
0x3b9: {  	v16 =	vmul.bf16 v33, v16;
	v57 =	vmul.bf16 v35, v34  }
0x3ba: {  	v18 =	vadd.bf16 v18, v24;
	v58 =	vmul.bf16 v37, v36;
	v59 =	vmul.bf16 v39, v38  }
0x3bb: {  	v19 =	vadd.bf16 v19, v21;
	v17 =	vadd.bf16 v56, v17  }
0x3bc: {  	v16 =	vadd.bf16 v57, v16;
	v60 =	vadd.bf16 v59, v58  }
0x3bd: {  	v17 =	vadd.bf16 v17, v19  }
0x3be: {  	p0 =	sne.s32 s15, $0x7000;
	v61 =	vunpack.i.u.bf16.f32 v18;
	v18 =	vunpack.i.l.bf16.f32 v18;
	v16 =	vadd.bf16 v60, v16  }
.Ltmp7:
0x3bf: {  	v18 =	vadd.f32 v18, v61;
	v62 =	vunpack.i.u.bf16.f32 v17;
	v17 =	vunpack.i.l.bf16.f32 v17;
	(pc) =	sbr.rel @p0 .LBB2_16-.Ltmp7, $4  }
0x3c0: {  	v17 =	vadd.f32 v17, v62;
	v63 =	vunpack.i.u.bf16.f32 v16;
	v16 =	vunpack.i.l.bf16.f32 v16  }
0x3c1: {  	[tilespmem:s1+$0x50] =	vst v18;
	v16 =	vadd.f32 v16, v63  }
0x3c2: {  	[tilespmem:s1+$0x60] =	vst v17  }
0x3c3: {  	s15 =	sadd.s32 $0x1000, s15;
	[tilespmem:s1+$0x70] =	vst v16;
	s1 =	sadd.s32 $0x100, s1  }
0x3c4: {  	v16 =	vor.u32 s0, v1  }
0x3c5: {  	v17 =	vor.u32 s0, v0  }
0x3c6: {  	v18 =	vor.u32 s0, v2  }
0x3c7: {  	v19 =	vor.u32 s0, v3  }
0x3c8: {  	v20 =	vor.u32 s0, v4  }
0x3c9: {  	v21 =	vor.u32 s0, v5;
	v16 =	vld.idx.msk [tilespmem:v16+s19+$0x0], $0xffff  }
0x3ca: {  	v22 =	vor.u32 s0, v6;
	v17 =	vld.idx.msk [tilespmem:v17+s19+$0x0], $0xffff  }
0x3cb: {  	v23 =	vor.u32 s0, v7;
	v18 =	vld.idx.msk [tilespmem:v18+s19+$0x0], $0xffff  }
0x3cc: {  	v24 =	vor.u32 s0, v8;
	v19 =	vld.idx.msk [tilespmem:v19+s19+$0x0], $0xffff  }
0x3cd: {  	v25 =	vor.u32 s0, v9;
	v20 =	vld.idx.msk [tilespmem:v20+s19+$0x0], $0xffff  }
0x3ce: {  	v26 =	vor.u32 s0, v10;
	v21 =	vld.idx.msk [tilespmem:v21+s19+$0x0], $0xffff  }
0x3cf: {  	v27 =	vor.u32 s0, v11;
	v22 =	vld.idx.msk [tilespmem:v22+s19+$0x0], $0xffff  }
0x3d0: {  	v28 =	vor.u32 s0, v12;
	v23 =	vld.idx.msk [tilespmem:v23+s19+$0x0], $0xffff  }
0x3d1: {  	v29 =	vor.u32 s0, v13;
	v24 =	vld.idx.msk [tilespmem:v24+s19+$0x0], $0xffff  }
0x3d2: {  	v30 =	vor.u32 s0, v14;
	v25 =	vld.idx.msk [tilespmem:v25+s19+$0x0], $0xffff  }
0x3d3: {  	v31 =	vor.u32 s0, v15;
	v26 =	vld.idx.msk [tilespmem:v26+s19+$0x0], $0xffff  }
0x3d4: {  	v27 =	vld.idx.msk [tilespmem:v27+s19+$0x0], $0xffff  }
0x3d5: {  	v28 =	vld.idx.msk [tilespmem:v28+s19+$0x0], $0xffff  }
0x3d6: {  	v29 =	vld.idx.msk [tilespmem:v29+s19+$0x0], $0xffff  }
0x3d7: {  	v30 =	vld.idx.msk [tilespmem:v30+s19+$0x0], $0xffff  }
0x3d8: {  	v31 =	vld.idx.msk [tilespmem:v31+s19+$0x0], $0xffff;
	_ =	sdelay $0x1  }
0x3d9: {  	v16 =	vadd.f32 v16, v17;
	v17 =	vadd.f32 v19, v18  }
0x3da: {  	v18 =	vadd.f32 v21, v20;
	v19 =	vadd.f32 v23, v22  }
0x3db: {  	v20 =	vadd.f32 v25, v24;
	v21 =	vadd.f32 v27, v26  }
0x3dc: {  	v22 =	vadd.f32 v29, v28;
	v23 =	vadd.f32 v31, v30  }
0x3dd: {  	v16 =	vadd.f32 v17, v16;
	v17 =	vadd.f32 v19, v18  }
0x3de: {  	v18 =	vadd.f32 v21, v20;
	v19 =	vadd.f32 v23, v22;
	_ =	sdelay $0x1  }
0x3df: {  	v16 =	vadd.f32 v17, v16;
	v17 =	vadd.f32 v19, v18;
	_ =	sdelay $0x1  }
0x3e0: {  	v16 =	vadd.f32 v17, v16;
	_ =	sdelay $0x1  }
0x3e1: {  	v16 =	vsub.f32 $0.0e+00, v16;
	_ =	sdelay $0x1  }
0x3e2: {  	v16 =	vmul.f32 $1.442695020e+00, v16;
	_ =	sdelay $0x1  }
0x3e3: {  	(erf) = vpow2.f32 v16;
	_ =	sdelay $0x8  }
0x3e4: {  	v16 =	vpop (erf)  }
0x3e5: {  	v16 =	vadd.f32 $1.000000000e+00, v16;
	_ =	sdelay $0x1  }
0x3e6: {  	(erf) = vrcp.f32 v16;
	_ =	sdelay $0x4  }
0x3e7: {  	s1 =	simm.s32 $0x100  }
0x3e8: {  	v16 =	vor.u32 s1, v1  }
0x3e9: {  	v17 =	vor.u32 s1, v0  }
0x3ea: {  	v18 =	vor.u32 s1, v2  }
0x3eb: {  	s0 =	simm.s32 $0xFCA0;
	v19 =	vor.u32 s1, v3;
	v20 =	vpop (erf)  }
0x3ec: {  	v21 =	vor.u32 s1, v4;
	[tilespmem:s0+$0x0] =	vst v20  }
0x3ed: {  	v22 =	vor.u32 s1, v5;
	v16 =	vld.idx.msk [tilespmem:v16+s19+$0x0], $0xffff  }
0x3ee: {  	v23 =	vor.u32 s1, v6;
	v17 =	vld.idx.msk [tilespmem:v17+s19+$0x0], $0xffff  }
0x3ef: {  	v24 =	vor.u32 s1, v7;
	v18 =	vld.idx.msk [tilespmem:v18+s19+$0x0], $0xffff  }
0x3f0: {  	v25 =	vor.u32 s1, v8;
	v19 =	vld.idx.msk [tilespmem:v19+s19+$0x0], $0xffff  }
0x3f1: {  	v26 =	vor.u32 s1, v9;
	v20 =	vld.idx.msk [tilespmem:v21+s19+$0x0], $0xffff  }
0x3f2: {  	v31 =	vor.u32 s1, v10;
	v21 =	vld.idx.msk [tilespmem:v22+s19+$0x0], $0xffff  }
0x3f3: {  	v27 =	vor.u32 s1, v11;
	v22 =	vld.idx.msk [tilespmem:v23+s19+$0x0], $0xffff  }
0x3f4: {  	v28 =	vor.u32 s1, v12;
	v23 =	vld.idx.msk [tilespmem:v24+s19+$0x0], $0xffff  }
0x3f5: {  	v29 =	vor.u32 s1, v13;
	v24 =	vld.idx.msk [tilespmem:v25+s19+$0x0], $0xffff  }
0x3f6: {  	v30 =	vor.u32 s1, v14;
	v25 =	vld.idx.msk [tilespmem:v26+s19+$0x0], $0xffff  }
0x3f7: {  	v26 =	vld.idx.msk [tilespmem:v31+s19+$0x0], $0xffff;
	v31 =	vor.u32 s1, v15;
	s1 =	simm.s32 $0x200  }
.LBB2_18:
0x3f8: {  	p0 =	sne.s32 s1, $0x700;
	v27 =	vld.idx.msk [tilespmem:v27+s19+$0x0], $0xffff  }
0x3f9: {  	v28 =	vld.idx.msk [tilespmem:v28+s19+$0x0], $0xffff  }
0x3fa: {  	v29 =	vld.idx.msk [tilespmem:v29+s19+$0x0], $0xffff  }
0x3fb: {  	v30 =	vld.idx.msk [tilespmem:v30+s19+$0x0], $0xffff  }
0x3fc: {  	v31 =	vld.idx.msk [tilespmem:v31+s19+$0x0], $0xffff;
	_ =	sdelay $0x2  }
0x3fd: {  	v16 =	vadd.f32 v16, v17;
	v17 =	vadd.f32 v19, v18  }
0x3fe: {  	v18 =	vadd.f32 v21, v20;
	v19 =	vadd.f32 v23, v22  }
0x3ff: {  	v20 =	vadd.f32 v25, v24;
	v21 =	vadd.f32 v27, v26  }
0x400: {  	v22 =	vadd.f32 v29, v28;
	v23 =	vadd.f32 v31, v30  }
0x401: {  	v16 =	vadd.f32 v17, v16;
	v17 =	vadd.f32 v19, v18  }
0x402: {  	v18 =	vadd.f32 v21, v20;
	v19 =	vadd.f32 v23, v22;
	_ =	sdelay $0x1  }
0x403: {  	v16 =	vadd.f32 v17, v16;
	v17 =	vadd.f32 v19, v18;
	_ =	sdelay $0x1  }
0x404: {  	v16 =	vadd.f32 v17, v16;
	_ =	sdelay $0x1  }
0x405: {  	v16 =	vsub.f32 $0.0e+00, v16;
	_ =	sdelay $0x1  }
0x406: {  	v16 =	vmul.f32 $1.442695020e+00, v16;
	_ =	sdelay $0x1  }
0x407: {  	(erf) = vpow2.f32 v16;
	_ =	sdelay $0x8  }
0x408: {  	v16 =	vpop (erf)  }
0x409: {  	v16 =	vadd.f32 $1.000000000e+00, v16;
	_ =	sdelay $0x1  }
0x40a: {  	(erf) = vrcp.f32 v16;
	_ =	sdelay $0x5  }
0x40b: {  	v16 =	vor.u32 s1, v1  }
0x40c: {  	v17 =	vor.u32 s1, v0  }
0x40d: {  	v18 =	vor.u32 s1, v2  }
0x40e: {  	s0 =	sadd.s32 $0x10, s0;
	v19 =	vor.u32 s1, v3;
	v20 =	vpop (erf)  }
0x40f: {  	v21 =	vor.u32 s1, v4;
	[tilespmem:s0+$0x0] =	vst v20  }
0x410: {  	v22 =	vor.u32 s1, v5;
	v16 =	vld.idx.msk [tilespmem:v16+s19+$0x0], $0xffff  }
0x411: {  	v23 =	vor.u32 s1, v6;
	v17 =	vld.idx.msk [tilespmem:v17+s19+$0x0], $0xffff  }
0x412: {  	v24 =	vor.u32 s1, v7;
	v18 =	vld.idx.msk [tilespmem:v18+s19+$0x0], $0xffff  }
0x413: {  	v25 =	vor.u32 s1, v8;
	v19 =	vld.idx.msk [tilespmem:v19+s19+$0x0], $0xffff  }
0x414: {  	v26 =	vor.u32 s1, v9;
	v20 =	vld.idx.msk [tilespmem:v21+s19+$0x0], $0xffff  }
0x415: {  	v31 =	vor.u32 s1, v10;
	v21 =	vld.idx.msk [tilespmem:v22+s19+$0x0], $0xffff  }
.Ltmp8:
0x416: {  	v27 =	vor.u32 s1, v11;
	v22 =	vld.idx.msk [tilespmem:v23+s19+$0x0], $0xffff;
	(pc) =	sbr.rel @p0 .LBB2_18-.Ltmp8, $4  }
0x417: {  	v28 =	vor.u32 s1, v12;
	v23 =	vld.idx.msk [tilespmem:v24+s19+$0x0], $0xffff  }
0x418: {  	v29 =	vor.u32 s1, v13;
	v24 =	vld.idx.msk [tilespmem:v25+s19+$0x0], $0xffff  }
0x419: {  	v30 =	vor.u32 s1, v14;
	v25 =	vld.idx.msk [tilespmem:v26+s19+$0x0], $0xffff  }
0x41a: {  	v26 =	vld.idx.msk [tilespmem:v31+s19+$0x0], $0xffff;
	v31 =	vor.u32 s1, v15;
	s1 =	sadd.s32 $0x100, s1  }
0x41b: {  	_ =	sdelay $0x3  }
0x41c: {  	v27 =	vld.idx.msk [tilespmem:v27+s19+$0x0], $0xffff  }
0x41d: {  	v28 =	vld.idx.msk [tilespmem:v28+s19+$0x0], $0xffff  }
0x41e: {  	v29 =	vld.idx.msk [tilespmem:v29+s19+$0x0], $0xffff  }
0x41f: {  	v30 =	vld.idx.msk [tilespmem:v30+s19+$0x0], $0xffff  }
0x420: {  	v31 =	vld.idx.msk [tilespmem:v31+s19+$0x0], $0xffff;
	_ =	sdelay $0x1  }
0x421: {  	v16 =	vadd.f32 v16, v17;
	v17 =	vadd.f32 v19, v18  }
0x422: {  	v62 =	vadd.f32 v21, v20;
	v63 =	vadd.f32 v23, v22  }
0x423: {  	v25 =	vadd.f32 v25, v24;
	v27 =	vadd.f32 v27, v26  }
0x424: {  	v32 =	vadd.f32 v29, v28;
	v33 =	vadd.f32 v31, v30  }
0x425: {  	v16 =	vadd.f32 v17, v16;
	v17 =	vadd.f32 v63, v62  }
0x426: {  	v34 =	vadd.f32 v27, v25;
	v35 =	vadd.f32 v33, v32;
	_ =	sdelay $0x1  }
0x427: {  	v16 =	vadd.f32 v17, v16;
	v17 =	vadd.f32 v35, v34;
	_ =	sdelay $0x1  }
0x428: {  	v16 =	vadd.f32 v17, v16;
	_ =	sdelay $0x1  }
0x429: {  	v16 =	vsub.f32 $0.0e+00, v16;
	_ =	sdelay $0x1  }
0x42a: {  	v16 =	vmul.f32 $1.442695020e+00, v16;
	_ =	sdelay $0x1  }
0x42b: {  	(erf) = vpow2.f32 v16;
	_ =	sdelay $0x8  }
0x42c: {  	v16 =	vpop (erf)  }
0x42d: {  	v16 =	vadd.f32 $1.000000000e+00, v16;
	_ =	sdelay $0x1  }
0x42e: {  	(erf) = vrcp.f32 v16;
	_ =	sdelay $0x8  }
0x42f: {  	s0 =	sadd.s32 $0x10, s0;
	v16 =	vpop (erf)  }
0x430: {  	[tilespmem:s0+$0x0] =	vst v16  }
0x431: {  	_ =	swait.ge [sflag:s28], $0x400  }
0x432: {  	[sflag:s28] =	ssyncset.done $0x0  }
0x433: {  	[sflag:s28] =	ssyncadd.s32 $0xFFFFFC00  }
0x434: {  	_ =	swait.ge [sflag:s29], $0x400  }
0x435: {  	[sflag:s29] =	ssyncset.done $0x0  }
0x436: {  	[sflag:s29] =	ssyncadd.s32 $0xFFFFFC00  }
0x437: {  	v36 =	vld [tilespmem:$0xCEC0];
	_ =	sdelay $0x4  }
0x438: {  	[tilespmem:$0x1FDE0] =	vst v36;
	v36 =	vld [tilespmem:$0xCFA0];
	_ =	sdelay $0x4  }
0x439: {  	[tilespmem:$0x1FDF0] =	vst v36;
	v36 =	vld [tilespmem:$0xD3A0];
	_ =	sdelay $0x4  }
0x43a: {  	[tilespmem:$0x1FE00] =	vst v36;
	v36 =	vld [tilespmem:$0xCFB0];
	_ =	sdelay $0x4  }
0x43b: {  	[tilespmem:$0x1FE10] =	vst v36;
	v36 =	vld [tilespmem:$0xD3B0];
	_ =	sdelay $0x4  }
0x43c: {  	[tilespmem:$0x1FE20] =	vst v36;
	v36 =	vld [tilespmem:$0xCFC0];
	_ =	sdelay $0x4  }
0x43d: {  	[tilespmem:$0x1FE30] =	vst v36;
	v36 =	vld [tilespmem:$0xD3C0];
	_ =	sdelay $0x4  }
0x43e: {  	[tilespmem:$0x1FE40] =	vst v36;
	v36 =	vld [tilespmem:$0xCFD0];
	_ =	sdelay $0x4  }
0x43f: {  	[tilespmem:$0x1FE50] =	vst v36;
	v36 =	vld [tilespmem:$0xD3D0];
	_ =	sdelay $0x4  }
0x440: {  	[tilespmem:$0x1FE60] =	vst v36;
	v36 =	vld [tilespmem:$0xCFE0];
	_ =	sdelay $0x4  }
0x441: {  	[tilespmem:$0x1FE70] =	vst v36;
	v36 =	vld [tilespmem:$0xD3E0];
	_ =	sdelay $0x4  }
0x442: {  	[tilespmem:$0x1FE80] =	vst v36;
	v36 =	vld [tilespmem:$0xCFF0];
	_ =	sdelay $0x4  }
0x443: {  	[tilespmem:$0x1FE90] =	vst v36;
	v36 =	vld [tilespmem:$0xD3F0];
	_ =	sdelay $0x4  }
0x444: {  	[tilespmem:$0x1FEA0] =	vst v36;
	v36 =	vld [tilespmem:$0xD000];
	_ =	sdelay $0x4  }
0x445: {  	[tilespmem:$0x1FEB0] =	vst v36;
	v36 =	vld [tilespmem:$0xD400];
	_ =	sdelay $0x4  }
0x446: {  	[tilespmem:$0x1FEC0] =	vst v36;
	v36 =	vld [tilespmem:$0xD010];
	_ =	sdelay $0x4  }
0x447: {  	[tilespmem:$0x1FED0] =	vst v36;
	v36 =	vld [tilespmem:$0xD410];
	_ =	sdelay $0x4  }
0x448: {  	[tilespmem:$0x1FEE0] =	vst v36;
	v36 =	vld [tilespmem:$0xD020];
	_ =	sdelay $0x4  }
0x449: {  	[tilespmem:$0x1FEF0] =	vst v36;
	v36 =	vld [tilespmem:$0xD420];
	_ =	sdelay $0x1  }
0x44a: {  	v16 =	vld [tilespmem:$0xCE20]  }
0x44b: {  	v17 =	vld [tilespmem:$0xD220]  }
0x44c: {  	v18 =	vld [tilespmem:$0xCE30]  }
0x44d: {  	[tilespmem:$0x1FF00] =	vst v36;
	v36 =	vld [tilespmem:$0xD030]  }
0x44e: {  	v19 =	vld [tilespmem:$0xD230]  }
0x44f: {  	v20 =	vld [tilespmem:$0xCE40]  }
0x450: {  	v21 =	vld [tilespmem:$0xD240]  }
0x451: {  	v22 =	vld [tilespmem:$0xCE50]  }
0x452: {  	[tilespmem:$0x1FF10] =	vst v36;
	v36 =	vld [tilespmem:$0xD430]  }
0x453: {  	v23 =	vld [tilespmem:$0xD250]  }
0x454: {  	v24 =	vld [tilespmem:$0xCE60]  }
0x455: {  	v25 =	vld [tilespmem:$0xD260]  }
0x456: {  	v26 =	vld [tilespmem:$0xCE70]  }
0x457: {  	[tilespmem:$0x1FF20] =	vst v36;
	v36 =	vld [tilespmem:$0xD040]  }
0x458: {  	v27 =	vld [tilespmem:$0xD270]  }
0x459: {  	v28 =	vld [tilespmem:$0xCE80]  }
0x45a: {  	v29 =	vld [tilespmem:$0xD280]  }
0x45b: {  	v30 =	vld [tilespmem:$0xCE90]  }
0x45c: {  	[tilespmem:$0x1FF30] =	vst v36;
	v36 =	vld [tilespmem:$0xD440]  }
0x45d: {  	v31 =	vld [tilespmem:$0xD290]  }
0x45e: {  	v32 =	vld [tilespmem:$0xCEA0]  }
0x45f: {  	v33 =	vld [tilespmem:$0xD2A0]  }
0x460: {  	v34 =	vld [tilespmem:$0xCEB0]  }
0x461: {  	[tilespmem:$0x1FF40] =	vst v36;
	v36 =	vld [tilespmem:$0xD050]  }
0x462: {  	v35 =	vld [tilespmem:$0xD2B0]  }
0x463: {  	v37 =	vld [tilespmem:$0xD2C0]  }
0x464: {  	v38 =	vld [tilespmem:$0xCED0]  }
0x465: {  	v39 =	vld [tilespmem:$0xD2D0]  }
0x466: {  	[tilespmem:$0x1FF50] =	vst v36;
	v36 =	vld [tilespmem:$0xD450]  }
0x467: {  	v40 =	vld [tilespmem:$0xCEE0]  }
0x468: {  	v41 =	vld [tilespmem:$0xD2E0]  }
0x469: {  	v42 =	vld [tilespmem:$0xCEF0]  }
0x46a: {  	v43 =	vld [tilespmem:$0xD2F0]  }
0x46b: {  	[tilespmem:$0x1FF60] =	vst v36;
	v36 =	vld [tilespmem:$0xD060]  }
0x46c: {  	v44 =	vld [tilespmem:$0xCF00]  }
0x46d: {  	v45 =	vld [tilespmem:$0xD300]  }
0x46e: {  	v46 =	vld [tilespmem:$0xCF10]  }
0x46f: {  	v47 =	vld [tilespmem:$0xD310]  }
0x470: {  	[tilespmem:$0x1FF70] =	vst v36;
	v36 =	vld [tilespmem:$0xD460]  }
0x471: {  	v48 =	vld [tilespmem:$0xCF20]  }
0x472: {  	v49 =	vld [tilespmem:$0xD320]  }
0x473: {  	v50 =	vld [tilespmem:$0xCF30]  }
0x474: {  	v51 =	vld [tilespmem:$0xD330]  }
0x475: {  	[tilespmem:$0x1FF80] =	vst v36;
	v36 =	vld [tilespmem:$0xD070]  }
0x476: {  	v52 =	vld [tilespmem:$0xCF40]  }
0x477: {  	v53 =	vld [tilespmem:$0xD340]  }
0x478: {  	v54 =	vld [tilespmem:$0xCF50]  }
0x479: {  	v55 =	vld [tilespmem:$0xD350]  }
0x47a: {  	[tilespmem:$0x1FF90] =	vst v36;
	v36 =	vld [tilespmem:$0xD470]  }
0x47b: {  	v56 =	vld [tilespmem:$0xCF60]  }
0x47c: {  	v57 =	vld [tilespmem:$0xD360]  }
0x47d: {  	v58 =	vld [tilespmem:$0xCF70]  }
0x47e: {  	v59 =	vld [tilespmem:$0xD370]  }
0x47f: {  	[tilespmem:$0x1FFA0] =	vst v36;
	v36 =	vld [tilespmem:$0xD080]  }
0x480: {  	v60 =	vld [tilespmem:$0xCF80]  }
0x481: {  	v61 =	vld [tilespmem:$0xD380]  }
0x482: {  	v62 =	vld [tilespmem:$0xCF90]  }
0x483: {  	v63 =	vld [tilespmem:$0xD390]  }
0x484: {  	[tilespmem:$0x1FFB0] =	vst v36;
	v36 =	vld [tilespmem:$0xD480]  }
0x485: {  	v16 =	vmul.bf16 v17, v16;
	v17 =	vmul.bf16 v19, v18;
	v18 =	vld [tilespmem:$0xD4A0]  }
0x486: {  	v19 =	vmul.bf16 v21, v20;
	v21 =	vld [tilespmem:$0xD0B0]  }
0x487: {  	v20 =	vmul.bf16 v27, v26;
	v26 =	vld [tilespmem:$0xD4C0]  }
0x488: {  	v27 =	vld [tilespmem:$0xD0D0]  }
0x489: {  	[tilespmem:$0x1FFC0] =	vst v36;
	v36 =	vld [tilespmem:$0xD090]  }
0x48a: {  	v39 =	vmul.bf16 v39, v38;
	v43 =	vmul.bf16 v43, v42;
	v38 =	vld [tilespmem:$0xD530]  }
0x48b: {  	v48 =	vmul.bf16 v49, v48;
	v49 =	vmul.bf16 v51, v50;
	v42 =	vld [tilespmem:$0xD140]  }
0x48c: {  	v50 =	vmul.bf16 v53, v52;
	v52 =	vmul.bf16 v57, v56;
	v56 =	vld [tilespmem:$0x1FDF0]  }
0x48d: {  	v53 =	vmul.bf16 v59, v58;
	v59 =	vld [tilespmem:$0x1FE10]  }
0x48e: {  	[tilespmem:$0x1FFD0] =	vst v36;
	v36 =	vld [tilespmem:$0xD490]  }
0x48f: {  	v51 =	vmul.bf16 v55, v54;
	v54 =	vmul.bf16 v61, v60;
	v60 =	vld [tilespmem:$0x1FE20]  }
0x490: {  	v61 =	vld [tilespmem:$0x1FE30]  }
0x491: {  	v55 =	vmul.bf16 v63, v62;
	v62 =	vld [tilespmem:$0x1FE40]  }
0x492: {  	v57 =	vld [tilespmem:$0x1FE00]  }
0x493: {  	[tilespmem:$0x1FFE0] =	vst v36;
	v36 =	vld [tilespmem:$0xD0A0]  }
0x494: {  	v63 =	vld [tilespmem:$0x1FE50]  }
0x495: {  	v47 =	vmul.bf16 v47, v46;
	v46 =	vmul.bf16 v60, v59;
	v59 =	vld [tilespmem:$0x1FE80]  }
0x496: {  	v45 =	vmul.bf16 v45, v44;
	v44 =	vmul.bf16 v62, v61;
	v61 =	vld [tilespmem:$0x1FE90]  }
0x497: {  	v62 =	vld [tilespmem:$0x1FEA0]  }
0x498: {  	[tilespmem:$0x1FFF0] =	vst v36;
	v36 =	vmul.bf16 v23, v22;
	v22 =	vld [tilespmem:$0xD4B0]  }
0x499: {  	v23 =	vld [tilespmem:$0xD0C0]  }
0x49a: {  	v16 =	vadd.bf16 v17, v16;
	v17 =	vadd.bf16 v36, v19;
	v19 =	vmul.bf16 v25, v24;
	v25 =	vld [tilespmem:$0xD4E0]  }
0x49b: {  	v24 =	vmul.bf16 v29, v28;
	v28 =	vld [tilespmem:$0xD0F0]  }
0x49c: {  	v36 =	vmul.bf16 v31, v30;
	v29 =	vmul.bf16 v35, v34;
	v34 =	vadd.bf16 v49, v48;
	v49 =	vld [tilespmem:$0xD150]  }
0x49d: {  	v16 =	vadd.bf16 v17, v16;
	v17 =	vadd.bf16 v20, v19;
	v20 =	vld [tilespmem:$0xD4D0]  }
0x49e: {  	v30 =	vadd.bf16 v36, v24;
	v24 =	vld [tilespmem:$0xD0E0]  }
0x49f: {  	v36 =	vld [tilespmem:$0x1FDE0]  }
0x4a0: {  	v19 =	vmul.bf16 v33, v32;
	v33 =	vld [tilespmem:$0xD100]  }
0x4a1: {  	v32 =	vadd.bf16 v47, v45;
	v45 =	vld [tilespmem:$0xD130]  }
0x4a2: {  	v47 =	vld [tilespmem:$0xD540]  }
0x4a3: {  	v41 =	vmul.bf16 v41, v40;
	v21 =	vmul.bf16 v22, v21;
	v22 =	vld [tilespmem:$0xD1B0]  }
0x4a4: {  	v23 =	vmul.bf16 v26, v23;
	v26 =	vld [tilespmem:$0xD5B0];
	v17 =	vadd.bf16 v30, v17;
	v31 =	vunpack.i.u.bf16.f32 v16  }
0x4a5: {  	v16 =	vunpack.i.l.bf16.f32 v16;
	v19 =	vadd.bf16 v29, v19;
	v29 =	vadd.bf16 v43, v41;
	v41 =	vld [tilespmem:$0xD120]  }
0x4a6: {  	v40 =	vmul.bf16 v57, v56;
	v43 =	vld [tilespmem:$0xD520];
	v16 =	vadd.f32 v16, v31  }
0x4a7: {  	v31 =	vld [tilespmem:$0xD4F0];
	v35 =	vunpack.i.u.bf16.f32 v17;
	v17 =	vunpack.i.l.bf16.f32 v17;
	v29 =	vadd.bf16 v32, v29  }
0x4a8: {  	v32 =	vadd.bf16 v55, v54;
	v54 =	vadd.bf16 v46, v40;
	v40 =	vld [tilespmem:$0xD170];
	v30 =	vmul.bf16 v37, v36  }
0x4a9: {  	v17 =	vadd.f32 v17, v35;
	v35 =	vld [tilespmem:$0xD500]  }
0x4aa: {  	v37 =	vld [tilespmem:$0xD110];
	v30 =	vadd.bf16 v39, v30  }
0x4ab: {  	v36 =	vadd.bf16 v51, v50;
	v50 =	vld [tilespmem:$0xD570]  }
0x4ac: {  	v20 =	vmul.bf16 v20, v27;
	v19 =	vadd.bf16 v30, v19;
	v30 =	vadd.bf16 v53, v52;
	v52 =	vld [tilespmem:$0x1FE60]  }
0x4ad: {  	v38 =	vmul.bf16 v38, v45;
	v45 =	vld [tilespmem:$0xD600]  }
0x4ae: {  	v39 =	vld [tilespmem:$0xD510];
	v20 =	vadd.bf16 v20, v23  }
0x4af: {  	v23 =	vld [tilespmem:$0xD5C0];
	v58 =	vunpack.i.u.bf16.f32 v19;
	v19 =	vunpack.i.l.bf16.f32 v19;
	v30 =	vadd.bf16 v32, v30  }
0x4b0: {  	v19 =	vadd.f32 v19, v58;
	v58 =	vld [tilespmem:$0x1FE70]  }
0x4b1: {  	v57 =	vunpack.i.u.bf16.f32 v30;
	v30 =	vunpack.i.l.bf16.f32 v30;
	v48 =	vmul.bf16 v52, v63;
	v63 =	vld [tilespmem:$0x1FEB0]  }
0x4b2: {  	v30 =	vadd.f32 v30, v57;
	v57 =	vld [tilespmem:$0x1FEC0]  }
0x4b3: {  	v28 =	vmul.bf16 v31, v28;
	v31 =	vld [tilespmem:$0xD1D0]  }
0x4b4: {  	v52 =	vmul.bf16 v62, v61;
	v61 =	vld [tilespmem:$0x1FF00];
	v55 =	vadd.bf16 v48, v44  }
0x4b5: {  	v62 =	vld [tilespmem:$0x1FF10]  }
0x4b6: {  	v34 =	vadd.bf16 v36, v34;
	v46 =	vmul.bf16 v59, v58;
	v58 =	vld [tilespmem:$0x1FED0];
	v36 =	vadd.bf16 v55, v54  }
0x4b7: {  	v51 =	vmul.bf16 v57, v63;
	v63 =	vld [tilespmem:$0x1FF20]  }
0x4b8: {  	v59 =	vld [tilespmem:$0x1FEE0];
	v60 =	vunpack.i.u.bf16.f32 v36;
	v36 =	vunpack.i.l.bf16.f32 v36  }
0x4b9: {  	v36 =	vadd.f32 v36, v60;
	v60 =	vld [tilespmem:$0x1FEF0]  }
0x4ba: {  	v32 =	vld [tilespmem:$0xD550]  }
0x4bb: {  	v56 =	vunpack.i.u.bf16.f32 v34;
	v34 =	vunpack.i.l.bf16.f32 v34;
	v44 =	vld [tilespmem:$0xD160]  }
0x4bc: {  	v34 =	vadd.f32 v34, v56;
	v56 =	vmul.bf16 v63, v62;
	v62 =	vld [tilespmem:$0x1FF50]  }
0x4bd: {  	v63 =	vld [tilespmem:$0x1FF60]  }
0x4be: {  	v46 =	vadd.bf16 v52, v46;
	v54 =	vmul.bf16 v59, v58;
	v52 =	vmul.bf16 v61, v60;
	v60 =	vld [tilespmem:$0x1FF30]  }
0x4bf: {  	v61 =	vld [tilespmem:$0x1FF40]  }
0x4c0: {  	v48 =	vld [tilespmem:$0xD560];
	v51 =	vadd.bf16 v54, v51  }
0x4c1: {  	v57 =	vld [tilespmem:$0xD190]  }
0x4c2: {  	v46 =	vadd.bf16 v51, v46;
	v51 =	vld [tilespmem:$0x1FFF0]  }
0x4c3: {  	v52 =	vadd.bf16 v56, v52;
	v56 =	vld [tilespmem:$0x1FF70]  }
0x4c4: {  	v58 =	vmul.bf16 v63, v62;
	v62 =	vld [tilespmem:$0x1FFC0];
	v54 =	vmul.bf16 v61, v60  }
0x4c5: {  	v60 =	vld [tilespmem:$0x1FF80]  }
0x4c6: {  	v54 =	vadd.bf16 v58, v54;
	v58 =	vld [tilespmem:$0x1FFB0]  }
0x4c7: {  	v59 =	vld [tilespmem:$0xD590]  }
0x4c8: {  	v63 =	vld [tilespmem:$0x1FFE0]  }
0x4c9: {  	v61 =	vld [tilespmem:$0x1FFA0]  }
0x4ca: {  	v56 =	vmul.bf16 v60, v56;
	v60 =	vld [tilespmem:$0x1FF90]  }
0x4cb: {  	v18 =	vmul.bf16 v18, v51;
	v58 =	vmul.bf16 v62, v58;
	v62 =	vld [tilespmem:$0x1FFD0]  }
0x4cc: {  	v53 =	vunpack.i.u.bf16.f32 v29;
	v29 =	vunpack.i.l.bf16.f32 v29;
	v51 =	vadd.bf16 v54, v52;
	v54 =	vld [tilespmem:$0xD1C0]  }
0x4cd: {  	v22 =	vmul.bf16 v26, v22;
	v29 =	vadd.f32 v29, v53;
	v53 =	vld [tilespmem:$0xD180];
	v18 =	vadd.bf16 v21, v18  }
0x4ce: {  	v32 =	vmul.bf16 v32, v49;
	v55 =	vld [tilespmem:$0xD580];
	v21 =	vmul.bf16 v25, v24  }
0x4cf: {  	v49 =	vmul.bf16 v48, v44;
	v18 =	vadd.bf16 v20, v18;
	v20 =	vld [tilespmem:$0xD1E0];
	v60 =	vmul.bf16 v61, v60  }
0x4d0: {  	v59 =	vmul.bf16 v59, v57;
	v21 =	vadd.bf16 v28, v21;
	v28 =	vld [tilespmem:$0xD5E0];
	v62 =	vmul.bf16 v63, v62  }
0x4d1: {  	v23 =	vmul.bf16 v23, v54;
	v61 =	vld [tilespmem:$0xD1A0];
	v27 =	vadd.bf16 v60, v56;
	v56 =	vunpack.i.u.bf16.f32 v46  }
0x4d2: {  	v63 =	vld [tilespmem:$0xD5A0];
	v60 =	vmul.bf16 v35, v33;
	v52 =	vadd.bf16 v62, v58;
	v58 =	vunpack.i.l.bf16.f32 v46  }
0x4d3: {  	v35 =	vld [tilespmem:$0xD5D0];
	v62 =	vmul.bf16 v39, v37;
	v46 =	vunpack.i.u.bf16.f32 v51;
	v24 =	vadd.f32 v58, v56  }
0x4d4: {  	v39 =	vld [tilespmem:$0xD1F0];
	v58 =	vunpack.i.u.bf16.f32 v18;
	v18 =	vunpack.i.l.bf16.f32 v18;
	v27 =	vadd.bf16 v52, v27  }
0x4d5: {  	v52 =	vunpack.i.l.bf16.f32 v51;
	v25 =	vadd.bf16 v62, v60;
	v60 =	vmul.bf16 v43, v41;
	v41 =	vld [tilespmem:$0xD200]  }
0x4d6: {  	v51 =	vmul.bf16 v50, v40;
	v33 =	vadd.f32 v52, v46;
	v46 =	vmul.bf16 v47, v42;
	v47 =	vld [tilespmem:$0xD210]  }
0x4d7: {  	[tilespmem:$0xFD30] =	vst v16;
	v18 =	vadd.f32 v18, v58;
	v52 =	vld [tilespmem:$0xD610];
	v56 =	vunpack.i.u.bf16.f32 v27;
	v21 =	vadd.bf16 v25, v21  }
0x4d8: {  	[tilespmem:$0xFD40] =	vst v17;
	v27 =	vunpack.i.l.bf16.f32 v27;
	v25 =	vld [tilespmem:$0xD5F0];
	v17 =	vadd.bf16 v38, v60;
	v60 =	vadd.bf16 v51, v49  }
0x4d9: {  	[tilespmem:$0xFD60] =	vst v29;
	v58 =	vmul.bf16 v55, v53;
	v27 =	vadd.f32 v27, v56;
	v56 =	vadd.bf16 v32, v46  }
0x4da: {  	[tilespmem:$0xFD70] =	vst v34;
	v32 =	vmul.bf16 v28, v20;
	v62 =	vunpack.i.u.bf16.f32 v21;
	v21 =	vunpack.i.l.bf16.f32 v21  }
0x4db: {  	[tilespmem:$0xFD50] =	vst v19;
	v16 =	vadd.f32 v21, v62;
	v62 =	vmul.bf16 v63, v61;
	v21 =	vadd.bf16 v59, v58  }
0x4dc: {  	[tilespmem:$0xFD80] =	vst v30;
	v63 =	vmul.bf16 v35, v31;
	v17 =	vadd.bf16 v56, v17;
	v35 =	vmul.bf16 v45, v41  }
0x4dd: {  	[tilespmem:$0xFD90] =	vst v36;
	v36 =	vmul.bf16 v52, v47;
	v34 =	vmul.bf16 v25, v39;
	v21 =	vadd.bf16 v21, v60  }
0x4de: {  	[tilespmem:$0xFDA0] =	vst v24;
	v38 =	vunpack.i.u.bf16.f32 v17;
	v22 =	vadd.bf16 v22, v62;
	v23 =	vadd.bf16 v63, v23  }
0x4df: {  	[tilespmem:$0xFDD0] =	vst v18;
	v17 =	vunpack.i.l.bf16.f32 v17;
	v39 =	vadd.bf16 v36, v35;
	v19 =	vadd.bf16 v34, v32  }
0x4e0: {  	[tilespmem:$0xFDB0] =	vst v33;
	v17 =	vadd.f32 v17, v38;
	v22 =	vadd.bf16 v23, v22  }
0x4e1: {  	[tilespmem:$0xFDC0] =	vst v27;
	v40 =	vunpack.i.u.bf16.f32 v21;
	v21 =	vunpack.i.l.bf16.f32 v21;
	v19 =	vadd.bf16 v39, v19  }
0x4e2: {  	[tilespmem:$0xFDE0] =	vst v16;
	v16 =	vadd.f32 v21, v40;
	v41 =	vunpack.i.u.bf16.f32 v22;
	v42 =	vunpack.i.l.bf16.f32 v22  }
0x4e3: {  	[tilespmem:$0xFDF0] =	vst v17;
	v17 =	vadd.f32 v42, v41;
	v43 =	vunpack.i.u.bf16.f32 v19;
	v19 =	vunpack.i.l.bf16.f32 v19  }
0x4e4: {  	[tilespmem:$0xFE00] =	vst v16;
	v16 =	vadd.f32 v19, v43  }
0x4e5: {  	[tilespmem:$0xFE10] =	vst v17  }
0x4e6: {  	[tilespmem:$0xFE20] =	vst v16  }
0x4e7: {  	v16 =	vld.idx.msk [tilespmem:v0+s19+$0x0], $0xffff  }
0x4e8: {  	v17 =	vld.idx.msk [tilespmem:v1+s19+$0x0], $0xffff  }
0x4e9: {  	v44 =	vld.idx.msk [tilespmem:v2+s19+$0x0], $0xffff  }
0x4ea: {  	v45 =	vld.idx.msk [tilespmem:v3+s19+$0x0], $0xffff  }
0x4eb: {  	v46 =	vld.idx.msk [tilespmem:v4+s19+$0x0], $0xffff  }
0x4ec: {  	v47 =	vld.idx.msk [tilespmem:v5+s19+$0x0], $0xffff  }
0x4ed: {  	v48 =	vld.idx.msk [tilespmem:v6+s19+$0x0], $0xffff  }
0x4ee: {  	v49 =	vld.idx.msk [tilespmem:v7+s19+$0x0], $0xffff  }
0x4ef: {  	v50 =	vld.idx.msk [tilespmem:v8+s19+$0x0], $0xffff  }
0x4f0: {  	v51 =	vld.idx.msk [tilespmem:v9+s19+$0x0], $0xffff  }
0x4f1: {  	v52 =	vld.idx.msk [tilespmem:v10+s19+$0x0], $0xffff  }
0x4f2: {  	v27 =	vld.idx.msk [tilespmem:v11+s19+$0x0], $0xffff  }
0x4f3: {  	v53 =	vld.idx.msk [tilespmem:v12+s19+$0x0], $0xffff  }
0x4f4: {  	v54 =	vld.idx.msk [tilespmem:v13+s19+$0x0], $0xffff  }
0x4f5: {  	v30 =	vld.idx.msk [tilespmem:v14+s19+$0x0], $0xffff  }
0x4f6: {  	v55 =	vld.idx.msk [tilespmem:v15+s19+$0x0], $0xffff;
	_ =	sdelay $0x1  }
0x4f7: {  	v16 =	vadd.f32 v17, v16;
	v17 =	vadd.f32 v45, v44  }
0x4f8: {  	v56 =	vadd.f32 v47, v46;
	v57 =	vadd.f32 v49, v48  }
0x4f9: {  	v58 =	vadd.f32 v51, v50;
	v59 =	vadd.f32 v27, v52  }
0x4fa: {  	v60 =	vadd.f32 v54, v53;
	v61 =	vadd.f32 v55, v30  }
0x4fb: {  	v16 =	vadd.f32 v17, v16;
	v17 =	vadd.f32 v57, v56  }
0x4fc: {  	v62 =	vadd.f32 v59, v58;
	v63 =	vadd.f32 v61, v60;
	_ =	sdelay $0x1  }
0x4fd: {  	v16 =	vadd.f32 v17, v16;
	v17 =	vadd.f32 v63, v62;
	_ =	sdelay $0x1  }
0x4fe: {  	v16 =	vadd.f32 v17, v16;
	_ =	sdelay $0x1  }
0x4ff: {  	v16 =	vsub.f32 $0.0e+00, v16;
	_ =	sdelay $0x1  }
0x500: {  	v16 =	vmul.f32 $1.442695020e+00, v16;
	_ =	sdelay $0x1  }
0x501: {  	(erf) = vpow2.f32 v16;
	_ =	sdelay $0x8  }
0x502: {  	v16 =	vpop (erf)  }
0x503: {  	v16 =	vadd.f32 $1.000000000e+00, v16;
	_ =	sdelay $0x1  }
0x504: {  	(erf) = vrcp.f32 v16;
	_ =	sdelay $0x7  }
0x505: {  	s31 =	sadd.s32 $0x1, s31  }
0x506: {  	p0 =	sne.s32 s31, s8;
	v16 =	vpop (erf)  }
.Ltmp9:
0x507: {  	s30 =	simm.s32 $0xD620;
	[tilespmem:$0xFD20] =	vst v16;
	(pc) =	sbr.rel @p0 .LBB2_1-.Ltmp9, $4  }
0x508: {  	[hbm4b:s7+s2] =	stream.linear.scatter [tilespmem:s30], [sflag:$0x7], $0x2710, $0x38;
	[tilespmem:$0x10530] =	vst v63  }
0x509: {  	_ =	swait.ge [sflag:s9], $0x2710  }
0x50a: {  	[sflag:s9] =	ssyncset.done $0x0  }
0x50b: {  	[sflag:s9] =	ssyncadd.s32 $0xFFFFD8F0  }
0x50c: {  	_ =	sfence.sel $0x180000  }
0x50d: {  	[bflag:$0x0] =	sbarrier.arrive $0xFFFF  }
0x50e: {  	_ =	strace $0x90000047  }
0x50f: {  	s0 =	stileid.u32;
	[bflag:$0x2] =	sbarrier.arrive $0xFFFF  }
0x510: {  	p0 =	sne.s32 s0, $0x0;
	s0 =	rddreg [dreg:$0x2]  }
0x511: {  	s0 =	sadd.s32 @!p0 $0x100000, s0  }
0x512: {  	[sflag:s0] =	ssyncadd.tile.s32 @!p0 $0x1;
	_ =	shalt  }
.Lfunc_end2:
_tile_overlayer_lowered:
.L_overlay_start_2:
0x513: {  	(tag) =	ssettag $0x2  }
0x514: {  	s0 =	rddreg [dreg:$0x0];
	s2 =	stileid.u32  }
0x515: {  	s1 =	rddreg [dreg:$0x1];
	p0 =	sne.s32 s2, $0x0  }
0x516: {  	s3 =	rddreg [dreg:$0x2];
	[bflag:$0x3] =	sbarrier.arrive $0xFFFF;
	s2 =	simm.s32 @!p0 $0x1C07  }
0x517: {  	[timem:s3], [sflag:s2] =	dma.local @!p0 [hbm:s0], s1  }
0x518: {  	s0 =	simm.s32 @!p0 $0x7  }
0x519: {  	_ =	swait.ge @!p0 [sflag:s0], s1  }
0x51a: {  	s1 =	ssub.s32 @!p0 $0x0, s1;
	[sflag:s0] =	ssyncset.done @!p0 $0x0  }
0x51b: {  	[sflag:s0] =	ssyncadd.s32 @!p0 s1  }
0x51c: {  	[bflag:$0x3] =	sbarrier.arrive $0xFFFF  }
0x51d: {  	_ =	shalt  }

</sc_bundles>
